<compile_context>
chip_gen: v7x
topology: tpu7x:2x2x1
jax: 0.10.2.dev20260603
libtpu: 0.0.44.dev20260713+nightly
codegen_flags: <defaults>
</compile_context>

<pallas_src>
import functools

import jax
import jax.numpy as jnp
from jax import lax
from jax.experimental import pallas as pl
from jax.experimental.pallas import tpu as pltpu
from jax.experimental.pallas import tpu_sc as plsc

B, S = 4, 8192
V, D = 256, 1024
N = B * S

NC, NS = 2, 16
NW = NC * NS
ROWS_PER_W = N // NW
C = 32
NCHUNK = ROWS_PER_W // C

_mesh = plsc.VectorSubcoreMesh(core_axis_name="c", subcore_axis_name="s")


@functools.partial(
    pl.kernel,
    mesh=_mesh,
    out_type=jax.ShapeDtypeStruct((N, D), jnp.float32),
    scratch_types=[
        pltpu.VMEM((NCHUNK, C), jnp.int32),
        pltpu.VMEM((C, D), jnp.float32),
        pltpu.VMEM((C, D), jnp.float32),
        pltpu.VMEM_SHARED((V, D), jnp.float32),
        pltpu.SemaphoreType.DMA,
        pltpu.SemaphoreType.DMA,
        pltpu.SemaphoreType.DMA,
        pltpu.SemaphoreType.DMA,
    ],
)
def _sc_gather(idx_hbm, table_hbm, out_hbm, idx_v, rows0, rows1, table_sh,
               sem0, sem1, wsem0, wsem1):
    sid = lax.axis_index("s")
    wid = sid * NC + lax.axis_index("c")

    @pl.when(sid == 0)
    def _():
        pltpu.sync_copy(table_hbm, table_sh)

    pltpu.sync_copy(idx_hbm.at[wid], idx_v)
    plsc.subcore_barrier()

    base = wid * ROWS_PER_W
    bufs = (rows0, rows1)
    sems = (sem0, sem1)
    wsems = (wsem0, wsem1)

    def issue(c, buf, sem):
        for g in range(C // 16):
            vec = idx_v[c, pl.ds(g * 16, 16)]
            for j in range(16):
                r = vec[j]
                pltpu.async_copy(table_sh.at[r], buf.at[g * 16 + j], sem)

    def wait_all(buf, sem):
        pltpu.make_async_copy(table_hbm.at[pl.ds(0, C)], buf, sem).wait()

    def wait_write(buf, wsem):
        pltpu.make_async_copy(buf, out_hbm.at[pl.ds(0, C)], wsem).wait()

    issue(0, rows0, sem0)

    def outer(i2, carry):
        c0 = i2 * 2
        for b in range(2):
            c = c0 + b

            @pl.when((c + 1 < NCHUNK) & (c >= 1))
            def _():
                wait_write(bufs[1 - b], wsems[1 - b])

            @pl.when(c + 1 < NCHUNK)
            def _():
                issue(c + 1, bufs[1 - b], sems[1 - b])

            wait_all(bufs[b], sems[b])
            pltpu.async_copy(bufs[b], out_hbm.at[pl.ds(base + c * C, C)],
                             wsems[b])
        return carry

    lax.fori_loop(0, NCHUNK // 2, outer, 0)
    wait_write(rows0, wsem0)
    wait_write(rows1, wsem1)


def kernel(input_ids, attention_mask, embed):
    idx = input_ids.reshape(NW, NCHUNK, C).astype(jnp.int32)
    out = _sc_gather(idx, embed)
    return out.reshape(B, S, D)

# --- scband reference (transcript-rebuilt; emitter-appended) ---
"""Pipeline reference for scband-dummy-backbone-clf-18159121727865 (READ-ONLY COPY).

The authoritative reference and input builder live on the scoring server;
editing this copy changes nothing except your own understanding.
"""

import jax, jax.numpy as jnp
import numpy as np


def setup_inputs(seed: int = 0) -> dict:
    key = jax.random.key(seed)
    k1, k2 = jax.random.split(key)
    input_ids = jax.random.randint(k1, (4, 8192), 0, 256)
    attention_mask = jnp.ones((4, 8192), dtype=jnp.int32)
    # Learned parameter: nn.Embedding(256, hidden_size=1024) weight table
    embed = jax.random.normal(k2, (256, 1024), dtype=jnp.float32) * 0.02
    return {"input_ids": input_ids, "attention_mask": attention_mask, "embed": embed}


def reference(input_ids, attention_mask, embed):
    # Faithful translation of DummyBackboneCLF.forward:
    #   h = self.embed(input_ids)  -> embedding gather
    #   return SimpleNamespace(hidden_states=[h]); the consumer reads hidden_states[-1],
    #   which is exactly h, so we return h directly.
    # attention_mask is accepted but unused, matching the original module.
    h = jnp.take(embed, input_ids, axis=0)
    return h

if __name__ == "__main__":
    import jax
    _d = setup_inputs()
    print(jax.jit(kernel)(*tuple(_d.values())))

</pallas_src>

<mosaic_0001>
#map = affine_map<(d0, d1) -> (0, 0, 0)>
#map1 = affine_map<(d0, d1) -> (0, 0)>
module attributes {stable_mosaic.version = 14 : i64} {
  func.func @_sc_gather(%arg0: i32, %arg1: i32, %arg2: memref<32x32x32xi32, #tpu.memory_space<hbm>>, %arg3: memref<256x1024xf32, #tpu.memory_space<hbm>>, %arg4: memref<32768x1024xf32, #tpu.memory_space<hbm>>, %arg5: memref<32x32xi32, #tpu.memory_space<vmem>>, %arg6: memref<32x1024xf32, #tpu.memory_space<vmem>>, %arg7: memref<32x1024xf32, #tpu.memory_space<vmem>>, %arg8: memref<256x1024xf32, #tpu.memory_space<vmem_shared>>, %arg9: memref<!tpu.dma_semaphore, #tpu.memory_space<semaphore_mem>>, %arg10: memref<!tpu.dma_semaphore, #tpu.memory_space<semaphore_mem>>, %arg11: memref<!tpu.dma_semaphore, #tpu.memory_space<semaphore_mem>>, %arg12: memref<!tpu.dma_semaphore, #tpu.memory_space<semaphore_mem>>) attributes {dimension_semantics = [#tpu.dimension_semantics<core_parallel>, #tpu.dimension_semantics<subcore_parallel>], iteration_bounds = array<i64: 2, 16>, scalar_prefetch = 0 : i64, scratch_operands = 8 : i64, tpu.core_type = #tpu.core_type<sc_vector_subcore>, window_params = [{transform_indices = #map}, {transform_indices = #map1}, {transform_indices = #map1}]} {
    %mul3A = arith.constant 2 : i32
    %mul3A_0 = arith.muli %arg1, %mul3A : i32
    %add3A = arith.addi %mul3A_0, %arg0 : i32
    %eq3A = arith.constant 0 : i32
    %eq3A_1 = arith.cmpi eq, %arg1, %eq3A : i32
    %convert_element_type3A = arith.extui %eq3A_1 : i1 to i32
    %cond3A = arith.constant 0 : i32
    %cond3A_2 = arith.cmpi ne, %convert_element_type3A, %cond3A : i32
    scf.if %cond3A_2 {
      "tpu.region"() ({
        %run_scoped3A = tpu.sem_alloc : memref<!tpu.dma_semaphore, #tpu.memory_space<semaphore_mem>>
        tpu.enqueue_dma source(%arg3 : memref<256x1024xf32, #tpu.memory_space<hbm>>) target(%arg8 : memref<256x1024xf32, #tpu.memory_space<vmem_shared>>) target_semaphore(%run_scoped3A : memref<!tpu.dma_semaphore, #tpu.memory_space<semaphore_mem>>)
        tpu.wait_dma2 semaphore(%run_scoped3A : memref<!tpu.dma_semaphore, #tpu.memory_space<semaphore_mem>>) src(%arg3 : memref<256x1024xf32, #tpu.memory_space<hbm>>) dst(%arg8 : memref<256x1024xf32, #tpu.memory_space<vmem_shared>>)
        tpu.yield
      }) : () -> ()
    } else {
    }
    "tpu.region"() ({
      %run_scoped3A = tpu.sem_alloc : memref<!tpu.dma_semaphore, #tpu.memory_space<semaphore_mem>>
      %dma_start3A_507 = arith.constant 0 : i32
      %dma_start3A_508 = arith.constant 0 : i32
      %dma_start3A_509 = tpu.memref_slice %arg2[%add3A, %dma_start3A_507, %dma_start3A_508] : memref<32x32x32xi32, #tpu.memory_space<hbm>> -> memref<1x32x32xi32, #tpu.memory_space<hbm>>
      %dma_start3A_510 = tpu.memref_squeeze %dma_start3A_509 : memref<1x32x32xi32, #tpu.memory_space<hbm>> -> memref<32x32xi32, #tpu.memory_space<hbm>>
      %dma_start3A_511 = arith.constant 0 : i32
      %dma_start3A_512 = arith.constant 0 : i32
      %dma_start3A_513 = tpu.memref_slice %arg2[%add3A, %dma_start3A_511, %dma_start3A_512] : memref<32x32x32xi32, #tpu.memory_space<hbm>> -> memref<1x32x32xi32, #tpu.memory_space<hbm>>
      %dma_start3A_514 = tpu.memref_squeeze %dma_start3A_513 : memref<1x32x32xi32, #tpu.memory_space<hbm>> -> memref<32x32xi32, #tpu.memory_space<hbm>>
      tpu.enqueue_dma source(%dma_start3A_514 : memref<32x32xi32, #tpu.memory_space<hbm>>) target(%arg5 : memref<32x32xi32, #tpu.memory_space<vmem>>) target_semaphore(%run_scoped3A : memref<!tpu.dma_semaphore, #tpu.memory_space<semaphore_mem>>)
      %dma_wait3A_515 = arith.constant 0 : i32
      %dma_wait3A_516 = arith.constant 0 : i32
      %dma_wait3A_517 = tpu.memref_slice %arg2[%add3A, %dma_wait3A_515, %dma_wait3A_516] : memref<32x32x32xi32, #tpu.memory_space<hbm>> -> memref<1x32x32xi32, #tpu.memory_space<hbm>>
      %dma_wait3A_518 = tpu.memref_squeeze %dma_wait3A_517 : memref<1x32x32xi32, #tpu.memory_space<hbm>> -> memref<32x32xi32, #tpu.memory_space<hbm>>
      %dma_wait3A_519 = arith.constant 0 : i32
      %dma_wait3A_520 = arith.constant 0 : i32
      %dma_wait3A_521 = tpu.memref_slice %arg2[%add3A, %dma_wait3A_519, %dma_wait3A_520] : memref<32x32x32xi32, #tpu.memory_space<hbm>> -> memref<1x32x32xi32, #tpu.memory_space<hbm>>
      %dma_wait3A_522 = tpu.memref_squeeze %dma_wait3A_521 : memref<1x32x32xi32, #tpu.memory_space<hbm>> -> memref<32x32xi32, #tpu.memory_space<hbm>>
      tpu.wait_dma2 semaphore(%run_scoped3A : memref<!tpu.dma_semaphore, #tpu.memory_space<semaphore_mem>>) src(%dma_wait3A_522 : memref<32x32xi32, #tpu.memory_space<hbm>>) dst(%arg5 : memref<32x32xi32, #tpu.memory_space<vmem>>)
      tpu.yield
    }) : () -> ()
    %barrier3A = arith.constant 0 : index
    tpu.barrier barrier_id(%barrier3A)
    %mul3A_3 = arith.constant 1024 : i32
    %mul3A_4 = arith.muli %add3A, %mul3A_3 : i32
    %get3A = arith.constant 0 : i32
    %get3A_5 = arith.index_cast %get3A : i32 to index
    %get3A_6 = arith.constant 0 : index
    %get3A_7 = tpu.vector_load %arg5[%get3A_5, %get3A_6] {strides = array<i32>} : memref<32x32xi32, #tpu.memory_space<vmem>>, vector<1x16xi32>,
    %get3A_8 = vector.shape_cast %get3A_7 : vector<1x16xi32> to vector<16xi32>
    %slice3A = vector.extract_strided_slice %get3A_8 {offsets = [0], sizes = [1], strides = [1]} : vector<16xi32> to vector<1xi32>
    %squeeze3A = vector.extract %slice3A[0] : i32 from vector<1xi32>
    %dma_start3A = arith.constant 0 : i32
    %dma_start3A_9 = arith.constant 0 : i32
    %dma_start3A_10 = tpu.memref_slice %arg6[%dma_start3A, %dma_start3A_9] : memref<32x1024xf32, #tpu.memory_space<vmem>> -> memref<1x1024xf32, #tpu.memory_space<vmem>>
    %dma_start3A_11 = tpu.memref_squeeze %dma_start3A_10 : memref<1x1024xf32, #tpu.memory_space<vmem>> -> memref<1024xf32, #tpu.memory_space<vmem>>
    %dma_start3A_12 = arith.constant 0 : i32
    %dma_start3A_13 = tpu.memref_slice %arg8[%squeeze3A, %dma_start3A_12] : memref<256x1024xf32, #tpu.memory_space<vmem_shared>> -> memref<1x1024xf32, #tpu.memory_space<vmem_shared>>
    %dma_start3A_14 = tpu.memref_squeeze %dma_start3A_13 : memref<1x1024xf32, #tpu.memory_space<vmem_shared>> -> memref<1024xf32, #tpu.memory_space<vmem_shared>>
    %dma_start3A_15 = arith.constant 0 : i32
    %dma_start3A_16 = tpu.memref_slice %arg6[%dma_start3A, %dma_start3A_15] : memref<32x1024xf32, #tpu.memory_space<vmem>> -> memref<1x1024xf32, #tpu.memory_space<vmem>>
    %dma_start3A_17 = tpu.memref_squeeze %dma_start3A_16 : memref<1x1024xf32, #tpu.memory_space<vmem>> -> memref<1024xf32, #tpu.memory_space<vmem>>
    %dma_start3A_18 = arith.constant 0 : i32
    %dma_start3A_19 = tpu.memref_slice %arg8[%squeeze3A, %dma_start3A_18] : memref<256x1024xf32, #tpu.memory_space<vmem_shared>> -> memref<1x1024xf32, #tpu.memory_space<vmem_shared>>
    %dma_start3A_20 = tpu.memref_squeeze %dma_start3A_19 : memref<1x1024xf32, #tpu.memory_space<vmem_shared>> -> memref<1024xf32, #tpu.memory_space<vmem_shared>>
    tpu.enqueue_dma source(%dma_start3A_20 : memref<1024xf32, #tpu.memory_space<vmem_shared>>) target(%dma_start3A_17 : memref<1024xf32, #tpu.memory_space<vmem>>) target_semaphore(%arg9 : memref<!tpu.dma_semaphore, #tpu.memory_space<semaphore_mem>>)
    %slice3A_21 = vector.extract_strided_slice %get3A_8 {offsets = [1], sizes = [1], strides = [1]} : vector<16xi32> to vector<1xi32>
    %squeeze3A_22 = vector.extract %slice3A_21[0] : i32 from vector<1xi32>
    %dma_start3A_23 = arith.constant 1 : i32
    %dma_start3A_24 = arith.constant 0 : i32
    %dma_start3A_25 = tpu.memref_slice %arg6[%dma_start3A_23, %dma_start3A_24] : memref<32x1024xf32, #tpu.memory_space<vmem>> -> memref<1x1024xf32, #tpu.memory_space<vmem>>
    %dma_start3A_26 = tpu.memref_squeeze %dma_start3A_25 : memref<1x1024xf32, #tpu.memory_space<vmem>> -> memref<1024xf32, #tpu.memory_space<vmem>>
    %dma_start3A_27 = arith.constant 0 : i32
    %dma_start3A_28 = tpu.memref_slice %arg8[%squeeze3A_22, %dma_start3A_27] : memref<256x1024xf32, #tpu.memory_space<vmem_shared>> -> memref<1x1024xf32, #tpu.memory_space<vmem_shared>>
    %dma_start3A_29 = tpu.memref_squeeze %dma_start3A_28 : memref<1x1024xf32, #tpu.memory_space<vmem_shared>> -> memref<1024xf32, #tpu.memory_space<vmem_shared>>
    %dma_start3A_30 = arith.constant 0 : i32
    %dma_start3A_31 = tpu.memref_slice %arg6[%dma_start3A_23, %dma_start3A_30] : memref<32x1024xf32, #tpu.memory_space<vmem>> -> memref<1x1024xf32, #tpu.memory_space<vmem>>
    %dma_start3A_32 = tpu.memref_squeeze %dma_start3A_31 : memref<1x1024xf32, #tpu.memory_space<vmem>> -> memref<1024xf32, #tpu.memory_space<vmem>>
    %dma_start3A_33 = arith.constant 0 : i32
    %dma_start3A_34 = tpu.memref_slice %arg8[%squeeze3A_22, %dma_start3A_33] : memref<256x1024xf32, #tpu.memory_space<vmem_shared>> -> memref<1x1024xf32, #tpu.memory_space<vmem_shared>>
    %dma_start3A_35 = tpu.memref_squeeze %dma_start3A_34 : memref<1x1024xf32, #tpu.memory_space<vmem_shared>> -> memref<1024xf32, #tpu.memory_space<vmem_shared>>
    tpu.enqueue_dma source(%dma_start3A_35 : memref<1024xf32, #tpu.memory_space<vmem_shared>>) target(%dma_start3A_32 : memref<1024xf32, #tpu.memory_space<vmem>>) target_semaphore(%arg9 : memref<!tpu.dma_semaphore, #tpu.memory_space<semaphore_mem>>)
    %slice3A_36 = vector.extract_strided_slice %get3A_8 {offsets = [2], sizes = [1], strides = [1]} : vector<16xi32> to vector<1xi32>
    %squeeze3A_37 = vector.extract %slice3A_36[0] : i32 from vector<1xi32>
    %dma_start3A_38 = arith.constant 2 : i32
    %dma_start3A_39 = arith.constant 0 : i32
    %dma_start3A_40 = tpu.memref_slice %arg6[%dma_start3A_38, %dma_start3A_39] : memref<32x1024xf32, #tpu.memory_space<vmem>> -> memref<1x1024xf32, #tpu.memory_space<vmem>>
    %dma_start3A_41 = tpu.memref_squeeze %dma_start3A_40 : memref<1x1024xf32, #tpu.memory_space<vmem>> -> memref<1024xf32, #tpu.memory_space<vmem>>
    %dma_start3A_42 = arith.constant 0 : i32
    %dma_start3A_43 = tpu.memref_slice %arg8[%squeeze3A_37, %dma_start3A_42] : memref<256x1024xf32, #tpu.memory_space<vmem_shared>> -> memref<1x1024xf32, #tpu.memory_space<vmem_shared>>
    %dma_start3A_44 = tpu.memref_squeeze %dma_start3A_43 : memref<1x1024xf32, #tpu.memory_space<vmem_shared>> -> memref<1024xf32, #tpu.memory_space<vmem_shared>>
    %dma_start3A_45 = arith.constant 0 : i32
    %dma_start3A_46 = tpu.memref_slice %arg6[%dma_start3A_38, %dma_start3A_45] : memref<32x1024xf32, #tpu.memory_space<vmem>> -> memref<1x1024xf32, #tpu.memory_space<vmem>>
    %dma_start3A_47 = tpu.memref_squeeze %dma_start3A_46 : memref<1x1024xf32, #tpu.memory_space<vmem>> -> memref<1024xf32, #tpu.memory_space<vmem>>
    %dma_start3A_48 = arith.constant 0 : i32
    %dma_start3A_49 = tpu.memref_slice %arg8[%squeeze3A_37, %dma_start3A_48] : memref<256x1024xf32, #tpu.memory_space<vmem_shared>> -> memref<1x1024xf32, #tpu.memory_space<vmem_shared>>
    %dma_start3A_50 = tpu.memref_squeeze %dma_start3A_49 : memref<1x1024xf32, #tpu.memory_space<vmem_shared>> -> memref<1024xf32, #tpu.memory_space<vmem_shared>>
    tpu.enqueue_dma source(%dma_start3A_50 : memref<1024xf32, #tpu.memory_space<vmem_shared>>) target(%dma_start3A_47 : memref<1024xf32, #tpu.memory_space<vmem>>) target_semaphore(%arg9 : memref<!tpu.dma_semaphore, #tpu.memory_space<semaphore_mem>>)
    %slice3A_51 = vector.extract_strided_slice %get3A_8 {offsets = [3], sizes = [1], strides = [1]} : vector<16xi32> to vector<1xi32>
    %squeeze3A_52 = vector.extract %slice3A_51[0] : i32 from vector<1xi32>
    %dma_start3A_53 = arith.constant 3 : i32
    %dma_start3A_54 = arith.constant 0 : i32
    %dma_start3A_55 = tpu.memref_slice %arg6[%dma_start3A_53, %dma_start3A_54] : memref<32x1024xf32, #tpu.memory_space<vmem>> -> memref<1x1024xf32, #tpu.memory_space<vmem>>
    %dma_start3A_56 = tpu.memref_squeeze %dma_start3A_55 : memref<1x1024xf32, #tpu.memory_space<vmem>> -> memref<1024xf32, #tpu.memory_space<vmem>>
    %dma_start3A_57 = arith.constant 0 : i32
    %dma_start3A_58 = tpu.memref_slice %arg8[%squeeze3A_52, %dma_start3A_57] : memref<256x1024xf32, #tpu.memory_space<vmem_shared>> -> memref<1x1024xf32, #tpu.memory_space<vmem_shared>>
    %dma_start3A_59 = tpu.memref_squeeze %dma_start3A_58 : memref<1x1024xf32, #tpu.memory_space<vmem_shared>> -> memref<1024xf32, #tpu.memory_space<vmem_shared>>
    %dma_start3A_60 = arith.constant 0 : i32
    %dma_start3A_61 = tpu.memref_slice %arg6[%dma_start3A_53, %dma_start3A_60] : memref<32x1024xf32, #tpu.memory_space<vmem>> -> memref<1x1024xf32, #tpu.memory_space<vmem>>
    %dma_start3A_62 = tpu.memref_squeeze %dma_start3A_61 : memref<1x1024xf32, #tpu.memory_space<vmem>> -> memref<1024xf32, #tpu.memory_space<vmem>>
    %dma_start3A_63 = arith.constant 0 : i32
    %dma_start3A_64 = tpu.memref_slice %arg8[%squeeze3A_52, %dma_start3A_63] : memref<256x1024xf32, #tpu.memory_space<vmem_shared>> -> memref<1x1024xf32, #tpu.memory_space<vmem_shared>>
    %dma_start3A_65 = tpu.memref_squeeze %dma_start3A_64 : memref<1x1024xf32, #tpu.memory_space<vmem_shared>> -> memref<1024xf32, #tpu.memory_space<vmem_shared>>
    tpu.enqueue_dma source(%dma_start3A_65 : memref<1024xf32, #tpu.memory_space<vmem_shared>>) target(%dma_start3A_62 : memref<1024xf32, #tpu.memory_space<vmem>>) target_semaphore(%arg9 : memref<!tpu.dma_semaphore, #tpu.memory_space<semaphore_mem>>)
    %slice3A_66 = vector.extract_strided_slice %get3A_8 {offsets = [4], sizes = [1], strides = [1]} : vector<16xi32> to vector<1xi32>
    %squeeze3A_67 = vector.extract %slice3A_66[0] : i32 from vector<1xi32>
    %dma_start3A_68 = arith.constant 4 : i32
    %dma_start3A_69 = arith.constant 0 : i32
    %dma_start3A_70 = tpu.memref_slice %arg6[%dma_start3A_68, %dma_start3A_69] : memref<32x1024xf32, #tpu.memory_space<vmem>> -> memref<1x1024xf32, #tpu.memory_space<vmem>>
    %dma_start3A_71 = tpu.memref_squeeze %dma_start3A_70 : memref<1x1024xf32, #tpu.memory_space<vmem>> -> memref<1024xf32, #tpu.memory_space<vmem>>
    %dma_start3A_72 = arith.constant 0 : i32
    %dma_start3A_73 = tpu.memref_slice %arg8[%squeeze3A_67, %dma_start3A_72] : memref<256x1024xf32, #tpu.memory_space<vmem_shared>> -> memref<1x1024xf32, #tpu.memory_space<vmem_shared>>
    %dma_start3A_74 = tpu.memref_squeeze %dma_start3A_73 : memref<1x1024xf32, #tpu.memory_space<vmem_shared>> -> memref<1024xf32, #tpu.memory_space<vmem_shared>>
    %dma_start3A_75 = arith.constant 0 : i32
    %dma_start3A_76 = tpu.memref_slice %arg6[%dma_start3A_68, %dma_start3A_75] : memref<32x1024xf32, #tpu.memory_space<vmem>> -> memref<1x1024xf32, #tpu.memory_space<vmem>>
    %dma_start3A_77 = tpu.memref_squeeze %dma_start3A_76 : memref<1x1024xf32, #tpu.memory_space<vmem>> -> memref<1024xf32, #tpu.memory_space<vmem>>
    %dma_start3A_78 = arith.constant 0 : i32
    %dma_start3A_79 = tpu.memref_slice %arg8[%squeeze3A_67, %dma_start3A_78] : memref<256x1024xf32, #tpu.memory_space<vmem_shared>> -> memref<1x1024xf32, #tpu.memory_space<vmem_shared>>
    %dma_start3A_80 = tpu.memref_squeeze %dma_start3A_79 : memref<1x1024xf32, #tpu.memory_space<vmem_shared>> -> memref<1024xf32, #tpu.memory_space<vmem_shared>>
    tpu.enqueue_dma source(%dma_start3A_80 : memref<1024xf32, #tpu.memory_space<vmem_shared>>) target(%dma_start3A_77 : memref<1024xf32, #tpu.memory_space<vmem>>) target_semaphore(%arg9 : memref<!tpu.dma_semaphore, #tpu.memory_space<semaphore_mem>>)
    %slice3A_81 = vector.extract_strided_slice %get3A_8 {offsets = [5], sizes = [1], strides = [1]} : vector<16xi32> to vector<1xi32>
    %squeeze3A_82 = vector.extract %slice3A_81[0] : i32 from vector<1xi32>
    %dma_start3A_83 = arith.constant 5 : i32
    %dma_start3A_84 = arith.constant 0 : i32
    %dma_start3A_85 = tpu.memref_slice %arg6[%dma_start3A_83, %dma_start3A_84] : memref<32x1024xf32, #tpu.memory_space<vmem>> -> memref<1x1024xf32, #tpu.memory_space<vmem>>
    %dma_start3A_86 = tpu.memref_squeeze %dma_start3A_85 : memref<1x1024xf32, #tpu.memory_space<vmem>> -> memref<1024xf32, #tpu.memory_space<vmem>>
    %dma_start3A_87 = arith.constant 0 : i32
    %dma_start3A_88 = tpu.memref_slice %arg8[%squeeze3A_82, %dma_start3A_87] : memref<256x1024xf32, #tpu.memory_space<vmem_shared>> -> memref<1x1024xf32, #tpu.memory_space<vmem_shared>>
    %dma_start3A_89 = tpu.memref_squeeze %dma_start3A_88 : memref<1x1024xf32, #tpu.memory_space<vmem_shared>> -> memref<1024xf32, #tpu.memory_space<vmem_shared>>
    %dma_start3A_90 = arith.constant 0 : i32
    %dma_start3A_91 = tpu.memref_slice %arg6[%dma_start3A_83, %dma_start3A_90] : memref<32x1024xf32, #tpu.memory_space<vmem>> -> memref<1x1024xf32, #tpu.memory_space<vmem>>
    %dma_start3A_92 = tpu.memref_squeeze %dma_start3A_91 : memref<1x1024xf32, #tpu.memory_space<vmem>> -> memref<1024xf32, #tpu.memory_space<vmem>>
    %dma_start3A_93 = arith.constant 0 : i32
    %dma_start3A_94 = tpu.memref_slice %arg8[%squeeze3A_82, %dma_start3A_93] : memref<256x1024xf32, #tpu.memory_space<vmem_shared>> -> memref<1x1024xf32, #tpu.memory_space<vmem_shared>>
    %dma_start3A_95 = tpu.memref_squeeze %dma_start3A_94 : memref<1x1024xf32, #tpu.memory_space<vmem_shared>> -> memref<1024xf32, #tpu.memory_space<vmem_shared>>
    tpu.enqueue_dma source(%dma_start3A_95 : memref<1024xf32, #tpu.memory_space<vmem_shared>>) target(%dma_start3A_92 : memref<1024xf32, #tpu.memory_space<vmem>>) target_semaphore(%arg9 : memref<!tpu.dma_semaphore, #tpu.memory_space<semaphore_mem>>)
    %slice3A_96 = vector.extract_strided_slice %get3A_8 {offsets = [6], sizes = [1], strides = [1]} : vector<16xi32> to vector<1xi32>
    %squeeze3A_97 = vector.extract %slice3A_96[0] : i32 from vector<1xi32>
    %dma_start3A_98 = arith.constant 6 : i32
    %dma_start3A_99 = arith.constant 0 : i32
    %dma_start3A_100 = tpu.memref_slice %arg6[%dma_start3A_98, %dma_start3A_99] : memref<32x1024xf32, #tpu.memory_space<vmem>> -> memref<1x1024xf32, #tpu.memory_space<vmem>>
    %dma_start3A_101 = tpu.memref_squeeze %dma_start3A_100 : memref<1x1024xf32, #tpu.memory_space<vmem>> -> memref<1024xf32, #tpu.memory_space<vmem>>
    %dma_start3A_102 = arith.constant 0 : i32
    %dma_start3A_103 = tpu.memref_slice %arg8[%squeeze3A_97, %dma_start3A_102] : memref<256x1024xf32, #tpu.memory_space<vmem_shared>> -> memref<1x1024xf32, #tpu.memory_space<vmem_shared>>
    %dma_start3A_104 = tpu.memref_squeeze %dma_start3A_103 : memref<1x1024xf32, #tpu.memory_space<vmem_shared>> -> memref<1024xf32, #tpu.memory_space<vmem_shared>>
    %dma_start3A_105 = arith.constant 0 : i32
    %dma_start3A_106 = tpu.memref_slice %arg6[%dma_start3A_98, %dma_start3A_105] : memref<32x1024xf32, #tpu.memory_space<vmem>> -> memref<1x1024xf32, #tpu.memory_space<vmem>>
    %dma_start3A_107 = tpu.memref_squeeze %dma_start3A_106 : memref<1x1024xf32, #tpu.memory_space<vmem>> -> memref<1024xf32, #tpu.memory_space<vmem>>
    %dma_start3A_108 = arith.constant 0 : i32
    %dma_start3A_109 = tpu.memref_slice %arg8[%squeeze3A_97, %dma_start3A_108] : memref<256x1024xf32, #tpu.memory_space<vmem_shared>> -> memref<1x1024xf32, #tpu.memory_space<vmem_shared>>
    %dma_start3A_110 = tpu.memref_squeeze %dma_start3A_109 : memref<1x1024xf32, #tpu.memory_space<vmem_shared>> -> memref<1024xf32, #tpu.memory_space<vmem_shared>>
    tpu.enqueue_dma source(%dma_start3A_110 : memref<1024xf32, #tpu.memory_space<vmem_shared>>) target(%dma_start3A_107 : memref<1024xf32, #tpu.memory_space<vmem>>) target_semaphore(%arg9 : memref<!tpu.dma_semaphore, #tpu.memory_space<semaphore_mem>>)
    %slice3A_111 = vector.extract_strided_slice %get3A_8 {offsets = [7], sizes = [1], strides = [1]} : vector<16xi32> to vector<1xi32>
    %squeeze3A_112 = vector.extract %slice3A_111[0] : i32 from vector<1xi32>
    %dma_start3A_113 = arith.constant 7 : i32
    %dma_start3A_114 = arith.constant 0 : i32
    %dma_start3A_115 = tpu.memref_slice %arg6[%dma_start3A_113, %dma_start3A_114] : memref<32x1024xf32, #tpu.memory_space<vmem>> -> memref<1x1024xf32, #tpu.memory_space<vmem>>
    %dma_start3A_116 = tpu.memref_squeeze %dma_start3A_115 : memref<1x1024xf32, #tpu.memory_space<vmem>> -> memref<1024xf32, #tpu.memory_space<vmem>>
    %dma_start3A_117 = arith.constant 0 : i32
    %dma_start3A_118 = tpu.memref_slice %arg8[%squeeze3A_112, %dma_start3A_117] : memref<256x1024xf32, #tpu.memory_space<vmem_shared>> -> memref<1x1024xf32, #tpu.memory_space<vmem_shared>>
    %dma_start3A_119 = tpu.memref_squeeze %dma_start3A_118 : memref<1x1024xf32, #tpu.memory_space<vmem_shared>> -> memref<1024xf32, #tpu.memory_space<vmem_shared>>
    %dma_start3A_120 = arith.constant 0 : i32
    %dma_start3A_121 = tpu.memref_slice %arg6[%dma_start3A_113, %dma_start3A_120] : memref<32x1024xf32, #tpu.memory_space<vmem>> -> memref<1x1024xf32, #tpu.memory_space<vmem>>
    %dma_start3A_122 = tpu.memref_squeeze %dma_start3A_121 : memref<1x1024xf32, #tpu.memory_space<vmem>> -> memref<1024xf32, #tpu.memory_space<vmem>>
    %dma_start3A_123 = arith.constant 0 : i32
    %dma_start3A_124 = tpu.memref_slice %arg8[%squeeze3A_112, %dma_start3A_123] : memref<256x1024xf32, #tpu.memory_space<vmem_shared>> -> memref<1x1024xf32, #tpu.memory_space<vmem_shared>>
    %dma_start3A_125 = tpu.memref_squeeze %dma_start3A_124 : memref<1x1024xf32, #tpu.memory_space<vmem_shared>> -> memref<1024xf32, #tpu.memory_space<vmem_shared>>
    tpu.enqueue_dma source(%dma_start3A_125 : memref<1024xf32, #tpu.memory_space<vmem_shared>>) target(%dma_start3A_122 : memref<1024xf32, #tpu.memory_space<vmem>>) target_semaphore(%arg9 : memref<!tpu.dma_semaphore, #tpu.memory_space<semaphore_mem>>)
    %slice3A_126 = vector.extract_strided_slice %get3A_8 {offsets = [8], sizes = [1], strides = [1]} : vector<16xi32> to vector<1xi32>
    %squeeze3A_127 = vector.extract %slice3A_126[0] : i32 from vector<1xi32>
    %dma_start3A_128 = arith.constant 8 : i32
    %dma_start3A_129 = arith.constant 0 : i32
    %dma_start3A_130 = tpu.memref_slice %arg6[%dma_start3A_128, %dma_start3A_129] : memref<32x1024xf32, #tpu.memory_space<vmem>> -> memref<1x1024xf32, #tpu.memory_space<vmem>>
    %dma_start3A_131 = tpu.memref_squeeze %dma_start3A_130 : memref<1x1024xf32, #tpu.memory_space<vmem>> -> memref<1024xf32, #tpu.memory_space<vmem>>
    %dma_start3A_132 = arith.constant 0 : i32
    %dma_start3A_133 = tpu.memref_slice %arg8[%squeeze3A_127, %dma_start3A_132] : memref<256x1024xf32, #tpu.memory_space<vmem_shared>> -> memref<1x1024xf32, #tpu.memory_space<vmem_shared>>
    %dma_start3A_134 = tpu.memref_squeeze %dma_start3A_133 : memref<1x1024xf32, #tpu.memory_space<vmem_shared>> -> memref<1024xf32, #tpu.memory_space<vmem_shared>>
    %dma_start3A_135 = arith.constant 0 : i32
    %dma_start3A_136 = tpu.memref_slice %arg6[%dma_start3A_128, %dma_start3A_135] : memref<32x1024xf32, #tpu.memory_space<vmem>> -> memref<1x1024xf32, #tpu.memory_space<vmem>>
    %dma_start3A_137 = tpu.memref_squeeze %dma_start3A_136 : memref<1x1024xf32, #tpu.memory_space<vmem>> -> memref<1024xf32, #tpu.memory_space<vmem>>
    %dma_start3A_138 = arith.constant 0 : i32
    %dma_start3A_139 = tpu.memref_slice %arg8[%squeeze3A_127, %dma_start3A_138] : memref<256x1024xf32, #tpu.memory_space<vmem_shared>> -> memref<1x1024xf32, #tpu.memory_space<vmem_shared>>
    %dma_start3A_140 = tpu.memref_squeeze %dma_start3A_139 : memref<1x1024xf32, #tpu.memory_space<vmem_shared>> -> memref<1024xf32, #tpu.memory_space<vmem_shared>>
    tpu.enqueue_dma source(%dma_start3A_140 : memref<1024xf32, #tpu.memory_space<vmem_shared>>) target(%dma_start3A_137 : memref<1024xf32, #tpu.memory_space<vmem>>) target_semaphore(%arg9 : memref<!tpu.dma_semaphore, #tpu.memory_space<semaphore_mem>>)
    %slice3A_141 = vector.extract_strided_slice %get3A_8 {offsets = [9], sizes = [1], strides = [1]} : vector<16xi32> to vector<1xi32>
    %squeeze3A_142 = vector.extract %slice3A_141[0] : i32 from vector<1xi32>
    %dma_start3A_143 = arith.constant 9 : i32
    %dma_start3A_144 = arith.constant 0 : i32
    %dma_start3A_145 = tpu.memref_slice %arg6[%dma_start3A_143, %dma_start3A_144] : memref<32x1024xf32, #tpu.memory_space<vmem>> -> memref<1x1024xf32, #tpu.memory_space<vmem>>
    %dma_start3A_146 = tpu.memref_squeeze %dma_start3A_145 : memref<1x1024xf32, #tpu.memory_space<vmem>> -> memref<1024xf32, #tpu.memory_space<vmem>>
    %dma_start3A_147 = arith.constant 0 : i32
    %dma_start3A_148 = tpu.memref_slice %arg8[%squeeze3A_142, %dma_start3A_147] : memref<256x1024xf32, #tpu.memory_space<vmem_shared>> -> memref<1x1024xf32, #tpu.memory_space<vmem_shared>>
    %dma_start3A_149 = tpu.memref_squeeze %dma_start3A_148 : memref<1x1024xf32, #tpu.memory_space<vmem_shared>> -> memref<1024xf32, #tpu.memory_space<vmem_shared>>
    %dma_start3A_150 = arith.constant 0 : i32
    %dma_start3A_151 = tpu.memref_slice %arg6[%dma_start3A_143, %dma_start3A_150] : memref<32x1024xf32, #tpu.memory_space<vmem>> -> memref<1x1024xf32, #tpu.memory_space<vmem>>
    %dma_start3A_152 = tpu.memref_squeeze %dma_start3A_151 : memref<1x1024xf32, #tpu.memory_space<vmem>> -> memref<1024xf32, #tpu.memory_space<vmem>>
    %dma_start3A_153 = arith.constant 0 : i32
    %dma_start3A_154 = tpu.memref_slice %arg8[%squeeze3A_142, %dma_start3A_153] : memref<256x1024xf32, #tpu.memory_space<vmem_shared>> -> memref<1x1024xf32, #tpu.memory_space<vmem_shared>>
    %dma_start3A_155 = tpu.memref_squeeze %dma_start3A_154 : memref<1x1024xf32, #tpu.memory_space<vmem_shared>> -> memref<1024xf32, #tpu.memory_space<vmem_shared>>
    tpu.enqueue_dma source(%dma_start3A_155 : memref<1024xf32, #tpu.memory_space<vmem_shared>>) target(%dma_start3A_152 : memref<1024xf32, #tpu.memory_space<vmem>>) target_semaphore(%arg9 : memref<!tpu.dma_semaphore, #tpu.memory_space<semaphore_mem>>)
    %slice3A_156 = vector.extract_strided_slice %get3A_8 {offsets = [10], sizes = [1], strides = [1]} : vector<16xi32> to vector<1xi32>
    %squeeze3A_157 = vector.extract %slice3A_156[0] : i32 from vector<1xi32>
    %dma_start3A_158 = arith.constant 10 : i32
    %dma_start3A_159 = arith.constant 0 : i32
    %dma_start3A_160 = tpu.memref_slice %arg6[%dma_start3A_158, %dma_start3A_159] : memref<32x1024xf32, #tpu.memory_space<vmem>> -> memref<1x1024xf32, #tpu.memory_space<vmem>>
    %dma_start3A_161 = tpu.memref_squeeze %dma_start3A_160 : memref<1x1024xf32, #tpu.memory_space<vmem>> -> memref<1024xf32, #tpu.memory_space<vmem>>
    %dma_start3A_162 = arith.constant 0 : i32
    %dma_start3A_163 = tpu.memref_slice %arg8[%squeeze3A_157, %dma_start3A_162] : memref<256x1024xf32, #tpu.memory_space<vmem_shared>> -> memref<1x1024xf32, #tpu.memory_space<vmem_shared>>
    %dma_start3A_164 = tpu.memref_squeeze %dma_start3A_163 : memref<1x1024xf32, #tpu.memory_space<vmem_shared>> -> memref<1024xf32, #tpu.memory_space<vmem_shared>>
    %dma_start3A_165 = arith.constant 0 : i32
    %dma_start3A_166 = tpu.memref_slice %arg6[%dma_start3A_158, %dma_start3A_165] : memref<32x1024xf32, #tpu.memory_space<vmem>> -> memref<1x1024xf32, #tpu.memory_space<vmem>>
    %dma_start3A_167 = tpu.memref_squeeze %dma_start3A_166 : memref<1x1024xf32, #tpu.memory_space<vmem>> -> memref<1024xf32, #tpu.memory_space<vmem>>
    %dma_start3A_168 = arith.constant 0 : i32
    %dma_start3A_169 = tpu.memref_slice %arg8[%squeeze3A_157, %dma_start3A_168] : memref<256x1024xf32, #tpu.memory_space<vmem_shared>> -> memref<1x1024xf32, #tpu.memory_space<vmem_shared>>
    %dma_start3A_170 = tpu.memref_squeeze %dma_start3A_169 : memref<1x1024xf32, #tpu.memory_space<vmem_shared>> -> memref<1024xf32, #tpu.memory_space<vmem_shared>>
    tpu.enqueue_dma source(%dma_start3A_170 : memref<1024xf32, #tpu.memory_space<vmem_shared>>) target(%dma_start3A_167 : memref<1024xf32, #tpu.memory_space<vmem>>) target_semaphore(%arg9 : memref<!tpu.dma_semaphore, #tpu.memory_space<semaphore_mem>>)
    %slice3A_171 = vector.extract_strided_slice %get3A_8 {offsets = [11], sizes = [1], strides = [1]} : vector<16xi32> to vector<1xi32>
    %squeeze3A_172 = vector.extract %slice3A_171[0] : i32 from vector<1xi32>
    %dma_start3A_173 = arith.constant 11 : i32
    %dma_start3A_174 = arith.constant 0 : i32
    %dma_start3A_175 = tpu.memref_slice %arg6[%dma_start3A_173, %dma_start3A_174] : memref<32x1024xf32, #tpu.memory_space<vmem>> -> memref<1x1024xf32, #tpu.memory_space<vmem>>
    %dma_start3A_176 = tpu.memref_squeeze %dma_start3A_175 : memref<1x1024xf32, #tpu.memory_space<vmem>> -> memref<1024xf32, #tpu.memory_space<vmem>>
    %dma_start3A_177 = arith.constant 0 : i32
    %dma_start3A_178 = tpu.memref_slice %arg8[%squeeze3A_172, %dma_start3A_177] : memref<256x1024xf32, #tpu.memory_space<vmem_shared>> -> memref<1x1024xf32, #tpu.memory_space<vmem_shared>>
    %dma_start3A_179 = tpu.memref_squeeze %dma_start3A_178 : memref<1x1024xf32, #tpu.memory_space<vmem_shared>> -> memref<1024xf32, #tpu.memory_space<vmem_shared>>
    %dma_start3A_180 = arith.constant 0 : i32
    %dma_start3A_181 = tpu.memref_slice %arg6[%dma_start3A_173, %dma_start3A_180] : memref<32x1024xf32, #tpu.memory_space<vmem>> -> memref<1x1024xf32, #tpu.memory_space<vmem>>
    %dma_start3A_182 = tpu.memref_squeeze %dma_start3A_181 : memref<1x1024xf32, #tpu.memory_space<vmem>> -> memref<1024xf32, #tpu.memory_space<vmem>>
    %dma_start3A_183 = arith.constant 0 : i32
    %dma_start3A_184 = tpu.memref_slice %arg8[%squeeze3A_172, %dma_start3A_183] : memref<256x1024xf32, #tpu.memory_space<vmem_shared>> -> memref<1x1024xf32, #tpu.memory_space<vmem_shared>>
    %dma_start3A_185 = tpu.memref_squeeze %dma_start3A_184 : memref<1x1024xf32, #tpu.memory_space<vmem_shared>> -> memref<1024xf32, #tpu.memory_space<vmem_shared>>
    tpu.enqueue_dma source(%dma_start3A_185 : memref<1024xf32, #tpu.memory_space<vmem_shared>>) target(%dma_start3A_182 : memref<1024xf32, #tpu.memory_space<vmem>>) target_semaphore(%arg9 : memref<!tpu.dma_semaphore, #tpu.memory_space<semaphore_mem>>)
    %slice3A_186 = vector.extract_strided_slice %get3A_8 {offsets = [12], sizes = [1], strides = [1]} : vector<16xi32> to vector<1xi32>
    %squeeze3A_187 = vector.extract %slice3A_186[0] : i32 from vector<1xi32>
    %dma_start3A_188 = arith.constant 12 : i32
    %dma_start3A_189 = arith.constant 0 : i32
    %dma_start3A_190 = tpu.memref_slice %arg6[%dma_start3A_188, %dma_start3A_189] : memref<32x1024xf32, #tpu.memory_space<vmem>> -> memref<1x1024xf32, #tpu.memory_space<vmem>>
    %dma_start3A_191 = tpu.memref_squeeze %dma_start3A_190 : memref<1x1024xf32, #tpu.memory_space<vmem>> -> memref<1024xf32, #tpu.memory_space<vmem>>
    %dma_start3A_192 = arith.constant 0 : i32
    %dma_start3A_193 = tpu.memref_slice %arg8[%squeeze3A_187, %dma_start3A_192] : memref<256x1024xf32, #tpu.memory_space<vmem_shared>> -> memref<1x1024xf32, #tpu.memory_space<vmem_shared>>
    %dma_start3A_194 = tpu.memref_squeeze %dma_start3A_193 : memref<1x1024xf32, #tpu.memory_space<vmem_shared>> -> memref<1024xf32, #tpu.memory_space<vmem_shared>>
    %dma_start3A_195 = arith.constant 0 : i32
    %dma_start3A_196 = tpu.memref_slice %arg6[%dma_start3A_188, %dma_start3A_195] : memref<32x1024xf32, #tpu.memory_space<vmem>> -> memref<1x1024xf32, #tpu.memory_space<vmem>>
    %dma_start3A_197 = tpu.memref_squeeze %dma_start3A_196 : memref<1x1024xf32, #tpu.memory_space<vmem>> -> memref<1024xf32, #tpu.memory_space<vmem>>
    %dma_start3A_198 = arith.constant 0 : i32
    %dma_start3A_199 = tpu.memref_slice %arg8[%squeeze3A_187, %dma_start3A_198] : memref<256x1024xf32, #tpu.memory_space<vmem_shared>> -> memref<1x1024xf32, #tpu.memory_space<vmem_shared>>
    %dma_start3A_200 = tpu.memref_squeeze %dma_start3A_199 : memref<1x1024xf32, #tpu.memory_space<vmem_shared>> -> memref<1024xf32, #tpu.memory_space<vmem_shared>>
    tpu.enqueue_dma source(%dma_start3A_200 : memref<1024xf32, #tpu.memory_space<vmem_shared>>) target(%dma_start3A_197 : memref<1024xf32, #tpu.memory_space<vmem>>) target_semaphore(%arg9 : memref<!tpu.dma_semaphore, #tpu.memory_space<semaphore_mem>>)
    %slice3A_201 = vector.extract_strided_slice %get3A_8 {offsets = [13], sizes = [1], strides = [1]} : vector<16xi32> to vector<1xi32>
    %squeeze3A_202 = vector.extract %slice3A_201[0] : i32 from vector<1xi32>
    %dma_start3A_203 = arith.constant 13 : i32
    %dma_start3A_204 = arith.constant 0 : i32
    %dma_start3A_205 = tpu.memref_slice %arg6[%dma_start3A_203, %dma_start3A_204] : memref<32x1024xf32, #tpu.memory_space<vmem>> -> memref<1x1024xf32, #tpu.memory_space<vmem>>
    %dma_start3A_206 = tpu.memref_squeeze %dma_start3A_205 : memref<1x1024xf32, #tpu.memory_space<vmem>> -> memref<1024xf32, #tpu.memory_space<vmem>>
    %dma_start3A_207 = arith.constant 0 : i32
    %dma_start3A_208 = tpu.memref_slice %arg8[%squeeze3A_202, %dma_start3A_207] : memref<256x1024xf32, #tpu.memory_space<vmem_shared>> -> memref<1x1024xf32, #tpu.memory_space<vmem_shared>>
    %dma_start3A_209 = tpu.memref_squeeze %dma_start3A_208 : memref<1x1024xf32, #tpu.memory_space<vmem_shared>> -> memref<1024xf32, #tpu.memory_space<vmem_shared>>
    %dma_start3A_210 = arith.constant 0 : i32
    %dma_start3A_211 = tpu.memref_slice %arg6[%dma_start3A_203, %dma_start3A_210] : memref<32x1024xf32, #tpu.memory_space<vmem>> -> memref<1x1024xf32, #tpu.memory_space<vmem>>
    %dma_start3A_212 = tpu.memref_squeeze %dma_start3A_211 : memref<1x1024xf32, #tpu.memory_space<vmem>> -> memref<1024xf32, #tpu.memory_space<vmem>>
    %dma_start3A_213 = arith.constant 0 : i32
    %dma_start3A_214 = tpu.memref_slice %arg8[%squeeze3A_202, %dma_start3A_213] : memref<256x1024xf32, #tpu.memory_space<vmem_shared>> -> memref<1x1024xf32, #tpu.memory_space<vmem_shared>>
    %dma_start3A_215 = tpu.memref_squeeze %dma_start3A_214 : memref<1x1024xf32, #tpu.memory_space<vmem_shared>> -> memref<1024xf32, #tpu.memory_space<vmem_shared>>
    tpu.enqueue_dma source(%dma_start3A_215 : memref<1024xf32, #tpu.memory_space<vmem_shared>>) target(%dma_start3A_212 : memref<1024xf32, #tpu.memory_space<vmem>>) target_semaphore(%arg9 : memref<!tpu.dma_semaphore, #tpu.memory_space<semaphore_mem>>)
    %slice3A_216 = vector.extract_strided_slice %get3A_8 {offsets = [14], sizes = [1], strides = [1]} : vector<16xi32> to vector<1xi32>
    %squeeze3A_217 = vector.extract %slice3A_216[0] : i32 from vector<1xi32>
    %dma_start3A_218 = arith.constant 14 : i32
    %dma_start3A_219 = arith.constant 0 : i32
    %dma_start3A_220 = tpu.memref_slice %arg6[%dma_start3A_218, %dma_start3A_219] : memref<32x1024xf32, #tpu.memory_space<vmem>> -> memref<1x1024xf32, #tpu.memory_space<vmem>>
    %dma_start3A_221 = tpu.memref_squeeze %dma_start3A_220 : memref<1x1024xf32, #tpu.memory_space<vmem>> -> memref<1024xf32, #tpu.memory_space<vmem>>
    %dma_start3A_222 = arith.constant 0 : i32
    %dma_start3A_223 = tpu.memref_slice %arg8[%squeeze3A_217, %dma_start3A_222] : memref<256x1024xf32, #tpu.memory_space<vmem_shared>> -> memref<1x1024xf32, #tpu.memory_space<vmem_shared>>
    %dma_start3A_224 = tpu.memref_squeeze %dma_start3A_223 : memref<1x1024xf32, #tpu.memory_space<vmem_shared>> -> memref<1024xf32, #tpu.memory_space<vmem_shared>>
    %dma_start3A_225 = arith.constant 0 : i32
    %dma_start3A_226 = tpu.memref_slice %arg6[%dma_start3A_218, %dma_start3A_225] : memref<32x1024xf32, #tpu.memory_space<vmem>> -> memref<1x1024xf32, #tpu.memory_space<vmem>>
    %dma_start3A_227 = tpu.memref_squeeze %dma_start3A_226 : memref<1x1024xf32, #tpu.memory_space<vmem>> -> memref<1024xf32, #tpu.memory_space<vmem>>
    %dma_start3A_228 = arith.constant 0 : i32
    %dma_start3A_229 = tpu.memref_slice %arg8[%squeeze3A_217, %dma_start3A_228] : memref<256x1024xf32, #tpu.memory_space<vmem_shared>> -> memref<1x1024xf32, #tpu.memory_space<vmem_shared>>
    %dma_start3A_230 = tpu.memref_squeeze %dma_start3A_229 : memref<1x1024xf32, #tpu.memory_space<vmem_shared>> -> memref<1024xf32, #tpu.memory_space<vmem_shared>>
    tpu.enqueue_dma source(%dma_start3A_230 : memref<1024xf32, #tpu.memory_space<vmem_shared>>) target(%dma_start3A_227 : memref<1024xf32, #tpu.memory_space<vmem>>) target_semaphore(%arg9 : memref<!tpu.dma_semaphore, #tpu.memory_space<semaphore_mem>>)
    %slice3A_231 = vector.extract_strided_slice %get3A_8 {offsets = [15], sizes = [1], strides = [1]} : vector<16xi32> to vector<1xi32>
    %squeeze3A_232 = vector.extract %slice3A_231[0] : i32 from vector<1xi32>
    %dma_start3A_233 = arith.constant 15 : i32
    %dma_start3A_234 = arith.constant 0 : i32
    %dma_start3A_235 = tpu.memref_slice %arg6[%dma_start3A_233, %dma_start3A_234] : memref<32x1024xf32, #tpu.memory_space<vmem>> -> memref<1x1024xf32, #tpu.memory_space<vmem>>
    %dma_start3A_236 = tpu.memref_squeeze %dma_start3A_235 : memref<1x1024xf32, #tpu.memory_space<vmem>> -> memref<1024xf32, #tpu.memory_space<vmem>>
    %dma_start3A_237 = arith.constant 0 : i32
    %dma_start3A_238 = tpu.memref_slice %arg8[%squeeze3A_232, %dma_start3A_237] : memref<256x1024xf32, #tpu.memory_space<vmem_shared>> -> memref<1x1024xf32, #tpu.memory_space<vmem_shared>>
    %dma_start3A_239 = tpu.memref_squeeze %dma_start3A_238 : memref<1x1024xf32, #tpu.memory_space<vmem_shared>> -> memref<1024xf32, #tpu.memory_space<vmem_shared>>
    %dma_start3A_240 = arith.constant 0 : i32
    %dma_start3A_241 = tpu.memref_slice %arg6[%dma_start3A_233, %dma_start3A_240] : memref<32x1024xf32, #tpu.memory_space<vmem>> -> memref<1x1024xf32, #tpu.memory_space<vmem>>
    %dma_start3A_242 = tpu.memref_squeeze %dma_start3A_241 : memref<1x1024xf32, #tpu.memory_space<vmem>> -> memref<1024xf32, #tpu.memory_space<vmem>>
    %dma_start3A_243 = arith.constant 0 : i32
    %dma_start3A_244 = tpu.memref_slice %arg8[%squeeze3A_232, %dma_start3A_243] : memref<256x1024xf32, #tpu.memory_space<vmem_shared>> -> memref<1x1024xf32, #tpu.memory_space<vmem_shared>>
    %dma_start3A_245 = tpu.memref_squeeze %dma_start3A_244 : memref<1x1024xf32, #tpu.memory_space<vmem_shared>> -> memref<1024xf32, #tpu.memory_space<vmem_shared>>
    tpu.enqueue_dma source(%dma_start3A_245 : memref<1024xf32, #tpu.memory_space<vmem_shared>>) target(%dma_start3A_242 : memref<1024xf32, #tpu.memory_space<vmem>>) target_semaphore(%arg9 : memref<!tpu.dma_semaphore, #tpu.memory_space<semaphore_mem>>)
    %get3A_246 = arith.constant 0 : i32
    %get3A_247 = arith.index_cast %get3A_246 : i32 to index
    %get3A_248 = arith.constant 16 : index
    %get3A_249 = tpu.vector_load %arg5[%get3A_247, %get3A_248] {strides = array<i32>} : memref<32x32xi32, #tpu.memory_space<vmem>>, vector<1x16xi32>,
    %get3A_250 = vector.shape_cast %get3A_249 : vector<1x16xi32> to vector<16xi32>
    %slice3A_251 = vector.extract_strided_slice %get3A_250 {offsets = [0], sizes = [1], strides = [1]} : vector<16xi32> to vector<1xi32>
    %squeeze3A_252 = vector.extract %slice3A_251[0] : i32 from vector<1xi32>
    %dma_start3A_253 = arith.constant 16 : i32
    %dma_start3A_254 = arith.constant 0 : i32
    %dma_start3A_255 = tpu.memref_slice %arg6[%dma_start3A_253, %dma_start3A_254] : memref<32x1024xf32, #tpu.memory_space<vmem>> -> memref<1x1024xf32, #tpu.memory_space<vmem>>
    %dma_start3A_256 = tpu.memref_squeeze %dma_start3A_255 : memref<1x1024xf32, #tpu.memory_space<vmem>> -> memref<1024xf32, #tpu.memory_space<vmem>>
    %dma_start3A_257 = arith.constant 0 : i32
    %dma_start3A_258 = tpu.memref_slice %arg8[%squeeze3A_252, %dma_start3A_257] : memref<256x1024xf32, #tpu.memory_space<vmem_shared>> -> memref<1x1024xf32, #tpu.memory_space<vmem_shared>>
    %dma_start3A_259 = tpu.memref_squeeze %dma_start3A_258 : memref<1x1024xf32, #tpu.memory_space<vmem_shared>> -> memref<1024xf32, #tpu.memory_space<vmem_shared>>
    %dma_start3A_260 = arith.constant 0 : i32
    %dma_start3A_261 = tpu.memref_slice %arg6[%dma_start3A_253, %dma_start3A_260] : memref<32x1024xf32, #tpu.memory_space<vmem>> -> memref<1x1024xf32, #tpu.memory_space<vmem>>
    %dma_start3A_262 = tpu.memref_squeeze %dma_start3A_261 : memref<1x1024xf32, #tpu.memory_space<vmem>> -> memref<1024xf32, #tpu.memory_space<vmem>>
    %dma_start3A_263 = arith.constant 0 : i32
    %dma_start3A_264 = tpu.memref_slice %arg8[%squeeze3A_252, %dma_start3A_263] : memref<256x1024xf32, #tpu.memory_space<vmem_shared>> -> memref<1x1024xf32, #tpu.memory_space<vmem_shared>>
    %dma_start3A_265 = tpu.memref_squeeze %dma_start3A_264 : memref<1x1024xf32, #tpu.memory_space<vmem_shared>> -> memref<1024xf32, #tpu.memory_space<vmem_shared>>
    tpu.enqueue_dma source(%dma_start3A_265 : memref<1024xf32, #tpu.memory_space<vmem_shared>>) target(%dma_start3A_262 : memref<1024xf32, #tpu.memory_space<vmem>>) target_semaphore(%arg9 : memref<!tpu.dma_semaphore, #tpu.memory_space<semaphore_mem>>)
    %slice3A_266 = vector.extract_strided_slice %get3A_250 {offsets = [1], sizes = [1], strides = [1]} : vector<16xi32> to vector<1xi32>
    %squeeze3A_267 = vector.extract %slice3A_266[0] : i32 from vector<1xi32>
    %dma_start3A_268 = arith.constant 17 : i32
    %dma_start3A_269 = arith.constant 0 : i32
    %dma_start3A_270 = tpu.memref_slice %arg6[%dma_start3A_268, %dma_start3A_269] : memref<32x1024xf32, #tpu.memory_space<vmem>> -> memref<1x1024xf32, #tpu.memory_space<vmem>>
    %dma_start3A_271 = tpu.memref_squeeze %dma_start3A_270 : memref<1x1024xf32, #tpu.memory_space<vmem>> -> memref<1024xf32, #tpu.memory_space<vmem>>
    %dma_start3A_272 = arith.constant 0 : i32
    %dma_start3A_273 = tpu.memref_slice %arg8[%squeeze3A_267, %dma_start3A_272] : memref<256x1024xf32, #tpu.memory_space<vmem_shared>> -> memref<1x1024xf32, #tpu.memory_space<vmem_shared>>
    %dma_start3A_274 = tpu.memref_squeeze %dma_start3A_273 : memref<1x1024xf32, #tpu.memory_space<vmem_shared>> -> memref<1024xf32, #tpu.memory_space<vmem_shared>>
    %dma_start3A_275 = arith.constant 0 : i32
    %dma_start3A_276 = tpu.memref_slice %arg6[%dma_start3A_268, %dma_start3A_275] : memref<32x1024xf32, #tpu.memory_space<vmem>> -> memref<1x1024xf32, #tpu.memory_space<vmem>>
    %dma_start3A_277 = tpu.memref_squeeze %dma_start3A_276 : memref<1x1024xf32, #tpu.memory_space<vmem>> -> memref<1024xf32, #tpu.memory_space<vmem>>
    %dma_start3A_278 = arith.constant 0 : i32
    %dma_start3A_279 = tpu.memref_slice %arg8[%squeeze3A_267, %dma_start3A_278] : memref<256x1024xf32, #tpu.memory_space<vmem_shared>> -> memref<1x1024xf32, #tpu.memory_space<vmem_shared>>
    %dma_start3A_280 = tpu.memref_squeeze %dma_start3A_279 : memref<1x1024xf32, #tpu.memory_space<vmem_shared>> -> memref<1024xf32, #tpu.memory_space<vmem_shared>>
    tpu.enqueue_dma source(%dma_start3A_280 : memref<1024xf32, #tpu.memory_space<vmem_shared>>) target(%dma_start3A_277 : memref<1024xf32, #tpu.memory_space<vmem>>) target_semaphore(%arg9 : memref<!tpu.dma_semaphore, #tpu.memory_space<semaphore_mem>>)
    %slice3A_281 = vector.extract_strided_slice %get3A_250 {offsets = [2], sizes = [1], strides = [1]} : vector<16xi32> to vector<1xi32>
    %squeeze3A_282 = vector.extract %slice3A_281[0] : i32 from vector<1xi32>
    %dma_start3A_283 = arith.constant 18 : i32
    %dma_start3A_284 = arith.constant 0 : i32
    %dma_start3A_285 = tpu.memref_slice %arg6[%dma_start3A_283, %dma_start3A_284] : memref<32x1024xf32, #tpu.memory_space<vmem>> -> memref<1x1024xf32, #tpu.memory_space<vmem>>
    %dma_start3A_286 = tpu.memref_squeeze %dma_start3A_285 : memref<1x1024xf32, #tpu.memory_space<vmem>> -> memref<1024xf32, #tpu.memory_space<vmem>>
    %dma_start3A_287 = arith.constant 0 : i32
    %dma_start3A_288 = tpu.memref_slice %arg8[%squeeze3A_282, %dma_start3A_287] : memref<256x1024xf32, #tpu.memory_space<vmem_shared>> -> memref<1x1024xf32, #tpu.memory_space<vmem_shared>>
    %dma_start3A_289 = tpu.memref_squeeze %dma_start3A_288 : memref<1x1024xf32, #tpu.memory_space<vmem_shared>> -> memref<1024xf32, #tpu.memory_space<vmem_shared>>
    %dma_start3A_290 = arith.constant 0 : i32
    %dma_start3A_291 = tpu.memref_slice %arg6[%dma_start3A_283, %dma_start3A_290] : memref<32x1024xf32, #tpu.memory_space<vmem>> -> memref<1x1024xf32, #tpu.memory_space<vmem>>
    %dma_start3A_292 = tpu.memref_squeeze %dma_start3A_291 : memref<1x1024xf32, #tpu.memory_space<vmem>> -> memref<1024xf32, #tpu.memory_space<vmem>>
    %dma_start3A_293 = arith.constant 0 : i32
    %dma_start3A_294 = tpu.memref_slice %arg8[%squeeze3A_282, %dma_start3A_293] : memref<256x1024xf32, #tpu.memory_space<vmem_shared>> -> memref<1x1024xf32, #tpu.memory_space<vmem_shared>>
    %dma_start3A_295 = tpu.memref_squeeze %dma_start3A_294 : memref<1x1024xf32, #tpu.memory_space<vmem_shared>> -> memref<1024xf32, #tpu.memory_space<vmem_shared>>
    tpu.enqueue_dma source(%dma_start3A_295 : memref<1024xf32, #tpu.memory_space<vmem_shared>>) target(%dma_start3A_292 : memref<1024xf32, #tpu.memory_space<vmem>>) target_semaphore(%arg9 : memref<!tpu.dma_semaphore, #tpu.memory_space<semaphore_mem>>)
    %slice3A_296 = vector.extract_strided_slice %get3A_250 {offsets = [3], sizes = [1], strides = [1]} : vector<16xi32> to vector<1xi32>
    %squeeze3A_297 = vector.extract %slice3A_296[0] : i32 from vector<1xi32>
    %dma_start3A_298 = arith.constant 19 : i32
    %dma_start3A_299 = arith.constant 0 : i32
    %dma_start3A_300 = tpu.memref_slice %arg6[%dma_start3A_298, %dma_start3A_299] : memref<32x1024xf32, #tpu.memory_space<vmem>> -> memref<1x1024xf32, #tpu.memory_space<vmem>>
    %dma_start3A_301 = tpu.memref_squeeze %dma_start3A_300 : memref<1x1024xf32, #tpu.memory_space<vmem>> -> memref<1024xf32, #tpu.memory_space<vmem>>
    %dma_start3A_302 = arith.constant 0 : i32
    %dma_start3A_303 = tpu.memref_slice %arg8[%squeeze3A_297, %dma_start3A_302] : memref<256x1024xf32, #tpu.memory_space<vmem_shared>> -> memref<1x1024xf32, #tpu.memory_space<vmem_shared>>
    %dma_start3A_304 = tpu.memref_squeeze %dma_start3A_303 : memref<1x1024xf32, #tpu.memory_space<vmem_shared>> -> memref<1024xf32, #tpu.memory_space<vmem_shared>>
    %dma_start3A_305 = arith.constant 0 : i32
    %dma_start3A_306 = tpu.memref_slice %arg6[%dma_start3A_298, %dma_start3A_305] : memref<32x1024xf32, #tpu.memory_space<vmem>> -> memref<1x1024xf32, #tpu.memory_space<vmem>>
    %dma_start3A_307 = tpu.memref_squeeze %dma_start3A_306 : memref<1x1024xf32, #tpu.memory_space<vmem>> -> memref<1024xf32, #tpu.memory_space<vmem>>
    %dma_start3A_308 = arith.constant 0 : i32
    %dma_start3A_309 = tpu.memref_slice %arg8[%squeeze3A_297, %dma_start3A_308] : memref<256x1024xf32, #tpu.memory_space<vmem_shared>> -> memref<1x1024xf32, #tpu.memory_space<vmem_shared>>
    %dma_start3A_310 = tpu.memref_squeeze %dma_start3A_309 : memref<1x1024xf32, #tpu.memory_space<vmem_shared>> -> memref<1024xf32, #tpu.memory_space<vmem_shared>>
    tpu.enqueue_dma source(%dma_start3A_310 : memref<1024xf32, #tpu.memory_space<vmem_shared>>) target(%dma_start3A_307 : memref<1024xf32, #tpu.memory_space<vmem>>) target_semaphore(%arg9 : memref<!tpu.dma_semaphore, #tpu.memory_space<semaphore_mem>>)
    %slice3A_311 = vector.extract_strided_slice %get3A_250 {offsets = [4], sizes = [1], strides = [1]} : vector<16xi32> to vector<1xi32>
    %squeeze3A_312 = vector.extract %slice3A_311[0] : i32 from vector<1xi32>
    %dma_start3A_313 = arith.constant 20 : i32
    %dma_start3A_314 = arith.constant 0 : i32
    %dma_start3A_315 = tpu.memref_slice %arg6[%dma_start3A_313, %dma_start3A_314] : memref<32x1024xf32, #tpu.memory_space<vmem>> -> memref<1x1024xf32, #tpu.memory_space<vmem>>
    %dma_start3A_316 = tpu.memref_squeeze %dma_start3A_315 : memref<1x1024xf32, #tpu.memory_space<vmem>> -> memref<1024xf32, #tpu.memory_space<vmem>>
    %dma_start3A_317 = arith.constant 0 : i32
    %dma_start3A_318 = tpu.memref_slice %arg8[%squeeze3A_312, %dma_start3A_317] : memref<256x1024xf32, #tpu.memory_space<vmem_shared>> -> memref<1x1024xf32, #tpu.memory_space<vmem_shared>>
    %dma_start3A_319 = tpu.memref_squeeze %dma_start3A_318 : memref<1x1024xf32, #tpu.memory_space<vmem_shared>> -> memref<1024xf32, #tpu.memory_space<vmem_shared>>
    %dma_start3A_320 = arith.constant 0 : i32
    %dma_start3A_321 = tpu.memref_slice %arg6[%dma_start3A_313, %dma_start3A_320] : memref<32x1024xf32, #tpu.memory_space<vmem>> -> memref<1x1024xf32, #tpu.memory_space<vmem>>
    %dma_start3A_322 = tpu.memref_squeeze %dma_start3A_321 : memref<1x1024xf32, #tpu.memory_space<vmem>> -> memref<1024xf32, #tpu.memory_space<vmem>>
    %dma_start3A_323 = arith.constant 0 : i32
    %dma_start3A_324 = tpu.memref_slice %arg8[%squeeze3A_312, %dma_start3A_323] : memref<256x1024xf32, #tpu.memory_space<vmem_shared>> -> memref<1x1024xf32, #tpu.memory_space<vmem_shared>>
    %dma_start3A_325 = tpu.memref_squeeze %dma_start3A_324 : memref<1x1024xf32, #tpu.memory_space<vmem_shared>> -> memref<1024xf32, #tpu.memory_space<vmem_shared>>
    tpu.enqueue_dma source(%dma_start3A_325 : memref<1024xf32, #tpu.memory_space<vmem_shared>>) target(%dma_start3A_322 : memref<1024xf32, #tpu.memory_space<vmem>>) target_semaphore(%arg9 : memref<!tpu.dma_semaphore, #tpu.memory_space<semaphore_mem>>)
    %slice3A_326 = vector.extract_strided_slice %get3A_250 {offsets = [5], sizes = [1], strides = [1]} : vector<16xi32> to vector<1xi32>
    %squeeze3A_327 = vector.extract %slice3A_326[0] : i32 from vector<1xi32>
    %dma_start3A_328 = arith.constant 21 : i32
    %dma_start3A_329 = arith.constant 0 : i32
    %dma_start3A_330 = tpu.memref_slice %arg6[%dma_start3A_328, %dma_start3A_329] : memref<32x1024xf32, #tpu.memory_space<vmem>> -> memref<1x1024xf32, #tpu.memory_space<vmem>>
    %dma_start3A_331 = tpu.memref_squeeze %dma_start3A_330 : memref<1x1024xf32, #tpu.memory_space<vmem>> -> memref<1024xf32, #tpu.memory_space<vmem>>
    %dma_start3A_332 = arith.constant 0 : i32
    %dma_start3A_333 = tpu.memref_slice %arg8[%squeeze3A_327, %dma_start3A_332] : memref<256x1024xf32, #tpu.memory_space<vmem_shared>> -> memref<1x1024xf32, #tpu.memory_space<vmem_shared>>
    %dma_start3A_334 = tpu.memref_squeeze %dma_start3A_333 : memref<1x1024xf32, #tpu.memory_space<vmem_shared>> -> memref<1024xf32, #tpu.memory_space<vmem_shared>>
    %dma_start3A_335 = arith.constant 0 : i32
    %dma_start3A_336 = tpu.memref_slice %arg6[%dma_start3A_328, %dma_start3A_335] : memref<32x1024xf32, #tpu.memory_space<vmem>> -> memref<1x1024xf32, #tpu.memory_space<vmem>>
    %dma_start3A_337 = tpu.memref_squeeze %dma_start3A_336 : memref<1x1024xf32, #tpu.memory_space<vmem>> -> memref<1024xf32, #tpu.memory_space<vmem>>
    %dma_start3A_338 = arith.constant 0 : i32
    %dma_start3A_339 = tpu.memref_slice %arg8[%squeeze3A_327, %dma_start3A_338] : memref<256x1024xf32, #tpu.memory_space<vmem_shared>> -> memref<1x1024xf32, #tpu.memory_space<vmem_shared>>
    %dma_start3A_340 = tpu.memref_squeeze %dma_start3A_339 : memref<1x1024xf32, #tpu.memory_space<vmem_shared>> -> memref<1024xf32, #tpu.memory_space<vmem_shared>>
    tpu.enqueue_dma source(%dma_start3A_340 : memref<1024xf32, #tpu.memory_space<vmem_shared>>) target(%dma_start3A_337 : memref<1024xf32, #tpu.memory_space<vmem>>) target_semaphore(%arg9 : memref<!tpu.dma_semaphore, #tpu.memory_space<semaphore_mem>>)
    %slice3A_341 = vector.extract_strided_slice %get3A_250 {offsets = [6], sizes = [1], strides = [1]} : vector<16xi32> to vector<1xi32>
    %squeeze3A_342 = vector.extract %slice3A_341[0] : i32 from vector<1xi32>
    %dma_start3A_343 = arith.constant 22 : i32
    %dma_start3A_344 = arith.constant 0 : i32
    %dma_start3A_345 = tpu.memref_slice %arg6[%dma_start3A_343, %dma_start3A_344] : memref<32x1024xf32, #tpu.memory_space<vmem>> -> memref<1x1024xf32, #tpu.memory_space<vmem>>
    %dma_start3A_346 = tpu.memref_squeeze %dma_start3A_345 : memref<1x1024xf32, #tpu.memory_space<vmem>> -> memref<1024xf32, #tpu.memory_space<vmem>>
    %dma_start3A_347 = arith.constant 0 : i32
    %dma_start3A_348 = tpu.memref_slice %arg8[%squeeze3A_342, %dma_start3A_347] : memref<256x1024xf32, #tpu.memory_space<vmem_shared>> -> memref<1x1024xf32, #tpu.memory_space<vmem_shared>>
    %dma_start3A_349 = tpu.memref_squeeze %dma_start3A_348 : memref<1x1024xf32, #tpu.memory_space<vmem_shared>> -> memref<1024xf32, #tpu.memory_space<vmem_shared>>
    %dma_start3A_350 = arith.constant 0 : i32
    %dma_start3A_351 = tpu.memref_slice %arg6[%dma_start3A_343, %dma_start3A_350] : memref<32x1024xf32, #tpu.memory_space<vmem>> -> memref<1x1024xf32, #tpu.memory_space<vmem>>
    %dma_start3A_352 = tpu.memref_squeeze %dma_start3A_351 : memref<1x1024xf32, #tpu.memory_space<vmem>> -> memref<1024xf32, #tpu.memory_space<vmem>>
    %dma_start3A_353 = arith.constant 0 : i32
    %dma_start3A_354 = tpu.memref_slice %arg8[%squeeze3A_342, %dma_start3A_353] : memref<256x1024xf32, #tpu.memory_space<vmem_shared>> -> memref<1x1024xf32, #tpu.memory_space<vmem_shared>>
    %dma_start3A_355 = tpu.memref_squeeze %dma_start3A_354 : memref<1x1024xf32, #tpu.memory_space<vmem_shared>> -> memref<1024xf32, #tpu.memory_space<vmem_shared>>
    tpu.enqueue_dma source(%dma_start3A_355 : memref<1024xf32, #tpu.memory_space<vmem_shared>>) target(%dma_start3A_352 : memref<1024xf32, #tpu.memory_space<vmem>>) target_semaphore(%arg9 : memref<!tpu.dma_semaphore, #tpu.memory_space<semaphore_mem>>)
    %slice3A_356 = vector.extract_strided_slice %get3A_250 {offsets = [7], sizes = [1], strides = [1]} : vector<16xi32> to vector<1xi32>
    %squeeze3A_357 = vector.extract %slice3A_356[0] : i32 from vector<1xi32>
    %dma_start3A_358 = arith.constant 23 : i32
    %dma_start3A_359 = arith.constant 0 : i32
    %dma_start3A_360 = tpu.memref_slice %arg6[%dma_start3A_358, %dma_start3A_359] : memref<32x1024xf32, #tpu.memory_space<vmem>> -> memref<1x1024xf32, #tpu.memory_space<vmem>>
    %dma_start3A_361 = tpu.memref_squeeze %dma_start3A_360 : memref<1x1024xf32, #tpu.memory_space<vmem>> -> memref<1024xf32, #tpu.memory_space<vmem>>
    %dma_start3A_362 = arith.constant 0 : i32
    %dma_start3A_363 = tpu.memref_slice %arg8[%squeeze3A_357, %dma_start3A_362] : memref<256x1024xf32, #tpu.memory_space<vmem_shared>> -> memref<1x1024xf32, #tpu.memory_space<vmem_shared>>
    %dma_start3A_364 = tpu.memref_squeeze %dma_start3A_363 : memref<1x1024xf32, #tpu.memory_space<vmem_shared>> -> memref<1024xf32, #tpu.memory_space<vmem_shared>>
    %dma_start3A_365 = arith.constant 0 : i32
    %dma_start3A_366 = tpu.memref_slice %arg6[%dma_start3A_358, %dma_start3A_365] : memref<32x1024xf32, #tpu.memory_space<vmem>> -> memref<1x1024xf32, #tpu.memory_space<vmem>>
    %dma_start3A_367 = tpu.memref_squeeze %dma_start3A_366 : memref<1x1024xf32, #tpu.memory_space<vmem>> -> memref<1024xf32, #tpu.memory_space<vmem>>
    %dma_start3A_368 = arith.constant 0 : i32
    %dma_start3A_369 = tpu.memref_slice %arg8[%squeeze3A_357, %dma_start3A_368] : memref<256x1024xf32, #tpu.memory_space<vmem_shared>> -> memref<1x1024xf32, #tpu.memory_space<vmem_shared>>
    %dma_start3A_370 = tpu.memref_squeeze %dma_start3A_369 : memref<1x1024xf32, #tpu.memory_space<vmem_shared>> -> memref<1024xf32, #tpu.memory_space<vmem_shared>>
    tpu.enqueue_dma source(%dma_start3A_370 : memref<1024xf32, #tpu.memory_space<vmem_shared>>) target(%dma_start3A_367 : memref<1024xf32, #tpu.memory_space<vmem>>) target_semaphore(%arg9 : memref<!tpu.dma_semaphore, #tpu.memory_space<semaphore_mem>>)
    %slice3A_371 = vector.extract_strided_slice %get3A_250 {offsets = [8], sizes = [1], strides = [1]} : vector<16xi32> to vector<1xi32>
    %squeeze3A_372 = vector.extract %slice3A_371[0] : i32 from vector<1xi32>
    %dma_start3A_373 = arith.constant 24 : i32
    %dma_start3A_374 = arith.constant 0 : i32
    %dma_start3A_375 = tpu.memref_slice %arg6[%dma_start3A_373, %dma_start3A_374] : memref<32x1024xf32, #tpu.memory_space<vmem>> -> memref<1x1024xf32, #tpu.memory_space<vmem>>
    %dma_start3A_376 = tpu.memref_squeeze %dma_start3A_375 : memref<1x1024xf32, #tpu.memory_space<vmem>> -> memref<1024xf32, #tpu.memory_space<vmem>>
    %dma_start3A_377 = arith.constant 0 : i32
    %dma_start3A_378 = tpu.memref_slice %arg8[%squeeze3A_372, %dma_start3A_377] : memref<256x1024xf32, #tpu.memory_space<vmem_shared>> -> memref<1x1024xf32, #tpu.memory_space<vmem_shared>>
    %dma_start3A_379 = tpu.memref_squeeze %dma_start3A_378 : memref<1x1024xf32, #tpu.memory_space<vmem_shared>> -> memref<1024xf32, #tpu.memory_space<vmem_shared>>
    %dma_start3A_380 = arith.constant 0 : i32
    %dma_start3A_381 = tpu.memref_slice %arg6[%dma_start3A_373, %dma_start3A_380] : memref<32x1024xf32, #tpu.memory_space<vmem>> -> memref<1x1024xf32, #tpu.memory_space<vmem>>
    %dma_start3A_382 = tpu.memref_squeeze %dma_start3A_381 : memref<1x1024xf32, #tpu.memory_space<vmem>> -> memref<1024xf32, #tpu.memory_space<vmem>>
    %dma_start3A_383 = arith.constant 0 : i32
    %dma_start3A_384 = tpu.memref_slice %arg8[%squeeze3A_372, %dma_start3A_383] : memref<256x1024xf32, #tpu.memory_space<vmem_shared>> -> memref<1x1024xf32, #tpu.memory_space<vmem_shared>>
    %dma_start3A_385 = tpu.memref_squeeze %dma_start3A_384 : memref<1x1024xf32, #tpu.memory_space<vmem_shared>> -> memref<1024xf32, #tpu.memory_space<vmem_shared>>
    tpu.enqueue_dma source(%dma_start3A_385 : memref<1024xf32, #tpu.memory_space<vmem_shared>>) target(%dma_start3A_382 : memref<1024xf32, #tpu.memory_space<vmem>>) target_semaphore(%arg9 : memref<!tpu.dma_semaphore, #tpu.memory_space<semaphore_mem>>)
    %slice3A_386 = vector.extract_strided_slice %get3A_250 {offsets = [9], sizes = [1], strides = [1]} : vector<16xi32> to vector<1xi32>
    %squeeze3A_387 = vector.extract %slice3A_386[0] : i32 from vector<1xi32>
    %dma_start3A_388 = arith.constant 25 : i32
    %dma_start3A_389 = arith.constant 0 : i32
    %dma_start3A_390 = tpu.memref_slice %arg6[%dma_start3A_388, %dma_start3A_389] : memref<32x1024xf32, #tpu.memory_space<vmem>> -> memref<1x1024xf32, #tpu.memory_space<vmem>>
    %dma_start3A_391 = tpu.memref_squeeze %dma_start3A_390 : memref<1x1024xf32, #tpu.memory_space<vmem>> -> memref<1024xf32, #tpu.memory_space<vmem>>
    %dma_start3A_392 = arith.constant 0 : i32
    %dma_start3A_393 = tpu.memref_slice %arg8[%squeeze3A_387, %dma_start3A_392] : memref<256x1024xf32, #tpu.memory_space<vmem_shared>> -> memref<1x1024xf32, #tpu.memory_space<vmem_shared>>
    %dma_start3A_394 = tpu.memref_squeeze %dma_start3A_393 : memref<1x1024xf32, #tpu.memory_space<vmem_shared>> -> memref<1024xf32, #tpu.memory_space<vmem_shared>>
    %dma_start3A_395 = arith.constant 0 : i32
    %dma_start3A_396 = tpu.memref_slice %arg6[%dma_start3A_388, %dma_start3A_395] : memref<32x1024xf32, #tpu.memory_space<vmem>> -> memref<1x1024xf32, #tpu.memory_space<vmem>>
    %dma_start3A_397 = tpu.memref_squeeze %dma_start3A_396 : memref<1x1024xf32, #tpu.memory_space<vmem>> -> memref<1024xf32, #tpu.memory_space<vmem>>
    %dma_start3A_398 = arith.constant 0 : i32
    %dma_start3A_399 = tpu.memref_slice %arg8[%squeeze3A_387, %dma_start3A_398] : memref<256x1024xf32, #tpu.memory_space<vmem_shared>> -> memref<1x1024xf32, #tpu.memory_space<vmem_shared>>
    %dma_start3A_400 = tpu.memref_squeeze %dma_start3A_399 : memref<1x1024xf32, #tpu.memory_space<vmem_shared>> -> memref<1024xf32, #tpu.memory_space<vmem_shared>>
    tpu.enqueue_dma source(%dma_start3A_400 : memref<1024xf32, #tpu.memory_space<vmem_shared>>) target(%dma_start3A_397 : memref<1024xf32, #tpu.memory_space<vmem>>) target_semaphore(%arg9 : memref<!tpu.dma_semaphore, #tpu.memory_space<semaphore_mem>>)
    %slice3A_401 = vector.extract_strided_slice %get3A_250 {offsets = [10], sizes = [1], strides = [1]} : vector<16xi32> to vector<1xi32>
    %squeeze3A_402 = vector.extract %slice3A_401[0] : i32 from vector<1xi32>
    %dma_start3A_403 = arith.constant 26 : i32
    %dma_start3A_404 = arith.constant 0 : i32
    %dma_start3A_405 = tpu.memref_slice %arg6[%dma_start3A_403, %dma_start3A_404] : memref<32x1024xf32, #tpu.memory_space<vmem>> -> memref<1x1024xf32, #tpu.memory_space<vmem>>
    %dma_start3A_406 = tpu.memref_squeeze %dma_start3A_405 : memref<1x1024xf32, #tpu.memory_space<vmem>> -> memref<1024xf32, #tpu.memory_space<vmem>>
    %dma_start3A_407 = arith.constant 0 : i32
    %dma_start3A_408 = tpu.memref_slice %arg8[%squeeze3A_402, %dma_start3A_407] : memref<256x1024xf32, #tpu.memory_space<vmem_shared>> -> memref<1x1024xf32, #tpu.memory_space<vmem_shared>>
    %dma_start3A_409 = tpu.memref_squeeze %dma_start3A_408 : memref<1x1024xf32, #tpu.memory_space<vmem_shared>> -> memref<1024xf32, #tpu.memory_space<vmem_shared>>
    %dma_start3A_410 = arith.constant 0 : i32
    %dma_start3A_411 = tpu.memref_slice %arg6[%dma_start3A_403, %dma_start3A_410] : memref<32x1024xf32, #tpu.memory_space<vmem>> -> memref<1x1024xf32, #tpu.memory_space<vmem>>
    %dma_start3A_412 = tpu.memref_squeeze %dma_start3A_411 : memref<1x1024xf32, #tpu.memory_space<vmem>> -> memref<1024xf32, #tpu.memory_space<vmem>>
    %dma_start3A_413 = arith.constant 0 : i32
    %dma_start3A_414 = tpu.memref_slice %arg8[%squeeze3A_402, %dma_start3A_413] : memref<256x1024xf32, #tpu.memory_space<vmem_shared>> -> memref<1x1024xf32, #tpu.memory_space<vmem_shared>>
    %dma_start3A_415 = tpu.memref_squeeze %dma_start3A_414 : memref<1x1024xf32, #tpu.memory_space<vmem_shared>> -> memref<1024xf32, #tpu.memory_space<vmem_shared>>
    tpu.enqueue_dma source(%dma_start3A_415 : memref<1024xf32, #tpu.memory_space<vmem_shared>>) target(%dma_start3A_412 : memref<1024xf32, #tpu.memory_space<vmem>>) target_semaphore(%arg9 : memref<!tpu.dma_semaphore, #tpu.memory_space<semaphore_mem>>)
    %slice3A_416 = vector.extract_strided_slice %get3A_250 {offsets = [11], sizes = [1], strides = [1]} : vector<16xi32> to vector<1xi32>
    %squeeze3A_417 = vector.extract %slice3A_416[0] : i32 from vector<1xi32>
    %dma_start3A_418 = arith.constant 27 : i32
    %dma_start3A_419 = arith.constant 0 : i32
    %dma_start3A_420 = tpu.memref_slice %arg6[%dma_start3A_418, %dma_start3A_419] : memref<32x1024xf32, #tpu.memory_space<vmem>> -> memref<1x1024xf32, #tpu.memory_space<vmem>>
    %dma_start3A_421 = tpu.memref_squeeze %dma_start3A_420 : memref<1x1024xf32, #tpu.memory_space<vmem>> -> memref<1024xf32, #tpu.memory_space<vmem>>
    %dma_start3A_422 = arith.constant 0 : i32
    %dma_start3A_423 = tpu.memref_slice %arg8[%squeeze3A_417, %dma_start3A_422] : memref<256x1024xf32, #tpu.memory_space<vmem_shared>> -> memref<1x1024xf32, #tpu.memory_space<vmem_shared>>
    %dma_start3A_424 = tpu.memref_squeeze %dma_start3A_423 : memref<1x1024xf32, #tpu.memory_space<vmem_shared>> -> memref<1024xf32, #tpu.memory_space<vmem_shared>>
    %dma_start3A_425 = arith.constant 0 : i32
    %dma_start3A_426 = tpu.memref_slice %arg6[%dma_start3A_418, %dma_start3A_425] : memref<32x1024xf32, #tpu.memory_space<vmem>> -> memref<1x1024xf32, #tpu.memory_space<vmem>>
    %dma_start3A_427 = tpu.memref_squeeze %dma_start3A_426 : memref<1x1024xf32, #tpu.memory_space<vmem>> -> memref<1024xf32, #tpu.memory_space<vmem>>
    %dma_start3A_428 = arith.constant 0 : i32
    %dma_start3A_429 = tpu.memref_slice %arg8[%squeeze3A_417, %dma_start3A_428] : memref<256x1024xf32, #tpu.memory_space<vmem_shared>> -> memref<1x1024xf32, #tpu.memory_space<vmem_shared>>
    %dma_start3A_430 = tpu.memref_squeeze %dma_start3A_429 : memref<1x1024xf32, #tpu.memory_space<vmem_shared>> -> memref<1024xf32, #tpu.memory_space<vmem_shared>>
    tpu.enqueue_dma source(%dma_start3A_430 : memref<1024xf32, #tpu.memory_space<vmem_shared>>) target(%dma_start3A_427 : memref<1024xf32, #tpu.memory_space<vmem>>) target_semaphore(%arg9 : memref<!tpu.dma_semaphore, #tpu.memory_space<semaphore_mem>>)
    %slice3A_431 = vector.extract_strided_slice %get3A_250 {offsets = [12], sizes = [1], strides = [1]} : vector<16xi32> to vector<1xi32>
    %squeeze3A_432 = vector.extract %slice3A_431[0] : i32 from vector<1xi32>
    %dma_start3A_433 = arith.constant 28 : i32
    %dma_start3A_434 = arith.constant 0 : i32
    %dma_start3A_435 = tpu.memref_slice %arg6[%dma_start3A_433, %dma_start3A_434] : memref<32x1024xf32, #tpu.memory_space<vmem>> -> memref<1x1024xf32, #tpu.memory_space<vmem>>
    %dma_start3A_436 = tpu.memref_squeeze %dma_start3A_435 : memref<1x1024xf32, #tpu.memory_space<vmem>> -> memref<1024xf32, #tpu.memory_space<vmem>>
    %dma_start3A_437 = arith.constant 0 : i32
    %dma_start3A_438 = tpu.memref_slice %arg8[%squeeze3A_432, %dma_start3A_437] : memref<256x1024xf32, #tpu.memory_space<vmem_shared>> -> memref<1x1024xf32, #tpu.memory_space<vmem_shared>>
    %dma_start3A_439 = tpu.memref_squeeze %dma_start3A_438 : memref<1x1024xf32, #tpu.memory_space<vmem_shared>> -> memref<1024xf32, #tpu.memory_space<vmem_shared>>
    %dma_start3A_440 = arith.constant 0 : i32
    %dma_start3A_441 = tpu.memref_slice %arg6[%dma_start3A_433, %dma_start3A_440] : memref<32x1024xf32, #tpu.memory_space<vmem>> -> memref<1x1024xf32, #tpu.memory_space<vmem>>
    %dma_start3A_442 = tpu.memref_squeeze %dma_start3A_441 : memref<1x1024xf32, #tpu.memory_space<vmem>> -> memref<1024xf32, #tpu.memory_space<vmem>>
    %dma_start3A_443 = arith.constant 0 : i32
    %dma_start3A_444 = tpu.memref_slice %arg8[%squeeze3A_432, %dma_start3A_443] : memref<256x1024xf32, #tpu.memory_space<vmem_shared>> -> memref<1x1024xf32, #tpu.memory_space<vmem_shared>>
    %dma_start3A_445 = tpu.memref_squeeze %dma_start3A_444 : memref<1x1024xf32, #tpu.memory_space<vmem_shared>> -> memref<1024xf32, #tpu.memory_space<vmem_shared>>
    tpu.enqueue_dma source(%dma_start3A_445 : memref<1024xf32, #tpu.memory_space<vmem_shared>>) target(%dma_start3A_442 : memref<1024xf32, #tpu.memory_space<vmem>>) target_semaphore(%arg9 : memref<!tpu.dma_semaphore, #tpu.memory_space<semaphore_mem>>)
    %slice3A_446 = vector.extract_strided_slice %get3A_250 {offsets = [13], sizes = [1], strides = [1]} : vector<16xi32> to vector<1xi32>
    %squeeze3A_447 = vector.extract %slice3A_446[0] : i32 from vector<1xi32>
    %dma_start3A_448 = arith.constant 29 : i32
    %dma_start3A_449 = arith.constant 0 : i32
    %dma_start3A_450 = tpu.memref_slice %arg6[%dma_start3A_448, %dma_start3A_449] : memref<32x1024xf32, #tpu.memory_space<vmem>> -> memref<1x1024xf32, #tpu.memory_space<vmem>>
    %dma_start3A_451 = tpu.memref_squeeze %dma_start3A_450 : memref<1x1024xf32, #tpu.memory_space<vmem>> -> memref<1024xf32, #tpu.memory_space<vmem>>
    %dma_start3A_452 = arith.constant 0 : i32
    %dma_start3A_453 = tpu.memref_slice %arg8[%squeeze3A_447, %dma_start3A_452] : memref<256x1024xf32, #tpu.memory_space<vmem_shared>> -> memref<1x1024xf32, #tpu.memory_space<vmem_shared>>
    %dma_start3A_454 = tpu.memref_squeeze %dma_start3A_453 : memref<1x1024xf32, #tpu.memory_space<vmem_shared>> -> memref<1024xf32, #tpu.memory_space<vmem_shared>>
    %dma_start3A_455 = arith.constant 0 : i32
    %dma_start3A_456 = tpu.memref_slice %arg6[%dma_start3A_448, %dma_start3A_455] : memref<32x1024xf32, #tpu.memory_space<vmem>> -> memref<1x1024xf32, #tpu.memory_space<vmem>>
    %dma_start3A_457 = tpu.memref_squeeze %dma_start3A_456 : memref<1x1024xf32, #tpu.memory_space<vmem>> -> memref<1024xf32, #tpu.memory_space<vmem>>
    %dma_start3A_458 = arith.constant 0 : i32
    %dma_start3A_459 = tpu.memref_slice %arg8[%squeeze3A_447, %dma_start3A_458] : memref<256x1024xf32, #tpu.memory_space<vmem_shared>> -> memref<1x1024xf32, #tpu.memory_space<vmem_shared>>
    %dma_start3A_460 = tpu.memref_squeeze %dma_start3A_459 : memref<1x1024xf32, #tpu.memory_space<vmem_shared>> -> memref<1024xf32, #tpu.memory_space<vmem_shared>>
    tpu.enqueue_dma source(%dma_start3A_460 : memref<1024xf32, #tpu.memory_space<vmem_shared>>) target(%dma_start3A_457 : memref<1024xf32, #tpu.memory_space<vmem>>) target_semaphore(%arg9 : memref<!tpu.dma_semaphore, #tpu.memory_space<semaphore_mem>>)
    %slice3A_461 = vector.extract_strided_slice %get3A_250 {offsets = [14], sizes = [1], strides = [1]} : vector<16xi32> to vector<1xi32>
    %squeeze3A_462 = vector.extract %slice3A_461[0] : i32 from vector<1xi32>
    %dma_start3A_463 = arith.constant 30 : i32
    %dma_start3A_464 = arith.constant 0 : i32
    %dma_start3A_465 = tpu.memref_slice %arg6[%dma_start3A_463, %dma_start3A_464] : memref<32x1024xf32, #tpu.memory_space<vmem>> -> memref<1x1024xf32, #tpu.memory_space<vmem>>
    %dma_start3A_466 = tpu.memref_squeeze %dma_start3A_465 : memref<1x1024xf32, #tpu.memory_space<vmem>> -> memref<1024xf32, #tpu.memory_space<vmem>>
    %dma_start3A_467 = arith.constant 0 : i32
    %dma_start3A_468 = tpu.memref_slice %arg8[%squeeze3A_462, %dma_start3A_467] : memref<256x1024xf32, #tpu.memory_space<vmem_shared>> -> memref<1x1024xf32, #tpu.memory_space<vmem_shared>>
    %dma_start3A_469 = tpu.memref_squeeze %dma_start3A_468 : memref<1x1024xf32, #tpu.memory_space<vmem_shared>> -> memref<1024xf32, #tpu.memory_space<vmem_shared>>
    %dma_start3A_470 = arith.constant 0 : i32
    %dma_start3A_471 = tpu.memref_slice %arg6[%dma_start3A_463, %dma_start3A_470] : memref<32x1024xf32, #tpu.memory_space<vmem>> -> memref<1x1024xf32, #tpu.memory_space<vmem>>
    %dma_start3A_472 = tpu.memref_squeeze %dma_start3A_471 : memref<1x1024xf32, #tpu.memory_space<vmem>> -> memref<1024xf32, #tpu.memory_space<vmem>>
    %dma_start3A_473 = arith.constant 0 : i32
    %dma_start3A_474 = tpu.memref_slice %arg8[%squeeze3A_462, %dma_start3A_473] : memref<256x1024xf32, #tpu.memory_space<vmem_shared>> -> memref<1x1024xf32, #tpu.memory_space<vmem_shared>>
    %dma_start3A_475 = tpu.memref_squeeze %dma_start3A_474 : memref<1x1024xf32, #tpu.memory_space<vmem_shared>> -> memref<1024xf32, #tpu.memory_space<vmem_shared>>
    tpu.enqueue_dma source(%dma_start3A_475 : memref<1024xf32, #tpu.memory_space<vmem_shared>>) target(%dma_start3A_472 : memref<1024xf32, #tpu.memory_space<vmem>>) target_semaphore(%arg9 : memref<!tpu.dma_semaphore, #tpu.memory_space<semaphore_mem>>)
    %slice3A_476 = vector.extract_strided_slice %get3A_250 {offsets = [15], sizes = [1], strides = [1]} : vector<16xi32> to vector<1xi32>
    %squeeze3A_477 = vector.extract %slice3A_476[0] : i32 from vector<1xi32>
    %dma_start3A_478 = arith.constant 31 : i32
    %dma_start3A_479 = arith.constant 0 : i32
    %dma_start3A_480 = tpu.memref_slice %arg6[%dma_start3A_478, %dma_start3A_479] : memref<32x1024xf32, #tpu.memory_space<vmem>> -> memref<1x1024xf32, #tpu.memory_space<vmem>>
    %dma_start3A_481 = tpu.memref_squeeze %dma_start3A_480 : memref<1x1024xf32, #tpu.memory_space<vmem>> -> memref<1024xf32, #tpu.memory_space<vmem>>
    %dma_start3A_482 = arith.constant 0 : i32
    %dma_start3A_483 = tpu.memref_slice %arg8[%squeeze3A_477, %dma_start3A_482] : memref<256x1024xf32, #tpu.memory_space<vmem_shared>> -> memref<1x1024xf32, #tpu.memory_space<vmem_shared>>
    %dma_start3A_484 = tpu.memref_squeeze %dma_start3A_483 : memref<1x1024xf32, #tpu.memory_space<vmem_shared>> -> memref<1024xf32, #tpu.memory_space<vmem_shared>>
    %dma_start3A_485 = arith.constant 0 : i32
    %dma_start3A_486 = tpu.memref_slice %arg6[%dma_start3A_478, %dma_start3A_485] : memref<32x1024xf32, #tpu.memory_space<vmem>> -> memref<1x1024xf32, #tpu.memory_space<vmem>>
    %dma_start3A_487 = tpu.memref_squeeze %dma_start3A_486 : memref<1x1024xf32, #tpu.memory_space<vmem>> -> memref<1024xf32, #tpu.memory_space<vmem>>
    %dma_start3A_488 = arith.constant 0 : i32
    %dma_start3A_489 = tpu.memref_slice %arg8[%squeeze3A_477, %dma_start3A_488] : memref<256x1024xf32, #tpu.memory_space<vmem_shared>> -> memref<1x1024xf32, #tpu.memory_space<vmem_shared>>
    %dma_start3A_490 = tpu.memref_squeeze %dma_start3A_489 : memref<1x1024xf32, #tpu.memory_space<vmem_shared>> -> memref<1024xf32, #tpu.memory_space<vmem_shared>>
    tpu.enqueue_dma source(%dma_start3A_490 : memref<1024xf32, #tpu.memory_space<vmem_shared>>) target(%dma_start3A_487 : memref<1024xf32, #tpu.memory_space<vmem>>) target_semaphore(%arg9 : memref<!tpu.dma_semaphore, #tpu.memory_space<semaphore_mem>>)
    %scan3A = arith.constant 0 : i32
    %scan3A_491 = arith.constant 0 : i32
    %scan3A_492 = arith.constant 16 : i32
    %scan3A_493 = arith.addi %scan3A_491, %scan3A_492 : i32
    %scan3A_494 = arith.constant 1 : i32
    scf.for %scan3A_507 = %scan3A_491 to %scan3A_493 step %scan3A_494  : i32 {
      %mul3A_508 = arith.constant 2 : i32
      %mul3A_509 = arith.muli %scan3A_507, %mul3A_508 : i32
      %add3A_510 = arith.constant 0 : i32
      %add3A_511 = arith.addi %mul3A_509, %add3A_510 : i32
      %add3A_512 = arith.constant 1 : i32
      %add3A_513 = arith.addi %add3A_511, %add3A_512 : i32
      %lt3A = arith.constant 32 : i32
      %lt3A_514 = arith.cmpi slt, %add3A_513, %lt3A : i32
      %ge3A = arith.constant 1 : i32
      %ge3A_515 = arith.cmpi sge, %add3A_511, %ge3A : i32
      %and3A = arith.andi %lt3A_514, %ge3A_515 : i1
      %convert_element_type3A_516 = arith.extui %and3A : i1 to i32
      %cond3A_517 = arith.constant 0 : i32
      %cond3A_518 = arith.cmpi ne, %convert_element_type3A_516, %cond3A_517 : i32
      scf.if %cond3A_518 {
        %dma_wait3A_571 = arith.constant 0 : i32
        %dma_wait3A_572 = arith.constant 0 : i32
        %dma_wait3A_573 = tpu.memref_slice %arg4[%dma_wait3A_571, %dma_wait3A_572] : memref<32768x1024xf32, #tpu.memory_space<hbm>> -> memref<32x1024xf32, #tpu.memory_space<hbm>>
        %dma_wait3A_574 = arith.constant 0 : i32
        %dma_wait3A_575 = arith.constant 0 : i32
        %dma_wait3A_576 = tpu.memref_slice %arg4[%dma_wait3A_574, %dma_wait3A_575] : memref<32768x1024xf32, #tpu.memory_space<hbm>> -> memref<32x1024xf32, #tpu.memory_space<hbm>>
        tpu.wait_dma2 semaphore(%arg12 : memref<!tpu.dma_semaphore, #tpu.memory_space<semaphore_mem>>) src(%arg7 : memref<32x1024xf32, #tpu.memory_space<vmem>>) dst(%dma_wait3A_576 : memref<32x1024xf32, #tpu.memory_space<hbm>>)
      } else {
      }
      %add3A_519 = arith.constant 1 : i32
      %add3A_520 = arith.addi %add3A_511, %add3A_519 : i32
      %lt3A_521 = arith.constant 32 : i32
      %lt3A_522 = arith.cmpi slt, %add3A_520, %lt3A_521 : i32
      %convert_element_type3A_523 = arith.extui %lt3A_522 : i1 to i32
      %cond3A_524 = arith.constant 0 : i32
      %cond3A_525 = arith.cmpi ne, %convert_element_type3A_523, %cond3A_524 : i32
      scf.if %cond3A_525 {
        %add3A_571 = arith.constant 1 : i32
        %add3A_572 = arith.addi %add3A_511, %add3A_571 : i32
        %get3A_573 = arith.index_cast %add3A_572 : i32 to index
        %get3A_574 = arith.constant 0 : index
        %get3A_575 = tpu.vector_load %arg5[%get3A_573, %get3A_574] {strides = array<i32>} : memref<32x32xi32, #tpu.memory_space<vmem>>, vector<1x16xi32>,
        %get3A_576 = vector.shape_cast %get3A_575 : vector<1x16xi32> to vector<16xi32>
        %slice3A_577 = vector.extract_strided_slice %get3A_576 {offsets = [0], sizes = [1], strides = [1]} : vector<16xi32> to vector<1xi32>
        %squeeze3A_578 = vector.extract %slice3A_577[0] : i32 from vector<1xi32>
        %dma_start3A_579 = arith.constant 0 : i32
        %dma_start3A_580 = arith.constant 0 : i32
        %dma_start3A_581 = tpu.memref_slice %arg7[%dma_start3A_579, %dma_start3A_580] : memref<32x1024xf32, #tpu.memory_space<vmem>> -> memref<1x1024xf32, #tpu.memory_space<vmem>>
        %dma_start3A_582 = tpu.memref_squeeze %dma_start3A_581 : memref<1x1024xf32, #tpu.memory_space<vmem>> -> memref<1024xf32, #tpu.memory_space<vmem>>
        %dma_start3A_583 = arith.constant 0 : i32
        %dma_start3A_584 = tpu.memref_slice %arg8[%squeeze3A_578, %dma_start3A_583] : memref<256x1024xf32, #tpu.memory_space<vmem_shared>> -> memref<1x1024xf32, #tpu.memory_space<vmem_shared>>
        %dma_start3A_585 = tpu.memref_squeeze %dma_start3A_584 : memref<1x1024xf32, #tpu.memory_space<vmem_shared>> -> memref<1024xf32, #tpu.memory_space<vmem_shared>>
        %dma_start3A_586 = arith.constant 0 : i32
        %dma_start3A_587 = tpu.memref_slice %arg7[%dma_start3A_579, %dma_start3A_586] : memref<32x1024xf32, #tpu.memory_space<vmem>> -> memref<1x1024xf32, #tpu.memory_space<vmem>>
        %dma_start3A_588 = tpu.memref_squeeze %dma_start3A_587 : memref<1x1024xf32, #tpu.memory_space<vmem>> -> memref<1024xf32, #tpu.memory_space<vmem>>
        %dma_start3A_589 = arith.constant 0 : i32
        %dma_start3A_590 = tpu.memref_slice %arg8[%squeeze3A_578, %dma_start3A_589] : memref<256x1024xf32, #tpu.memory_space<vmem_shared>> -> memref<1x1024xf32, #tpu.memory_space<vmem_shared>>
        %dma_start3A_591 = tpu.memref_squeeze %dma_start3A_590 : memref<1x1024xf32, #tpu.memory_space<vmem_shared>> -> memref<1024xf32, #tpu.memory_space<vmem_shared>>
        tpu.enqueue_dma source(%dma_start3A_591 : memref<1024xf32, #tpu.memory_space<vmem_shared>>) target(%dma_start3A_588 : memref<1024xf32, #tpu.memory_space<vmem>>) target_semaphore(%arg10 : memref<!tpu.dma_semaphore, #tpu.memory_space<semaphore_mem>>)
        %slice3A_592 = vector.extract_strided_slice %get3A_576 {offsets = [1], sizes = [1], strides = [1]} : vector<16xi32> to vector<1xi32>
        %squeeze3A_593 = vector.extract %slice3A_592[0] : i32 from vector<1xi32>
        %dma_start3A_594 = arith.constant 1 : i32
        %dma_start3A_595 = arith.constant 0 : i32
        %dma_start3A_596 = tpu.memref_slice %arg7[%dma_start3A_594, %dma_start3A_595] : memref<32x1024xf32, #tpu.memory_space<vmem>> -> memref<1x1024xf32, #tpu.memory_space<vmem>>
        %dma_start3A_597 = tpu.memref_squeeze %dma_start3A_596 : memref<1x1024xf32, #tpu.memory_space<vmem>> -> memref<1024xf32, #tpu.memory_space<vmem>>
        %dma_start3A_598 = arith.constant 0 : i32
        %dma_start3A_599 = tpu.memref_slice %arg8[%squeeze3A_593, %dma_start3A_598] : memref<256x1024xf32, #tpu.memory_space<vmem_shared>> -> memref<1x1024xf32, #tpu.memory_space<vmem_shared>>
        %dma_start3A_600 = tpu.memref_squeeze %dma_start3A_599 : memref<1x1024xf32, #tpu.memory_space<vmem_shared>> -> memref<1024xf32, #tpu.memory_space<vmem_shared>>
        %dma_start3A_601 = arith.constant 0 : i32
        %dma_start3A_602 = tpu.memref_slice %arg7[%dma_start3A_594, %dma_start3A_601] : memref<32x1024xf32, #tpu.memory_space<vmem>> -> memref<1x1024xf32, #tpu.memory_space<vmem>>
        %dma_start3A_603 = tpu.memref_squeeze %dma_start3A_602 : memref<1x1024xf32, #tpu.memory_space<vmem>> -> memref<1024xf32, #tpu.memory_space<vmem>>
        %dma_start3A_604 = arith.constant 0 : i32
        %dma_start3A_605 = tpu.memref_slice %arg8[%squeeze3A_593, %dma_start3A_604] : memref<256x1024xf32, #tpu.memory_space<vmem_shared>> -> memref<1x1024xf32, #tpu.memory_space<vmem_shared>>
        %dma_start3A_606 = tpu.memref_squeeze %dma_start3A_605 : memref<1x1024xf32, #tpu.memory_space<vmem_shared>> -> memref<1024xf32, #tpu.memory_space<vmem_shared>>
        tpu.enqueue_dma source(%dma_start3A_606 : memref<1024xf32, #tpu.memory_space<vmem_shared>>) target(%dma_start3A_603 : memref<1024xf32, #tpu.memory_space<vmem>>) target_semaphore(%arg10 : memref<!tpu.dma_semaphore, #tpu.memory_space<semaphore_mem>>)
        %slice3A_607 = vector.extract_strided_slice %get3A_576 {offsets = [2], sizes = [1], strides = [1]} : vector<16xi32> to vector<1xi32>
        %squeeze3A_608 = vector.extract %slice3A_607[0] : i32 from vector<1xi32>
        %dma_start3A_609 = arith.constant 2 : i32
        %dma_start3A_610 = arith.constant 0 : i32
        %dma_start3A_611 = tpu.memref_slice %arg7[%dma_start3A_609, %dma_start3A_610] : memref<32x1024xf32, #tpu.memory_space<vmem>> -> memref<1x1024xf32, #tpu.memory_space<vmem>>
        %dma_start3A_612 = tpu.memref_squeeze %dma_start3A_611 : memref<1x1024xf32, #tpu.memory_space<vmem>> -> memref<1024xf32, #tpu.memory_space<vmem>>
        %dma_start3A_613 = arith.constant 0 : i32
        %dma_start3A_614 = tpu.memref_slice %arg8[%squeeze3A_608, %dma_start3A_613] : memref<256x1024xf32, #tpu.memory_space<vmem_shared>> -> memref<1x1024xf32, #tpu.memory_space<vmem_shared>>
        %dma_start3A_615 = tpu.memref_squeeze %dma_start3A_614 : memref<1x1024xf32, #tpu.memory_space<vmem_shared>> -> memref<1024xf32, #tpu.memory_space<vmem_shared>>
        %dma_start3A_616 = arith.constant 0 : i32
        %dma_start3A_617 = tpu.memref_slice %arg7[%dma_start3A_609, %dma_start3A_616] : memref<32x1024xf32, #tpu.memory_space<vmem>> -> memref<1x1024xf32, #tpu.memory_space<vmem>>
        %dma_start3A_618 = tpu.memref_squeeze %dma_start3A_617 : memref<1x1024xf32, #tpu.memory_space<vmem>> -> memref<1024xf32, #tpu.memory_space<vmem>>
        %dma_start3A_619 = arith.constant 0 : i32
        %dma_start3A_620 = tpu.memref_slice %arg8[%squeeze3A_608, %dma_start3A_619] : memref<256x1024xf32, #tpu.memory_space<vmem_shared>> -> memref<1x1024xf32, #tpu.memory_space<vmem_shared>>
        %dma_start3A_621 = tpu.memref_squeeze %dma_start3A_620 : memref<1x1024xf32, #tpu.memory_space<vmem_shared>> -> memref<1024xf32, #tpu.memory_space<vmem_shared>>
        tpu.enqueue_dma source(%dma_start3A_621 : memref<1024xf32, #tpu.memory_space<vmem_shared>>) target(%dma_start3A_618 : memref<1024xf32, #tpu.memory_space<vmem>>) target_semaphore(%arg10 : memref<!tpu.dma_semaphore, #tpu.memory_space<semaphore_mem>>)
        %slice3A_622 = vector.extract_strided_slice %get3A_576 {offsets = [3], sizes = [1], strides = [1]} : vector<16xi32> to vector<1xi32>
        %squeeze3A_623 = vector.extract %slice3A_622[0] : i32 from vector<1xi32>
        %dma_start3A_624 = arith.constant 3 : i32
        %dma_start3A_625 = arith.constant 0 : i32
        %dma_start3A_626 = tpu.memref_slice %arg7[%dma_start3A_624, %dma_start3A_625] : memref<32x1024xf32, #tpu.memory_space<vmem>> -> memref<1x1024xf32, #tpu.memory_space<vmem>>
        %dma_start3A_627 = tpu.memref_squeeze %dma_start3A_626 : memref<1x1024xf32, #tpu.memory_space<vmem>> -> memref<1024xf32, #tpu.memory_space<vmem>>
        %dma_start3A_628 = arith.constant 0 : i32
        %dma_start3A_629 = tpu.memref_slice %arg8[%squeeze3A_623, %dma_start3A_628] : memref<256x1024xf32, #tpu.memory_space<vmem_shared>> -> memref<1x1024xf32, #tpu.memory_space<vmem_shared>>
        %dma_start3A_630 = tpu.memref_squeeze %dma_start3A_629 : memref<1x1024xf32, #tpu.memory_space<vmem_shared>> -> memref<1024xf32, #tpu.memory_space<vmem_shared>>
        %dma_start3A_631 = arith.constant 0 : i32
        %dma_start3A_632 = tpu.memref_slice %arg7[%dma_start3A_624, %dma_start3A_631] : memref<32x1024xf32, #tpu.memory_space<vmem>> -> memref<1x1024xf32, #tpu.memory_space<vmem>>
        %dma_start3A_633 = tpu.memref_squeeze %dma_start3A_632 : memref<1x1024xf32, #tpu.memory_space<vmem>> -> memref<1024xf32, #tpu.memory_space<vmem>>
        %dma_start3A_634 = arith.constant 0 : i32
        %dma_start3A_635 = tpu.memref_slice %arg8[%squeeze3A_623, %dma_start3A_634] : memref<256x1024xf32, #tpu.memory_space<vmem_shared>> -> memref<1x1024xf32, #tpu.memory_space<vmem_shared>>
        %dma_start3A_636 = tpu.memref_squeeze %dma_start3A_635 : memref<1x1024xf32, #tpu.memory_space<vmem_shared>> -> memref<1024xf32, #tpu.memory_space<vmem_shared>>
        tpu.enqueue_dma source(%dma_start3A_636 : memref<1024xf32, #tpu.memory_space<vmem_shared>>) target(%dma_start3A_633 : memref<1024xf32, #tpu.memory_space<vmem>>) target_semaphore(%arg10 : memref<!tpu.dma_semaphore, #tpu.memory_space<semaphore_mem>>)
        %slice3A_637 = vector.extract_strided_slice %get3A_576 {offsets = [4], sizes = [1], strides = [1]} : vector<16xi32> to vector<1xi32>
        %squeeze3A_638 = vector.extract %slice3A_637[0] : i32 from vector<1xi32>
        %dma_start3A_639 = arith.constant 4 : i32
        %dma_start3A_640 = arith.constant 0 : i32
        %dma_start3A_641 = tpu.memref_slice %arg7[%dma_start3A_639, %dma_start3A_640] : memref<32x1024xf32, #tpu.memory_space<vmem>> -> memref<1x1024xf32, #tpu.memory_space<vmem>>
        %dma_start3A_642 = tpu.memref_squeeze %dma_start3A_641 : memref<1x1024xf32, #tpu.memory_space<vmem>> -> memref<1024xf32, #tpu.memory_space<vmem>>
        %dma_start3A_643 = arith.constant 0 : i32
        %dma_start3A_644 = tpu.memref_slice %arg8[%squeeze3A_638, %dma_start3A_643] : memref<256x1024xf32, #tpu.memory_space<vmem_shared>> -> memref<1x1024xf32, #tpu.memory_space<vmem_shared>>
        %dma_start3A_645 = tpu.memref_squeeze %dma_start3A_644 : memref<1x1024xf32, #tpu.memory_space<vmem_shared>> -> memref<1024xf32, #tpu.memory_space<vmem_shared>>
        %dma_start3A_646 = arith.constant 0 : i32
        %dma_start3A_647 = tpu.memref_slice %arg7[%dma_start3A_639, %dma_start3A_646] : memref<32x1024xf32, #tpu.memory_space<vmem>> -> memref<1x1024xf32, #tpu.memory_space<vmem>>
        %dma_start3A_648 = tpu.memref_squeeze %dma_start3A_647 : memref<1x1024xf32, #tpu.memory_space<vmem>> -> memref<1024xf32, #tpu.memory_space<vmem>>
        %dma_start3A_649 = arith.constant 0 : i32
        %dma_start3A_650 = tpu.memref_slice %arg8[%squeeze3A_638, %dma_start3A_649] : memref<256x1024xf32, #tpu.memory_space<vmem_shared>> -> memref<1x1024xf32, #tpu.memory_space<vmem_shared>>
        %dma_start3A_651 = tpu.memref_squeeze %dma_start3A_650 : memref<1x1024xf32, #tpu.memory_space<vmem_shared>> -> memref<1024xf32, #tpu.memory_space<vmem_shared>>
        tpu.enqueue_dma source(%dma_start3A_651 : memref<1024xf32, #tpu.memory_space<vmem_shared>>) target(%dma_start3A_648 : memref<1024xf32, #tpu.memory_space<vmem>>) target_semaphore(%arg10 : memref<!tpu.dma_semaphore, #tpu.memory_space<semaphore_mem>>)
        %slice3A_652 = vector.extract_strided_slice %get3A_576 {offsets = [5], sizes = [1], strides = [1]} : vector<16xi32> to vector<1xi32>
        %squeeze3A_653 = vector.extract %slice3A_652[0] : i32 from vector<1xi32>
        %dma_start3A_654 = arith.constant 5 : i32
        %dma_start3A_655 = arith.constant 0 : i32
        %dma_start3A_656 = tpu.memref_slice %arg7[%dma_start3A_654, %dma_start3A_655] : memref<32x1024xf32, #tpu.memory_space<vmem>> -> memref<1x1024xf32, #tpu.memory_space<vmem>>
        %dma_start3A_657 = tpu.memref_squeeze %dma_start3A_656 : memref<1x1024xf32, #tpu.memory_space<vmem>> -> memref<1024xf32, #tpu.memory_space<vmem>>
        %dma_start3A_658 = arith.constant 0 : i32
        %dma_start3A_659 = tpu.memref_slice %arg8[%squeeze3A_653, %dma_start3A_658] : memref<256x1024xf32, #tpu.memory_space<vmem_shared>> -> memref<1x1024xf32, #tpu.memory_space<vmem_shared>>
        %dma_start3A_660 = tpu.memref_squeeze %dma_start3A_659 : memref<1x1024xf32, #tpu.memory_space<vmem_shared>> -> memref<1024xf32, #tpu.memory_space<vmem_shared>>
        %dma_start3A_661 = arith.constant 0 : i32
        %dma_start3A_662 = tpu.memref_slice %arg7[%dma_start3A_654, %dma_start3A_661] : memref<32x1024xf32, #tpu.memory_space<vmem>> -> memref<1x1024xf32, #tpu.memory_space<vmem>>
        %dma_start3A_663 = tpu.memref_squeeze %dma_start3A_662 : memref<1x1024xf32, #tpu.memory_space<vmem>> -> memref<1024xf32, #tpu.memory_space<vmem>>
        %dma_start3A_664 = arith.constant 0 : i32
        %dma_start3A_665 = tpu.memref_slice %arg8[%squeeze3A_653, %dma_start3A_664] : memref<256x1024xf32, #tpu.memory_space<vmem_shared>> -> memref<1x1024xf32, #tpu.memory_space<vmem_shared>>
        %dma_start3A_666 = tpu.memref_squeeze %dma_start3A_665 : memref<1x1024xf32, #tpu.memory_space<vmem_shared>> -> memref<1024xf32, #tpu.memory_space<vmem_shared>>
        tpu.enqueue_dma source(%dma_start3A_666 : memref<1024xf32, #tpu.memory_space<vmem_shared>>) target(%dma_start3A_663 : memref<1024xf32, #tpu.memory_space<vmem>>) target_semaphore(%arg10 : memref<!tpu.dma_semaphore, #tpu.memory_space<semaphore_mem>>)
        %slice3A_667 = vector.extract_strided_slice %get3A_576 {offsets = [6], sizes = [1], strides = [1]} : vector<16xi32> to vector<1xi32>
        %squeeze3A_668 = vector.extract %slice3A_667[0] : i32 from vector<1xi32>
        %dma_start3A_669 = arith.constant 6 : i32
        %dma_start3A_670 = arith.constant 0 : i32
        %dma_start3A_671 = tpu.memref_slice %arg7[%dma_start3A_669, %dma_start3A_670] : memref<32x1024xf32, #tpu.memory_space<vmem>> -> memref<1x1024xf32, #tpu.memory_space<vmem>>
        %dma_start3A_672 = tpu.memref_squeeze %dma_start3A_671 : memref<1x1024xf32, #tpu.memory_space<vmem>> -> memref<1024xf32, #tpu.memory_space<vmem>>
        %dma_start3A_673 = arith.constant 0 : i32
        %dma_start3A_674 = tpu.memref_slice %arg8[%squeeze3A_668, %dma_start3A_673] : memref<256x1024xf32, #tpu.memory_space<vmem_shared>> -> memref<1x1024xf32, #tpu.memory_space<vmem_shared>>
        %dma_start3A_675 = tpu.memref_squeeze %dma_start3A_674 : memref<1x1024xf32, #tpu.memory_space<vmem_shared>> -> memref<1024xf32, #tpu.memory_space<vmem_shared>>
        %dma_start3A_676 = arith.constant 0 : i32
        %dma_start3A_677 = tpu.memref_slice %arg7[%dma_start3A_669, %dma_start3A_676] : memref<32x1024xf32, #tpu.memory_space<vmem>> -> memref<1x1024xf32, #tpu.memory_space<vmem>>
        %dma_start3A_678 = tpu.memref_squeeze %dma_start3A_677 : memref<1x1024xf32, #tpu.memory_space<vmem>> -> memref<1024xf32, #tpu.memory_space<vmem>>
        %dma_start3A_679 = arith.constant 0 : i32
        %dma_start3A_680 = tpu.memref_slice %arg8[%squeeze3A_668, %dma_start3A_679] : memref<256x1024xf32, #tpu.memory_space<vmem_shared>> -> memref<1x1024xf32, #tpu.memory_space<vmem_shared>>
        %dma_start3A_681 = tpu.memref_squeeze %dma_start3A_680 : memref<1x1024xf32, #tpu.memory_space<vmem_shared>> -> memref<1024xf32, #tpu.memory_space<vmem_shared>>
        tpu.enqueue_dma source(%dma_start3A_681 : memref<1024xf32, #tpu.memory_space<vmem_shared>>) target(%dma_start3A_678 : memref<1024xf32, #tpu.memory_space<vmem>>) target_semaphore(%arg10 : memref<!tpu.dma_semaphore, #tpu.memory_space<semaphore_mem>>)
        %slice3A_682 = vector.extract_strided_slice %get3A_576 {offsets = [7], sizes = [1], strides = [1]} : vector<16xi32> to vector<1xi32>
        %squeeze3A_683 = vector.extract %slice3A_682[0] : i32 from vector<1xi32>
        %dma_start3A_684 = arith.constant 7 : i32
        %dma_start3A_685 = arith.constant 0 : i32
        %dma_start3A_686 = tpu.memref_slice %arg7[%dma_start3A_684, %dma_start3A_685] : memref<32x1024xf32, #tpu.memory_space<vmem>> -> memref<1x1024xf32, #tpu.memory_space<vmem>>
        %dma_start3A_687 = tpu.memref_squeeze %dma_start3A_686 : memref<1x1024xf32, #tpu.memory_space<vmem>> -> memref<1024xf32, #tpu.memory_space<vmem>>
        %dma_start3A_688 = arith.constant 0 : i32
        %dma_start3A_689 = tpu.memref_slice %arg8[%squeeze3A_683, %dma_start3A_688] : memref<256x1024xf32, #tpu.memory_space<vmem_shared>> -> memref<1x1024xf32, #tpu.memory_space<vmem_shared>>
        %dma_start3A_690 = tpu.memref_squeeze %dma_start3A_689 : memref<1x1024xf32, #tpu.memory_space<vmem_shared>> -> memref<1024xf32, #tpu.memory_space<vmem_shared>>
        %dma_start3A_691 = arith.constant 0 : i32
        %dma_start3A_692 = tpu.memref_slice %arg7[%dma_start3A_684, %dma_start3A_691] : memref<32x1024xf32, #tpu.memory_space<vmem>> -> memref<1x1024xf32, #tpu.memory_space<vmem>>
        %dma_start3A_693 = tpu.memref_squeeze %dma_start3A_692 : memref<1x1024xf32, #tpu.memory_space<vmem>> -> memref<1024xf32, #tpu.memory_space<vmem>>
        %dma_start3A_694 = arith.constant 0 : i32
        %dma_start3A_695 = tpu.memref_slice %arg8[%squeeze3A_683, %dma_start3A_694] : memref<256x1024xf32, #tpu.memory_space<vmem_shared>> -> memref<1x1024xf32, #tpu.memory_space<vmem_shared>>
        %dma_start3A_696 = tpu.memref_squeeze %dma_start3A_695 : memref<1x1024xf32, #tpu.memory_space<vmem_shared>> -> memref<1024xf32, #tpu.memory_space<vmem_shared>>
        tpu.enqueue_dma source(%dma_start3A_696 : memref<1024xf32, #tpu.memory_space<vmem_shared>>) target(%dma_start3A_693 : memref<1024xf32, #tpu.memory_space<vmem>>) target_semaphore(%arg10 : memref<!tpu.dma_semaphore, #tpu.memory_space<semaphore_mem>>)
        %slice3A_697 = vector.extract_strided_slice %get3A_576 {offsets = [8], sizes = [1], strides = [1]} : vector<16xi32> to vector<1xi32>
        %squeeze3A_698 = vector.extract %slice3A_697[0] : i32 from vector<1xi32>
        %dma_start3A_699 = arith.constant 8 : i32
        %dma_start3A_700 = arith.constant 0 : i32
        %dma_start3A_701 = tpu.memref_slice %arg7[%dma_start3A_699, %dma_start3A_700] : memref<32x1024xf32, #tpu.memory_space<vmem>> -> memref<1x1024xf32, #tpu.memory_space<vmem>>
        %dma_start3A_702 = tpu.memref_squeeze %dma_start3A_701 : memref<1x1024xf32, #tpu.memory_space<vmem>> -> memref<1024xf32, #tpu.memory_space<vmem>>
        %dma_start3A_703 = arith.constant 0 : i32
        %dma_start3A_704 = tpu.memref_slice %arg8[%squeeze3A_698, %dma_start3A_703] : memref<256x1024xf32, #tpu.memory_space<vmem_shared>> -> memref<1x1024xf32, #tpu.memory_space<vmem_shared>>
        %dma_start3A_705 = tpu.memref_squeeze %dma_start3A_704 : memref<1x1024xf32, #tpu.memory_space<vmem_shared>> -> memref<1024xf32, #tpu.memory_space<vmem_shared>>
        %dma_start3A_706 = arith.constant 0 : i32
        %dma_start3A_707 = tpu.memref_slice %arg7[%dma_start3A_699, %dma_start3A_706] : memref<32x1024xf32, #tpu.memory_space<vmem>> -> memref<1x1024xf32, #tpu.memory_space<vmem>>
        %dma_start3A_708 = tpu.memref_squeeze %dma_start3A_707 : memref<1x1024xf32, #tpu.memory_space<vmem>> -> memref<1024xf32, #tpu.memory_space<vmem>>
        %dma_start3A_709 = arith.constant 0 : i32
        %dma_start3A_710 = tpu.memref_slice %arg8[%squeeze3A_698, %dma_start3A_709] : memref<256x1024xf32, #tpu.memory_space<vmem_shared>> -> memref<1x1024xf32, #tpu.memory_space<vmem_shared>>
        %dma_start3A_711 = tpu.memref_squeeze %dma_start3A_710 : memref<1x1024xf32, #tpu.memory_space<vmem_shared>> -> memref<1024xf32, #tpu.memory_space<vmem_shared>>
        tpu.enqueue_dma source(%dma_start3A_711 : memref<1024xf32, #tpu.memory_space<vmem_shared>>) target(%dma_start3A_708 : memref<1024xf32, #tpu.memory_space<vmem>>) target_semaphore(%arg10 : memref<!tpu.dma_semaphore, #tpu.memory_space<semaphore_mem>>)
        %slice3A_712 = vector.extract_strided_slice %get3A_576 {offsets = [9], sizes = [1], strides = [1]} : vector<16xi32> to vector<1xi32>
        %squeeze3A_713 = vector.extract %slice3A_712[0] : i32 from vector<1xi32>
        %dma_start3A_714 = arith.constant 9 : i32
        %dma_start3A_715 = arith.constant 0 : i32
        %dma_start3A_716 = tpu.memref_slice %arg7[%dma_start3A_714, %dma_start3A_715] : memref<32x1024xf32, #tpu.memory_space<vmem>> -> memref<1x1024xf32, #tpu.memory_space<vmem>>
        %dma_start3A_717 = tpu.memref_squeeze %dma_start3A_716 : memref<1x1024xf32, #tpu.memory_space<vmem>> -> memref<1024xf32, #tpu.memory_space<vmem>>
        %dma_start3A_718 = arith.constant 0 : i32
        %dma_start3A_719 = tpu.memref_slice %arg8[%squeeze3A_713, %dma_start3A_718] : memref<256x1024xf32, #tpu.memory_space<vmem_shared>> -> memref<1x1024xf32, #tpu.memory_space<vmem_shared>>
        %dma_start3A_720 = tpu.memref_squeeze %dma_start3A_719 : memref<1x1024xf32, #tpu.memory_space<vmem_shared>> -> memref<1024xf32, #tpu.memory_space<vmem_shared>>
        %dma_start3A_721 = arith.constant 0 : i32
        %dma_start3A_722 = tpu.memref_slice %arg7[%dma_start3A_714, %dma_start3A_721] : memref<32x1024xf32, #tpu.memory_space<vmem>> -> memref<1x1024xf32, #tpu.memory_space<vmem>>
        %dma_start3A_723 = tpu.memref_squeeze %dma_start3A_722 : memref<1x1024xf32, #tpu.memory_space<vmem>> -> memref<1024xf32, #tpu.memory_space<vmem>>
        %dma_start3A_724 = arith.constant 0 : i32
        %dma_start3A_725 = tpu.memref_slice %arg8[%squeeze3A_713, %dma_start3A_724] : memref<256x1024xf32, #tpu.memory_space<vmem_shared>> -> memref<1x1024xf32, #tpu.memory_space<vmem_shared>>
        %dma_start3A_726 = tpu.memref_squeeze %dma_start3A_725 : memref<1x1024xf32, #tpu.memory_space<vmem_shared>> -> memref<1024xf32, #tpu.memory_space<vmem_shared>>
        tpu.enqueue_dma source(%dma_start3A_726 : memref<1024xf32, #tpu.memory_space<vmem_shared>>) target(%dma_start3A_723 : memref<1024xf32, #tpu.memory_space<vmem>>) target_semaphore(%arg10 : memref<!tpu.dma_semaphore, #tpu.memory_space<semaphore_mem>>)
        %slice3A_727 = vector.extract_strided_slice %get3A_576 {offsets = [10], sizes = [1], strides = [1]} : vector<16xi32> to vector<1xi32>
        %squeeze3A_728 = vector.extract %slice3A_727[0] : i32 from vector<1xi32>
        %dma_start3A_729 = arith.constant 10 : i32
        %dma_start3A_730 = arith.constant 0 : i32
        %dma_start3A_731 = tpu.memref_slice %arg7[%dma_start3A_729, %dma_start3A_730] : memref<32x1024xf32, #tpu.memory_space<vmem>> -> memref<1x1024xf32, #tpu.memory_space<vmem>>
        %dma_start3A_732 = tpu.memref_squeeze %dma_start3A_731 : memref<1x1024xf32, #tpu.memory_space<vmem>> -> memref<1024xf32, #tpu.memory_space<vmem>>
        %dma_start3A_733 = arith.constant 0 : i32
        %dma_start3A_734 = tpu.memref_slice %arg8[%squeeze3A_728, %dma_start3A_733] : memref<256x1024xf32, #tpu.memory_space<vmem_shared>> -> memref<1x1024xf32, #tpu.memory_space<vmem_shared>>
        %dma_start3A_735 = tpu.memref_squeeze %dma_start3A_734 : memref<1x1024xf32, #tpu.memory_space<vmem_shared>> -> memref<1024xf32, #tpu.memory_space<vmem_shared>>
        %dma_start3A_736 = arith.constant 0 : i32
        %dma_start3A_737 = tpu.memref_slice %arg7[%dma_start3A_729, %dma_start3A_736] : memref<32x1024xf32, #tpu.memory_space<vmem>> -> memref<1x1024xf32, #tpu.memory_space<vmem>>
        %dma_start3A_738 = tpu.memref_squeeze %dma_start3A_737 : memref<1x1024xf32, #tpu.memory_space<vmem>> -> memref<1024xf32, #tpu.memory_space<vmem>>
        %dma_start3A_739 = arith.constant 0 : i32
        %dma_start3A_740 = tpu.memref_slice %arg8[%squeeze3A_728, %dma_start3A_739] : memref<256x1024xf32, #tpu.memory_space<vmem_shared>> -> memref<1x1024xf32, #tpu.memory_space<vmem_shared>>
        %dma_start3A_741 = tpu.memref_squeeze %dma_start3A_740 : memref<1x1024xf32, #tpu.memory_space<vmem_shared>> -> memref<1024xf32, #tpu.memory_space<vmem_shared>>
        tpu.enqueue_dma source(%dma_start3A_741 : memref<1024xf32, #tpu.memory_space<vmem_shared>>) target(%dma_start3A_738 : memref<1024xf32, #tpu.memory_space<vmem>>) target_semaphore(%arg10 : memref<!tpu.dma_semaphore, #tpu.memory_space<semaphore_mem>>)
        %slice3A_742 = vector.extract_strided_slice %get3A_576 {offsets = [11], sizes = [1], strides = [1]} : vector<16xi32> to vector<1xi32>
        %squeeze3A_743 = vector.extract %slice3A_742[0] : i32 from vector<1xi32>
        %dma_start3A_744 = arith.constant 11 : i32
        %dma_start3A_745 = arith.constant 0 : i32
        %dma_start3A_746 = tpu.memref_slice %arg7[%dma_start3A_744, %dma_start3A_745] : memref<32x1024xf32, #tpu.memory_space<vmem>> -> memref<1x1024xf32, #tpu.memory_space<vmem>>
        %dma_start3A_747 = tpu.memref_squeeze %dma_start3A_746 : memref<1x1024xf32, #tpu.memory_space<vmem>> -> memref<1024xf32, #tpu.memory_space<vmem>>
        %dma_start3A_748 = arith.constant 0 : i32
        %dma_start3A_749 = tpu.memref_slice %arg8[%squeeze3A_743, %dma_start3A_748] : memref<256x1024xf32, #tpu.memory_space<vmem_shared>> -> memref<1x1024xf32, #tpu.memory_space<vmem_shared>>
        %dma_start3A_750 = tpu.memref_squeeze %dma_start3A_749 : memref<1x1024xf32, #tpu.memory_space<vmem_shared>> -> memref<1024xf32, #tpu.memory_space<vmem_shared>>
        %dma_start3A_751 = arith.constant 0 : i32
        %dma_start3A_752 = tpu.memref_slice %arg7[%dma_start3A_744, %dma_start3A_751] : memref<32x1024xf32, #tpu.memory_space<vmem>> -> memref<1x1024xf32, #tpu.memory_space<vmem>>
        %dma_start3A_753 = tpu.memref_squeeze %dma_start3A_752 : memref<1x1024xf32, #tpu.memory_space<vmem>> -> memref<1024xf32, #tpu.memory_space<vmem>>
        %dma_start3A_754 = arith.constant 0 : i32
        %dma_start3A_755 = tpu.memref_slice %arg8[%squeeze3A_743, %dma_start3A_754] : memref<256x1024xf32, #tpu.memory_space<vmem_shared>> -> memref<1x1024xf32, #tpu.memory_space<vmem_shared>>
        %dma_start3A_756 = tpu.memref_squeeze %dma_start3A_755 : memref<1x1024xf32, #tpu.memory_space<vmem_shared>> -> memref<1024xf32, #tpu.memory_space<vmem_shared>>
        tpu.enqueue_dma source(%dma_start3A_756 : memref<1024xf32, #tpu.memory_space<vmem_shared>>) target(%dma_start3A_753 : memref<1024xf32, #tpu.memory_space<vmem>>) target_semaphore(%arg10 : memref<!tpu.dma_semaphore, #tpu.memory_space<semaphore_mem>>)
        %slice3A_757 = vector.extract_strided_slice %get3A_576 {offsets = [12], sizes = [1], strides = [1]} : vector<16xi32> to vector<1xi32>
        %squeeze3A_758 = vector.extract %slice3A_757[0] : i32 from vector<1xi32>
        %dma_start3A_759 = arith.constant 12 : i32
        %dma_start3A_760 = arith.constant 0 : i32
        %dma_start3A_761 = tpu.memref_slice %arg7[%dma_start3A_759, %dma_start3A_760] : memref<32x1024xf32, #tpu.memory_space<vmem>> -> memref<1x1024xf32, #tpu.memory_space<vmem>>
        %dma_start3A_762 = tpu.memref_squeeze %dma_start3A_761 : memref<1x1024xf32, #tpu.memory_space<vmem>> -> memref<1024xf32, #tpu.memory_space<vmem>>
        %dma_start3A_763 = arith.constant 0 : i32
        %dma_start3A_764 = tpu.memref_slice %arg8[%squeeze3A_758, %dma_start3A_763] : memref<256x1024xf32, #tpu.memory_space<vmem_shared>> -> memref<1x1024xf32, #tpu.memory_space<vmem_shared>>
        %dma_start3A_765 = tpu.memref_squeeze %dma_start3A_764 : memref<1x1024xf32, #tpu.memory_space<vmem_shared>> -> memref<1024xf32, #tpu.memory_space<vmem_shared>>
        %dma_start3A_766 = arith.constant 0 : i32
        %dma_start3A_767 = tpu.memref_slice %arg7[%dma_start3A_759, %dma_start3A_766] : memref<32x1024xf32, #tpu.memory_space<vmem>> -> memref<1x1024xf32, #tpu.memory_space<vmem>>
        %dma_start3A_768 = tpu.memref_squeeze %dma_start3A_767 : memref<1x1024xf32, #tpu.memory_space<vmem>> -> memref<1024xf32, #tpu.memory_space<vmem>>
        %dma_start3A_769 = arith.constant 0 : i32
        %dma_start3A_770 = tpu.memref_slice %arg8[%squeeze3A_758, %dma_start3A_769] : memref<256x1024xf32, #tpu.memory_space<vmem_shared>> -> memref<1x1024xf32, #tpu.memory_space<vmem_shared>>
        %dma_start3A_771 = tpu.memref_squeeze %dma_start3A_770 : memref<1x1024xf32, #tpu.memory_space<vmem_shared>> -> memref<1024xf32, #tpu.memory_space<vmem_shared>>
        tpu.enqueue_dma source(%dma_start3A_771 : memref<1024xf32, #tpu.memory_space<vmem_shared>>) target(%dma_start3A_768 : memref<1024xf32, #tpu.memory_space<vmem>>) target_semaphore(%arg10 : memref<!tpu.dma_semaphore, #tpu.memory_space<semaphore_mem>>)
        %slice3A_772 = vector.extract_strided_slice %get3A_576 {offsets = [13], sizes = [1], strides = [1]} : vector<16xi32> to vector<1xi32>
        %squeeze3A_773 = vector.extract %slice3A_772[0] : i32 from vector<1xi32>
        %dma_start3A_774 = arith.constant 13 : i32
        %dma_start3A_775 = arith.constant 0 : i32
        %dma_start3A_776 = tpu.memref_slice %arg7[%dma_start3A_774, %dma_start3A_775] : memref<32x1024xf32, #tpu.memory_space<vmem>> -> memref<1x1024xf32, #tpu.memory_space<vmem>>
        %dma_start3A_777 = tpu.memref_squeeze %dma_start3A_776 : memref<1x1024xf32, #tpu.memory_space<vmem>> -> memref<1024xf32, #tpu.memory_space<vmem>>
        %dma_start3A_778 = arith.constant 0 : i32
        %dma_start3A_779 = tpu.memref_slice %arg8[%squeeze3A_773, %dma_start3A_778] : memref<256x1024xf32, #tpu.memory_space<vmem_shared>> -> memref<1x1024xf32, #tpu.memory_space<vmem_shared>>
        %dma_start3A_780 = tpu.memref_squeeze %dma_start3A_779 : memref<1x1024xf32, #tpu.memory_space<vmem_shared>> -> memref<1024xf32, #tpu.memory_space<vmem_shared>>
        %dma_start3A_781 = arith.constant 0 : i32
        %dma_start3A_782 = tpu.memref_slice %arg7[%dma_start3A_774, %dma_start3A_781] : memref<32x1024xf32, #tpu.memory_space<vmem>> -> memref<1x1024xf32, #tpu.memory_space<vmem>>
        %dma_start3A_783 = tpu.memref_squeeze %dma_start3A_782 : memref<1x1024xf32, #tpu.memory_space<vmem>> -> memref<1024xf32, #tpu.memory_space<vmem>>
        %dma_start3A_784 = arith.constant 0 : i32
        %dma_start3A_785 = tpu.memref_slice %arg8[%squeeze3A_773, %dma_start3A_784] : memref<256x1024xf32, #tpu.memory_space<vmem_shared>> -> memref<1x1024xf32, #tpu.memory_space<vmem_shared>>
        %dma_start3A_786 = tpu.memref_squeeze %dma_start3A_785 : memref<1x1024xf32, #tpu.memory_space<vmem_shared>> -> memref<1024xf32, #tpu.memory_space<vmem_shared>>
        tpu.enqueue_dma source(%dma_start3A_786 : memref<1024xf32, #tpu.memory_space<vmem_shared>>) target(%dma_start3A_783 : memref<1024xf32, #tpu.memory_space<vmem>>) target_semaphore(%arg10 : memref<!tpu.dma_semaphore, #tpu.memory_space<semaphore_mem>>)
        %slice3A_787 = vector.extract_strided_slice %get3A_576 {offsets = [14], sizes = [1], strides = [1]} : vector<16xi32> to vector<1xi32>
        %squeeze3A_788 = vector.extract %slice3A_787[0] : i32 from vector<1xi32>
        %dma_start3A_789 = arith.constant 14 : i32
        %dma_start3A_790 = arith.constant 0 : i32
        %dma_start3A_791 = tpu.memref_slice %arg7[%dma_start3A_789, %dma_start3A_790] : memref<32x1024xf32, #tpu.memory_space<vmem>> -> memref<1x1024xf32, #tpu.memory_space<vmem>>
        %dma_start3A_792 = tpu.memref_squeeze %dma_start3A_791 : memref<1x1024xf32, #tpu.memory_space<vmem>> -> memref<1024xf32, #tpu.memory_space<vmem>>
        %dma_start3A_793 = arith.constant 0 : i32
        %dma_start3A_794 = tpu.memref_slice %arg8[%squeeze3A_788, %dma_start3A_793] : memref<256x1024xf32, #tpu.memory_space<vmem_shared>> -> memref<1x1024xf32, #tpu.memory_space<vmem_shared>>
        %dma_start3A_795 = tpu.memref_squeeze %dma_start3A_794 : memref<1x1024xf32, #tpu.memory_space<vmem_shared>> -> memref<1024xf32, #tpu.memory_space<vmem_shared>>
        %dma_start3A_796 = arith.constant 0 : i32
        %dma_start3A_797 = tpu.memref_slice %arg7[%dma_start3A_789, %dma_start3A_796] : memref<32x1024xf32, #tpu.memory_space<vmem>> -> memref<1x1024xf32, #tpu.memory_space<vmem>>
        %dma_start3A_798 = tpu.memref_squeeze %dma_start3A_797 : memref<1x1024xf32, #tpu.memory_space<vmem>> -> memref<1024xf32, #tpu.memory_space<vmem>>
        %dma_start3A_799 = arith.constant 0 : i32
        %dma_start3A_800 = tpu.memref_slice %arg8[%squeeze3A_788, %dma_start3A_799] : memref<256x1024xf32, #tpu.memory_space<vmem_shared>> -> memref<1x1024xf32, #tpu.memory_space<vmem_shared>>
        %dma_start3A_801 = tpu.memref_squeeze %dma_start3A_800 : memref<1x1024xf32, #tpu.memory_space<vmem_shared>> -> memref<1024xf32, #tpu.memory_space<vmem_shared>>
        tpu.enqueue_dma source(%dma_start3A_801 : memref<1024xf32, #tpu.memory_space<vmem_shared>>) target(%dma_start3A_798 : memref<1024xf32, #tpu.memory_space<vmem>>) target_semaphore(%arg10 : memref<!tpu.dma_semaphore, #tpu.memory_space<semaphore_mem>>)
        %slice3A_802 = vector.extract_strided_slice %get3A_576 {offsets = [15], sizes = [1], strides = [1]} : vector<16xi32> to vector<1xi32>
        %squeeze3A_803 = vector.extract %slice3A_802[0] : i32 from vector<1xi32>
        %dma_start3A_804 = arith.constant 15 : i32
        %dma_start3A_805 = arith.constant 0 : i32
        %dma_start3A_806 = tpu.memref_slice %arg7[%dma_start3A_804, %dma_start3A_805] : memref<32x1024xf32, #tpu.memory_space<vmem>> -> memref<1x1024xf32, #tpu.memory_space<vmem>>
        %dma_start3A_807 = tpu.memref_squeeze %dma_start3A_806 : memref<1x1024xf32, #tpu.memory_space<vmem>> -> memref<1024xf32, #tpu.memory_space<vmem>>
        %dma_start3A_808 = arith.constant 0 : i32
        %dma_start3A_809 = tpu.memref_slice %arg8[%squeeze3A_803, %dma_start3A_808] : memref<256x1024xf32, #tpu.memory_space<vmem_shared>> -> memref<1x1024xf32, #tpu.memory_space<vmem_shared>>
        %dma_start3A_810 = tpu.memref_squeeze %dma_start3A_809 : memref<1x1024xf32, #tpu.memory_space<vmem_shared>> -> memref<1024xf32, #tpu.memory_space<vmem_shared>>
        %dma_start3A_811 = arith.constant 0 : i32
        %dma_start3A_812 = tpu.memref_slice %arg7[%dma_start3A_804, %dma_start3A_811] : memref<32x1024xf32, #tpu.memory_space<vmem>> -> memref<1x1024xf32, #tpu.memory_space<vmem>>
        %dma_start3A_813 = tpu.memref_squeeze %dma_start3A_812 : memref<1x1024xf32, #tpu.memory_space<vmem>> -> memref<1024xf32, #tpu.memory_space<vmem>>
        %dma_start3A_814 = arith.constant 0 : i32
        %dma_start3A_815 = tpu.memref_slice %arg8[%squeeze3A_803, %dma_start3A_814] : memref<256x1024xf32, #tpu.memory_space<vmem_shared>> -> memref<1x1024xf32, #tpu.memory_space<vmem_shared>>
        %dma_start3A_816 = tpu.memref_squeeze %dma_start3A_815 : memref<1x1024xf32, #tpu.memory_space<vmem_shared>> -> memref<1024xf32, #tpu.memory_space<vmem_shared>>
        tpu.enqueue_dma source(%dma_start3A_816 : memref<1024xf32, #tpu.memory_space<vmem_shared>>) target(%dma_start3A_813 : memref<1024xf32, #tpu.memory_space<vmem>>) target_semaphore(%arg10 : memref<!tpu.dma_semaphore, #tpu.memory_space<semaphore_mem>>)
        %get3A_817 = arith.index_cast %add3A_572 : i32 to index
        %get3A_818 = arith.constant 16 : index
        %get3A_819 = tpu.vector_load %arg5[%get3A_817, %get3A_818] {strides = array<i32>} : memref<32x32xi32, #tpu.memory_space<vmem>>, vector<1x16xi32>,
        %get3A_820 = vector.shape_cast %get3A_819 : vector<1x16xi32> to vector<16xi32>
        %slice3A_821 = vector.extract_strided_slice %get3A_820 {offsets = [0], sizes = [1], strides = [1]} : vector<16xi32> to vector<1xi32>
        %squeeze3A_822 = vector.extract %slice3A_821[0] : i32 from vector<1xi32>
        %dma_start3A_823 = arith.constant 16 : i32
        %dma_start3A_824 = arith.constant 0 : i32
        %dma_start3A_825 = tpu.memref_slice %arg7[%dma_start3A_823, %dma_start3A_824] : memref<32x1024xf32, #tpu.memory_space<vmem>> -> memref<1x1024xf32, #tpu.memory_space<vmem>>
        %dma_start3A_826 = tpu.memref_squeeze %dma_start3A_825 : memref<1x1024xf32, #tpu.memory_space<vmem>> -> memref<1024xf32, #tpu.memory_space<vmem>>
        %dma_start3A_827 = arith.constant 0 : i32
        %dma_start3A_828 = tpu.memref_slice %arg8[%squeeze3A_822, %dma_start3A_827] : memref<256x1024xf32, #tpu.memory_space<vmem_shared>> -> memref<1x1024xf32, #tpu.memory_space<vmem_shared>>
        %dma_start3A_829 = tpu.memref_squeeze %dma_start3A_828 : memref<1x1024xf32, #tpu.memory_space<vmem_shared>> -> memref<1024xf32, #tpu.memory_space<vmem_shared>>
        %dma_start3A_830 = arith.constant 0 : i32
        %dma_start3A_831 = tpu.memref_slice %arg7[%dma_start3A_823, %dma_start3A_830] : memref<32x1024xf32, #tpu.memory_space<vmem>> -> memref<1x1024xf32, #tpu.memory_space<vmem>>
        %dma_start3A_832 = tpu.memref_squeeze %dma_start3A_831 : memref<1x1024xf32, #tpu.memory_space<vmem>> -> memref<1024xf32, #tpu.memory_space<vmem>>
        %dma_start3A_833 = arith.constant 0 : i32
        %dma_start3A_834 = tpu.memref_slice %arg8[%squeeze3A_822, %dma_start3A_833] : memref<256x1024xf32, #tpu.memory_space<vmem_shared>> -> memref<1x1024xf32, #tpu.memory_space<vmem_shared>>
        %dma_start3A_835 = tpu.memref_squeeze %dma_start3A_834 : memref<1x1024xf32, #tpu.memory_space<vmem_shared>> -> memref<1024xf32, #tpu.memory_space<vmem_shared>>
        tpu.enqueue_dma source(%dma_start3A_835 : memref<1024xf32, #tpu.memory_space<vmem_shared>>) target(%dma_start3A_832 : memref<1024xf32, #tpu.memory_space<vmem>>) target_semaphore(%arg10 : memref<!tpu.dma_semaphore, #tpu.memory_space<semaphore_mem>>)
        %slice3A_836 = vector.extract_strided_slice %get3A_820 {offsets = [1], sizes = [1], strides = [1]} : vector<16xi32> to vector<1xi32>
        %squeeze3A_837 = vector.extract %slice3A_836[0] : i32 from vector<1xi32>
        %dma_start3A_838 = arith.constant 17 : i32
        %dma_start3A_839 = arith.constant 0 : i32
        %dma_start3A_840 = tpu.memref_slice %arg7[%dma_start3A_838, %dma_start3A_839] : memref<32x1024xf32, #tpu.memory_space<vmem>> -> memref<1x1024xf32, #tpu.memory_space<vmem>>
        %dma_start3A_841 = tpu.memref_squeeze %dma_start3A_840 : memref<1x1024xf32, #tpu.memory_space<vmem>> -> memref<1024xf32, #tpu.memory_space<vmem>>
        %dma_start3A_842 = arith.constant 0 : i32
        %dma_start3A_843 = tpu.memref_slice %arg8[%squeeze3A_837, %dma_start3A_842] : memref<256x1024xf32, #tpu.memory_space<vmem_shared>> -> memref<1x1024xf32, #tpu.memory_space<vmem_shared>>
        %dma_start3A_844 = tpu.memref_squeeze %dma_start3A_843 : memref<1x1024xf32, #tpu.memory_space<vmem_shared>> -> memref<1024xf32, #tpu.memory_space<vmem_shared>>
        %dma_start3A_845 = arith.constant 0 : i32
        %dma_start3A_846 = tpu.memref_slice %arg7[%dma_start3A_838, %dma_start3A_845] : memref<32x1024xf32, #tpu.memory_space<vmem>> -> memref<1x1024xf32, #tpu.memory_space<vmem>>
        %dma_start3A_847 = tpu.memref_squeeze %dma_start3A_846 : memref<1x1024xf32, #tpu.memory_space<vmem>> -> memref<1024xf32, #tpu.memory_space<vmem>>
        %dma_start3A_848 = arith.constant 0 : i32
        %dma_start3A_849 = tpu.memref_slice %arg8[%squeeze3A_837, %dma_start3A_848] : memref<256x1024xf32, #tpu.memory_space<vmem_shared>> -> memref<1x1024xf32, #tpu.memory_space<vmem_shared>>
        %dma_start3A_850 = tpu.memref_squeeze %dma_start3A_849 : memref<1x1024xf32, #tpu.memory_space<vmem_shared>> -> memref<1024xf32, #tpu.memory_space<vmem_shared>>
        tpu.enqueue_dma source(%dma_start3A_850 : memref<1024xf32, #tpu.memory_space<vmem_shared>>) target(%dma_start3A_847 : memref<1024xf32, #tpu.memory_space<vmem>>) target_semaphore(%arg10 : memref<!tpu.dma_semaphore, #tpu.memory_space<semaphore_mem>>)
        %slice3A_851 = vector.extract_strided_slice %get3A_820 {offsets = [2], sizes = [1], strides = [1]} : vector<16xi32> to vector<1xi32>
        %squeeze3A_852 = vector.extract %slice3A_851[0] : i32 from vector<1xi32>
        %dma_start3A_853 = arith.constant 18 : i32
        %dma_start3A_854 = arith.constant 0 : i32
        %dma_start3A_855 = tpu.memref_slice %arg7[%dma_start3A_853, %dma_start3A_854] : memref<32x1024xf32, #tpu.memory_space<vmem>> -> memref<1x1024xf32, #tpu.memory_space<vmem>>
        %dma_start3A_856 = tpu.memref_squeeze %dma_start3A_855 : memref<1x1024xf32, #tpu.memory_space<vmem>> -> memref<1024xf32, #tpu.memory_space<vmem>>
        %dma_start3A_857 = arith.constant 0 : i32
        %dma_start3A_858 = tpu.memref_slice %arg8[%squeeze3A_852, %dma_start3A_857] : memref<256x1024xf32, #tpu.memory_space<vmem_shared>> -> memref<1x1024xf32, #tpu.memory_space<vmem_shared>>
        %dma_start3A_859 = tpu.memref_squeeze %dma_start3A_858 : memref<1x1024xf32, #tpu.memory_space<vmem_shared>> -> memref<1024xf32, #tpu.memory_space<vmem_shared>>
        %dma_start3A_860 = arith.constant 0 : i32
        %dma_start3A_861 = tpu.memref_slice %arg7[%dma_start3A_853, %dma_start3A_860] : memref<32x1024xf32, #tpu.memory_space<vmem>> -> memref<1x1024xf32, #tpu.memory_space<vmem>>
        %dma_start3A_862 = tpu.memref_squeeze %dma_start3A_861 : memref<1x1024xf32, #tpu.memory_space<vmem>> -> memref<1024xf32, #tpu.memory_space<vmem>>
        %dma_start3A_863 = arith.constant 0 : i32
        %dma_start3A_864 = tpu.memref_slice %arg8[%squeeze3A_852, %dma_start3A_863] : memref<256x1024xf32, #tpu.memory_space<vmem_shared>> -> memref<1x1024xf32, #tpu.memory_space<vmem_shared>>
        %dma_start3A_865 = tpu.memref_squeeze %dma_start3A_864 : memref<1x1024xf32, #tpu.memory_space<vmem_shared>> -> memref<1024xf32, #tpu.memory_space<vmem_shared>>
        tpu.enqueue_dma source(%dma_start3A_865 : memref<1024xf32, #tpu.memory_space<vmem_shared>>) target(%dma_start3A_862 : memref<1024xf32, #tpu.memory_space<vmem>>) target_semaphore(%arg10 : memref<!tpu.dma_semaphore, #tpu.memory_space<semaphore_mem>>)
        %slice3A_866 = vector.extract_strided_slice %get3A_820 {offsets = [3], sizes = [1], strides = [1]} : vector<16xi32> to vector<1xi32>
        %squeeze3A_867 = vector.extract %slice3A_866[0] : i32 from vector<1xi32>
        %dma_start3A_868 = arith.constant 19 : i32
        %dma_start3A_869 = arith.constant 0 : i32
        %dma_start3A_870 = tpu.memref_slice %arg7[%dma_start3A_868, %dma_start3A_869] : memref<32x1024xf32, #tpu.memory_space<vmem>> -> memref<1x1024xf32, #tpu.memory_space<vmem>>
        %dma_start3A_871 = tpu.memref_squeeze %dma_start3A_870 : memref<1x1024xf32, #tpu.memory_space<vmem>> -> memref<1024xf32, #tpu.memory_space<vmem>>
        %dma_start3A_872 = arith.constant 0 : i32
        %dma_start3A_873 = tpu.memref_slice %arg8[%squeeze3A_867, %dma_start3A_872] : memref<256x1024xf32, #tpu.memory_space<vmem_shared>> -> memref<1x1024xf32, #tpu.memory_space<vmem_shared>>
        %dma_start3A_874 = tpu.memref_squeeze %dma_start3A_873 : memref<1x1024xf32, #tpu.memory_space<vmem_shared>> -> memref<1024xf32, #tpu.memory_space<vmem_shared>>
        %dma_start3A_875 = arith.constant 0 : i32
        %dma_start3A_876 = tpu.memref_slice %arg7[%dma_start3A_868, %dma_start3A_875] : memref<32x1024xf32, #tpu.memory_space<vmem>> -> memref<1x1024xf32, #tpu.memory_space<vmem>>
        %dma_start3A_877 = tpu.memref_squeeze %dma_start3A_876 : memref<1x1024xf32, #tpu.memory_space<vmem>> -> memref<1024xf32, #tpu.memory_space<vmem>>
        %dma_start3A_878 = arith.constant 0 : i32
        %dma_start3A_879 = tpu.memref_slice %arg8[%squeeze3A_867, %dma_start3A_878] : memref<256x1024xf32, #tpu.memory_space<vmem_shared>> -> memref<1x1024xf32, #tpu.memory_space<vmem_shared>>
        %dma_start3A_880 = tpu.memref_squeeze %dma_start3A_879 : memref<1x1024xf32, #tpu.memory_space<vmem_shared>> -> memref<1024xf32, #tpu.memory_space<vmem_shared>>
        tpu.enqueue_dma source(%dma_start3A_880 : memref<1024xf32, #tpu.memory_space<vmem_shared>>) target(%dma_start3A_877 : memref<1024xf32, #tpu.memory_space<vmem>>) target_semaphore(%arg10 : memref<!tpu.dma_semaphore, #tpu.memory_space<semaphore_mem>>)
        %slice3A_881 = vector.extract_strided_slice %get3A_820 {offsets = [4], sizes = [1], strides = [1]} : vector<16xi32> to vector<1xi32>
        %squeeze3A_882 = vector.extract %slice3A_881[0] : i32 from vector<1xi32>
        %dma_start3A_883 = arith.constant 20 : i32
        %dma_start3A_884 = arith.constant 0 : i32
        %dma_start3A_885 = tpu.memref_slice %arg7[%dma_start3A_883, %dma_start3A_884] : memref<32x1024xf32, #tpu.memory_space<vmem>> -> memref<1x1024xf32, #tpu.memory_space<vmem>>
        %dma_start3A_886 = tpu.memref_squeeze %dma_start3A_885 : memref<1x1024xf32, #tpu.memory_space<vmem>> -> memref<1024xf32, #tpu.memory_space<vmem>>
        %dma_start3A_887 = arith.constant 0 : i32
        %dma_start3A_888 = tpu.memref_slice %arg8[%squeeze3A_882, %dma_start3A_887] : memref<256x1024xf32, #tpu.memory_space<vmem_shared>> -> memref<1x1024xf32, #tpu.memory_space<vmem_shared>>
        %dma_start3A_889 = tpu.memref_squeeze %dma_start3A_888 : memref<1x1024xf32, #tpu.memory_space<vmem_shared>> -> memref<1024xf32, #tpu.memory_space<vmem_shared>>
        %dma_start3A_890 = arith.constant 0 : i32
        %dma_start3A_891 = tpu.memref_slice %arg7[%dma_start3A_883, %dma_start3A_890] : memref<32x1024xf32, #tpu.memory_space<vmem>> -> memref<1x1024xf32, #tpu.memory_space<vmem>>
        %dma_start3A_892 = tpu.memref_squeeze %dma_start3A_891 : memref<1x1024xf32, #tpu.memory_space<vmem>> -> memref<1024xf32, #tpu.memory_space<vmem>>
        %dma_start3A_893 = arith.constant 0 : i32
        %dma_start3A_894 = tpu.memref_slice %arg8[%squeeze3A_882, %dma_start3A_893] : memref<256x1024xf32, #tpu.memory_space<vmem_shared>> -> memref<1x1024xf32, #tpu.memory_space<vmem_shared>>
        %dma_start3A_895 = tpu.memref_squeeze %dma_start3A_894 : memref<1x1024xf32, #tpu.memory_space<vmem_shared>> -> memref<1024xf32, #tpu.memory_space<vmem_shared>>
        tpu.enqueue_dma source(%dma_start3A_895 : memref<1024xf32, #tpu.memory_space<vmem_shared>>) target(%dma_start3A_892 : memref<1024xf32, #tpu.memory_space<vmem>>) target_semaphore(%arg10 : memref<!tpu.dma_semaphore, #tpu.memory_space<semaphore_mem>>)
        %slice3A_896 = vector.extract_strided_slice %get3A_820 {offsets = [5], sizes = [1], strides = [1]} : vector<16xi32> to vector<1xi32>
        %squeeze3A_897 = vector.extract %slice3A_896[0] : i32 from vector<1xi32>
        %dma_start3A_898 = arith.constant 21 : i32
        %dma_start3A_899 = arith.constant 0 : i32
        %dma_start3A_900 = tpu.memref_slice %arg7[%dma_start3A_898, %dma_start3A_899] : memref<32x1024xf32, #tpu.memory_space<vmem>> -> memref<1x1024xf32, #tpu.memory_space<vmem>>
        %dma_start3A_901 = tpu.memref_squeeze %dma_start3A_900 : memref<1x1024xf32, #tpu.memory_space<vmem>> -> memref<1024xf32, #tpu.memory_space<vmem>>
        %dma_start3A_902 = arith.constant 0 : i32
        %dma_start3A_903 = tpu.memref_slice %arg8[%squeeze3A_897, %dma_start3A_902] : memref<256x1024xf32, #tpu.memory_space<vmem_shared>> -> memref<1x1024xf32, #tpu.memory_space<vmem_shared>>
        %dma_start3A_904 = tpu.memref_squeeze %dma_start3A_903 : memref<1x1024xf32, #tpu.memory_space<vmem_shared>> -> memref<1024xf32, #tpu.memory_space<vmem_shared>>
        %dma_start3A_905 = arith.constant 0 : i32
        %dma_start3A_906 = tpu.memref_slice %arg7[%dma_start3A_898, %dma_start3A_905] : memref<32x1024xf32, #tpu.memory_space<vmem>> -> memref<1x1024xf32, #tpu.memory_space<vmem>>
        %dma_start3A_907 = tpu.memref_squeeze %dma_start3A_906 : memref<1x1024xf32, #tpu.memory_space<vmem>> -> memref<1024xf32, #tpu.memory_space<vmem>>
        %dma_start3A_908 = arith.constant 0 : i32
        %dma_start3A_909 = tpu.memref_slice %arg8[%squeeze3A_897, %dma_start3A_908] : memref<256x1024xf32, #tpu.memory_space<vmem_shared>> -> memref<1x1024xf32, #tpu.memory_space<vmem_shared>>
        %dma_start3A_910 = tpu.memref_squeeze %dma_start3A_909 : memref<1x1024xf32, #tpu.memory_space<vmem_shared>> -> memref<1024xf32, #tpu.memory_space<vmem_shared>>
        tpu.enqueue_dma source(%dma_start3A_910 : memref<1024xf32, #tpu.memory_space<vmem_shared>>) target(%dma_start3A_907 : memref<1024xf32, #tpu.memory_space<vmem>>) target_semaphore(%arg10 : memref<!tpu.dma_semaphore, #tpu.memory_space<semaphore_mem>>)
        %slice3A_911 = vector.extract_strided_slice %get3A_820 {offsets = [6], sizes = [1], strides = [1]} : vector<16xi32> to vector<1xi32>
        %squeeze3A_912 = vector.extract %slice3A_911[0] : i32 from vector<1xi32>
        %dma_start3A_913 = arith.constant 22 : i32
        %dma_start3A_914 = arith.constant 0 : i32
        %dma_start3A_915 = tpu.memref_slice %arg7[%dma_start3A_913, %dma_start3A_914] : memref<32x1024xf32, #tpu.memory_space<vmem>> -> memref<1x1024xf32, #tpu.memory_space<vmem>>
        %dma_start3A_916 = tpu.memref_squeeze %dma_start3A_915 : memref<1x1024xf32, #tpu.memory_space<vmem>> -> memref<1024xf32, #tpu.memory_space<vmem>>
        %dma_start3A_917 = arith.constant 0 : i32
        %dma_start3A_918 = tpu.memref_slice %arg8[%squeeze3A_912, %dma_start3A_917] : memref<256x1024xf32, #tpu.memory_space<vmem_shared>> -> memref<1x1024xf32, #tpu.memory_space<vmem_shared>>
        %dma_start3A_919 = tpu.memref_squeeze %dma_start3A_918 : memref<1x1024xf32, #tpu.memory_space<vmem_shared>> -> memref<1024xf32, #tpu.memory_space<vmem_shared>>
        %dma_start3A_920 = arith.constant 0 : i32
        %dma_start3A_921 = tpu.memref_slice %arg7[%dma_start3A_913, %dma_start3A_920] : memref<32x1024xf32, #tpu.memory_space<vmem>> -> memref<1x1024xf32, #tpu.memory_space<vmem>>
        %dma_start3A_922 = tpu.memref_squeeze %dma_start3A_921 : memref<1x1024xf32, #tpu.memory_space<vmem>> -> memref<1024xf32, #tpu.memory_space<vmem>>
        %dma_start3A_923 = arith.constant 0 : i32
        %dma_start3A_924 = tpu.memref_slice %arg8[%squeeze3A_912, %dma_start3A_923] : memref<256x1024xf32, #tpu.memory_space<vmem_shared>> -> memref<1x1024xf32, #tpu.memory_space<vmem_shared>>
        %dma_start3A_925 = tpu.memref_squeeze %dma_start3A_924 : memref<1x1024xf32, #tpu.memory_space<vmem_shared>> -> memref<1024xf32, #tpu.memory_space<vmem_shared>>
        tpu.enqueue_dma source(%dma_start3A_925 : memref<1024xf32, #tpu.memory_space<vmem_shared>>) target(%dma_start3A_922 : memref<1024xf32, #tpu.memory_space<vmem>>) target_semaphore(%arg10 : memref<!tpu.dma_semaphore, #tpu.memory_space<semaphore_mem>>)
        %slice3A_926 = vector.extract_strided_slice %get3A_820 {offsets = [7], sizes = [1], strides = [1]} : vector<16xi32> to vector<1xi32>
        %squeeze3A_927 = vector.extract %slice3A_926[0] : i32 from vector<1xi32>
        %dma_start3A_928 = arith.constant 23 : i32
        %dma_start3A_929 = arith.constant 0 : i32
        %dma_start3A_930 = tpu.memref_slice %arg7[%dma_start3A_928, %dma_start3A_929] : memref<32x1024xf32, #tpu.memory_space<vmem>> -> memref<1x1024xf32, #tpu.memory_space<vmem>>
        %dma_start3A_931 = tpu.memref_squeeze %dma_start3A_930 : memref<1x1024xf32, #tpu.memory_space<vmem>> -> memref<1024xf32, #tpu.memory_space<vmem>>
        %dma_start3A_932 = arith.constant 0 : i32
        %dma_start3A_933 = tpu.memref_slice %arg8[%squeeze3A_927, %dma_start3A_932] : memref<256x1024xf32, #tpu.memory_space<vmem_shared>> -> memref<1x1024xf32, #tpu.memory_space<vmem_shared>>
        %dma_start3A_934 = tpu.memref_squeeze %dma_start3A_933 : memref<1x1024xf32, #tpu.memory_space<vmem_shared>> -> memref<1024xf32, #tpu.memory_space<vmem_shared>>
        %dma_start3A_935 = arith.constant 0 : i32
        %dma_start3A_936 = tpu.memref_slice %arg7[%dma_start3A_928, %dma_start3A_935] : memref<32x1024xf32, #tpu.memory_space<vmem>> -> memref<1x1024xf32, #tpu.memory_space<vmem>>
        %dma_start3A_937 = tpu.memref_squeeze %dma_start3A_936 : memref<1x1024xf32, #tpu.memory_space<vmem>> -> memref<1024xf32, #tpu.memory_space<vmem>>
        %dma_start3A_938 = arith.constant 0 : i32
        %dma_start3A_939 = tpu.memref_slice %arg8[%squeeze3A_927, %dma_start3A_938] : memref<256x1024xf32, #tpu.memory_space<vmem_shared>> -> memref<1x1024xf32, #tpu.memory_space<vmem_shared>>
        %dma_start3A_940 = tpu.memref_squeeze %dma_start3A_939 : memref<1x1024xf32, #tpu.memory_space<vmem_shared>> -> memref<1024xf32, #tpu.memory_space<vmem_shared>>
        tpu.enqueue_dma source(%dma_start3A_940 : memref<1024xf32, #tpu.memory_space<vmem_shared>>) target(%dma_start3A_937 : memref<1024xf32, #tpu.memory_space<vmem>>) target_semaphore(%arg10 : memref<!tpu.dma_semaphore, #tpu.memory_space<semaphore_mem>>)
        %slice3A_941 = vector.extract_strided_slice %get3A_820 {offsets = [8], sizes = [1], strides = [1]} : vector<16xi32> to vector<1xi32>
        %squeeze3A_942 = vector.extract %slice3A_941[0] : i32 from vector<1xi32>
        %dma_start3A_943 = arith.constant 24 : i32
        %dma_start3A_944 = arith.constant 0 : i32
        %dma_start3A_945 = tpu.memref_slice %arg7[%dma_start3A_943, %dma_start3A_944] : memref<32x1024xf32, #tpu.memory_space<vmem>> -> memref<1x1024xf32, #tpu.memory_space<vmem>>
        %dma_start3A_946 = tpu.memref_squeeze %dma_start3A_945 : memref<1x1024xf32, #tpu.memory_space<vmem>> -> memref<1024xf32, #tpu.memory_space<vmem>>
        %dma_start3A_947 = arith.constant 0 : i32
        %dma_start3A_948 = tpu.memref_slice %arg8[%squeeze3A_942, %dma_start3A_947] : memref<256x1024xf32, #tpu.memory_space<vmem_shared>> -> memref<1x1024xf32, #tpu.memory_space<vmem_shared>>
        %dma_start3A_949 = tpu.memref_squeeze %dma_start3A_948 : memref<1x1024xf32, #tpu.memory_space<vmem_shared>> -> memref<1024xf32, #tpu.memory_space<vmem_shared>>
        %dma_start3A_950 = arith.constant 0 : i32
        %dma_start3A_951 = tpu.memref_slice %arg7[%dma_start3A_943, %dma_start3A_950] : memref<32x1024xf32, #tpu.memory_space<vmem>> -> memref<1x1024xf32, #tpu.memory_space<vmem>>
        %dma_start3A_952 = tpu.memref_squeeze %dma_start3A_951 : memref<1x1024xf32, #tpu.memory_space<vmem>> -> memref<1024xf32, #tpu.memory_space<vmem>>
        %dma_start3A_953 = arith.constant 0 : i32
        %dma_start3A_954 = tpu.memref_slice %arg8[%squeeze3A_942, %dma_start3A_953] : memref<256x1024xf32, #tpu.memory_space<vmem_shared>> -> memref<1x1024xf32, #tpu.memory_space<vmem_shared>>
        %dma_start3A_955 = tpu.memref_squeeze %dma_start3A_954 : memref<1x1024xf32, #tpu.memory_space<vmem_shared>> -> memref<1024xf32, #tpu.memory_space<vmem_shared>>
        tpu.enqueue_dma source(%dma_start3A_955 : memref<1024xf32, #tpu.memory_space<vmem_shared>>) target(%dma_start3A_952 : memref<1024xf32, #tpu.memory_space<vmem>>) target_semaphore(%arg10 : memref<!tpu.dma_semaphore, #tpu.memory_space<semaphore_mem>>)
        %slice3A_956 = vector.extract_strided_slice %get3A_820 {offsets = [9], sizes = [1], strides = [1]} : vector<16xi32> to vector<1xi32>
        %squeeze3A_957 = vector.extract %slice3A_956[0] : i32 from vector<1xi32>
        %dma_start3A_958 = arith.constant 25 : i32
        %dma_start3A_959 = arith.constant 0 : i32
        %dma_start3A_960 = tpu.memref_slice %arg7[%dma_start3A_958, %dma_start3A_959] : memref<32x1024xf32, #tpu.memory_space<vmem>> -> memref<1x1024xf32, #tpu.memory_space<vmem>>
        %dma_start3A_961 = tpu.memref_squeeze %dma_start3A_960 : memref<1x1024xf32, #tpu.memory_space<vmem>> -> memref<1024xf32, #tpu.memory_space<vmem>>
        %dma_start3A_962 = arith.constant 0 : i32
        %dma_start3A_963 = tpu.memref_slice %arg8[%squeeze3A_957, %dma_start3A_962] : memref<256x1024xf32, #tpu.memory_space<vmem_shared>> -> memref<1x1024xf32, #tpu.memory_space<vmem_shared>>
        %dma_start3A_964 = tpu.memref_squeeze %dma_start3A_963 : memref<1x1024xf32, #tpu.memory_space<vmem_shared>> -> memref<1024xf32, #tpu.memory_space<vmem_shared>>
        %dma_start3A_965 = arith.constant 0 : i32
        %dma_start3A_966 = tpu.memref_slice %arg7[%dma_start3A_958, %dma_start3A_965] : memref<32x1024xf32, #tpu.memory_space<vmem>> -> memref<1x1024xf32, #tpu.memory_space<vmem>>
        %dma_start3A_967 = tpu.memref_squeeze %dma_start3A_966 : memref<1x1024xf32, #tpu.memory_space<vmem>> -> memref<1024xf32, #tpu.memory_space<vmem>>
        %dma_start3A_968 = arith.constant 0 : i32
        %dma_start3A_969 = tpu.memref_slice %arg8[%squeeze3A_957, %dma_start3A_968] : memref<256x1024xf32, #tpu.memory_space<vmem_shared>> -> memref<1x1024xf32, #tpu.memory_space<vmem_shared>>
        %dma_start3A_970 = tpu.memref_squeeze %dma_start3A_969 : memref<1x1024xf32, #tpu.memory_space<vmem_shared>> -> memref<1024xf32, #tpu.memory_space<vmem_shared>>
        tpu.enqueue_dma source(%dma_start3A_970 : memref<1024xf32, #tpu.memory_space<vmem_shared>>) target(%dma_start3A_967 : memref<1024xf32, #tpu.memory_space<vmem>>) target_semaphore(%arg10 : memref<!tpu.dma_semaphore, #tpu.memory_space<semaphore_mem>>)
        %slice3A_971 = vector.extract_strided_slice %get3A_820 {offsets = [10], sizes = [1], strides = [1]} : vector<16xi32> to vector<1xi32>
        %squeeze3A_972 = vector.extract %slice3A_971[0] : i32 from vector<1xi32>
        %dma_start3A_973 = arith.constant 26 : i32
        %dma_start3A_974 = arith.constant 0 : i32
        %dma_start3A_975 = tpu.memref_slice %arg7[%dma_start3A_973, %dma_start3A_974] : memref<32x1024xf32, #tpu.memory_space<vmem>> -> memref<1x1024xf32, #tpu.memory_space<vmem>>
        %dma_start3A_976 = tpu.memref_squeeze %dma_start3A_975 : memref<1x1024xf32, #tpu.memory_space<vmem>> -> memref<1024xf32, #tpu.memory_space<vmem>>
        %dma_start3A_977 = arith.constant 0 : i32
        %dma_start3A_978 = tpu.memref_slice %arg8[%squeeze3A_972, %dma_start3A_977] : memref<256x1024xf32, #tpu.memory_space<vmem_shared>> -> memref<1x1024xf32, #tpu.memory_space<vmem_shared>>
        %dma_start3A_979 = tpu.memref_squeeze %dma_start3A_978 : memref<1x1024xf32, #tpu.memory_space<vmem_shared>> -> memref<1024xf32, #tpu.memory_space<vmem_shared>>
        %dma_start3A_980 = arith.constant 0 : i32
        %dma_start3A_981 = tpu.memref_slice %arg7[%dma_start3A_973, %dma_start3A_980] : memref<32x1024xf32, #tpu.memory_space<vmem>> -> memref<1x1024xf32, #tpu.memory_space<vmem>>
        %dma_start3A_982 = tpu.memref_squeeze %dma_start3A_981 : memref<1x1024xf32, #tpu.memory_space<vmem>> -> memref<1024xf32, #tpu.memory_space<vmem>>
        %dma_start3A_983 = arith.constant 0 : i32
        %dma_start3A_984 = tpu.memref_slice %arg8[%squeeze3A_972, %dma_start3A_983] : memref<256x1024xf32, #tpu.memory_space<vmem_shared>> -> memref<1x1024xf32, #tpu.memory_space<vmem_shared>>
        %dma_start3A_985 = tpu.memref_squeeze %dma_start3A_984 : memref<1x1024xf32, #tpu.memory_space<vmem_shared>> -> memref<1024xf32, #tpu.memory_space<vmem_shared>>
        tpu.enqueue_dma source(%dma_start3A_985 : memref<1024xf32, #tpu.memory_space<vmem_shared>>) target(%dma_start3A_982 : memref<1024xf32, #tpu.memory_space<vmem>>) target_semaphore(%arg10 : memref<!tpu.dma_semaphore, #tpu.memory_space<semaphore_mem>>)
        %slice3A_986 = vector.extract_strided_slice %get3A_820 {offsets = [11], sizes = [1], strides = [1]} : vector<16xi32> to vector<1xi32>
        %squeeze3A_987 = vector.extract %slice3A_986[0] : i32 from vector<1xi32>
        %dma_start3A_988 = arith.constant 27 : i32
        %dma_start3A_989 = arith.constant 0 : i32
        %dma_start3A_990 = tpu.memref_slice %arg7[%dma_start3A_988, %dma_start3A_989] : memref<32x1024xf32, #tpu.memory_space<vmem>> -> memref<1x1024xf32, #tpu.memory_space<vmem>>
        %dma_start3A_991 = tpu.memref_squeeze %dma_start3A_990 : memref<1x1024xf32, #tpu.memory_space<vmem>> -> memref<1024xf32, #tpu.memory_space<vmem>>
        %dma_start3A_992 = arith.constant 0 : i32
        %dma_start3A_993 = tpu.memref_slice %arg8[%squeeze3A_987, %dma_start3A_992] : memref<256x1024xf32, #tpu.memory_space<vmem_shared>> -> memref<1x1024xf32, #tpu.memory_space<vmem_shared>>
        %dma_start3A_994 = tpu.memref_squeeze %dma_start3A_993 : memref<1x1024xf32, #tpu.memory_space<vmem_shared>> -> memref<1024xf32, #tpu.memory_space<vmem_shared>>
        %dma_start3A_995 = arith.constant 0 : i32
        %dma_start3A_996 = tpu.memref_slice %arg7[%dma_start3A_988, %dma_start3A_995] : memref<32x1024xf32, #tpu.memory_space<vmem>> -> memref<1x1024xf32, #tpu.memory_space<vmem>>
        %dma_start3A_997 = tpu.memref_squeeze %dma_start3A_996 : memref<1x1024xf32, #tpu.memory_space<vmem>> -> memref<1024xf32, #tpu.memory_space<vmem>>
        %dma_start3A_998 = arith.constant 0 : i32
        %dma_start3A_999 = tpu.memref_slice %arg8[%squeeze3A_987, %dma_start3A_998] : memref<256x1024xf32, #tpu.memory_space<vmem_shared>> -> memref<1x1024xf32, #tpu.memory_space<vmem_shared>>
        %dma_start3A_1000 = tpu.memref_squeeze %dma_start3A_999 : memref<1x1024xf32, #tpu.memory_space<vmem_shared>> -> memref<1024xf32, #tpu.memory_space<vmem_shared>>
        tpu.enqueue_dma source(%dma_start3A_1000 : memref<1024xf32, #tpu.memory_space<vmem_shared>>) target(%dma_start3A_997 : memref<1024xf32, #tpu.memory_space<vmem>>) target_semaphore(%arg10 : memref<!tpu.dma_semaphore, #tpu.memory_space<semaphore_mem>>)
        %slice3A_1001 = vector.extract_strided_slice %get3A_820 {offsets = [12], sizes = [1], strides = [1]} : vector<16xi32> to vector<1xi32>
        %squeeze3A_1002 = vector.extract %slice3A_1001[0] : i32 from vector<1xi32>
        %dma_start3A_1003 = arith.constant 28 : i32
        %dma_start3A_1004 = arith.constant 0 : i32
        %dma_start3A_1005 = tpu.memref_slice %arg7[%dma_start3A_1003, %dma_start3A_1004] : memref<32x1024xf32, #tpu.memory_space<vmem>> -> memref<1x1024xf32, #tpu.memory_space<vmem>>
        %dma_start3A_1006 = tpu.memref_squeeze %dma_start3A_1005 : memref<1x1024xf32, #tpu.memory_space<vmem>> -> memref<1024xf32, #tpu.memory_space<vmem>>
        %dma_start3A_1007 = arith.constant 0 : i32
        %dma_start3A_1008 = tpu.memref_slice %arg8[%squeeze3A_1002, %dma_start3A_1007] : memref<256x1024xf32, #tpu.memory_space<vmem_shared>> -> memref<1x1024xf32, #tpu.memory_space<vmem_shared>>
        %dma_start3A_1009 = tpu.memref_squeeze %dma_start3A_1008 : memref<1x1024xf32, #tpu.memory_space<vmem_shared>> -> memref<1024xf32, #tpu.memory_space<vmem_shared>>
        %dma_start3A_1010 = arith.constant 0 : i32
        %dma_start3A_1011 = tpu.memref_slice %arg7[%dma_start3A_1003, %dma_start3A_1010] : memref<32x1024xf32, #tpu.memory_space<vmem>> -> memref<1x1024xf32, #tpu.memory_space<vmem>>
        %dma_start3A_1012 = tpu.memref_squeeze %dma_start3A_1011 : memref<1x1024xf32, #tpu.memory_space<vmem>> -> memref<1024xf32, #tpu.memory_space<vmem>>
        %dma_start3A_1013 = arith.constant 0 : i32
        %dma_start3A_1014 = tpu.memref_slice %arg8[%squeeze3A_1002, %dma_start3A_1013] : memref<256x1024xf32, #tpu.memory_space<vmem_shared>> -> memref<1x1024xf32, #tpu.memory_space<vmem_shared>>
        %dma_start3A_1015 = tpu.memref_squeeze %dma_start3A_1014 : memref<1x1024xf32, #tpu.memory_space<vmem_shared>> -> memref<1024xf32, #tpu.memory_space<vmem_shared>>
        tpu.enqueue_dma source(%dma_start3A_1015 : memref<1024xf32, #tpu.memory_space<vmem_shared>>) target(%dma_start3A_1012 : memref<1024xf32, #tpu.memory_space<vmem>>) target_semaphore(%arg10 : memref<!tpu.dma_semaphore, #tpu.memory_space<semaphore_mem>>)
        %slice3A_1016 = vector.extract_strided_slice %get3A_820 {offsets = [13], sizes = [1], strides = [1]} : vector<16xi32> to vector<1xi32>
        %squeeze3A_1017 = vector.extract %slice3A_1016[0] : i32 from vector<1xi32>
        %dma_start3A_1018 = arith.constant 29 : i32
        %dma_start3A_1019 = arith.constant 0 : i32
        %dma_start3A_1020 = tpu.memref_slice %arg7[%dma_start3A_1018, %dma_start3A_1019] : memref<32x1024xf32, #tpu.memory_space<vmem>> -> memref<1x1024xf32, #tpu.memory_space<vmem>>
        %dma_start3A_1021 = tpu.memref_squeeze %dma_start3A_1020 : memref<1x1024xf32, #tpu.memory_space<vmem>> -> memref<1024xf32, #tpu.memory_space<vmem>>
        %dma_start3A_1022 = arith.constant 0 : i32
        %dma_start3A_1023 = tpu.memref_slice %arg8[%squeeze3A_1017, %dma_start3A_1022] : memref<256x1024xf32, #tpu.memory_space<vmem_shared>> -> memref<1x1024xf32, #tpu.memory_space<vmem_shared>>
        %dma_start3A_1024 = tpu.memref_squeeze %dma_start3A_1023 : memref<1x1024xf32, #tpu.memory_space<vmem_shared>> -> memref<1024xf32, #tpu.memory_space<vmem_shared>>
        %dma_start3A_1025 = arith.constant 0 : i32
        %dma_start3A_1026 = tpu.memref_slice %arg7[%dma_start3A_1018, %dma_start3A_1025] : memref<32x1024xf32, #tpu.memory_space<vmem>> -> memref<1x1024xf32, #tpu.memory_space<vmem>>
        %dma_start3A_1027 = tpu.memref_squeeze %dma_start3A_1026 : memref<1x1024xf32, #tpu.memory_space<vmem>> -> memref<1024xf32, #tpu.memory_space<vmem>>
        %dma_start3A_1028 = arith.constant 0 : i32
        %dma_start3A_1029 = tpu.memref_slice %arg8[%squeeze3A_1017, %dma_start3A_1028] : memref<256x1024xf32, #tpu.memory_space<vmem_shared>> -> memref<1x1024xf32, #tpu.memory_space<vmem_shared>>
        %dma_start3A_1030 = tpu.memref_squeeze %dma_start3A_1029 : memref<1x1024xf32, #tpu.memory_space<vmem_shared>> -> memref<1024xf32, #tpu.memory_space<vmem_shared>>
        tpu.enqueue_dma source(%dma_start3A_1030 : memref<1024xf32, #tpu.memory_space<vmem_shared>>) target(%dma_start3A_1027 : memref<1024xf32, #tpu.memory_space<vmem>>) target_semaphore(%arg10 : memref<!tpu.dma_semaphore, #tpu.memory_space<semaphore_mem>>)
        %slice3A_1031 = vector.extract_strided_slice %get3A_820 {offsets = [14], sizes = [1], strides = [1]} : vector<16xi32> to vector<1xi32>
        %squeeze3A_1032 = vector.extract %slice3A_1031[0] : i32 from vector<1xi32>
        %dma_start3A_1033 = arith.constant 30 : i32
        %dma_start3A_1034 = arith.constant 0 : i32
        %dma_start3A_1035 = tpu.memref_slice %arg7[%dma_start3A_1033, %dma_start3A_1034] : memref<32x1024xf32, #tpu.memory_space<vmem>> -> memref<1x1024xf32, #tpu.memory_space<vmem>>
        %dma_start3A_1036 = tpu.memref_squeeze %dma_start3A_1035 : memref<1x1024xf32, #tpu.memory_space<vmem>> -> memref<1024xf32, #tpu.memory_space<vmem>>
        %dma_start3A_1037 = arith.constant 0 : i32
        %dma_start3A_1038 = tpu.memref_slice %arg8[%squeeze3A_1032, %dma_start3A_1037] : memref<256x1024xf32, #tpu.memory_space<vmem_shared>> -> memref<1x1024xf32, #tpu.memory_space<vmem_shared>>
        %dma_start3A_1039 = tpu.memref_squeeze %dma_start3A_1038 : memref<1x1024xf32, #tpu.memory_space<vmem_shared>> -> memref<1024xf32, #tpu.memory_space<vmem_shared>>
        %dma_start3A_1040 = arith.constant 0 : i32
        %dma_start3A_1041 = tpu.memref_slice %arg7[%dma_start3A_1033, %dma_start3A_1040] : memref<32x1024xf32, #tpu.memory_space<vmem>> -> memref<1x1024xf32, #tpu.memory_space<vmem>>
        %dma_start3A_1042 = tpu.memref_squeeze %dma_start3A_1041 : memref<1x1024xf32, #tpu.memory_space<vmem>> -> memref<1024xf32, #tpu.memory_space<vmem>>
        %dma_start3A_1043 = arith.constant 0 : i32
        %dma_start3A_1044 = tpu.memref_slice %arg8[%squeeze3A_1032, %dma_start3A_1043] : memref<256x1024xf32, #tpu.memory_space<vmem_shared>> -> memref<1x1024xf32, #tpu.memory_space<vmem_shared>>
        %dma_start3A_1045 = tpu.memref_squeeze %dma_start3A_1044 : memref<1x1024xf32, #tpu.memory_space<vmem_shared>> -> memref<1024xf32, #tpu.memory_space<vmem_shared>>
        tpu.enqueue_dma source(%dma_start3A_1045 : memref<1024xf32, #tpu.memory_space<vmem_shared>>) target(%dma_start3A_1042 : memref<1024xf32, #tpu.memory_space<vmem>>) target_semaphore(%arg10 : memref<!tpu.dma_semaphore, #tpu.memory_space<semaphore_mem>>)
        %slice3A_1046 = vector.extract_strided_slice %get3A_820 {offsets = [15], sizes = [1], strides = [1]} : vector<16xi32> to vector<1xi32>
        %squeeze3A_1047 = vector.extract %slice3A_1046[0] : i32 from vector<1xi32>
        %dma_start3A_1048 = arith.constant 31 : i32
        %dma_start3A_1049 = arith.constant 0 : i32
        %dma_start3A_1050 = tpu.memref_slice %arg7[%dma_start3A_1048, %dma_start3A_1049] : memref<32x1024xf32, #tpu.memory_space<vmem>> -> memref<1x1024xf32, #tpu.memory_space<vmem>>
        %dma_start3A_1051 = tpu.memref_squeeze %dma_start3A_1050 : memref<1x1024xf32, #tpu.memory_space<vmem>> -> memref<1024xf32, #tpu.memory_space<vmem>>
        %dma_start3A_1052 = arith.constant 0 : i32
        %dma_start3A_1053 = tpu.memref_slice %arg8[%squeeze3A_1047, %dma_start3A_1052] : memref<256x1024xf32, #tpu.memory_space<vmem_shared>> -> memref<1x1024xf32, #tpu.memory_space<vmem_shared>>
        %dma_start3A_1054 = tpu.memref_squeeze %dma_start3A_1053 : memref<1x1024xf32, #tpu.memory_space<vmem_shared>> -> memref<1024xf32, #tpu.memory_space<vmem_shared>>
        %dma_start3A_1055 = arith.constant 0 : i32
        %dma_start3A_1056 = tpu.memref_slice %arg7[%dma_start3A_1048, %dma_start3A_1055] : memref<32x1024xf32, #tpu.memory_space<vmem>> -> memref<1x1024xf32, #tpu.memory_space<vmem>>
        %dma_start3A_1057 = tpu.memref_squeeze %dma_start3A_1056 : memref<1x1024xf32, #tpu.memory_space<vmem>> -> memref<1024xf32, #tpu.memory_space<vmem>>
        %dma_start3A_1058 = arith.constant 0 : i32
        %dma_start3A_1059 = tpu.memref_slice %arg8[%squeeze3A_1047, %dma_start3A_1058] : memref<256x1024xf32, #tpu.memory_space<vmem_shared>> -> memref<1x1024xf32, #tpu.memory_space<vmem_shared>>
        %dma_start3A_1060 = tpu.memref_squeeze %dma_start3A_1059 : memref<1x1024xf32, #tpu.memory_space<vmem_shared>> -> memref<1024xf32, #tpu.memory_space<vmem_shared>>
        tpu.enqueue_dma source(%dma_start3A_1060 : memref<1024xf32, #tpu.memory_space<vmem_shared>>) target(%dma_start3A_1057 : memref<1024xf32, #tpu.memory_space<vmem>>) target_semaphore(%arg10 : memref<!tpu.dma_semaphore, #tpu.memory_space<semaphore_mem>>)
      } else {
      }
      %dma_wait3A_526 = arith.constant 0 : i32
      %dma_wait3A_527 = arith.constant 0 : i32
      %dma_wait3A_528 = tpu.memref_slice %arg3[%dma_wait3A_526, %dma_wait3A_527] : memref<256x1024xf32, #tpu.memory_space<hbm>> -> memref<32x1024xf32, #tpu.memory_space<hbm>>
      %dma_wait3A_529 = arith.constant 0 : i32
      %dma_wait3A_530 = arith.constant 0 : i32
      %dma_wait3A_531 = tpu.memref_slice %arg3[%dma_wait3A_529, %dma_wait3A_530] : memref<256x1024xf32, #tpu.memory_space<hbm>> -> memref<32x1024xf32, #tpu.memory_space<hbm>>
      tpu.wait_dma2 semaphore(%arg9 : memref<!tpu.dma_semaphore, #tpu.memory_space<semaphore_mem>>) src(%dma_wait3A_531 : memref<32x1024xf32, #tpu.memory_space<hbm>>) dst(%arg6 : memref<32x1024xf32, #tpu.memory_space<vmem>>)
      %mul3A_532 = arith.constant 32 : i32
      %mul3A_533 = arith.muli %add3A_511, %mul3A_532 : i32
      %add3A_534 = arith.addi %mul3A_4, %mul3A_533 : i32
      %dma_start3A_535 = arith.constant 0 : i32
      %dma_start3A_536 = tpu.memref_slice %arg4[%add3A_534, %dma_start3A_535] : memref<32768x1024xf32, #tpu.memory_space<hbm>> -> memref<32x1024xf32, #tpu.memory_space<hbm>>
      %dma_start3A_537 = arith.constant 0 : i32
      %dma_start3A_538 = tpu.memref_slice %arg4[%add3A_534, %dma_start3A_537] : memref<32768x1024xf32, #tpu.memory_space<hbm>> -> memref<32x1024xf32, #tpu.memory_space<hbm>>
      tpu.enqueue_dma source(%arg6 : memref<32x1024xf32, #tpu.memory_space<vmem>>) target(%dma_start3A_538 : memref<32x1024xf32, #tpu.memory_space<hbm>>) target_semaphore(%arg11 : memref<!tpu.dma_semaphore, #tpu.memory_space<semaphore_mem>>)
      %add3A_539 = arith.constant 1 : i32
      %add3A_540 = arith.addi %mul3A_509, %add3A_539 : i32
      %add3A_541 = arith.constant 1 : i32
      %add3A_542 = arith.addi %add3A_540, %add3A_541 : i32
      %lt3A_543 = arith.constant 32 : i32
      %lt3A_544 = arith.cmpi slt, %add3A_542, %lt3A_543 : i32
      %ge3A_545 = arith.constant 1 : i32
      %ge3A_546 = arith.cmpi sge, %add3A_540, %ge3A_545 : i32
      %and3A_547 = arith.andi %lt3A_544, %ge3A_546 : i1
      %convert_element_type3A_548 = arith.extui %and3A_547 : i1 to i32
      %cond3A_549 = arith.constant 0 : i32
      %cond3A_550 = arith.cmpi ne, %convert_element_type3A_548, %cond3A_549 : i32
      scf.if %cond3A_550 {
        %dma_wait3A_571 = arith.constant 0 : i32
        %dma_wait3A_572 = arith.constant 0 : i32
        %dma_wait3A_573 = tpu.memref_slice %arg4[%dma_wait3A_571, %dma_wait3A_572] : memref<32768x1024xf32, #tpu.memory_space<hbm>> -> memref<32x1024xf32, #tpu.memory_space<hbm>>
        %dma_wait3A_574 = arith.constant 0 : i32
        %dma_wait3A_575 = arith.constant 0 : i32
        %dma_wait3A_576 = tpu.memref_slice %arg4[%dma_wait3A_574, %dma_wait3A_575] : memref<32768x1024xf32, #tpu.memory_space<hbm>> -> memref<32x1024xf32, #tpu.memory_space<hbm>>
        tpu.wait_dma2 semaphore(%arg11 : memref<!tpu.dma_semaphore, #tpu.memory_space<semaphore_mem>>) src(%arg6 : memref<32x1024xf32, #tpu.memory_space<vmem>>) dst(%dma_wait3A_576 : memref<32x1024xf32, #tpu.memory_space<hbm>>)
      } else {
      }
      %add3A_551 = arith.constant 1 : i32
      %add3A_552 = arith.addi %add3A_540, %add3A_551 : i32
      %lt3A_553 = arith.constant 32 : i32
      %lt3A_554 = arith.cmpi slt, %add3A_552, %lt3A_553 : i32
      %convert_element_type3A_555 = arith.extui %lt3A_554 : i1 to i32
      %cond3A_556 = arith.constant 0 : i32
      %cond3A_557 = arith.cmpi ne, %convert_element_type3A_555, %cond3A_556 : i32
      scf.if %cond3A_557 {
        %add3A_571 = arith.constant 1 : i32
        %add3A_572 = arith.addi %add3A_540, %add3A_571 : i32
        %get3A_573 = arith.index_cast %add3A_572 : i32 to index
        %get3A_574 = arith.constant 0 : index
        %get3A_575 = tpu.vector_load %arg5[%get3A_573, %get3A_574] {strides = array<i32>} : memref<32x32xi32, #tpu.memory_space<vmem>>, vector<1x16xi32>,
        %get3A_576 = vector.shape_cast %get3A_575 : vector<1x16xi32> to vector<16xi32>
        %slice3A_577 = vector.extract_strided_slice %get3A_576 {offsets = [0], sizes = [1], strides = [1]} : vector<16xi32> to vector<1xi32>
        %squeeze3A_578 = vector.extract %slice3A_577[0] : i32 from vector<1xi32>
        %dma_start3A_579 = arith.constant 0 : i32
        %dma_start3A_580 = arith.constant 0 : i32
        %dma_start3A_581 = tpu.memref_slice %arg6[%dma_start3A_579, %dma_start3A_580] : memref<32x1024xf32, #tpu.memory_space<vmem>> -> memref<1x1024xf32, #tpu.memory_space<vmem>>
        %dma_start3A_582 = tpu.memref_squeeze %dma_start3A_581 : memref<1x1024xf32, #tpu.memory_space<vmem>> -> memref<1024xf32, #tpu.memory_space<vmem>>
        %dma_start3A_583 = arith.constant 0 : i32
        %dma_start3A_584 = tpu.memref_slice %arg8[%squeeze3A_578, %dma_start3A_583] : memref<256x1024xf32, #tpu.memory_space<vmem_shared>> -> memref<1x1024xf32, #tpu.memory_space<vmem_shared>>
        %dma_start3A_585 = tpu.memref_squeeze %dma_start3A_584 : memref<1x1024xf32, #tpu.memory_space<vmem_shared>> -> memref<1024xf32, #tpu.memory_space<vmem_shared>>
        %dma_start3A_586 = arith.constant 0 : i32
        %dma_start3A_587 = tpu.memref_slice %arg6[%dma_start3A_579, %dma_start3A_586] : memref<32x1024xf32, #tpu.memory_space<vmem>> -> memref<1x1024xf32, #tpu.memory_space<vmem>>
        %dma_start3A_588 = tpu.memref_squeeze %dma_start3A_587 : memref<1x1024xf32, #tpu.memory_space<vmem>> -> memref<1024xf32, #tpu.memory_space<vmem>>
        %dma_start3A_589 = arith.constant 0 : i32
        %dma_start3A_590 = tpu.memref_slice %arg8[%squeeze3A_578, %dma_start3A_589] : memref<256x1024xf32, #tpu.memory_space<vmem_shared>> -> memref<1x1024xf32, #tpu.memory_space<vmem_shared>>
        %dma_start3A_591 = tpu.memref_squeeze %dma_start3A_590 : memref<1x1024xf32, #tpu.memory_space<vmem_shared>> -> memref<1024xf32, #tpu.memory_space<vmem_shared>>
        tpu.enqueue_dma source(%dma_start3A_591 : memref<1024xf32, #tpu.memory_space<vmem_shared>>) target(%dma_start3A_588 : memref<1024xf32, #tpu.memory_space<vmem>>) target_semaphore(%arg9 : memref<!tpu.dma_semaphore, #tpu.memory_space<semaphore_mem>>)
        %slice3A_592 = vector.extract_strided_slice %get3A_576 {offsets = [1], sizes = [1], strides = [1]} : vector<16xi32> to vector<1xi32>
        %squeeze3A_593 = vector.extract %slice3A_592[0] : i32 from vector<1xi32>
        %dma_start3A_594 = arith.constant 1 : i32
        %dma_start3A_595 = arith.constant 0 : i32
        %dma_start3A_596 = tpu.memref_slice %arg6[%dma_start3A_594, %dma_start3A_595] : memref<32x1024xf32, #tpu.memory_space<vmem>> -> memref<1x1024xf32, #tpu.memory_space<vmem>>
        %dma_start3A_597 = tpu.memref_squeeze %dma_start3A_596 : memref<1x1024xf32, #tpu.memory_space<vmem>> -> memref<1024xf32, #tpu.memory_space<vmem>>
        %dma_start3A_598 = arith.constant 0 : i32
        %dma_start3A_599 = tpu.memref_slice %arg8[%squeeze3A_593, %dma_start3A_598] : memref<256x1024xf32, #tpu.memory_space<vmem_shared>> -> memref<1x1024xf32, #tpu.memory_space<vmem_shared>>
        %dma_start3A_600 = tpu.memref_squeeze %dma_start3A_599 : memref<1x1024xf32, #tpu.memory_space<vmem_shared>> -> memref<1024xf32, #tpu.memory_space<vmem_shared>>
        %dma_start3A_601 = arith.constant 0 : i32
        %dma_start3A_602 = tpu.memref_slice %arg6[%dma_start3A_594, %dma_start3A_601] : memref<32x1024xf32, #tpu.memory_space<vmem>> -> memref<1x1024xf32, #tpu.memory_space<vmem>>
        %dma_start3A_603 = tpu.memref_squeeze %dma_start3A_602 : memref<1x1024xf32, #tpu.memory_space<vmem>> -> memref<1024xf32, #tpu.memory_space<vmem>>
        %dma_start3A_604 = arith.constant 0 : i32
        %dma_start3A_605 = tpu.memref_slice %arg8[%squeeze3A_593, %dma_start3A_604] : memref<256x1024xf32, #tpu.memory_space<vmem_shared>> -> memref<1x1024xf32, #tpu.memory_space<vmem_shared>>
        %dma_start3A_606 = tpu.memref_squeeze %dma_start3A_605 : memref<1x1024xf32, #tpu.memory_space<vmem_shared>> -> memref<1024xf32, #tpu.memory_space<vmem_shared>>
        tpu.enqueue_dma source(%dma_start3A_606 : memref<1024xf32, #tpu.memory_space<vmem_shared>>) target(%dma_start3A_603 : memref<1024xf32, #tpu.memory_space<vmem>>) target_semaphore(%arg9 : memref<!tpu.dma_semaphore, #tpu.memory_space<semaphore_mem>>)
        %slice3A_607 = vector.extract_strided_slice %get3A_576 {offsets = [2], sizes = [1], strides = [1]} : vector<16xi32> to vector<1xi32>
        %squeeze3A_608 = vector.extract %slice3A_607[0] : i32 from vector<1xi32>
        %dma_start3A_609 = arith.constant 2 : i32
        %dma_start3A_610 = arith.constant 0 : i32
        %dma_start3A_611 = tpu.memref_slice %arg6[%dma_start3A_609, %dma_start3A_610] : memref<32x1024xf32, #tpu.memory_space<vmem>> -> memref<1x1024xf32, #tpu.memory_space<vmem>>
        %dma_start3A_612 = tpu.memref_squeeze %dma_start3A_611 : memref<1x1024xf32, #tpu.memory_space<vmem>> -> memref<1024xf32, #tpu.memory_space<vmem>>
        %dma_start3A_613 = arith.constant 0 : i32
        %dma_start3A_614 = tpu.memref_slice %arg8[%squeeze3A_608, %dma_start3A_613] : memref<256x1024xf32, #tpu.memory_space<vmem_shared>> -> memref<1x1024xf32, #tpu.memory_space<vmem_shared>>
        %dma_start3A_615 = tpu.memref_squeeze %dma_start3A_614 : memref<1x1024xf32, #tpu.memory_space<vmem_shared>> -> memref<1024xf32, #tpu.memory_space<vmem_shared>>
        %dma_start3A_616 = arith.constant 0 : i32
        %dma_start3A_617 = tpu.memref_slice %arg6[%dma_start3A_609, %dma_start3A_616] : memref<32x1024xf32, #tpu.memory_space<vmem>> -> memref<1x1024xf32, #tpu.memory_space<vmem>>
        %dma_start3A_618 = tpu.memref_squeeze %dma_start3A_617 : memref<1x1024xf32, #tpu.memory_space<vmem>> -> memref<1024xf32, #tpu.memory_space<vmem>>
        %dma_start3A_619 = arith.constant 0 : i32
        %dma_start3A_620 = tpu.memref_slice %arg8[%squeeze3A_608, %dma_start3A_619] : memref<256x1024xf32, #tpu.memory_space<vmem_shared>> -> memref<1x1024xf32, #tpu.memory_space<vmem_shared>>
        %dma_start3A_621 = tpu.memref_squeeze %dma_start3A_620 : memref<1x1024xf32, #tpu.memory_space<vmem_shared>> -> memref<1024xf32, #tpu.memory_space<vmem_shared>>
        tpu.enqueue_dma source(%dma_start3A_621 : memref<1024xf32, #tpu.memory_space<vmem_shared>>) target(%dma_start3A_618 : memref<1024xf32, #tpu.memory_space<vmem>>) target_semaphore(%arg9 : memref<!tpu.dma_semaphore, #tpu.memory_space<semaphore_mem>>)
        %slice3A_622 = vector.extract_strided_slice %get3A_576 {offsets = [3], sizes = [1], strides = [1]} : vector<16xi32> to vector<1xi32>
        %squeeze3A_623 = vector.extract %slice3A_622[0] : i32 from vector<1xi32>
        %dma_start3A_624 = arith.constant 3 : i32
        %dma_start3A_625 = arith.constant 0 : i32
        %dma_start3A_626 = tpu.memref_slice %arg6[%dma_start3A_624, %dma_start3A_625] : memref<32x1024xf32, #tpu.memory_space<vmem>> -> memref<1x1024xf32, #tpu.memory_space<vmem>>
        %dma_start3A_627 = tpu.memref_squeeze %dma_start3A_626 : memref<1x1024xf32, #tpu.memory_space<vmem>> -> memref<1024xf32, #tpu.memory_space<vmem>>
        %dma_start3A_628 = arith.constant 0 : i32
        %dma_start3A_629 = tpu.memref_slice %arg8[%squeeze3A_623, %dma_start3A_628] : memref<256x1024xf32, #tpu.memory_space<vmem_shared>> -> memref<1x1024xf32, #tpu.memory_space<vmem_shared>>
        %dma_start3A_630 = tpu.memref_squeeze %dma_start3A_629 : memref<1x1024xf32, #tpu.memory_space<vmem_shared>> -> memref<1024xf32, #tpu.memory_space<vmem_shared>>
        %dma_start3A_631 = arith.constant 0 : i32
        %dma_start3A_632 = tpu.memref_slice %arg6[%dma_start3A_624, %dma_start3A_631] : memref<32x1024xf32, #tpu.memory_space<vmem>> -> memref<1x1024xf32, #tpu.memory_space<vmem>>
        %dma_start3A_633 = tpu.memref_squeeze %dma_start3A_632 : memref<1x1024xf32, #tpu.memory_space<vmem>> -> memref<1024xf32, #tpu.memory_space<vmem>>
        %dma_start3A_634 = arith.constant 0 : i32
        %dma_start3A_635 = tpu.memref_slice %arg8[%squeeze3A_623, %dma_start3A_634] : memref<256x1024xf32, #tpu.memory_space<vmem_shared>> -> memref<1x1024xf32, #tpu.memory_space<vmem_shared>>
        %dma_start3A_636 = tpu.memref_squeeze %dma_start3A_635 : memref<1x1024xf32, #tpu.memory_space<vmem_shared>> -> memref<1024xf32, #tpu.memory_space<vmem_shared>>
        tpu.enqueue_dma source(%dma_start3A_636 : memref<1024xf32, #tpu.memory_space<vmem_shared>>) target(%dma_start3A_633 : memref<1024xf32, #tpu.memory_space<vmem>>) target_semaphore(%arg9 : memref<!tpu.dma_semaphore, #tpu.memory_space<semaphore_mem>>)
        %slice3A_637 = vector.extract_strided_slice %get3A_576 {offsets = [4], sizes = [1], strides = [1]} : vector<16xi32> to vector<1xi32>
        %squeeze3A_638 = vector.extract %slice3A_637[0] : i32 from vector<1xi32>
        %dma_start3A_639 = arith.constant 4 : i32
        %dma_start3A_640 = arith.constant 0 : i32
        %dma_start3A_641 = tpu.memref_slice %arg6[%dma_start3A_639, %dma_start3A_640] : memref<32x1024xf32, #tpu.memory_space<vmem>> -> memref<1x1024xf32, #tpu.memory_space<vmem>>
        %dma_start3A_642 = tpu.memref_squeeze %dma_start3A_641 : memref<1x1024xf32, #tpu.memory_space<vmem>> -> memref<1024xf32, #tpu.memory_space<vmem>>
        %dma_start3A_643 = arith.constant 0 : i32
        %dma_start3A_644 = tpu.memref_slice %arg8[%squeeze3A_638, %dma_start3A_643] : memref<256x1024xf32, #tpu.memory_space<vmem_shared>> -> memref<1x1024xf32, #tpu.memory_space<vmem_shared>>
        %dma_start3A_645 = tpu.memref_squeeze %dma_start3A_644 : memref<1x1024xf32, #tpu.memory_space<vmem_shared>> -> memref<1024xf32, #tpu.memory_space<vmem_shared>>
        %dma_start3A_646 = arith.constant 0 : i32
        %dma_start3A_647 = tpu.memref_slice %arg6[%dma_start3A_639, %dma_start3A_646] : memref<32x1024xf32, #tpu.memory_space<vmem>> -> memref<1x1024xf32, #tpu.memory_space<vmem>>
        %dma_start3A_648 = tpu.memref_squeeze %dma_start3A_647 : memref<1x1024xf32, #tpu.memory_space<vmem>> -> memref<1024xf32, #tpu.memory_space<vmem>>
        %dma_start3A_649 = arith.constant 0 : i32
        %dma_start3A_650 = tpu.memref_slice %arg8[%squeeze3A_638, %dma_start3A_649] : memref<256x1024xf32, #tpu.memory_space<vmem_shared>> -> memref<1x1024xf32, #tpu.memory_space<vmem_shared>>
        %dma_start3A_651 = tpu.memref_squeeze %dma_start3A_650 : memref<1x1024xf32, #tpu.memory_space<vmem_shared>> -> memref<1024xf32, #tpu.memory_space<vmem_shared>>
        tpu.enqueue_dma source(%dma_start3A_651 : memref<1024xf32, #tpu.memory_space<vmem_shared>>) target(%dma_start3A_648 : memref<1024xf32, #tpu.memory_space<vmem>>) target_semaphore(%arg9 : memref<!tpu.dma_semaphore, #tpu.memory_space<semaphore_mem>>)
        %slice3A_652 = vector.extract_strided_slice %get3A_576 {offsets = [5], sizes = [1], strides = [1]} : vector<16xi32> to vector<1xi32>
        %squeeze3A_653 = vector.extract %slice3A_652[0] : i32 from vector<1xi32>
        %dma_start3A_654 = arith.constant 5 : i32
        %dma_start3A_655 = arith.constant 0 : i32
        %dma_start3A_656 = tpu.memref_slice %arg6[%dma_start3A_654, %dma_start3A_655] : memref<32x1024xf32, #tpu.memory_space<vmem>> -> memref<1x1024xf32, #tpu.memory_space<vmem>>
        %dma_start3A_657 = tpu.memref_squeeze %dma_start3A_656 : memref<1x1024xf32, #tpu.memory_space<vmem>> -> memref<1024xf32, #tpu.memory_space<vmem>>
        %dma_start3A_658 = arith.constant 0 : i32
        %dma_start3A_659 = tpu.memref_slice %arg8[%squeeze3A_653, %dma_start3A_658] : memref<256x1024xf32, #tpu.memory_space<vmem_shared>> -> memref<1x1024xf32, #tpu.memory_space<vmem_shared>>
        %dma_start3A_660 = tpu.memref_squeeze %dma_start3A_659 : memref<1x1024xf32, #tpu.memory_space<vmem_shared>> -> memref<1024xf32, #tpu.memory_space<vmem_shared>>
        %dma_start3A_661 = arith.constant 0 : i32
        %dma_start3A_662 = tpu.memref_slice %arg6[%dma_start3A_654, %dma_start3A_661] : memref<32x1024xf32, #tpu.memory_space<vmem>> -> memref<1x1024xf32, #tpu.memory_space<vmem>>
        %dma_start3A_663 = tpu.memref_squeeze %dma_start3A_662 : memref<1x1024xf32, #tpu.memory_space<vmem>> -> memref<1024xf32, #tpu.memory_space<vmem>>
        %dma_start3A_664 = arith.constant 0 : i32
        %dma_start3A_665 = tpu.memref_slice %arg8[%squeeze3A_653, %dma_start3A_664] : memref<256x1024xf32, #tpu.memory_space<vmem_shared>> -> memref<1x1024xf32, #tpu.memory_space<vmem_shared>>
        %dma_start3A_666 = tpu.memref_squeeze %dma_start3A_665 : memref<1x1024xf32, #tpu.memory_space<vmem_shared>> -> memref<1024xf32, #tpu.memory_space<vmem_shared>>
        tpu.enqueue_dma source(%dma_start3A_666 : memref<1024xf32, #tpu.memory_space<vmem_shared>>) target(%dma_start3A_663 : memref<1024xf32, #tpu.memory_space<vmem>>) target_semaphore(%arg9 : memref<!tpu.dma_semaphore, #tpu.memory_space<semaphore_mem>>)
        %slice3A_667 = vector.extract_strided_slice %get3A_576 {offsets = [6], sizes = [1], strides = [1]} : vector<16xi32> to vector<1xi32>
        %squeeze3A_668 = vector.extract %slice3A_667[0] : i32 from vector<1xi32>
        %dma_start3A_669 = arith.constant 6 : i32
        %dma_start3A_670 = arith.constant 0 : i32
        %dma_start3A_671 = tpu.memref_slice %arg6[%dma_start3A_669, %dma_start3A_670] : memref<32x1024xf32, #tpu.memory_space<vmem>> -> memref<1x1024xf32, #tpu.memory_space<vmem>>
        %dma_start3A_672 = tpu.memref_squeeze %dma_start3A_671 : memref<1x1024xf32, #tpu.memory_space<vmem>> -> memref<1024xf32, #tpu.memory_space<vmem>>
        %dma_start3A_673 = arith.constant 0 : i32
        %dma_start3A_674 = tpu.memref_slice %arg8[%squeeze3A_668, %dma_start3A_673] : memref<256x1024xf32, #tpu.memory_space<vmem_shared>> -> memref<1x1024xf32, #tpu.memory_space<vmem_shared>>
        %dma_start3A_675 = tpu.memref_squeeze %dma_start3A_674 : memref<1x1024xf32, #tpu.memory_space<vmem_shared>> -> memref<1024xf32, #tpu.memory_space<vmem_shared>>
        %dma_start3A_676 = arith.constant 0 : i32
        %dma_start3A_677 = tpu.memref_slice %arg6[%dma_start3A_669, %dma_start3A_676] : memref<32x1024xf32, #tpu.memory_space<vmem>> -> memref<1x1024xf32, #tpu.memory_space<vmem>>
        %dma_start3A_678 = tpu.memref_squeeze %dma_start3A_677 : memref<1x1024xf32, #tpu.memory_space<vmem>> -> memref<1024xf32, #tpu.memory_space<vmem>>
        %dma_start3A_679 = arith.constant 0 : i32
        %dma_start3A_680 = tpu.memref_slice %arg8[%squeeze3A_668, %dma_start3A_679] : memref<256x1024xf32, #tpu.memory_space<vmem_shared>> -> memref<1x1024xf32, #tpu.memory_space<vmem_shared>>
        %dma_start3A_681 = tpu.memref_squeeze %dma_start3A_680 : memref<1x1024xf32, #tpu.memory_space<vmem_shared>> -> memref<1024xf32, #tpu.memory_space<vmem_shared>>
        tpu.enqueue_dma source(%dma_start3A_681 : memref<1024xf32, #tpu.memory_space<vmem_shared>>) target(%dma_start3A_678 : memref<1024xf32, #tpu.memory_space<vmem>>) target_semaphore(%arg9 : memref<!tpu.dma_semaphore, #tpu.memory_space<semaphore_mem>>)
        %slice3A_682 = vector.extract_strided_slice %get3A_576 {offsets = [7], sizes = [1], strides = [1]} : vector<16xi32> to vector<1xi32>
        %squeeze3A_683 = vector.extract %slice3A_682[0] : i32 from vector<1xi32>
        %dma_start3A_684 = arith.constant 7 : i32
        %dma_start3A_685 = arith.constant 0 : i32
        %dma_start3A_686 = tpu.memref_slice %arg6[%dma_start3A_684, %dma_start3A_685] : memref<32x1024xf32, #tpu.memory_space<vmem>> -> memref<1x1024xf32, #tpu.memory_space<vmem>>
        %dma_start3A_687 = tpu.memref_squeeze %dma_start3A_686 : memref<1x1024xf32, #tpu.memory_space<vmem>> -> memref<1024xf32, #tpu.memory_space<vmem>>
        %dma_start3A_688 = arith.constant 0 : i32
        %dma_start3A_689 = tpu.memref_slice %arg8[%squeeze3A_683, %dma_start3A_688] : memref<256x1024xf32, #tpu.memory_space<vmem_shared>> -> memref<1x1024xf32, #tpu.memory_space<vmem_shared>>
        %dma_start3A_690 = tpu.memref_squeeze %dma_start3A_689 : memref<1x1024xf32, #tpu.memory_space<vmem_shared>> -> memref<1024xf32, #tpu.memory_space<vmem_shared>>
        %dma_start3A_691 = arith.constant 0 : i32
        %dma_start3A_692 = tpu.memref_slice %arg6[%dma_start3A_684, %dma_start3A_691] : memref<32x1024xf32, #tpu.memory_space<vmem>> -> memref<1x1024xf32, #tpu.memory_space<vmem>>
        %dma_start3A_693 = tpu.memref_squeeze %dma_start3A_692 : memref<1x1024xf32, #tpu.memory_space<vmem>> -> memref<1024xf32, #tpu.memory_space<vmem>>
        %dma_start3A_694 = arith.constant 0 : i32
        %dma_start3A_695 = tpu.memref_slice %arg8[%squeeze3A_683, %dma_start3A_694] : memref<256x1024xf32, #tpu.memory_space<vmem_shared>> -> memref<1x1024xf32, #tpu.memory_space<vmem_shared>>
        %dma_start3A_696 = tpu.memref_squeeze %dma_start3A_695 : memref<1x1024xf32, #tpu.memory_space<vmem_shared>> -> memref<1024xf32, #tpu.memory_space<vmem_shared>>
        tpu.enqueue_dma source(%dma_start3A_696 : memref<1024xf32, #tpu.memory_space<vmem_shared>>) target(%dma_start3A_693 : memref<1024xf32, #tpu.memory_space<vmem>>) target_semaphore(%arg9 : memref<!tpu.dma_semaphore, #tpu.memory_space<semaphore_mem>>)
        %slice3A_697 = vector.extract_strided_slice %get3A_576 {offsets = [8], sizes = [1], strides = [1]} : vector<16xi32> to vector<1xi32>
        %squeeze3A_698 = vector.extract %slice3A_697[0] : i32 from vector<1xi32>
        %dma_start3A_699 = arith.constant 8 : i32
        %dma_start3A_700 = arith.constant 0 : i32
        %dma_start3A_701 = tpu.memref_slice %arg6[%dma_start3A_699, %dma_start3A_700] : memref<32x1024xf32, #tpu.memory_space<vmem>> -> memref<1x1024xf32, #tpu.memory_space<vmem>>
        %dma_start3A_702 = tpu.memref_squeeze %dma_start3A_701 : memref<1x1024xf32, #tpu.memory_space<vmem>> -> memref<1024xf32, #tpu.memory_space<vmem>>
        %dma_start3A_703 = arith.constant 0 : i32
        %dma_start3A_704 = tpu.memref_slice %arg8[%squeeze3A_698, %dma_start3A_703] : memref<256x1024xf32, #tpu.memory_space<vmem_shared>> -> memref<1x1024xf32, #tpu.memory_space<vmem_shared>>
        %dma_start3A_705 = tpu.memref_squeeze %dma_start3A_704 : memref<1x1024xf32, #tpu.memory_space<vmem_shared>> -> memref<1024xf32, #tpu.memory_space<vmem_shared>>
        %dma_start3A_706 = arith.constant 0 : i32
        %dma_start3A_707 = tpu.memref_slice %arg6[%dma_start3A_699, %dma_start3A_706] : memref<32x1024xf32, #tpu.memory_space<vmem>> -> memref<1x1024xf32, #tpu.memory_space<vmem>>
        %dma_start3A_708 = tpu.memref_squeeze %dma_start3A_707 : memref<1x1024xf32, #tpu.memory_space<vmem>> -> memref<1024xf32, #tpu.memory_space<vmem>>
        %dma_start3A_709 = arith.constant 0 : i32
        %dma_start3A_710 = tpu.memref_slice %arg8[%squeeze3A_698, %dma_start3A_709] : memref<256x1024xf32, #tpu.memory_space<vmem_shared>> -> memref<1x1024xf32, #tpu.memory_space<vmem_shared>>
        %dma_start3A_711 = tpu.memref_squeeze %dma_start3A_710 : memref<1x1024xf32, #tpu.memory_space<vmem_shared>> -> memref<1024xf32, #tpu.memory_space<vmem_shared>>
        tpu.enqueue_dma source(%dma_start3A_711 : memref<1024xf32, #tpu.memory_space<vmem_shared>>) target(%dma_start3A_708 : memref<1024xf32, #tpu.memory_space<vmem>>) target_semaphore(%arg9 : memref<!tpu.dma_semaphore, #tpu.memory_space<semaphore_mem>>)
        %slice3A_712 = vector.extract_strided_slice %get3A_576 {offsets = [9], sizes = [1], strides = [1]} : vector<16xi32> to vector<1xi32>
        %squeeze3A_713 = vector.extract %slice3A_712[0] : i32 from vector<1xi32>
        %dma_start3A_714 = arith.constant 9 : i32
        %dma_start3A_715 = arith.constant 0 : i32
        %dma_start3A_716 = tpu.memref_slice %arg6[%dma_start3A_714, %dma_start3A_715] : memref<32x1024xf32, #tpu.memory_space<vmem>> -> memref<1x1024xf32, #tpu.memory_space<vmem>>
        %dma_start3A_717 = tpu.memref_squeeze %dma_start3A_716 : memref<1x1024xf32, #tpu.memory_space<vmem>> -> memref<1024xf32, #tpu.memory_space<vmem>>
        %dma_start3A_718 = arith.constant 0 : i32
        %dma_start3A_719 = tpu.memref_slice %arg8[%squeeze3A_713, %dma_start3A_718] : memref<256x1024xf32, #tpu.memory_space<vmem_shared>> -> memref<1x1024xf32, #tpu.memory_space<vmem_shared>>
        %dma_start3A_720 = tpu.memref_squeeze %dma_start3A_719 : memref<1x1024xf32, #tpu.memory_space<vmem_shared>> -> memref<1024xf32, #tpu.memory_space<vmem_shared>>
        %dma_start3A_721 = arith.constant 0 : i32
        %dma_start3A_722 = tpu.memref_slice %arg6[%dma_start3A_714, %dma_start3A_721] : memref<32x1024xf32, #tpu.memory_space<vmem>> -> memref<1x1024xf32, #tpu.memory_space<vmem>>
        %dma_start3A_723 = tpu.memref_squeeze %dma_start3A_722 : memref<1x1024xf32, #tpu.memory_space<vmem>> -> memref<1024xf32, #tpu.memory_space<vmem>>
        %dma_start3A_724 = arith.constant 0 : i32
        %dma_start3A_725 = tpu.memref_slice %arg8[%squeeze3A_713, %dma_start3A_724] : memref<256x1024xf32, #tpu.memory_space<vmem_shared>> -> memref<1x1024xf32, #tpu.memory_space<vmem_shared>>
        %dma_start3A_726 = tpu.memref_squeeze %dma_start3A_725 : memref<1x1024xf32, #tpu.memory_space<vmem_shared>> -> memref<1024xf32, #tpu.memory_space<vmem_shared>>
        tpu.enqueue_dma source(%dma_start3A_726 : memref<1024xf32, #tpu.memory_space<vmem_shared>>) target(%dma_start3A_723 : memref<1024xf32, #tpu.memory_space<vmem>>) target_semaphore(%arg9 : memref<!tpu.dma_semaphore, #tpu.memory_space<semaphore_mem>>)
        %slice3A_727 = vector.extract_strided_slice %get3A_576 {offsets = [10], sizes = [1], strides = [1]} : vector<16xi32> to vector<1xi32>
        %squeeze3A_728 = vector.extract %slice3A_727[0] : i32 from vector<1xi32>
        %dma_start3A_729 = arith.constant 10 : i32
        %dma_start3A_730 = arith.constant 0 : i32
        %dma_start3A_731 = tpu.memref_slice %arg6[%dma_start3A_729, %dma_start3A_730] : memref<32x1024xf32, #tpu.memory_space<vmem>> -> memref<1x1024xf32, #tpu.memory_space<vmem>>
        %dma_start3A_732 = tpu.memref_squeeze %dma_start3A_731 : memref<1x1024xf32, #tpu.memory_space<vmem>> -> memref<1024xf32, #tpu.memory_space<vmem>>
        %dma_start3A_733 = arith.constant 0 : i32
        %dma_start3A_734 = tpu.memref_slice %arg8[%squeeze3A_728, %dma_start3A_733] : memref<256x1024xf32, #tpu.memory_space<vmem_shared>> -> memref<1x1024xf32, #tpu.memory_space<vmem_shared>>
        %dma_start3A_735 = tpu.memref_squeeze %dma_start3A_734 : memref<1x1024xf32, #tpu.memory_space<vmem_shared>> -> memref<1024xf32, #tpu.memory_space<vmem_shared>>
        %dma_start3A_736 = arith.constant 0 : i32
        %dma_start3A_737 = tpu.memref_slice %arg6[%dma_start3A_729, %dma_start3A_736] : memref<32x1024xf32, #tpu.memory_space<vmem>> -> memref<1x1024xf32, #tpu.memory_space<vmem>>
        %dma_start3A_738 = tpu.memref_squeeze %dma_start3A_737 : memref<1x1024xf32, #tpu.memory_space<vmem>> -> memref<1024xf32, #tpu.memory_space<vmem>>
        %dma_start3A_739 = arith.constant 0 : i32
        %dma_start3A_740 = tpu.memref_slice %arg8[%squeeze3A_728, %dma_start3A_739] : memref<256x1024xf32, #tpu.memory_space<vmem_shared>> -> memref<1x1024xf32, #tpu.memory_space<vmem_shared>>
        %dma_start3A_741 = tpu.memref_squeeze %dma_start3A_740 : memref<1x1024xf32, #tpu.memory_space<vmem_shared>> -> memref<1024xf32, #tpu.memory_space<vmem_shared>>
        tpu.enqueue_dma source(%dma_start3A_741 : memref<1024xf32, #tpu.memory_space<vmem_shared>>) target(%dma_start3A_738 : memref<1024xf32, #tpu.memory_space<vmem>>) target_semaphore(%arg9 : memref<!tpu.dma_semaphore, #tpu.memory_space<semaphore_mem>>)
        %slice3A_742 = vector.extract_strided_slice %get3A_576 {offsets = [11], sizes = [1], strides = [1]} : vector<16xi32> to vector<1xi32>
        %squeeze3A_743 = vector.extract %slice3A_742[0] : i32 from vector<1xi32>
        %dma_start3A_744 = arith.constant 11 : i32
        %dma_start3A_745 = arith.constant 0 : i32
        %dma_start3A_746 = tpu.memref_slice %arg6[%dma_start3A_744, %dma_start3A_745] : memref<32x1024xf32, #tpu.memory_space<vmem>> -> memref<1x1024xf32, #tpu.memory_space<vmem>>
        %dma_start3A_747 = tpu.memref_squeeze %dma_start3A_746 : memref<1x1024xf32, #tpu.memory_space<vmem>> -> memref<1024xf32, #tpu.memory_space<vmem>>
        %dma_start3A_748 = arith.constant 0 : i32
        %dma_start3A_749 = tpu.memref_slice %arg8[%squeeze3A_743, %dma_start3A_748] : memref<256x1024xf32, #tpu.memory_space<vmem_shared>> -> memref<1x1024xf32, #tpu.memory_space<vmem_shared>>
        %dma_start3A_750 = tpu.memref_squeeze %dma_start3A_749 : memref<1x1024xf32, #tpu.memory_space<vmem_shared>> -> memref<1024xf32, #tpu.memory_space<vmem_shared>>
        %dma_start3A_751 = arith.constant 0 : i32
        %dma_start3A_752 = tpu.memref_slice %arg6[%dma_start3A_744, %dma_start3A_751] : memref<32x1024xf32, #tpu.memory_space<vmem>> -> memref<1x1024xf32, #tpu.memory_space<vmem>>
        %dma_start3A_753 = tpu.memref_squeeze %dma_start3A_752 : memref<1x1024xf32, #tpu.memory_space<vmem>> -> memref<1024xf32, #tpu.memory_space<vmem>>
        %dma_start3A_754 = arith.constant 0 : i32
        %dma_start3A_755 = tpu.memref_slice %arg8[%squeeze3A_743, %dma_start3A_754] : memref<256x1024xf32, #tpu.memory_space<vmem_shared>> -> memref<1x1024xf32, #tpu.memory_space<vmem_shared>>
        %dma_start3A_756 = tpu.memref_squeeze %dma_start3A_755 : memref<1x1024xf32, #tpu.memory_space<vmem_shared>> -> memref<1024xf32, #tpu.memory_space<vmem_shared>>
        tpu.enqueue_dma source(%dma_start3A_756 : memref<1024xf32, #tpu.memory_space<vmem_shared>>) target(%dma_start3A_753 : memref<1024xf32, #tpu.memory_space<vmem>>) target_semaphore(%arg9 : memref<!tpu.dma_semaphore, #tpu.memory_space<semaphore_mem>>)
        %slice3A_757 = vector.extract_strided_slice %get3A_576 {offsets = [12], sizes = [1], strides = [1]} : vector<16xi32> to vector<1xi32>
        %squeeze3A_758 = vector.extract %slice3A_757[0] : i32 from vector<1xi32>
        %dma_start3A_759 = arith.constant 12 : i32
        %dma_start3A_760 = arith.constant 0 : i32
        %dma_start3A_761 = tpu.memref_slice %arg6[%dma_start3A_759, %dma_start3A_760] : memref<32x1024xf32, #tpu.memory_space<vmem>> -> memref<1x1024xf32, #tpu.memory_space<vmem>>
        %dma_start3A_762 = tpu.memref_squeeze %dma_start3A_761 : memref<1x1024xf32, #tpu.memory_space<vmem>> -> memref<1024xf32, #tpu.memory_space<vmem>>
        %dma_start3A_763 = arith.constant 0 : i32
        %dma_start3A_764 = tpu.memref_slice %arg8[%squeeze3A_758, %dma_start3A_763] : memref<256x1024xf32, #tpu.memory_space<vmem_shared>> -> memref<1x1024xf32, #tpu.memory_space<vmem_shared>>
        %dma_start3A_765 = tpu.memref_squeeze %dma_start3A_764 : memref<1x1024xf32, #tpu.memory_space<vmem_shared>> -> memref<1024xf32, #tpu.memory_space<vmem_shared>>
        %dma_start3A_766 = arith.constant 0 : i32
        %dma_start3A_767 = tpu.memref_slice %arg6[%dma_start3A_759, %dma_start3A_766] : memref<32x1024xf32, #tpu.memory_space<vmem>> -> memref<1x1024xf32, #tpu.memory_space<vmem>>
        %dma_start3A_768 = tpu.memref_squeeze %dma_start3A_767 : memref<1x1024xf32, #tpu.memory_space<vmem>> -> memref<1024xf32, #tpu.memory_space<vmem>>
        %dma_start3A_769 = arith.constant 0 : i32
        %dma_start3A_770 = tpu.memref_slice %arg8[%squeeze3A_758, %dma_start3A_769] : memref<256x1024xf32, #tpu.memory_space<vmem_shared>> -> memref<1x1024xf32, #tpu.memory_space<vmem_shared>>
        %dma_start3A_771 = tpu.memref_squeeze %dma_start3A_770 : memref<1x1024xf32, #tpu.memory_space<vmem_shared>> -> memref<1024xf32, #tpu.memory_space<vmem_shared>>
        tpu.enqueue_dma source(%dma_start3A_771 : memref<1024xf32, #tpu.memory_space<vmem_shared>>) target(%dma_start3A_768 : memref<1024xf32, #tpu.memory_space<vmem>>) target_semaphore(%arg9 : memref<!tpu.dma_semaphore, #tpu.memory_space<semaphore_mem>>)
        %slice3A_772 = vector.extract_strided_slice %get3A_576 {offsets = [13], sizes = [1], strides = [1]} : vector<16xi32> to vector<1xi32>
        %squeeze3A_773 = vector.extract %slice3A_772[0] : i32 from vector<1xi32>
        %dma_start3A_774 = arith.constant 13 : i32
        %dma_start3A_775 = arith.constant 0 : i32
        %dma_start3A_776 = tpu.memref_slice %arg6[%dma_start3A_774, %dma_start3A_775] : memref<32x1024xf32, #tpu.memory_space<vmem>> -> memref<1x1024xf32, #tpu.memory_space<vmem>>
        %dma_start3A_777 = tpu.memref_squeeze %dma_start3A_776 : memref<1x1024xf32, #tpu.memory_space<vmem>> -> memref<1024xf32, #tpu.memory_space<vmem>>
        %dma_start3A_778 = arith.constant 0 : i32
        %dma_start3A_779 = tpu.memref_slice %arg8[%squeeze3A_773, %dma_start3A_778] : memref<256x1024xf32, #tpu.memory_space<vmem_shared>> -> memref<1x1024xf32, #tpu.memory_space<vmem_shared>>
        %dma_start3A_780 = tpu.memref_squeeze %dma_start3A_779 : memref<1x1024xf32, #tpu.memory_space<vmem_shared>> -> memref<1024xf32, #tpu.memory_space<vmem_shared>>
        %dma_start3A_781 = arith.constant 0 : i32
        %dma_start3A_782 = tpu.memref_slice %arg6[%dma_start3A_774, %dma_start3A_781] : memref<32x1024xf32, #tpu.memory_space<vmem>> -> memref<1x1024xf32, #tpu.memory_space<vmem>>
        %dma_start3A_783 = tpu.memref_squeeze %dma_start3A_782 : memref<1x1024xf32, #tpu.memory_space<vmem>> -> memref<1024xf32, #tpu.memory_space<vmem>>
        %dma_start3A_784 = arith.constant 0 : i32
        %dma_start3A_785 = tpu.memref_slice %arg8[%squeeze3A_773, %dma_start3A_784] : memref<256x1024xf32, #tpu.memory_space<vmem_shared>> -> memref<1x1024xf32, #tpu.memory_space<vmem_shared>>
        %dma_start3A_786 = tpu.memref_squeeze %dma_start3A_785 : memref<1x1024xf32, #tpu.memory_space<vmem_shared>> -> memref<1024xf32, #tpu.memory_space<vmem_shared>>
        tpu.enqueue_dma source(%dma_start3A_786 : memref<1024xf32, #tpu.memory_space<vmem_shared>>) target(%dma_start3A_783 : memref<1024xf32, #tpu.memory_space<vmem>>) target_semaphore(%arg9 : memref<!tpu.dma_semaphore, #tpu.memory_space<semaphore_mem>>)
        %slice3A_787 = vector.extract_strided_slice %get3A_576 {offsets = [14], sizes = [1], strides = [1]} : vector<16xi32> to vector<1xi32>
        %squeeze3A_788 = vector.extract %slice3A_787[0] : i32 from vector<1xi32>
        %dma_start3A_789 = arith.constant 14 : i32
        %dma_start3A_790 = arith.constant 0 : i32
        %dma_start3A_791 = tpu.memref_slice %arg6[%dma_start3A_789, %dma_start3A_790] : memref<32x1024xf32, #tpu.memory_space<vmem>> -> memref<1x1024xf32, #tpu.memory_space<vmem>>
        %dma_start3A_792 = tpu.memref_squeeze %dma_start3A_791 : memref<1x1024xf32, #tpu.memory_space<vmem>> -> memref<1024xf32, #tpu.memory_space<vmem>>
        %dma_start3A_793 = arith.constant 0 : i32
        %dma_start3A_794 = tpu.memref_slice %arg8[%squeeze3A_788, %dma_start3A_793] : memref<256x1024xf32, #tpu.memory_space<vmem_shared>> -> memref<1x1024xf32, #tpu.memory_space<vmem_shared>>
        %dma_start3A_795 = tpu.memref_squeeze %dma_start3A_794 : memref<1x1024xf32, #tpu.memory_space<vmem_shared>> -> memref<1024xf32, #tpu.memory_space<vmem_shared>>
        %dma_start3A_796 = arith.constant 0 : i32
        %dma_start3A_797 = tpu.memref_slice %arg6[%dma_start3A_789, %dma_start3A_796] : memref<32x1024xf32, #tpu.memory_space<vmem>> -> memref<1x1024xf32, #tpu.memory_space<vmem>>
        %dma_start3A_798 = tpu.memref_squeeze %dma_start3A_797 : memref<1x1024xf32, #tpu.memory_space<vmem>> -> memref<1024xf32, #tpu.memory_space<vmem>>
        %dma_start3A_799 = arith.constant 0 : i32
        %dma_start3A_800 = tpu.memref_slice %arg8[%squeeze3A_788, %dma_start3A_799] : memref<256x1024xf32, #tpu.memory_space<vmem_shared>> -> memref<1x1024xf32, #tpu.memory_space<vmem_shared>>
        %dma_start3A_801 = tpu.memref_squeeze %dma_start3A_800 : memref<1x1024xf32, #tpu.memory_space<vmem_shared>> -> memref<1024xf32, #tpu.memory_space<vmem_shared>>
        tpu.enqueue_dma source(%dma_start3A_801 : memref<1024xf32, #tpu.memory_space<vmem_shared>>) target(%dma_start3A_798 : memref<1024xf32, #tpu.memory_space<vmem>>) target_semaphore(%arg9 : memref<!tpu.dma_semaphore, #tpu.memory_space<semaphore_mem>>)
        %slice3A_802 = vector.extract_strided_slice %get3A_576 {offsets = [15], sizes = [1], strides = [1]} : vector<16xi32> to vector<1xi32>
        %squeeze3A_803 = vector.extract %slice3A_802[0] : i32 from vector<1xi32>
        %dma_start3A_804 = arith.constant 15 : i32
        %dma_start3A_805 = arith.constant 0 : i32
        %dma_start3A_806 = tpu.memref_slice %arg6[%dma_start3A_804, %dma_start3A_805] : memref<32x1024xf32, #tpu.memory_space<vmem>> -> memref<1x1024xf32, #tpu.memory_space<vmem>>
        %dma_start3A_807 = tpu.memref_squeeze %dma_start3A_806 : memref<1x1024xf32, #tpu.memory_space<vmem>> -> memref<1024xf32, #tpu.memory_space<vmem>>
        %dma_start3A_808 = arith.constant 0 : i32
        %dma_start3A_809 = tpu.memref_slice %arg8[%squeeze3A_803, %dma_start3A_808] : memref<256x1024xf32, #tpu.memory_space<vmem_shared>> -> memref<1x1024xf32, #tpu.memory_space<vmem_shared>>
        %dma_start3A_810 = tpu.memref_squeeze %dma_start3A_809 : memref<1x1024xf32, #tpu.memory_space<vmem_shared>> -> memref<1024xf32, #tpu.memory_space<vmem_shared>>
        %dma_start3A_811 = arith.constant 0 : i32
        %dma_start3A_812 = tpu.memref_slice %arg6[%dma_start3A_804, %dma_start3A_811] : memref<32x1024xf32, #tpu.memory_space<vmem>> -> memref<1x1024xf32, #tpu.memory_space<vmem>>
        %dma_start3A_813 = tpu.memref_squeeze %dma_start3A_812 : memref<1x1024xf32, #tpu.memory_space<vmem>> -> memref<1024xf32, #tpu.memory_space<vmem>>
        %dma_start3A_814 = arith.constant 0 : i32
        %dma_start3A_815 = tpu.memref_slice %arg8[%squeeze3A_803, %dma_start3A_814] : memref<256x1024xf32, #tpu.memory_space<vmem_shared>> -> memref<1x1024xf32, #tpu.memory_space<vmem_shared>>
        %dma_start3A_816 = tpu.memref_squeeze %dma_start3A_815 : memref<1x1024xf32, #tpu.memory_space<vmem_shared>> -> memref<1024xf32, #tpu.memory_space<vmem_shared>>
        tpu.enqueue_dma source(%dma_start3A_816 : memref<1024xf32, #tpu.memory_space<vmem_shared>>) target(%dma_start3A_813 : memref<1024xf32, #tpu.memory_space<vmem>>) target_semaphore(%arg9 : memref<!tpu.dma_semaphore, #tpu.memory_space<semaphore_mem>>)
        %get3A_817 = arith.index_cast %add3A_572 : i32 to index
        %get3A_818 = arith.constant 16 : index
        %get3A_819 = tpu.vector_load %arg5[%get3A_817, %get3A_818] {strides = array<i32>} : memref<32x32xi32, #tpu.memory_space<vmem>>, vector<1x16xi32>,
        %get3A_820 = vector.shape_cast %get3A_819 : vector<1x16xi32> to vector<16xi32>
        %slice3A_821 = vector.extract_strided_slice %get3A_820 {offsets = [0], sizes = [1], strides = [1]} : vector<16xi32> to vector<1xi32>
        %squeeze3A_822 = vector.extract %slice3A_821[0] : i32 from vector<1xi32>
        %dma_start3A_823 = arith.constant 16 : i32
        %dma_start3A_824 = arith.constant 0 : i32
        %dma_start3A_825 = tpu.memref_slice %arg6[%dma_start3A_823, %dma_start3A_824] : memref<32x1024xf32, #tpu.memory_space<vmem>> -> memref<1x1024xf32, #tpu.memory_space<vmem>>
        %dma_start3A_826 = tpu.memref_squeeze %dma_start3A_825 : memref<1x1024xf32, #tpu.memory_space<vmem>> -> memref<1024xf32, #tpu.memory_space<vmem>>
        %dma_start3A_827 = arith.constant 0 : i32
        %dma_start3A_828 = tpu.memref_slice %arg8[%squeeze3A_822, %dma_start3A_827] : memref<256x1024xf32, #tpu.memory_space<vmem_shared>> -> memref<1x1024xf32, #tpu.memory_space<vmem_shared>>
        %dma_start3A_829 = tpu.memref_squeeze %dma_start3A_828 : memref<1x1024xf32, #tpu.memory_space<vmem_shared>> -> memref<1024xf32, #tpu.memory_space<vmem_shared>>
        %dma_start3A_830 = arith.constant 0 : i32
        %dma_start3A_831 = tpu.memref_slice %arg6[%dma_start3A_823, %dma_start3A_830] : memref<32x1024xf32, #tpu.memory_space<vmem>> -> memref<1x1024xf32, #tpu.memory_space<vmem>>
        %dma_start3A_832 = tpu.memref_squeeze %dma_start3A_831 : memref<1x1024xf32, #tpu.memory_space<vmem>> -> memref<1024xf32, #tpu.memory_space<vmem>>
        %dma_start3A_833 = arith.constant 0 : i32
        %dma_start3A_834 = tpu.memref_slice %arg8[%squeeze3A_822, %dma_start3A_833] : memref<256x1024xf32, #tpu.memory_space<vmem_shared>> -> memref<1x1024xf32, #tpu.memory_space<vmem_shared>>
        %dma_start3A_835 = tpu.memref_squeeze %dma_start3A_834 : memref<1x1024xf32, #tpu.memory_space<vmem_shared>> -> memref<1024xf32, #tpu.memory_space<vmem_shared>>
        tpu.enqueue_dma source(%dma_start3A_835 : memref<1024xf32, #tpu.memory_space<vmem_shared>>) target(%dma_start3A_832 : memref<1024xf32, #tpu.memory_space<vmem>>) target_semaphore(%arg9 : memref<!tpu.dma_semaphore, #tpu.memory_space<semaphore_mem>>)
        %slice3A_836 = vector.extract_strided_slice %get3A_820 {offsets = [1], sizes = [1], strides = [1]} : vector<16xi32> to vector<1xi32>
        %squeeze3A_837 = vector.extract %slice3A_836[0] : i32 from vector<1xi32>
        %dma_start3A_838 = arith.constant 17 : i32
        %dma_start3A_839 = arith.constant 0 : i32
        %dma_start3A_840 = tpu.memref_slice %arg6[%dma_start3A_838, %dma_start3A_839] : memref<32x1024xf32, #tpu.memory_space<vmem>> -> memref<1x1024xf32, #tpu.memory_space<vmem>>
        %dma_start3A_841 = tpu.memref_squeeze %dma_start3A_840 : memref<1x1024xf32, #tpu.memory_space<vmem>> -> memref<1024xf32, #tpu.memory_space<vmem>>
        %dma_start3A_842 = arith.constant 0 : i32
        %dma_start3A_843 = tpu.memref_slice %arg8[%squeeze3A_837, %dma_start3A_842] : memref<256x1024xf32, #tpu.memory_space<vmem_shared>> -> memref<1x1024xf32, #tpu.memory_space<vmem_shared>>
        %dma_start3A_844 = tpu.memref_squeeze %dma_start3A_843 : memref<1x1024xf32, #tpu.memory_space<vmem_shared>> -> memref<1024xf32, #tpu.memory_space<vmem_shared>>
        %dma_start3A_845 = arith.constant 0 : i32
        %dma_start3A_846 = tpu.memref_slice %arg6[%dma_start3A_838, %dma_start3A_845] : memref<32x1024xf32, #tpu.memory_space<vmem>> -> memref<1x1024xf32, #tpu.memory_space<vmem>>
        %dma_start3A_847 = tpu.memref_squeeze %dma_start3A_846 : memref<1x1024xf32, #tpu.memory_space<vmem>> -> memref<1024xf32, #tpu.memory_space<vmem>>
        %dma_start3A_848 = arith.constant 0 : i32
        %dma_start3A_849 = tpu.memref_slice %arg8[%squeeze3A_837, %dma_start3A_848] : memref<256x1024xf32, #tpu.memory_space<vmem_shared>> -> memref<1x1024xf32, #tpu.memory_space<vmem_shared>>
        %dma_start3A_850 = tpu.memref_squeeze %dma_start3A_849 : memref<1x1024xf32, #tpu.memory_space<vmem_shared>> -> memref<1024xf32, #tpu.memory_space<vmem_shared>>
        tpu.enqueue_dma source(%dma_start3A_850 : memref<1024xf32, #tpu.memory_space<vmem_shared>>) target(%dma_start3A_847 : memref<1024xf32, #tpu.memory_space<vmem>>) target_semaphore(%arg9 : memref<!tpu.dma_semaphore, #tpu.memory_space<semaphore_mem>>)
        %slice3A_851 = vector.extract_strided_slice %get3A_820 {offsets = [2], sizes = [1], strides = [1]} : vector<16xi32> to vector<1xi32>
        %squeeze3A_852 = vector.extract %slice3A_851[0] : i32 from vector<1xi32>
        %dma_start3A_853 = arith.constant 18 : i32
        %dma_start3A_854 = arith.constant 0 : i32
        %dma_start3A_855 = tpu.memref_slice %arg6[%dma_start3A_853, %dma_start3A_854] : memref<32x1024xf32, #tpu.memory_space<vmem>> -> memref<1x1024xf32, #tpu.memory_space<vmem>>
        %dma_start3A_856 = tpu.memref_squeeze %dma_start3A_855 : memref<1x1024xf32, #tpu.memory_space<vmem>> -> memref<1024xf32, #tpu.memory_space<vmem>>
        %dma_start3A_857 = arith.constant 0 : i32
        %dma_start3A_858 = tpu.memref_slice %arg8[%squeeze3A_852, %dma_start3A_857] : memref<256x1024xf32, #tpu.memory_space<vmem_shared>> -> memref<1x1024xf32, #tpu.memory_space<vmem_shared>>
        %dma_start3A_859 = tpu.memref_squeeze %dma_start3A_858 : memref<1x1024xf32, #tpu.memory_space<vmem_shared>> -> memref<1024xf32, #tpu.memory_space<vmem_shared>>
        %dma_start3A_860 = arith.constant 0 : i32
        %dma_start3A_861 = tpu.memref_slice %arg6[%dma_start3A_853, %dma_start3A_860] : memref<32x1024xf32, #tpu.memory_space<vmem>> -> memref<1x1024xf32, #tpu.memory_space<vmem>>
        %dma_start3A_862 = tpu.memref_squeeze %dma_start3A_861 : memref<1x1024xf32, #tpu.memory_space<vmem>> -> memref<1024xf32, #tpu.memory_space<vmem>>
        %dma_start3A_863 = arith.constant 0 : i32
        %dma_start3A_864 = tpu.memref_slice %arg8[%squeeze3A_852, %dma_start3A_863] : memref<256x1024xf32, #tpu.memory_space<vmem_shared>> -> memref<1x1024xf32, #tpu.memory_space<vmem_shared>>
        %dma_start3A_865 = tpu.memref_squeeze %dma_start3A_864 : memref<1x1024xf32, #tpu.memory_space<vmem_shared>> -> memref<1024xf32, #tpu.memory_space<vmem_shared>>
        tpu.enqueue_dma source(%dma_start3A_865 : memref<1024xf32, #tpu.memory_space<vmem_shared>>) target(%dma_start3A_862 : memref<1024xf32, #tpu.memory_space<vmem>>) target_semaphore(%arg9 : memref<!tpu.dma_semaphore, #tpu.memory_space<semaphore_mem>>)
        %slice3A_866 = vector.extract_strided_slice %get3A_820 {offsets = [3], sizes = [1], strides = [1]} : vector<16xi32> to vector<1xi32>
        %squeeze3A_867 = vector.extract %slice3A_866[0] : i32 from vector<1xi32>
        %dma_start3A_868 = arith.constant 19 : i32
        %dma_start3A_869 = arith.constant 0 : i32
        %dma_start3A_870 = tpu.memref_slice %arg6[%dma_start3A_868, %dma_start3A_869] : memref<32x1024xf32, #tpu.memory_space<vmem>> -> memref<1x1024xf32, #tpu.memory_space<vmem>>
        %dma_start3A_871 = tpu.memref_squeeze %dma_start3A_870 : memref<1x1024xf32, #tpu.memory_space<vmem>> -> memref<1024xf32, #tpu.memory_space<vmem>>
        %dma_start3A_872 = arith.constant 0 : i32
        %dma_start3A_873 = tpu.memref_slice %arg8[%squeeze3A_867, %dma_start3A_872] : memref<256x1024xf32, #tpu.memory_space<vmem_shared>> -> memref<1x1024xf32, #tpu.memory_space<vmem_shared>>
        %dma_start3A_874 = tpu.memref_squeeze %dma_start3A_873 : memref<1x1024xf32, #tpu.memory_space<vmem_shared>> -> memref<1024xf32, #tpu.memory_space<vmem_shared>>
        %dma_start3A_875 = arith.constant 0 : i32
        %dma_start3A_876 = tpu.memref_slice %arg6[%dma_start3A_868, %dma_start3A_875] : memref<32x1024xf32, #tpu.memory_space<vmem>> -> memref<1x1024xf32, #tpu.memory_space<vmem>>
        %dma_start3A_877 = tpu.memref_squeeze %dma_start3A_876 : memref<1x1024xf32, #tpu.memory_space<vmem>> -> memref<1024xf32, #tpu.memory_space<vmem>>
        %dma_start3A_878 = arith.constant 0 : i32
        %dma_start3A_879 = tpu.memref_slice %arg8[%squeeze3A_867, %dma_start3A_878] : memref<256x1024xf32, #tpu.memory_space<vmem_shared>> -> memref<1x1024xf32, #tpu.memory_space<vmem_shared>>
        %dma_start3A_880 = tpu.memref_squeeze %dma_start3A_879 : memref<1x1024xf32, #tpu.memory_space<vmem_shared>> -> memref<1024xf32, #tpu.memory_space<vmem_shared>>
        tpu.enqueue_dma source(%dma_start3A_880 : memref<1024xf32, #tpu.memory_space<vmem_shared>>) target(%dma_start3A_877 : memref<1024xf32, #tpu.memory_space<vmem>>) target_semaphore(%arg9 : memref<!tpu.dma_semaphore, #tpu.memory_space<semaphore_mem>>)
        %slice3A_881 = vector.extract_strided_slice %get3A_820 {offsets = [4], sizes = [1], strides = [1]} : vector<16xi32> to vector<1xi32>
        %squeeze3A_882 = vector.extract %slice3A_881[0] : i32 from vector<1xi32>
        %dma_start3A_883 = arith.constant 20 : i32
        %dma_start3A_884 = arith.constant 0 : i32
        %dma_start3A_885 = tpu.memref_slice %arg6[%dma_start3A_883, %dma_start3A_884] : memref<32x1024xf32, #tpu.memory_space<vmem>> -> memref<1x1024xf32, #tpu.memory_space<vmem>>
        %dma_start3A_886 = tpu.memref_squeeze %dma_start3A_885 : memref<1x1024xf32, #tpu.memory_space<vmem>> -> memref<1024xf32, #tpu.memory_space<vmem>>
        %dma_start3A_887 = arith.constant 0 : i32
        %dma_start3A_888 = tpu.memref_slice %arg8[%squeeze3A_882, %dma_start3A_887] : memref<256x1024xf32, #tpu.memory_space<vmem_shared>> -> memref<1x1024xf32, #tpu.memory_space<vmem_shared>>
        %dma_start3A_889 = tpu.memref_squeeze %dma_start3A_888 : memref<1x1024xf32, #tpu.memory_space<vmem_shared>> -> memref<1024xf32, #tpu.memory_space<vmem_shared>>
        %dma_start3A_890 = arith.constant 0 : i32
        %dma_start3A_891 = tpu.memref_slice %arg6[%dma_start3A_883, %dma_start3A_890] : memref<32x1024xf32, #tpu.memory_space<vmem>> -> memref<1x1024xf32, #tpu.memory_space<vmem>>
        %dma_start3A_892 = tpu.memref_squeeze %dma_start3A_891 : memref<1x1024xf32, #tpu.memory_space<vmem>> -> memref<1024xf32, #tpu.memory_space<vmem>>
        %dma_start3A_893 = arith.constant 0 : i32
        %dma_start3A_894 = tpu.memref_slice %arg8[%squeeze3A_882, %dma_start3A_893] : memref<256x1024xf32, #tpu.memory_space<vmem_shared>> -> memref<1x1024xf32, #tpu.memory_space<vmem_shared>>
        %dma_start3A_895 = tpu.memref_squeeze %dma_start3A_894 : memref<1x1024xf32, #tpu.memory_space<vmem_shared>> -> memref<1024xf32, #tpu.memory_space<vmem_shared>>
        tpu.enqueue_dma source(%dma_start3A_895 : memref<1024xf32, #tpu.memory_space<vmem_shared>>) target(%dma_start3A_892 : memref<1024xf32, #tpu.memory_space<vmem>>) target_semaphore(%arg9 : memref<!tpu.dma_semaphore, #tpu.memory_space<semaphore_mem>>)
        %slice3A_896 = vector.extract_strided_slice %get3A_820 {offsets = [5], sizes = [1], strides = [1]} : vector<16xi32> to vector<1xi32>
        %squeeze3A_897 = vector.extract %slice3A_896[0] : i32 from vector<1xi32>
        %dma_start3A_898 = arith.constant 21 : i32
        %dma_start3A_899 = arith.constant 0 : i32
        %dma_start3A_900 = tpu.memref_slice %arg6[%dma_start3A_898, %dma_start3A_899] : memref<32x1024xf32, #tpu.memory_space<vmem>> -> memref<1x1024xf32, #tpu.memory_space<vmem>>
        %dma_start3A_901 = tpu.memref_squeeze %dma_start3A_900 : memref<1x1024xf32, #tpu.memory_space<vmem>> -> memref<1024xf32, #tpu.memory_space<vmem>>
        %dma_start3A_902 = arith.constant 0 : i32
        %dma_start3A_903 = tpu.memref_slice %arg8[%squeeze3A_897, %dma_start3A_902] : memref<256x1024xf32, #tpu.memory_space<vmem_shared>> -> memref<1x1024xf32, #tpu.memory_space<vmem_shared>>
        %dma_start3A_904 = tpu.memref_squeeze %dma_start3A_903 : memref<1x1024xf32, #tpu.memory_space<vmem_shared>> -> memref<1024xf32, #tpu.memory_space<vmem_shared>>
        %dma_start3A_905 = arith.constant 0 : i32
        %dma_start3A_906 = tpu.memref_slice %arg6[%dma_start3A_898, %dma_start3A_905] : memref<32x1024xf32, #tpu.memory_space<vmem>> -> memref<1x1024xf32, #tpu.memory_space<vmem>>
        %dma_start3A_907 = tpu.memref_squeeze %dma_start3A_906 : memref<1x1024xf32, #tpu.memory_space<vmem>> -> memref<1024xf32, #tpu.memory_space<vmem>>
        %dma_start3A_908 = arith.constant 0 : i32
        %dma_start3A_909 = tpu.memref_slice %arg8[%squeeze3A_897, %dma_start3A_908] : memref<256x1024xf32, #tpu.memory_space<vmem_shared>> -> memref<1x1024xf32, #tpu.memory_space<vmem_shared>>
        %dma_start3A_910 = tpu.memref_squeeze %dma_start3A_909 : memref<1x1024xf32, #tpu.memory_space<vmem_shared>> -> memref<1024xf32, #tpu.memory_space<vmem_shared>>
        tpu.enqueue_dma source(%dma_start3A_910 : memref<1024xf32, #tpu.memory_space<vmem_shared>>) target(%dma_start3A_907 : memref<1024xf32, #tpu.memory_space<vmem>>) target_semaphore(%arg9 : memref<!tpu.dma_semaphore, #tpu.memory_space<semaphore_mem>>)
        %slice3A_911 = vector.extract_strided_slice %get3A_820 {offsets = [6], sizes = [1], strides = [1]} : vector<16xi32> to vector<1xi32>
        %squeeze3A_912 = vector.extract %slice3A_911[0] : i32 from vector<1xi32>
        %dma_start3A_913 = arith.constant 22 : i32
        %dma_start3A_914 = arith.constant 0 : i32
        %dma_start3A_915 = tpu.memref_slice %arg6[%dma_start3A_913, %dma_start3A_914] : memref<32x1024xf32, #tpu.memory_space<vmem>> -> memref<1x1024xf32, #tpu.memory_space<vmem>>
        %dma_start3A_916 = tpu.memref_squeeze %dma_start3A_915 : memref<1x1024xf32, #tpu.memory_space<vmem>> -> memref<1024xf32, #tpu.memory_space<vmem>>
        %dma_start3A_917 = arith.constant 0 : i32
        %dma_start3A_918 = tpu.memref_slice %arg8[%squeeze3A_912, %dma_start3A_917] : memref<256x1024xf32, #tpu.memory_space<vmem_shared>> -> memref<1x1024xf32, #tpu.memory_space<vmem_shared>>
        %dma_start3A_919 = tpu.memref_squeeze %dma_start3A_918 : memref<1x1024xf32, #tpu.memory_space<vmem_shared>> -> memref<1024xf32, #tpu.memory_space<vmem_shared>>
        %dma_start3A_920 = arith.constant 0 : i32
        %dma_start3A_921 = tpu.memref_slice %arg6[%dma_start3A_913, %dma_start3A_920] : memref<32x1024xf32, #tpu.memory_space<vmem>> -> memref<1x1024xf32, #tpu.memory_space<vmem>>
        %dma_start3A_922 = tpu.memref_squeeze %dma_start3A_921 : memref<1x1024xf32, #tpu.memory_space<vmem>> -> memref<1024xf32, #tpu.memory_space<vmem>>
        %dma_start3A_923 = arith.constant 0 : i32
        %dma_start3A_924 = tpu.memref_slice %arg8[%squeeze3A_912, %dma_start3A_923] : memref<256x1024xf32, #tpu.memory_space<vmem_shared>> -> memref<1x1024xf32, #tpu.memory_space<vmem_shared>>
        %dma_start3A_925 = tpu.memref_squeeze %dma_start3A_924 : memref<1x1024xf32, #tpu.memory_space<vmem_shared>> -> memref<1024xf32, #tpu.memory_space<vmem_shared>>
        tpu.enqueue_dma source(%dma_start3A_925 : memref<1024xf32, #tpu.memory_space<vmem_shared>>) target(%dma_start3A_922 : memref<1024xf32, #tpu.memory_space<vmem>>) target_semaphore(%arg9 : memref<!tpu.dma_semaphore, #tpu.memory_space<semaphore_mem>>)
        %slice3A_926 = vector.extract_strided_slice %get3A_820 {offsets = [7], sizes = [1], strides = [1]} : vector<16xi32> to vector<1xi32>
        %squeeze3A_927 = vector.extract %slice3A_926[0] : i32 from vector<1xi32>
        %dma_start3A_928 = arith.constant 23 : i32
        %dma_start3A_929 = arith.constant 0 : i32
        %dma_start3A_930 = tpu.memref_slice %arg6[%dma_start3A_928, %dma_start3A_929] : memref<32x1024xf32, #tpu.memory_space<vmem>> -> memref<1x1024xf32, #tpu.memory_space<vmem>>
        %dma_start3A_931 = tpu.memref_squeeze %dma_start3A_930 : memref<1x1024xf32, #tpu.memory_space<vmem>> -> memref<1024xf32, #tpu.memory_space<vmem>>
        %dma_start3A_932 = arith.constant 0 : i32
        %dma_start3A_933 = tpu.memref_slice %arg8[%squeeze3A_927, %dma_start3A_932] : memref<256x1024xf32, #tpu.memory_space<vmem_shared>> -> memref<1x1024xf32, #tpu.memory_space<vmem_shared>>
        %dma_start3A_934 = tpu.memref_squeeze %dma_start3A_933 : memref<1x1024xf32, #tpu.memory_space<vmem_shared>> -> memref<1024xf32, #tpu.memory_space<vmem_shared>>
        %dma_start3A_935 = arith.constant 0 : i32
        %dma_start3A_936 = tpu.memref_slice %arg6[%dma_start3A_928, %dma_start3A_935] : memref<32x1024xf32, #tpu.memory_space<vmem>> -> memref<1x1024xf32, #tpu.memory_space<vmem>>
        %dma_start3A_937 = tpu.memref_squeeze %dma_start3A_936 : memref<1x1024xf32, #tpu.memory_space<vmem>> -> memref<1024xf32, #tpu.memory_space<vmem>>
        %dma_start3A_938 = arith.constant 0 : i32
        %dma_start3A_939 = tpu.memref_slice %arg8[%squeeze3A_927, %dma_start3A_938] : memref<256x1024xf32, #tpu.memory_space<vmem_shared>> -> memref<1x1024xf32, #tpu.memory_space<vmem_shared>>
        %dma_start3A_940 = tpu.memref_squeeze %dma_start3A_939 : memref<1x1024xf32, #tpu.memory_space<vmem_shared>> -> memref<1024xf32, #tpu.memory_space<vmem_shared>>
        tpu.enqueue_dma source(%dma_start3A_940 : memref<1024xf32, #tpu.memory_space<vmem_shared>>) target(%dma_start3A_937 : memref<1024xf32, #tpu.memory_space<vmem>>) target_semaphore(%arg9 : memref<!tpu.dma_semaphore, #tpu.memory_space<semaphore_mem>>)
        %slice3A_941 = vector.extract_strided_slice %get3A_820 {offsets = [8], sizes = [1], strides = [1]} : vector<16xi32> to vector<1xi32>
        %squeeze3A_942 = vector.extract %slice3A_941[0] : i32 from vector<1xi32>
        %dma_start3A_943 = arith.constant 24 : i32
        %dma_start3A_944 = arith.constant 0 : i32
        %dma_start3A_945 = tpu.memref_slice %arg6[%dma_start3A_943, %dma_start3A_944] : memref<32x1024xf32, #tpu.memory_space<vmem>> -> memref<1x1024xf32, #tpu.memory_space<vmem>>
        %dma_start3A_946 = tpu.memref_squeeze %dma_start3A_945 : memref<1x1024xf32, #tpu.memory_space<vmem>> -> memref<1024xf32, #tpu.memory_space<vmem>>
        %dma_start3A_947 = arith.constant 0 : i32
        %dma_start3A_948 = tpu.memref_slice %arg8[%squeeze3A_942, %dma_start3A_947] : memref<256x1024xf32, #tpu.memory_space<vmem_shared>> -> memref<1x1024xf32, #tpu.memory_space<vmem_shared>>
        %dma_start3A_949 = tpu.memref_squeeze %dma_start3A_948 : memref<1x1024xf32, #tpu.memory_space<vmem_shared>> -> memref<1024xf32, #tpu.memory_space<vmem_shared>>
        %dma_start3A_950 = arith.constant 0 : i32
        %dma_start3A_951 = tpu.memref_slice %arg6[%dma_start3A_943, %dma_start3A_950] : memref<32x1024xf32, #tpu.memory_space<vmem>> -> memref<1x1024xf32, #tpu.memory_space<vmem>>
        %dma_start3A_952 = tpu.memref_squeeze %dma_start3A_951 : memref<1x1024xf32, #tpu.memory_space<vmem>> -> memref<1024xf32, #tpu.memory_space<vmem>>
        %dma_start3A_953 = arith.constant 0 : i32
        %dma_start3A_954 = tpu.memref_slice %arg8[%squeeze3A_942, %dma_start3A_953] : memref<256x1024xf32, #tpu.memory_space<vmem_shared>> -> memref<1x1024xf32, #tpu.memory_space<vmem_shared>>
        %dma_start3A_955 = tpu.memref_squeeze %dma_start3A_954 : memref<1x1024xf32, #tpu.memory_space<vmem_shared>> -> memref<1024xf32, #tpu.memory_space<vmem_shared>>
        tpu.enqueue_dma source(%dma_start3A_955 : memref<1024xf32, #tpu.memory_space<vmem_shared>>) target(%dma_start3A_952 : memref<1024xf32, #tpu.memory_space<vmem>>) target_semaphore(%arg9 : memref<!tpu.dma_semaphore, #tpu.memory_space<semaphore_mem>>)
        %slice3A_956 = vector.extract_strided_slice %get3A_820 {offsets = [9], sizes = [1], strides = [1]} : vector<16xi32> to vector<1xi32>
        %squeeze3A_957 = vector.extract %slice3A_956[0] : i32 from vector<1xi32>
        %dma_start3A_958 = arith.constant 25 : i32
        %dma_start3A_959 = arith.constant 0 : i32
        %dma_start3A_960 = tpu.memref_slice %arg6[%dma_start3A_958, %dma_start3A_959] : memref<32x1024xf32, #tpu.memory_space<vmem>> -> memref<1x1024xf32, #tpu.memory_space<vmem>>
        %dma_start3A_961 = tpu.memref_squeeze %dma_start3A_960 : memref<1x1024xf32, #tpu.memory_space<vmem>> -> memref<1024xf32, #tpu.memory_space<vmem>>
        %dma_start3A_962 = arith.constant 0 : i32
        %dma_start3A_963 = tpu.memref_slice %arg8[%squeeze3A_957, %dma_start3A_962] : memref<256x1024xf32, #tpu.memory_space<vmem_shared>> -> memref<1x1024xf32, #tpu.memory_space<vmem_shared>>
        %dma_start3A_964 = tpu.memref_squeeze %dma_start3A_963 : memref<1x1024xf32, #tpu.memory_space<vmem_shared>> -> memref<1024xf32, #tpu.memory_space<vmem_shared>>
        %dma_start3A_965 = arith.constant 0 : i32
        %dma_start3A_966 = tpu.memref_slice %arg6[%dma_start3A_958, %dma_start3A_965] : memref<32x1024xf32, #tpu.memory_space<vmem>> -> memref<1x1024xf32, #tpu.memory_space<vmem>>
        %dma_start3A_967 = tpu.memref_squeeze %dma_start3A_966 : memref<1x1024xf32, #tpu.memory_space<vmem>> -> memref<1024xf32, #tpu.memory_space<vmem>>
        %dma_start3A_968 = arith.constant 0 : i32
        %dma_start3A_969 = tpu.memref_slice %arg8[%squeeze3A_957, %dma_start3A_968] : memref<256x1024xf32, #tpu.memory_space<vmem_shared>> -> memref<1x1024xf32, #tpu.memory_space<vmem_shared>>
        %dma_start3A_970 = tpu.memref_squeeze %dma_start3A_969 : memref<1x1024xf32, #tpu.memory_space<vmem_shared>> -> memref<1024xf32, #tpu.memory_space<vmem_shared>>
        tpu.enqueue_dma source(%dma_start3A_970 : memref<1024xf32, #tpu.memory_space<vmem_shared>>) target(%dma_start3A_967 : memref<1024xf32, #tpu.memory_space<vmem>>) target_semaphore(%arg9 : memref<!tpu.dma_semaphore, #tpu.memory_space<semaphore_mem>>)
        %slice3A_971 = vector.extract_strided_slice %get3A_820 {offsets = [10], sizes = [1], strides = [1]} : vector<16xi32> to vector<1xi32>
        %squeeze3A_972 = vector.extract %slice3A_971[0] : i32 from vector<1xi32>
        %dma_start3A_973 = arith.constant 26 : i32
        %dma_start3A_974 = arith.constant 0 : i32
        %dma_start3A_975 = tpu.memref_slice %arg6[%dma_start3A_973, %dma_start3A_974] : memref<32x1024xf32, #tpu.memory_space<vmem>> -> memref<1x1024xf32, #tpu.memory_space<vmem>>
        %dma_start3A_976 = tpu.memref_squeeze %dma_start3A_975 : memref<1x1024xf32, #tpu.memory_space<vmem>> -> memref<1024xf32, #tpu.memory_space<vmem>>
        %dma_start3A_977 = arith.constant 0 : i32
        %dma_start3A_978 = tpu.memref_slice %arg8[%squeeze3A_972, %dma_start3A_977] : memref<256x1024xf32, #tpu.memory_space<vmem_shared>> -> memref<1x1024xf32, #tpu.memory_space<vmem_shared>>
        %dma_start3A_979 = tpu.memref_squeeze %dma_start3A_978 : memref<1x1024xf32, #tpu.memory_space<vmem_shared>> -> memref<1024xf32, #tpu.memory_space<vmem_shared>>
        %dma_start3A_980 = arith.constant 0 : i32
        %dma_start3A_981 = tpu.memref_slice %arg6[%dma_start3A_973, %dma_start3A_980] : memref<32x1024xf32, #tpu.memory_space<vmem>> -> memref<1x1024xf32, #tpu.memory_space<vmem>>
        %dma_start3A_982 = tpu.memref_squeeze %dma_start3A_981 : memref<1x1024xf32, #tpu.memory_space<vmem>> -> memref<1024xf32, #tpu.memory_space<vmem>>
        %dma_start3A_983 = arith.constant 0 : i32
        %dma_start3A_984 = tpu.memref_slice %arg8[%squeeze3A_972, %dma_start3A_983] : memref<256x1024xf32, #tpu.memory_space<vmem_shared>> -> memref<1x1024xf32, #tpu.memory_space<vmem_shared>>
        %dma_start3A_985 = tpu.memref_squeeze %dma_start3A_984 : memref<1x1024xf32, #tpu.memory_space<vmem_shared>> -> memref<1024xf32, #tpu.memory_space<vmem_shared>>
        tpu.enqueue_dma source(%dma_start3A_985 : memref<1024xf32, #tpu.memory_space<vmem_shared>>) target(%dma_start3A_982 : memref<1024xf32, #tpu.memory_space<vmem>>) target_semaphore(%arg9 : memref<!tpu.dma_semaphore, #tpu.memory_space<semaphore_mem>>)
        %slice3A_986 = vector.extract_strided_slice %get3A_820 {offsets = [11], sizes = [1], strides = [1]} : vector<16xi32> to vector<1xi32>
        %squeeze3A_987 = vector.extract %slice3A_986[0] : i32 from vector<1xi32>
        %dma_start3A_988 = arith.constant 27 : i32
        %dma_start3A_989 = arith.constant 0 : i32
        %dma_start3A_990 = tpu.memref_slice %arg6[%dma_start3A_988, %dma_start3A_989] : memref<32x1024xf32, #tpu.memory_space<vmem>> -> memref<1x1024xf32, #tpu.memory_space<vmem>>
        %dma_start3A_991 = tpu.memref_squeeze %dma_start3A_990 : memref<1x1024xf32, #tpu.memory_space<vmem>> -> memref<1024xf32, #tpu.memory_space<vmem>>
        %dma_start3A_992 = arith.constant 0 : i32
        %dma_start3A_993 = tpu.memref_slice %arg8[%squeeze3A_987, %dma_start3A_992] : memref<256x1024xf32, #tpu.memory_space<vmem_shared>> -> memref<1x1024xf32, #tpu.memory_space<vmem_shared>>
        %dma_start3A_994 = tpu.memref_squeeze %dma_start3A_993 : memref<1x1024xf32, #tpu.memory_space<vmem_shared>> -> memref<1024xf32, #tpu.memory_space<vmem_shared>>
        %dma_start3A_995 = arith.constant 0 : i32
        %dma_start3A_996 = tpu.memref_slice %arg6[%dma_start3A_988, %dma_start3A_995] : memref<32x1024xf32, #tpu.memory_space<vmem>> -> memref<1x1024xf32, #tpu.memory_space<vmem>>
        %dma_start3A_997 = tpu.memref_squeeze %dma_start3A_996 : memref<1x1024xf32, #tpu.memory_space<vmem>> -> memref<1024xf32, #tpu.memory_space<vmem>>
        %dma_start3A_998 = arith.constant 0 : i32
        %dma_start3A_999 = tpu.memref_slice %arg8[%squeeze3A_987, %dma_start3A_998] : memref<256x1024xf32, #tpu.memory_space<vmem_shared>> -> memref<1x1024xf32, #tpu.memory_space<vmem_shared>>
        %dma_start3A_1000 = tpu.memref_squeeze %dma_start3A_999 : memref<1x1024xf32, #tpu.memory_space<vmem_shared>> -> memref<1024xf32, #tpu.memory_space<vmem_shared>>
        tpu.enqueue_dma source(%dma_start3A_1000 : memref<1024xf32, #tpu.memory_space<vmem_shared>>) target(%dma_start3A_997 : memref<1024xf32, #tpu.memory_space<vmem>>) target_semaphore(%arg9 : memref<!tpu.dma_semaphore, #tpu.memory_space<semaphore_mem>>)
        %slice3A_1001 = vector.extract_strided_slice %get3A_820 {offsets = [12], sizes = [1], strides = [1]} : vector<16xi32> to vector<1xi32>
        %squeeze3A_1002 = vector.extract %slice3A_1001[0] : i32 from vector<1xi32>
        %dma_start3A_1003 = arith.constant 28 : i32
        %dma_start3A_1004 = arith.constant 0 : i32
        %dma_start3A_1005 = tpu.memref_slice %arg6[%dma_start3A_1003, %dma_start3A_1004] : memref<32x1024xf32, #tpu.memory_space<vmem>> -> memref<1x1024xf32, #tpu.memory_space<vmem>>
        %dma_start3A_1006 = tpu.memref_squeeze %dma_start3A_1005 : memref<1x1024xf32, #tpu.memory_space<vmem>> -> memref<1024xf32, #tpu.memory_space<vmem>>
        %dma_start3A_1007 = arith.constant 0 : i32
        %dma_start3A_1008 = tpu.memref_slice %arg8[%squeeze3A_1002, %dma_start3A_1007] : memref<256x1024xf32, #tpu.memory_space<vmem_shared>> -> memref<1x1024xf32, #tpu.memory_space<vmem_shared>>
        %dma_start3A_1009 = tpu.memref_squeeze %dma_start3A_1008 : memref<1x1024xf32, #tpu.memory_space<vmem_shared>> -> memref<1024xf32, #tpu.memory_space<vmem_shared>>
        %dma_start3A_1010 = arith.constant 0 : i32
        %dma_start3A_1011 = tpu.memref_slice %arg6[%dma_start3A_1003, %dma_start3A_1010] : memref<32x1024xf32, #tpu.memory_space<vmem>> -> memref<1x1024xf32, #tpu.memory_space<vmem>>
        %dma_start3A_1012 = tpu.memref_squeeze %dma_start3A_1011 : memref<1x1024xf32, #tpu.memory_space<vmem>> -> memref<1024xf32, #tpu.memory_space<vmem>>
        %dma_start3A_1013 = arith.constant 0 : i32
        %dma_start3A_1014 = tpu.memref_slice %arg8[%squeeze3A_1002, %dma_start3A_1013] : memref<256x1024xf32, #tpu.memory_space<vmem_shared>> -> memref<1x1024xf32, #tpu.memory_space<vmem_shared>>
        %dma_start3A_1015 = tpu.memref_squeeze %dma_start3A_1014 : memref<1x1024xf32, #tpu.memory_space<vmem_shared>> -> memref<1024xf32, #tpu.memory_space<vmem_shared>>
        tpu.enqueue_dma source(%dma_start3A_1015 : memref<1024xf32, #tpu.memory_space<vmem_shared>>) target(%dma_start3A_1012 : memref<1024xf32, #tpu.memory_space<vmem>>) target_semaphore(%arg9 : memref<!tpu.dma_semaphore, #tpu.memory_space<semaphore_mem>>)
        %slice3A_1016 = vector.extract_strided_slice %get3A_820 {offsets = [13], sizes = [1], strides = [1]} : vector<16xi32> to vector<1xi32>
        %squeeze3A_1017 = vector.extract %slice3A_1016[0] : i32 from vector<1xi32>
        %dma_start3A_1018 = arith.constant 29 : i32
        %dma_start3A_1019 = arith.constant 0 : i32
        %dma_start3A_1020 = tpu.memref_slice %arg6[%dma_start3A_1018, %dma_start3A_1019] : memref<32x1024xf32, #tpu.memory_space<vmem>> -> memref<1x1024xf32, #tpu.memory_space<vmem>>
        %dma_start3A_1021 = tpu.memref_squeeze %dma_start3A_1020 : memref<1x1024xf32, #tpu.memory_space<vmem>> -> memref<1024xf32, #tpu.memory_space<vmem>>
        %dma_start3A_1022 = arith.constant 0 : i32
        %dma_start3A_1023 = tpu.memref_slice %arg8[%squeeze3A_1017, %dma_start3A_1022] : memref<256x1024xf32, #tpu.memory_space<vmem_shared>> -> memref<1x1024xf32, #tpu.memory_space<vmem_shared>>
        %dma_start3A_1024 = tpu.memref_squeeze %dma_start3A_1023 : memref<1x1024xf32, #tpu.memory_space<vmem_shared>> -> memref<1024xf32, #tpu.memory_space<vmem_shared>>
        %dma_start3A_1025 = arith.constant 0 : i32
        %dma_start3A_1026 = tpu.memref_slice %arg6[%dma_start3A_1018, %dma_start3A_1025] : memref<32x1024xf32, #tpu.memory_space<vmem>> -> memref<1x1024xf32, #tpu.memory_space<vmem>>
        %dma_start3A_1027 = tpu.memref_squeeze %dma_start3A_1026 : memref<1x1024xf32, #tpu.memory_space<vmem>> -> memref<1024xf32, #tpu.memory_space<vmem>>
        %dma_start3A_1028 = arith.constant 0 : i32
        %dma_start3A_1029 = tpu.memref_slice %arg8[%squeeze3A_1017, %dma_start3A_1028] : memref<256x1024xf32, #tpu.memory_space<vmem_shared>> -> memref<1x1024xf32, #tpu.memory_space<vmem_shared>>
        %dma_start3A_1030 = tpu.memref_squeeze %dma_start3A_1029 : memref<1x1024xf32, #tpu.memory_space<vmem_shared>> -> memref<1024xf32, #tpu.memory_space<vmem_shared>>
        tpu.enqueue_dma source(%dma_start3A_1030 : memref<1024xf32, #tpu.memory_space<vmem_shared>>) target(%dma_start3A_1027 : memref<1024xf32, #tpu.memory_space<vmem>>) target_semaphore(%arg9 : memref<!tpu.dma_semaphore, #tpu.memory_space<semaphore_mem>>)
        %slice3A_1031 = vector.extract_strided_slice %get3A_820 {offsets = [14], sizes = [1], strides = [1]} : vector<16xi32> to vector<1xi32>
        %squeeze3A_1032 = vector.extract %slice3A_1031[0] : i32 from vector<1xi32>
        %dma_start3A_1033 = arith.constant 30 : i32
        %dma_start3A_1034 = arith.constant 0 : i32
        %dma_start3A_1035 = tpu.memref_slice %arg6[%dma_start3A_1033, %dma_start3A_1034] : memref<32x1024xf32, #tpu.memory_space<vmem>> -> memref<1x1024xf32, #tpu.memory_space<vmem>>
        %dma_start3A_1036 = tpu.memref_squeeze %dma_start3A_1035 : memref<1x1024xf32, #tpu.memory_space<vmem>> -> memref<1024xf32, #tpu.memory_space<vmem>>
        %dma_start3A_1037 = arith.constant 0 : i32
        %dma_start3A_1038 = tpu.memref_slice %arg8[%squeeze3A_1032, %dma_start3A_1037] : memref<256x1024xf32, #tpu.memory_space<vmem_shared>> -> memref<1x1024xf32, #tpu.memory_space<vmem_shared>>
        %dma_start3A_1039 = tpu.memref_squeeze %dma_start3A_1038 : memref<1x1024xf32, #tpu.memory_space<vmem_shared>> -> memref<1024xf32, #tpu.memory_space<vmem_shared>>
        %dma_start3A_1040 = arith.constant 0 : i32
        %dma_start3A_1041 = tpu.memref_slice %arg6[%dma_start3A_1033, %dma_start3A_1040] : memref<32x1024xf32, #tpu.memory_space<vmem>> -> memref<1x1024xf32, #tpu.memory_space<vmem>>
        %dma_start3A_1042 = tpu.memref_squeeze %dma_start3A_1041 : memref<1x1024xf32, #tpu.memory_space<vmem>> -> memref<1024xf32, #tpu.memory_space<vmem>>
        %dma_start3A_1043 = arith.constant 0 : i32
        %dma_start3A_1044 = tpu.memref_slice %arg8[%squeeze3A_1032, %dma_start3A_1043] : memref<256x1024xf32, #tpu.memory_space<vmem_shared>> -> memref<1x1024xf32, #tpu.memory_space<vmem_shared>>
        %dma_start3A_1045 = tpu.memref_squeeze %dma_start3A_1044 : memref<1x1024xf32, #tpu.memory_space<vmem_shared>> -> memref<1024xf32, #tpu.memory_space<vmem_shared>>
        tpu.enqueue_dma source(%dma_start3A_1045 : memref<1024xf32, #tpu.memory_space<vmem_shared>>) target(%dma_start3A_1042 : memref<1024xf32, #tpu.memory_space<vmem>>) target_semaphore(%arg9 : memref<!tpu.dma_semaphore, #tpu.memory_space<semaphore_mem>>)
        %slice3A_1046 = vector.extract_strided_slice %get3A_820 {offsets = [15], sizes = [1], strides = [1]} : vector<16xi32> to vector<1xi32>
        %squeeze3A_1047 = vector.extract %slice3A_1046[0] : i32 from vector<1xi32>
        %dma_start3A_1048 = arith.constant 31 : i32
        %dma_start3A_1049 = arith.constant 0 : i32
        %dma_start3A_1050 = tpu.memref_slice %arg6[%dma_start3A_1048, %dma_start3A_1049] : memref<32x1024xf32, #tpu.memory_space<vmem>> -> memref<1x1024xf32, #tpu.memory_space<vmem>>
        %dma_start3A_1051 = tpu.memref_squeeze %dma_start3A_1050 : memref<1x1024xf32, #tpu.memory_space<vmem>> -> memref<1024xf32, #tpu.memory_space<vmem>>
        %dma_start3A_1052 = arith.constant 0 : i32
        %dma_start3A_1053 = tpu.memref_slice %arg8[%squeeze3A_1047, %dma_start3A_1052] : memref<256x1024xf32, #tpu.memory_space<vmem_shared>> -> memref<1x1024xf32, #tpu.memory_space<vmem_shared>>
        %dma_start3A_1054 = tpu.memref_squeeze %dma_start3A_1053 : memref<1x1024xf32, #tpu.memory_space<vmem_shared>> -> memref<1024xf32, #tpu.memory_space<vmem_shared>>
        %dma_start3A_1055 = arith.constant 0 : i32
        %dma_start3A_1056 = tpu.memref_slice %arg6[%dma_start3A_1048, %dma_start3A_1055] : memref<32x1024xf32, #tpu.memory_space<vmem>> -> memref<1x1024xf32, #tpu.memory_space<vmem>>
        %dma_start3A_1057 = tpu.memref_squeeze %dma_start3A_1056 : memref<1x1024xf32, #tpu.memory_space<vmem>> -> memref<1024xf32, #tpu.memory_space<vmem>>
        %dma_start3A_1058 = arith.constant 0 : i32
        %dma_start3A_1059 = tpu.memref_slice %arg8[%squeeze3A_1047, %dma_start3A_1058] : memref<256x1024xf32, #tpu.memory_space<vmem_shared>> -> memref<1x1024xf32, #tpu.memory_space<vmem_shared>>
        %dma_start3A_1060 = tpu.memref_squeeze %dma_start3A_1059 : memref<1x1024xf32, #tpu.memory_space<vmem_shared>> -> memref<1024xf32, #tpu.memory_space<vmem_shared>>
        tpu.enqueue_dma source(%dma_start3A_1060 : memref<1024xf32, #tpu.memory_space<vmem_shared>>) target(%dma_start3A_1057 : memref<1024xf32, #tpu.memory_space<vmem>>) target_semaphore(%arg9 : memref<!tpu.dma_semaphore, #tpu.memory_space<semaphore_mem>>)
      } else {
      }
      %dma_wait3A_558 = arith.constant 0 : i32
      %dma_wait3A_559 = arith.constant 0 : i32
      %dma_wait3A_560 = tpu.memref_slice %arg3[%dma_wait3A_558, %dma_wait3A_559] : memref<256x1024xf32, #tpu.memory_space<hbm>> -> memref<32x1024xf32, #tpu.memory_space<hbm>>
      %dma_wait3A_561 = arith.constant 0 : i32
      %dma_wait3A_562 = arith.constant 0 : i32
      %dma_wait3A_563 = tpu.memref_slice %arg3[%dma_wait3A_561, %dma_wait3A_562] : memref<256x1024xf32, #tpu.memory_space<hbm>> -> memref<32x1024xf32, #tpu.memory_space<hbm>>
      tpu.wait_dma2 semaphore(%arg10 : memref<!tpu.dma_semaphore, #tpu.memory_space<semaphore_mem>>) src(%dma_wait3A_563 : memref<32x1024xf32, #tpu.memory_space<hbm>>) dst(%arg7 : memref<32x1024xf32, #tpu.memory_space<vmem>>)
      %mul3A_564 = arith.constant 32 : i32
      %mul3A_565 = arith.muli %add3A_540, %mul3A_564 : i32
      %add3A_566 = arith.addi %mul3A_4, %mul3A_565 : i32
      %dma_start3A_567 = arith.constant 0 : i32
      %dma_start3A_568 = tpu.memref_slice %arg4[%add3A_566, %dma_start3A_567] : memref<32768x1024xf32, #tpu.memory_space<hbm>> -> memref<32x1024xf32, #tpu.memory_space<hbm>>
      %dma_start3A_569 = arith.constant 0 : i32
      %dma_start3A_570 = tpu.memref_slice %arg4[%add3A_566, %dma_start3A_569] : memref<32768x1024xf32, #tpu.memory_space<hbm>> -> memref<32x1024xf32, #tpu.memory_space<hbm>>
      tpu.enqueue_dma source(%arg7 : memref<32x1024xf32, #tpu.memory_space<vmem>>) target(%dma_start3A_570 : memref<32x1024xf32, #tpu.memory_space<hbm>>) target_semaphore(%arg12 : memref<!tpu.dma_semaphore, #tpu.memory_space<semaphore_mem>>)
    }
    %scan3A_495 = arith.constant 16 : i32
    %dma_wait3A = arith.constant 0 : i32
    %dma_wait3A_496 = arith.constant 0 : i32
    %dma_wait3A_497 = tpu.memref_slice %arg4[%dma_wait3A, %dma_wait3A_496] : memref<32768x1024xf32, #tpu.memory_space<hbm>> -> memref<32x1024xf32, #tpu.memory_space<hbm>>
    %dma_wait3A_498 = arith.constant 0 : i32
    %dma_wait3A_499 = arith.constant 0 : i32
    %dma_wait3A_500 = tpu.memref_slice %arg4[%dma_wait3A_498, %dma_wait3A_499] : memref<32768x1024xf32, #tpu.memory_space<hbm>> -> memref<32x1024xf32, #tpu.memory_space<hbm>>
    tpu.wait_dma2 semaphore(%arg11 : memref<!tpu.dma_semaphore, #tpu.memory_space<semaphore_mem>>) src(%arg6 : memref<32x1024xf32, #tpu.memory_space<vmem>>) dst(%dma_wait3A_500 : memref<32x1024xf32, #tpu.memory_space<hbm>>)
    %dma_wait3A_501 = arith.constant 0 : i32
    %dma_wait3A_502 = arith.constant 0 : i32
    %dma_wait3A_503 = tpu.memref_slice %arg4[%dma_wait3A_501, %dma_wait3A_502] : memref<32768x1024xf32, #tpu.memory_space<hbm>> -> memref<32x1024xf32, #tpu.memory_space<hbm>>
    %dma_wait3A_504 = arith.constant 0 : i32
    %dma_wait3A_505 = arith.constant 0 : i32
    %dma_wait3A_506 = tpu.memref_slice %arg4[%dma_wait3A_504, %dma_wait3A_505] : memref<32768x1024xf32, #tpu.memory_space<hbm>> -> memref<32x1024xf32, #tpu.memory_space<hbm>>
    tpu.wait_dma2 semaphore(%arg12 : memref<!tpu.dma_semaphore, #tpu.memory_space<semaphore_mem>>) src(%arg7 : memref<32x1024xf32, #tpu.memory_space<vmem>>) dst(%dma_wait3A_506 : memref<32x1024xf32, #tpu.memory_space<hbm>>)
    return
  }
}

</mosaic_0001>

<sc_bundles>
// kernel: kernel.3.cloned.1.call-start
scs
__scs_entry_jumppad:
0x0: {  	(pc) =	sbr.rel $0x88, $3  }
0x1: {  	(tag) =	ssettag $0x0;
	lr =	simm.s32 $0x1  }
0x2: {  	[smem:$0x3F9F] =	sst lr;
	_ =	strace $0xD0000000  }
0x3: {  	_ = 	snop  }
0x4: {  	_ = 	snop  }
0x5: {  	_ = 	snop  }
0x6: {  	_ = 	snop  }
0x7: {  	_ = 	snop  }
__scs_overlays_trampoline_lowered:
0x8: {  	[smem:$0x3FAE] =	sst s0  }
0x9: {  	[smem:$0x3FAF] =	sst s1  }
0xa: {  	[smem:$0x3FB0] =	sst s2  }
0xb: {  	[smem:$0x3FB1] =	sst s3  }
0xc: {  	[smem:$0x3FB2] =	sst s4  }
0xd: {  	[smem:$0x3FB3] =	sst s5  }
0xe: {  	[smem:$0x3FB4] =	sst s6  }
0xf: {  	[smem:$0x3FB5] =	sst s7  }
0x10: {  	[smem:$0x3FB6] =	sst s8  }
0x11: {  	[smem:$0x3FB7] =	sst s9;
	s0 =	simm.s32 @!p0 $0x0  }
0x12: {  	s1 =	sld [smem:$0x3F9D];
	s0 =	simm.s32 @p0 $0x1  }
0x13: {  	[smem:$0x3FB8] =	sst s0;
	s0 =	simm.s32 @!p1 $0x0  }
0x14: {  	s2 =	sld [smem:$0x3F9C];
	s0 =	simm.s32 @p1 $0x1  }
0x15: {  	[smem:$0x3FB9] =	sst s0;
	s0 =	simm.s32 @!p2 $0x0  }
0x16: {  	s3 =	sld [smem:$0x3FDB];
	s0 =	simm.s32 @p2 $0x1  }
0x17: {  	s4 =	simm.s32 $0x1BF5;
	[smem:$0x3FBB] =	sst s0  }
0x18: {  	s0 =	sld [smem:$0x3F9E];
	_ =	swait.ge [sflag:s4], $0x0  }
0x19: {  	s7 =	sld [smem:$0x3F9F]  }
0x1a: {  	s8 =	sadd.s32 $0xFFFFE003, lr  }
0x1b: {  	s9 =	sadd.s32 $0xFFFFFEF7, lr;
	s5 =	simm.s32 $0xFFFFFFFF;
	p2 =	slt.u32 s8, $0xFFFFF086  }
0x1c: {  	p1 =	slt.u32 s9, $0xF7A;
	s5 =	simm.s32 @!p2 $0x0  }
0x1d: {  	s5 =	simm.s32 @p1 $0x1;
	p0 =	seq.s32 s7, s2  }
0x1e: {  	s7 =	smul.u32 @!p0 $0xF7A, s2;
	p2 =	seq.s32 @!p0 s5, $0x0  }
0x1f: {  	s9 =	smul.u32 $0xF7A, s1;
	s8 =	simm.s32 @!p0 $0x1BF5;
	p2 =	por !p2, p0  }
0x20: {  	[sflag:s8] =	ssyncset.s32 @!p0 $0xFFFFF086;
	s6 =	sadd.s32 @!p0 s3, s7;
	s7 =	simm.s32 @!p0 $0x108  }
0x21: {  	s3 =	sadd.s32 s3, s9;
	s6 =	sadd.s32 @!p0 $0x88, s6;
	s7 =	simm.s32 @p2 $0x1082  }
0x22: {  	[simem:s7], [sflag:s8] =	dma.local @!p0 [hbm:s6], $0xF7A  }
0x23: {  	s9 =	sor.u32 $0xD0000000, s2;
	s6 =	simm.s32 $0x108;
	_ =	swait.ge @!p0 [sflag:s8], $0x0  }
0x24: {  	s3 =	sadd.s32 $0x88, s3;
	s6 =	simm.s32 @!p1 $0x1082;
	[sflag:s4] =	ssyncset.s32 $0xFFFFF086  }
0x25: {  	[simem:s6], [sflag:s4] =	dma.local [hbm:s3], $0xF7A  }
0x26: {  	[smem:$0x3F9F] =	sst s1;
	(tag) =	ssettag s2;
	_ =	strace s9  }
0x27: {  	s1 =	sld [smem:$0x3FAF]  }
0x28: {  	s2 =	sld [smem:$0x3FB0]  }
0x29: {  	s4 =	sld [smem:$0x3FB2]  }
0x2a: {  	p0 =	seq.s32 s5, $0x0;
	s5 =	sld [smem:$0x3FB3]  }
0x2b: {  	s6 =	sld [smem:$0x3FB4]  }
0x2c: {  	s7 =	sld [smem:$0x3FB5]  }
0x2d: {  	s3 =	simm.s32 $0x108;
	s8 =	sld [smem:$0x3FB6]  }
0x2e: {  	s3 =	simm.s32 @!p0 $0x1082;
	s9 =	sld [smem:$0x3FB7]  }
0x2f: {  	lr =	sadd.s32 s0, s3;
	s0 =	sld [smem:$0x3FAE]  }
0x30: {  	s3 =	sld [smem:$0x3FB1]  }
0x31: {  	[smem:$0x3FBA] =	sst s10  }
0x32: {  	s10 =	sld [smem:$0x3FB8];
	_ =	sdelay $0x3  }
0x33: {  	p0 =	seq.s32 s10, $0x1;
	s10 =	sld [smem:$0x3FBA];
	_ =	sdelay $0x3  }
0x34: {  	[smem:$0x3FBA] =	sst s10  }
0x35: {  	s10 =	sld [smem:$0x3FB9];
	_ =	sdelay $0x3  }
0x36: {  	p1 =	seq.s32 s10, $0x1;
	s10 =	sld [smem:$0x3FBA];
	_ =	sdelay $0x3  }
0x37: {  	[smem:$0x3FBA] =	sst s10  }
0x38: {  	s10 =	sld [smem:$0x3FBB]  }
0x39: {  	_ = 	snop;
	(pc) =	sbr.ind lr, $3  }
0x3a: {  	_ = 	snop  }
0x3b: {  	_ = 	snop  }
0x3c: {  	p2 =	seq.s32 s10, $0x1;
	s10 =	sld [smem:$0x3FBA]  }
0x3d: {  	_ =	shalt  }
0x3e: {  	_ =	shalt  }
0x3f: {  	_ =	shalt  }
0x40: {  	_ =	shalt  }
0x41: {  	_ =	shalt  }
0x42: {  	_ =	shalt  }
0x43: {  	_ =	shalt  }
0x44: {  	_ =	shalt  }
0x45: {  	_ =	shalt  }
0x46: {  	_ =	shalt  }
0x47: {  	_ =	shalt  }
0x48: {  	_ =	shalt  }
0x49: {  	_ =	shalt  }
0x4a: {  	_ =	shalt  }
0x4b: {  	_ =	shalt  }
0x4c: {  	_ =	shalt  }
0x4d: {  	_ =	shalt  }
0x4e: {  	_ =	shalt  }
0x4f: {  	_ =	shalt  }
0x50: {  	_ =	shalt  }
0x51: {  	_ =	shalt  }
0x52: {  	_ =	shalt  }
0x53: {  	_ =	shalt  }
0x54: {  	_ =	shalt  }
0x55: {  	_ =	shalt  }
0x56: {  	_ =	shalt  }
0x57: {  	_ =	shalt  }
0x58: {  	_ =	shalt  }
0x59: {  	_ =	shalt  }
0x5a: {  	_ =	shalt  }
0x5b: {  	_ =	shalt  }
0x5c: {  	_ =	shalt  }
0x5d: {  	_ =	shalt  }
0x5e: {  	_ =	shalt  }
0x5f: {  	_ =	shalt  }
0x60: {  	_ =	shalt  }
0x61: {  	_ =	shalt  }
0x62: {  	_ =	shalt  }
0x63: {  	_ =	shalt  }
0x64: {  	_ =	shalt  }
0x65: {  	_ =	shalt  }
0x66: {  	_ =	shalt  }
0x67: {  	_ =	shalt  }
0x68: {  	_ =	shalt  }
0x69: {  	_ =	shalt  }
0x6a: {  	_ =	shalt  }
0x6b: {  	_ =	shalt  }
0x6c: {  	_ =	shalt  }
0x6d: {  	_ =	shalt  }
0x6e: {  	_ =	shalt  }
0x6f: {  	_ =	shalt  }
0x70: {  	_ =	shalt  }
0x71: {  	_ =	shalt  }
0x72: {  	_ =	shalt  }
0x73: {  	_ =	shalt  }
0x74: {  	_ =	shalt  }
0x75: {  	_ =	shalt  }
0x76: {  	_ =	shalt  }
0x77: {  	_ =	shalt  }
0x78: {  	_ =	shalt  }
0x79: {  	_ =	shalt  }
0x7a: {  	_ =	shalt  }
0x7b: {  	_ =	shalt  }
0x7c: {  	_ =	shalt  }
0x7d: {  	_ =	shalt  }
0x7e: {  	_ =	shalt  }
0x7f: {  	_ =	shalt  }
0x80: {  	_ =	shalt  }
0x81: {  	_ =	shalt  }
0x82: {  	_ =	shalt  }
0x83: {  	_ =	shalt  }
0x84: {  	_ =	shalt  }
0x85: {  	_ =	shalt  }
0x86: {  	_ =	shalt  }
0x87: {  	_ =	shalt  }
.Lfunc_end0:
.L_simem_size_0:
called_computation_lowered:
.L_overlay_start_0:
0x88: {  	s2 =	sld [smem:$0x3FD9]  }
0x89: {  	s3 =	sld [smem:$0x3FFE];
	_ =	sdelay $0x1  }
0x8a: {  	s1 =	srdreg.scid  }
0x8b: {  	s0 =	sand.u32 $0x1, s1  }
0x8c: {  	s17 =	sshll.u32 s0, $0xA;
	s2 =	sadd.s32 s3, s2  }
0x8d: {  	s2 =	sadd.s32 s2, s17  }
0x8e: {  	[smem:$0x3FC6] =	sst s2  }
0x8f: {  	_ = 	snop  }
0x90: {  	s2 =	sld [smem:$0x3FC8]  }
0x91: {  	s18 =	sld [smem:$0x3FD0];
	(tm) =	ssettm $0x1  }
0x92: {  	s4 =	sld [smem:$0x3FFB];
	_ =	sdelay $0x3  }
0x93: {  	_ =	strace s4  }
0x94: {  	s4 =	sld [smem:$0x3FFC];
	_ =	sdelay $0x3  }
0x95: {  	_ =	strace s4  }
0x96: {  	s4 =	sld [smem:$0x3FFD];
	_ =	sdelay $0x3  }
0x97: {  	_ =	strace s4  }
0x98: {  	_ =	strace $0x8FFFFFFF  }
0x99: {  	s19 =	sld [smem:$0x3FDB];
	_ =	sdelay $0x1  }
0x9a: {  	s5 =	simm.s32 $_scs_section_size  }
0x9b: {  	s6 =	simm.s32 $_size__tile_overlayer_lowered;
	s7 =	simm.s32 $_tile_overlayer_lowered  }
0x9c: {  	s22 =	simm.s32 $0x1BFF;
	s21 =	sshll.u32 s7, $0x1;
	s4 =	sadd.s32 s5, s19  }
0x9d: {  	s8 =	simm.s32 $0x0;
	s20 =	sshll.u32 s6, $0x1;
	s6 =	sadd.s32 s21, s4  }
0x9e: {  	[timem:s8], [sflag:s22] =	dma.local [hbm:s6], s20  }
0x9f: {  	_ =	swait.ge [sflag:s22], s20  }
0xa0: {  	s5 =	ssub.s32 $0x0, s20;
	[sflag:s22] =	ssyncset.done $0x0  }
0xa1: {  	[sflag:s22] =	ssyncadd.s32 s5;
	_ =	sdelay $0x1  }
0xa2: {  	s23 =	simm.s32 $0x1B8B  }
0xa3: {  	_ =	swait.ge [sflag:s23], $0x1  }
0xa4: {  	[sflag:s23] =	ssyncset.done $0x0  }
0xa5: {  	s25 =	simm.s32 $0x1B8E;
	s24 =	sld [smem:$0x3FFE];
	[sflag:s23] =	ssyncadd.s32 $0xFFFFFFFF  }
0xa6: {  	s26 =	simm.s32 $execute0_lowered;
	[smem:$0x3FD2] =	sst s25  }
0xa7: {  	s6 =	sshll.u32 s26, $0x1;
	_ =	strace $0x80000046;
	[dreg:$0x1] =	wrdreg $0xFFFFFFFF  }
0xa8: {  	s28 =	simm.s32 $_size_execute0_lowered;
	s4 =	sadd.s32 s4, s6;
	[dreg:$0x0] =	wrdreg $0x0  }
0xa9: {  	s6 =	sshll.u32 s28, $0x1;
	[dreg:$0x2] =	wrdreg s4  }
0xaa: {  	[dreg:$0x3] =	wrdreg s6  }
0xab: {  	[dreg:$0x4] =	wrdreg $0xC0  }
0xac: {  	_ =	task [dreg:s8], $0x5FFFF  }
0xad: {  	[dreg:$0x1] =	wrdreg $0xFFFFFFFF  }
0xae: {  	[dreg:$0x0] =	wrdreg $0x60  }
0xaf: {  	[dreg:$0x2] =	wrdreg s24  }
0xb0: {  	[dreg:$0x3] =	wrdreg s2  }
0xb1: {  	[dreg:$0x4] =	wrdreg s18  }
0xb2: {  	[dreg:$0x5] =	wrdreg $0x110000  }
0xb3: {  	[dreg:$0x6] =	wrdreg $0x9  }
0xb4: {  	_ =	task.clear_ibuf [dreg:s8], $0x7FFFF;
	_ =	strace $0x90000046  }
0xb5: {  	s29 =	simm.s32 $0x9;
	_ =	strace $0x80000048  }
0xb6: {  	_ =	swait.ge [sflag:s29], $0x1  }
0xb7: {  	[sflag:s29] =	ssyncadd.s32 $0xFFFFFFFF  }
0xb8: {  	_ =	strace $0x90000048  }
0xb9: {  	_ =	sfence  }
0xba: {  	s30 =	sld [smem:$0x0];
	_ =	sdelay $0x2  }
0xbb: {  	s31 =	sshll.u32 s1, $0xD;
	s1 =	sshrl.u32 s1, $0x2  }
0xbc: {  	s3 =	sand.u32 $0x4000, s31;
	s1 =	sadd.s32 s1, s30  }
0xbd: {  	s0 =	sor.u32 s3, s0;
	s1 =	sshll.u32 s1, $0x11  }
0xbe: {  	s0 =	sor.u32 s1, s0  }
0xbf: {  	s0 =	sadd.s32 $0x8F2B, s0  }
0xc0: {  	[sflag:s0] =	ssyncadd.remote.s32 $0x1  }
0xc1: {  	_ =	sfence.sel $0xFFFF  }
0xc2: {  	[dreg:$0x0] =	wrdreg $0xFFFFFFFF;
	(pc) =	sbr.abs _section_cstart, $3  }
0xc3: {  	[dreg:$0x1] =	wrdreg $0xFFFFFFFF  }
0xc4: {  	_ =	task.clear_ibuf [dreg:s8], $0x2FFFF;
	_ =	strace $0x9FFFFFFF  }
0xc5: {  	(tm) =	ssettm $0x7FFFFFFF  }
tec
execute0_lowered:
.L_overlay_start_1:
0x0: {  	(tag) =	ssettag $0x1  }
0x1: {  	s0 =	rddreg [dreg:$0x0]  }
0x2: {  	s1 =	rddreg [dreg:$0x2]  }
0x3: {  	s2 =	rddreg [dreg:$0x3];
	s3 =	simm.s32 $0x0  }
0x4: {  	s4 =	srdreg.scid;
	s5 =	stileid.u32;
	s9 =	simm.s32 $0x1000  }
0x5: {  	s18 =	simm.s32 $0x9000;
	s28 =	simm.s32 $0xA000;
	s29 =	simm.s32 $0xF300  }
0x6: {  	s30 =	simm.s32 $0xF700;
	s31 =	simm.s32 $0xFB00;
	s10 =	simm.s32 $0xF780  }
0x7: {  	s11 =	simm.s32 $0xFB80;
	s12 =	simm.s32 $0xFF80;
	s13 =	simm.s32 $0x10380  }
0x8: {  	s14 =	simm.s32 $0x10780;
	s19 =	simm.s32 $0x10B80;
	s20 =	simm.s32 $0x10F80  }
0x9: {  	s17 =	simm.s32 $0x0;
	[smem:$0x7FF] =	sst s3;
	s4 =	sand.u32 $0x1, s4  }
0xa: {  	s6 =	sshll.u32 s5, $0xA;
	s23 =	sshll.u32 s5, $0x12;
	p0 =	sne.s32 s5, $0x0  }
0xb: {  	s5 =	simm.s32 $0x10B00;
	s7 =	sshll.u32 s4, $0x9;
	s8 =	ssub.s32 $0x2, s4  }
0xc: {  	_ =	strace $0x80000047;
	s24 =	sadd.s32 s23, s1;
	s25 =	sshll.u32 s4, $0x11  }
0xd: {  	s1 =	simm.s32 $0x10300;
	s4 =	simm.s32 $0x10700;
	s23 =	simm.s32 $0x3  }
0xe: {  	s6 =	sor.u32 s7, s6;
	s21 =	sshrl.u32 s8, $0x1;
	s7 =	simm.s32 $0x10F00  }
.Ltmp0:
0xf: {  	s0 =	sadd.s32 s6, s0;
	s22 =	ssub.s32 s8, s21;
	(pc) =	sbr.rel .LBB2_1-.Ltmp0, $4  }
0x10: {  	s6 =	sadd.s32 s25, s24;
	s8 =	simm.s32 $0xF380;
	s0 =	sadd.s32 $0x400, s0  }
0x11: {  	s21 =	simm.s32 $0x1;
	s26 =	smax.u32 s22, $0x1;
	[dreg:$0x5] =	wrdreg s0  }
0x12: {  	s22 =	simm.s32 $0x2;
	[dreg:$0x6] =	wrdreg s26;
	s0 =	sshrl.u32 @!p0 s2, $0x3  }
0x13: {  	s26 =	simm.s32 $0x9C00;
	[dreg:$0x7] =	wrdreg s0;
	s0 =	simm.s32 $0xFF00  }
.LBB2_5:
0x14: {  	_ =	swait.ge [sflag:s23], $0x8000  }
0x15: {  	[sflag:s23] =	ssyncset.done $0x0  }
0x16: {  	s16 =	simm.s32 $0x4;
	[sflag:s23] =	ssyncadd.s32 $0xFFFF8000  }
0x17: {  	_ =	swait.ge [sflag:s16], $0x8000  }
0x18: {  	s17 =	rddreg [dreg:$0x8]  }
0x19: {  	s15 =	rddreg [dreg:$0x6];
	s17 =	sadd.s32 $0x1, s17  }
0x1a: {  	p1 =	sne.s32 s17, s15  }
.Ltmp1:
0x1b: {  	_ = 	snop;
	(pc) =	sbr.rel @!p1 .LBB2_6-.Ltmp1, $3  }
0x1c: {  	_ =	sdelay $0x1  }
0x1d: {  	[sflag:s16] =	ssyncset.done $0x0  }
0x1e: {  	[sflag:s16] =	ssyncadd.s32 $0xFFFF8000  }
.LBB2_1:
0x1f: {  	[dreg:$0x8] =	wrdreg s17  }
0x20: {  	s16 =	rddreg [dreg:$0x1]  }
0x21: {  	s15 =	simm.s32 @!p0 $0x1C05;
	s17 =	rddreg [dreg:$0x7]  }
0x22: {  	[spmem:s17], [sflag:s15] =	dma.local @!p0 [hbm:s16], $0x8000  }
0x23: {  	s15 =	simm.s32 @!p0 $0x5  }
0x24: {  	_ =	swait.ge @!p0 [sflag:s15], $0x8000  }
0x25: {  	[sflag:s15] =	ssyncset.done @!p0 $0x0  }
0x26: {  	s16 =	simm.s32 $0x5;
	s25 =	rddreg [dreg:$0x5];
	[sflag:s15] =	ssyncadd.s32 @!p0 $0xFFFF8000  }
0x27: {  	[tilespmem:s3], [sflag:$0x5] =	stream.linear.gather [hbm4b:s25+s3], $0x1000, $0x38;
	[tilespmem:$0x15000] =	vst v63  }
0x28: {  	_ =	swait.ge [sflag:s16], $0x1000  }
0x29: {  	[sflag:s16] =	ssyncset.done $0x0  }
0x2a: {  	[sflag:s16] =	ssyncadd.s32 $0xFFFFF000  }
0x2b: {  	[bflag:$0x0] =	sbarrier.arrive $0xFFFF  }
0x2c: {  	v0 =	vld [tilespmem:$0x0];
	_ =	sdelay $0x4  }
0x2d: {  	(v2sf) =	vpush v0, $0x0;
	_ =	sdelay $0xe  }
0x2e: {  	s17 =	spop (v2sf)  }
0x2f: {  	s24 =	sshll.u32 s17, $0xA  }
0x30: {  	s15 =	sshll.u32 s17, $0x7;
	s24 =	sand.u32 $0xFFFFE000, s24  }
0x31: {  	(v2sf) =	vpush v0, $0x1;
	s15 =	sand.u32 $0x380, s15;
	s24 =	sadd.s32 s24, s2  }
0x32: {  	s15 =	sadd.s32 s15, s24  }
0x33: {  	[tilespmem:s9], [sflag:$0x1] =	stream.linear.gather [spmem:s15], $0x80, $0x38;
	[tilespmem:$0x15000] =	vst v63  }
0x34: {  	s25 =	simm.s32 $0x1400;
	s24 =	sadd.s32 $0x400, s15  }
0x35: {  	[tilespmem:s25], [sflag:$0x1] =	stream.linear.gather [spmem:s24], $0x80, $0x38;
	[tilespmem:$0x15000] =	vst v63  }
0x36: {  	s17 =	sadd.s32 $0x800, s15;
	s25 =	simm.s32 $0x1800  }
0x37: {  	[tilespmem:s25], [sflag:$0x1] =	stream.linear.gather [spmem:s17], $0x80, $0x38;
	[tilespmem:$0x15000] =	vst v63  }
0x38: {  	s17 =	sadd.s32 $0xC00, s15;
	s25 =	simm.s32 $0x1C00  }
0x39: {  	[tilespmem:s25], [sflag:$0x1] =	stream.linear.gather [spmem:s17], $0x80, $0x38;
	[tilespmem:$0x15000] =	vst v63  }
0x3a: {  	s17 =	sadd.s32 $0x1000, s15;
	s25 =	simm.s32 $0x2000  }
0x3b: {  	[tilespmem:s25], [sflag:$0x1] =	stream.linear.gather [spmem:s17], $0x80, $0x38;
	[tilespmem:$0x15000] =	vst v63  }
0x3c: {  	s17 =	sadd.s32 $0x1400, s15;
	s25 =	simm.s32 $0x2400  }
0x3d: {  	[tilespmem:s25], [sflag:$0x1] =	stream.linear.gather [spmem:s17], $0x80, $0x38;
	[tilespmem:$0x15000] =	vst v63  }
0x3e: {  	s16 =	sadd.s32 $0x1800, s15;
	s17 =	simm.s32 $0x2800  }
0x3f: {  	[tilespmem:s17], [sflag:$0x1] =	stream.linear.gather [spmem:s16], $0x80, $0x38;
	[tilespmem:$0x15000] =	vst v63  }
0x40: {  	s16 =	spop (v2sf)  }
0x41: {  	s15 =	sadd.s32 $0x1C00, s15;
	s25 =	simm.s32 $0x2C00;
	s17 =	sshll.u32 s16, $0xA  }
0x42: {  	[tilespmem:s25], [sflag:$0x1] =	stream.linear.gather [spmem:s15], $0x80, $0x38;
	[tilespmem:$0x15000] =	vst v63  }
0x43: {  	s24 =	sand.u32 $0xFFFFE000, s17;
	s15 =	sshll.u32 s16, $0x7  }
0x44: {  	(v2sf) =	vpush v0, $0x2;
	s15 =	sand.u32 $0x380, s15;
	s24 =	sadd.s32 s24, s2  }
0x45: {  	s15 =	sadd.s32 s15, s24;
	s24 =	simm.s32 $0x1080  }
0x46: {  	[tilespmem:s24], [sflag:$0x1] =	stream.linear.gather [spmem:s15], $0x80, $0x38;
	[tilespmem:$0x15000] =	vst v63  }
0x47: {  	s25 =	simm.s32 $0x1480;
	s24 =	sadd.s32 $0x400, s15  }
0x48: {  	[tilespmem:s25], [sflag:$0x1] =	stream.linear.gather [spmem:s24], $0x80, $0x38;
	[tilespmem:$0x15000] =	vst v63  }
0x49: {  	s17 =	sadd.s32 $0x800, s15;
	s25 =	simm.s32 $0x1880  }
0x4a: {  	[tilespmem:s25], [sflag:$0x1] =	stream.linear.gather [spmem:s17], $0x80, $0x38;
	[tilespmem:$0x15000] =	vst v63  }
0x4b: {  	s17 =	sadd.s32 $0xC00, s15;
	s25 =	simm.s32 $0x1C80  }
0x4c: {  	[tilespmem:s25], [sflag:$0x1] =	stream.linear.gather [spmem:s17], $0x80, $0x38;
	[tilespmem:$0x15000] =	vst v63  }
0x4d: {  	s17 =	sadd.s32 $0x1000, s15;
	s25 =	simm.s32 $0x2080  }
0x4e: {  	[tilespmem:s25], [sflag:$0x1] =	stream.linear.gather [spmem:s17], $0x80, $0x38;
	[tilespmem:$0x15000] =	vst v63  }
0x4f: {  	s17 =	sadd.s32 $0x1400, s15;
	s25 =	simm.s32 $0x2480  }
0x50: {  	[tilespmem:s25], [sflag:$0x1] =	stream.linear.gather [spmem:s17], $0x80, $0x38;
	[tilespmem:$0x15000] =	vst v63  }
0x51: {  	s16 =	sadd.s32 $0x1800, s15;
	s17 =	simm.s32 $0x2880  }
0x52: {  	[tilespmem:s17], [sflag:$0x1] =	stream.linear.gather [spmem:s16], $0x80, $0x38;
	[tilespmem:$0x15000] =	vst v63  }
0x53: {  	s16 =	spop (v2sf)  }
0x54: {  	s15 =	sadd.s32 $0x1C00, s15;
	s25 =	simm.s32 $0x2C80;
	s17 =	sshll.u32 s16, $0xA  }
0x55: {  	[tilespmem:s25], [sflag:$0x1] =	stream.linear.gather [spmem:s15], $0x80, $0x38;
	[tilespmem:$0x15000] =	vst v63  }
0x56: {  	s24 =	sand.u32 $0xFFFFE000, s17;
	s15 =	sshll.u32 s16, $0x7  }
0x57: {  	(v2sf) =	vpush v0, $0x3;
	s15 =	sand.u32 $0x380, s15;
	s24 =	sadd.s32 s24, s2  }
0x58: {  	s15 =	sadd.s32 s15, s24;
	s24 =	simm.s32 $0x1100  }
0x59: {  	[tilespmem:s24], [sflag:$0x1] =	stream.linear.gather [spmem:s15], $0x80, $0x38;
	[tilespmem:$0x15000] =	vst v63  }
0x5a: {  	s25 =	simm.s32 $0x1500;
	s24 =	sadd.s32 $0x400, s15  }
0x5b: {  	[tilespmem:s25], [sflag:$0x1] =	stream.linear.gather [spmem:s24], $0x80, $0x38;
	[tilespmem:$0x15000] =	vst v63  }
0x5c: {  	s17 =	sadd.s32 $0x800, s15;
	s25 =	simm.s32 $0x1900  }
0x5d: {  	[tilespmem:s25], [sflag:$0x1] =	stream.linear.gather [spmem:s17], $0x80, $0x38;
	[tilespmem:$0x15000] =	vst v63  }
0x5e: {  	s17 =	sadd.s32 $0xC00, s15;
	s25 =	simm.s32 $0x1D00  }
0x5f: {  	[tilespmem:s25], [sflag:$0x1] =	stream.linear.gather [spmem:s17], $0x80, $0x38;
	[tilespmem:$0x15000] =	vst v63  }
0x60: {  	s17 =	sadd.s32 $0x1000, s15;
	s25 =	simm.s32 $0x2100  }
0x61: {  	[tilespmem:s25], [sflag:$0x1] =	stream.linear.gather [spmem:s17], $0x80, $0x38;
	[tilespmem:$0x15000] =	vst v63  }
0x62: {  	s17 =	sadd.s32 $0x1400, s15;
	s25 =	simm.s32 $0x2500  }
0x63: {  	[tilespmem:s25], [sflag:$0x1] =	stream.linear.gather [spmem:s17], $0x80, $0x38;
	[tilespmem:$0x15000] =	vst v63  }
0x64: {  	s16 =	sadd.s32 $0x1800, s15;
	s17 =	simm.s32 $0x2900  }
0x65: {  	[tilespmem:s17], [sflag:$0x1] =	stream.linear.gather [spmem:s16], $0x80, $0x38;
	[tilespmem:$0x15000] =	vst v63  }
0x66: {  	s16 =	spop (v2sf)  }
0x67: {  	s15 =	sadd.s32 $0x1C00, s15;
	s25 =	simm.s32 $0x2D00;
	s17 =	sshll.u32 s16, $0xA  }
0x68: {  	[tilespmem:s25], [sflag:$0x1] =	stream.linear.gather [spmem:s15], $0x80, $0x38;
	[tilespmem:$0x15000] =	vst v63  }
0x69: {  	s24 =	sand.u32 $0xFFFFE000, s17;
	s15 =	sshll.u32 s16, $0x7  }
0x6a: {  	(v2sf) =	vpush v0, $0x4;
	s15 =	sand.u32 $0x380, s15;
	s24 =	sadd.s32 s24, s2  }
0x6b: {  	s15 =	sadd.s32 s15, s24;
	s24 =	simm.s32 $0x1180  }
0x6c: {  	[tilespmem:s24], [sflag:$0x1] =	stream.linear.gather [spmem:s15], $0x80, $0x38;
	[tilespmem:$0x15000] =	vst v63  }
0x6d: {  	s25 =	simm.s32 $0x1580;
	s24 =	sadd.s32 $0x400, s15  }
0x6e: {  	[tilespmem:s25], [sflag:$0x1] =	stream.linear.gather [spmem:s24], $0x80, $0x38;
	[tilespmem:$0x15000] =	vst v63  }
0x6f: {  	s17 =	sadd.s32 $0x800, s15;
	s25 =	simm.s32 $0x1980  }
0x70: {  	[tilespmem:s25], [sflag:$0x1] =	stream.linear.gather [spmem:s17], $0x80, $0x38;
	[tilespmem:$0x15000] =	vst v63  }
0x71: {  	s17 =	sadd.s32 $0xC00, s15;
	s25 =	simm.s32 $0x1D80  }
0x72: {  	[tilespmem:s25], [sflag:$0x1] =	stream.linear.gather [spmem:s17], $0x80, $0x38;
	[tilespmem:$0x15000] =	vst v63  }
0x73: {  	s17 =	sadd.s32 $0x1000, s15;
	s25 =	simm.s32 $0x2180  }
0x74: {  	[tilespmem:s25], [sflag:$0x1] =	stream.linear.gather [spmem:s17], $0x80, $0x38;
	[tilespmem:$0x15000] =	vst v63  }
0x75: {  	s17 =	sadd.s32 $0x1400, s15;
	s25 =	simm.s32 $0x2580  }
0x76: {  	[tilespmem:s25], [sflag:$0x1] =	stream.linear.gather [spmem:s17], $0x80, $0x38;
	[tilespmem:$0x15000] =	vst v63  }
0x77: {  	s16 =	sadd.s32 $0x1800, s15;
	s17 =	simm.s32 $0x2980  }
0x78: {  	[tilespmem:s17], [sflag:$0x1] =	stream.linear.gather [spmem:s16], $0x80, $0x38;
	[tilespmem:$0x15000] =	vst v63  }
0x79: {  	s16 =	spop (v2sf)  }
0x7a: {  	s15 =	sadd.s32 $0x1C00, s15;
	s25 =	simm.s32 $0x2D80;
	s17 =	sshll.u32 s16, $0xA  }
0x7b: {  	[tilespmem:s25], [sflag:$0x1] =	stream.linear.gather [spmem:s15], $0x80, $0x38;
	[tilespmem:$0x15000] =	vst v63  }
0x7c: {  	s24 =	sand.u32 $0xFFFFE000, s17;
	s15 =	sshll.u32 s16, $0x7  }
0x7d: {  	(v2sf) =	vpush v0, $0x5;
	s15 =	sand.u32 $0x380, s15;
	s24 =	sadd.s32 s24, s2  }
0x7e: {  	s15 =	sadd.s32 s15, s24;
	s24 =	simm.s32 $0x1200  }
0x7f: {  	[tilespmem:s24], [sflag:$0x1] =	stream.linear.gather [spmem:s15], $0x80, $0x38;
	[tilespmem:$0x15000] =	vst v63  }
0x80: {  	s25 =	simm.s32 $0x1600;
	s24 =	sadd.s32 $0x400, s15  }
0x81: {  	[tilespmem:s25], [sflag:$0x1] =	stream.linear.gather [spmem:s24], $0x80, $0x38;
	[tilespmem:$0x15000] =	vst v63  }
0x82: {  	s17 =	sadd.s32 $0x800, s15;
	s25 =	simm.s32 $0x1A00  }
0x83: {  	[tilespmem:s25], [sflag:$0x1] =	stream.linear.gather [spmem:s17], $0x80, $0x38;
	[tilespmem:$0x15000] =	vst v63  }
0x84: {  	s17 =	sadd.s32 $0xC00, s15;
	s25 =	simm.s32 $0x1E00  }
0x85: {  	[tilespmem:s25], [sflag:$0x1] =	stream.linear.gather [spmem:s17], $0x80, $0x38;
	[tilespmem:$0x15000] =	vst v63  }
0x86: {  	s17 =	sadd.s32 $0x1000, s15;
	s25 =	simm.s32 $0x2200  }
0x87: {  	[tilespmem:s25], [sflag:$0x1] =	stream.linear.gather [spmem:s17], $0x80, $0x38;
	[tilespmem:$0x15000] =	vst v63  }
0x88: {  	s17 =	sadd.s32 $0x1400, s15;
	s25 =	simm.s32 $0x2600  }
0x89: {  	[tilespmem:s25], [sflag:$0x1] =	stream.linear.gather [spmem:s17], $0x80, $0x38;
	[tilespmem:$0x15000] =	vst v63  }
0x8a: {  	s16 =	sadd.s32 $0x1800, s15;
	s17 =	simm.s32 $0x2A00  }
0x8b: {  	[tilespmem:s17], [sflag:$0x1] =	stream.linear.gather [spmem:s16], $0x80, $0x38;
	[tilespmem:$0x15000] =	vst v63  }
0x8c: {  	s16 =	spop (v2sf)  }
0x8d: {  	s15 =	sadd.s32 $0x1C00, s15;
	s25 =	simm.s32 $0x2E00;
	s17 =	sshll.u32 s16, $0xA  }
0x8e: {  	[tilespmem:s25], [sflag:$0x1] =	stream.linear.gather [spmem:s15], $0x80, $0x38;
	[tilespmem:$0x15000] =	vst v63  }
0x8f: {  	s24 =	sand.u32 $0xFFFFE000, s17;
	s15 =	sshll.u32 s16, $0x7  }
0x90: {  	(v2sf) =	vpush v0, $0x6;
	s15 =	sand.u32 $0x380, s15;
	s24 =	sadd.s32 s24, s2  }
0x91: {  	s15 =	sadd.s32 s15, s24;
	s24 =	simm.s32 $0x1280  }
0x92: {  	[tilespmem:s24], [sflag:$0x1] =	stream.linear.gather [spmem:s15], $0x80, $0x38;
	[tilespmem:$0x15000] =	vst v63  }
0x93: {  	s25 =	simm.s32 $0x1680;
	s24 =	sadd.s32 $0x400, s15  }
0x94: {  	[tilespmem:s25], [sflag:$0x1] =	stream.linear.gather [spmem:s24], $0x80, $0x38;
	[tilespmem:$0x15000] =	vst v63  }
0x95: {  	s17 =	sadd.s32 $0x800, s15;
	s25 =	simm.s32 $0x1A80  }
0x96: {  	[tilespmem:s25], [sflag:$0x1] =	stream.linear.gather [spmem:s17], $0x80, $0x38;
	[tilespmem:$0x15000] =	vst v63  }
0x97: {  	s17 =	sadd.s32 $0xC00, s15;
	s25 =	simm.s32 $0x1E80  }
0x98: {  	[tilespmem:s25], [sflag:$0x1] =	stream.linear.gather [spmem:s17], $0x80, $0x38;
	[tilespmem:$0x15000] =	vst v63  }
0x99: {  	s17 =	sadd.s32 $0x1000, s15;
	s25 =	simm.s32 $0x2280  }
0x9a: {  	[tilespmem:s25], [sflag:$0x1] =	stream.linear.gather [spmem:s17], $0x80, $0x38;
	[tilespmem:$0x15000] =	vst v63  }
0x9b: {  	s17 =	sadd.s32 $0x1400, s15;
	s25 =	simm.s32 $0x2680  }
0x9c: {  	[tilespmem:s25], [sflag:$0x1] =	stream.linear.gather [spmem:s17], $0x80, $0x38;
	[tilespmem:$0x15000] =	vst v63  }
0x9d: {  	s16 =	sadd.s32 $0x1800, s15;
	s17 =	simm.s32 $0x2A80  }
0x9e: {  	[tilespmem:s17], [sflag:$0x1] =	stream.linear.gather [spmem:s16], $0x80, $0x38;
	[tilespmem:$0x15000] =	vst v63  }
0x9f: {  	s16 =	spop (v2sf)  }
0xa0: {  	s15 =	sadd.s32 $0x1C00, s15;
	s25 =	simm.s32 $0x2E80;
	s17 =	sshll.u32 s16, $0xA  }
0xa1: {  	[tilespmem:s25], [sflag:$0x1] =	stream.linear.gather [spmem:s15], $0x80, $0x38;
	[tilespmem:$0x15000] =	vst v63  }
0xa2: {  	s24 =	sand.u32 $0xFFFFE000, s17;
	s15 =	sshll.u32 s16, $0x7  }
0xa3: {  	(v2sf) =	vpush v0, $0x7;
	s15 =	sand.u32 $0x380, s15;
	s24 =	sadd.s32 s24, s2  }
0xa4: {  	s15 =	sadd.s32 s15, s24;
	s24 =	simm.s32 $0x1300  }
0xa5: {  	[tilespmem:s24], [sflag:$0x1] =	stream.linear.gather [spmem:s15], $0x80, $0x38;
	[tilespmem:$0x15000] =	vst v63  }
0xa6: {  	s25 =	simm.s32 $0x1700;
	s24 =	sadd.s32 $0x400, s15  }
0xa7: {  	[tilespmem:s25], [sflag:$0x1] =	stream.linear.gather [spmem:s24], $0x80, $0x38;
	[tilespmem:$0x15000] =	vst v63  }
0xa8: {  	s17 =	sadd.s32 $0x800, s15;
	s25 =	simm.s32 $0x1B00  }
0xa9: {  	[tilespmem:s25], [sflag:$0x1] =	stream.linear.gather [spmem:s17], $0x80, $0x38;
	[tilespmem:$0x15000] =	vst v63  }
0xaa: {  	s17 =	sadd.s32 $0xC00, s15;
	s25 =	simm.s32 $0x1F00  }
0xab: {  	[tilespmem:s25], [sflag:$0x1] =	stream.linear.gather [spmem:s17], $0x80, $0x38;
	[tilespmem:$0x15000] =	vst v63  }
0xac: {  	s17 =	sadd.s32 $0x1000, s15;
	s25 =	simm.s32 $0x2300  }
0xad: {  	[tilespmem:s25], [sflag:$0x1] =	stream.linear.gather [spmem:s17], $0x80, $0x38;
	[tilespmem:$0x15000] =	vst v63  }
0xae: {  	s17 =	sadd.s32 $0x1400, s15;
	s25 =	simm.s32 $0x2700  }
0xaf: {  	[tilespmem:s25], [sflag:$0x1] =	stream.linear.gather [spmem:s17], $0x80, $0x38;
	[tilespmem:$0x15000] =	vst v63  }
0xb0: {  	s16 =	sadd.s32 $0x1800, s15;
	s17 =	simm.s32 $0x2B00  }
0xb1: {  	[tilespmem:s17], [sflag:$0x1] =	stream.linear.gather [spmem:s16], $0x80, $0x38;
	[tilespmem:$0x15000] =	vst v63  }
0xb2: {  	s16 =	spop (v2sf)  }
0xb3: {  	s15 =	sadd.s32 $0x1C00, s15;
	s25 =	simm.s32 $0x2F00;
	s17 =	sshll.u32 s16, $0xA  }
0xb4: {  	[tilespmem:s25], [sflag:$0x1] =	stream.linear.gather [spmem:s15], $0x80, $0x38;
	[tilespmem:$0x15000] =	vst v63  }
0xb5: {  	s24 =	sand.u32 $0xFFFFE000, s17;
	s15 =	sshll.u32 s16, $0x7  }
0xb6: {  	(v2sf) =	vpush v0, $0x8;
	s15 =	sand.u32 $0x380, s15;
	s24 =	sadd.s32 s24, s2  }
0xb7: {  	s15 =	sadd.s32 s15, s24;
	s24 =	simm.s32 $0x1380  }
0xb8: {  	[tilespmem:s24], [sflag:$0x1] =	stream.linear.gather [spmem:s15], $0x80, $0x38;
	[tilespmem:$0x15000] =	vst v63  }
0xb9: {  	s25 =	simm.s32 $0x1780;
	s24 =	sadd.s32 $0x400, s15  }
0xba: {  	[tilespmem:s25], [sflag:$0x1] =	stream.linear.gather [spmem:s24], $0x80, $0x38;
	[tilespmem:$0x15000] =	vst v63  }
0xbb: {  	s17 =	sadd.s32 $0x800, s15;
	s25 =	simm.s32 $0x1B80  }
0xbc: {  	[tilespmem:s25], [sflag:$0x1] =	stream.linear.gather [spmem:s17], $0x80, $0x38;
	[tilespmem:$0x15000] =	vst v63  }
0xbd: {  	s17 =	sadd.s32 $0xC00, s15;
	s25 =	simm.s32 $0x1F80  }
0xbe: {  	[tilespmem:s25], [sflag:$0x1] =	stream.linear.gather [spmem:s17], $0x80, $0x38;
	[tilespmem:$0x15000] =	vst v63  }
0xbf: {  	s17 =	sadd.s32 $0x1000, s15;
	s25 =	simm.s32 $0x2380  }
0xc0: {  	[tilespmem:s25], [sflag:$0x1] =	stream.linear.gather [spmem:s17], $0x80, $0x38;
	[tilespmem:$0x15000] =	vst v63  }
0xc1: {  	s17 =	sadd.s32 $0x1400, s15;
	s25 =	simm.s32 $0x2780  }
0xc2: {  	[tilespmem:s25], [sflag:$0x1] =	stream.linear.gather [spmem:s17], $0x80, $0x38;
	[tilespmem:$0x15000] =	vst v63  }
0xc3: {  	s16 =	sadd.s32 $0x1800, s15;
	s17 =	simm.s32 $0x2B80  }
0xc4: {  	[tilespmem:s17], [sflag:$0x1] =	stream.linear.gather [spmem:s16], $0x80, $0x38;
	[tilespmem:$0x15000] =	vst v63  }
0xc5: {  	s16 =	spop (v2sf)  }
0xc6: {  	s15 =	sadd.s32 $0x1C00, s15;
	s25 =	simm.s32 $0x2F80;
	s17 =	sshll.u32 s16, $0xA  }
0xc7: {  	[tilespmem:s25], [sflag:$0x1] =	stream.linear.gather [spmem:s15], $0x80, $0x38;
	[tilespmem:$0x15000] =	vst v63  }
0xc8: {  	s24 =	sand.u32 $0xFFFFE000, s17;
	s15 =	sshll.u32 s16, $0x7  }
0xc9: {  	(v2sf) =	vpush v0, $0x9;
	s15 =	sand.u32 $0x380, s15;
	s24 =	sadd.s32 s24, s2  }
0xca: {  	s15 =	sadd.s32 s15, s24;
	s24 =	simm.s32 $0x3000  }
0xcb: {  	[tilespmem:s24], [sflag:$0x1] =	stream.linear.gather [spmem:s15], $0x80, $0x38;
	[tilespmem:$0x15000] =	vst v63  }
0xcc: {  	s25 =	simm.s32 $0x3400;
	s24 =	sadd.s32 $0x400, s15  }
0xcd: {  	[tilespmem:s25], [sflag:$0x1] =	stream.linear.gather [spmem:s24], $0x80, $0x38;
	[tilespmem:$0x15000] =	vst v63  }
0xce: {  	s17 =	sadd.s32 $0x800, s15;
	s25 =	simm.s32 $0x3800  }
0xcf: {  	[tilespmem:s25], [sflag:$0x1] =	stream.linear.gather [spmem:s17], $0x80, $0x38;
	[tilespmem:$0x15000] =	vst v63  }
0xd0: {  	s17 =	sadd.s32 $0xC00, s15;
	s25 =	simm.s32 $0x3C00  }
0xd1: {  	[tilespmem:s25], [sflag:$0x1] =	stream.linear.gather [spmem:s17], $0x80, $0x38;
	[tilespmem:$0x15000] =	vst v63  }
0xd2: {  	s17 =	sadd.s32 $0x1000, s15;
	s25 =	simm.s32 $0x4000  }
0xd3: {  	[tilespmem:s25], [sflag:$0x1] =	stream.linear.gather [spmem:s17], $0x80, $0x38;
	[tilespmem:$0x15000] =	vst v63  }
0xd4: {  	s17 =	sadd.s32 $0x1400, s15;
	s25 =	simm.s32 $0x4400  }
0xd5: {  	[tilespmem:s25], [sflag:$0x1] =	stream.linear.gather [spmem:s17], $0x80, $0x38;
	[tilespmem:$0x15000] =	vst v63  }
0xd6: {  	s16 =	sadd.s32 $0x1800, s15;
	s17 =	simm.s32 $0x4800  }
0xd7: {  	[tilespmem:s17], [sflag:$0x1] =	stream.linear.gather [spmem:s16], $0x80, $0x38;
	[tilespmem:$0x15000] =	vst v63  }
0xd8: {  	s16 =	spop (v2sf)  }
0xd9: {  	s15 =	sadd.s32 $0x1C00, s15;
	s25 =	simm.s32 $0x4C00;
	s17 =	sshll.u32 s16, $0xA  }
0xda: {  	[tilespmem:s25], [sflag:$0x1] =	stream.linear.gather [spmem:s15], $0x80, $0x38;
	[tilespmem:$0x15000] =	vst v63  }
0xdb: {  	s24 =	sand.u32 $0xFFFFE000, s17;
	s15 =	sshll.u32 s16, $0x7  }
0xdc: {  	(v2sf) =	vpush v0, $0xA;
	s15 =	sand.u32 $0x380, s15;
	s24 =	sadd.s32 s24, s2  }
0xdd: {  	s15 =	sadd.s32 s15, s24;
	s24 =	simm.s32 $0x3080  }
0xde: {  	[tilespmem:s24], [sflag:$0x1] =	stream.linear.gather [spmem:s15], $0x80, $0x38;
	[tilespmem:$0x15000] =	vst v63  }
0xdf: {  	s25 =	simm.s32 $0x3480;
	s24 =	sadd.s32 $0x400, s15  }
0xe0: {  	[tilespmem:s25], [sflag:$0x1] =	stream.linear.gather [spmem:s24], $0x80, $0x38;
	[tilespmem:$0x15000] =	vst v63  }
0xe1: {  	s17 =	sadd.s32 $0x800, s15;
	s25 =	simm.s32 $0x3880  }
0xe2: {  	[tilespmem:s25], [sflag:$0x1] =	stream.linear.gather [spmem:s17], $0x80, $0x38;
	[tilespmem:$0x15000] =	vst v63  }
0xe3: {  	s17 =	sadd.s32 $0xC00, s15;
	s25 =	simm.s32 $0x3C80  }
0xe4: {  	[tilespmem:s25], [sflag:$0x1] =	stream.linear.gather [spmem:s17], $0x80, $0x38;
	[tilespmem:$0x15000] =	vst v63  }
0xe5: {  	s17 =	sadd.s32 $0x1000, s15;
	s25 =	simm.s32 $0x4080  }
0xe6: {  	[tilespmem:s25], [sflag:$0x1] =	stream.linear.gather [spmem:s17], $0x80, $0x38;
	[tilespmem:$0x15000] =	vst v63  }
0xe7: {  	s17 =	sadd.s32 $0x1400, s15;
	s25 =	simm.s32 $0x4480  }
0xe8: {  	[tilespmem:s25], [sflag:$0x1] =	stream.linear.gather [spmem:s17], $0x80, $0x38;
	[tilespmem:$0x15000] =	vst v63  }
0xe9: {  	s16 =	sadd.s32 $0x1800, s15;
	s17 =	simm.s32 $0x4880  }
0xea: {  	[tilespmem:s17], [sflag:$0x1] =	stream.linear.gather [spmem:s16], $0x80, $0x38;
	[tilespmem:$0x15000] =	vst v63  }
0xeb: {  	s16 =	spop (v2sf)  }
0xec: {  	s15 =	sadd.s32 $0x1C00, s15;
	s25 =	simm.s32 $0x4C80;
	s17 =	sshll.u32 s16, $0xA  }
0xed: {  	[tilespmem:s25], [sflag:$0x1] =	stream.linear.gather [spmem:s15], $0x80, $0x38;
	[tilespmem:$0x15000] =	vst v63  }
0xee: {  	s24 =	sand.u32 $0xFFFFE000, s17;
	s15 =	sshll.u32 s16, $0x7  }
0xef: {  	(v2sf) =	vpush v0, $0xB;
	s15 =	sand.u32 $0x380, s15;
	s24 =	sadd.s32 s24, s2  }
0xf0: {  	s15 =	sadd.s32 s15, s24;
	s24 =	simm.s32 $0x3100  }
0xf1: {  	[tilespmem:s24], [sflag:$0x1] =	stream.linear.gather [spmem:s15], $0x80, $0x38;
	[tilespmem:$0x15000] =	vst v63  }
0xf2: {  	s25 =	simm.s32 $0x3500;
	s24 =	sadd.s32 $0x400, s15  }
0xf3: {  	[tilespmem:s25], [sflag:$0x1] =	stream.linear.gather [spmem:s24], $0x80, $0x38;
	[tilespmem:$0x15000] =	vst v63  }
0xf4: {  	s17 =	sadd.s32 $0x800, s15;
	s25 =	simm.s32 $0x3900  }
0xf5: {  	[tilespmem:s25], [sflag:$0x1] =	stream.linear.gather [spmem:s17], $0x80, $0x38;
	[tilespmem:$0x15000] =	vst v63  }
0xf6: {  	s17 =	sadd.s32 $0xC00, s15;
	s25 =	simm.s32 $0x3D00  }
0xf7: {  	[tilespmem:s25], [sflag:$0x1] =	stream.linear.gather [spmem:s17], $0x80, $0x38;
	[tilespmem:$0x15000] =	vst v63  }
0xf8: {  	s17 =	sadd.s32 $0x1000, s15;
	s25 =	simm.s32 $0x4100  }
0xf9: {  	[tilespmem:s25], [sflag:$0x1] =	stream.linear.gather [spmem:s17], $0x80, $0x38;
	[tilespmem:$0x15000] =	vst v63  }
0xfa: {  	s17 =	sadd.s32 $0x1400, s15;
	s25 =	simm.s32 $0x4500  }
0xfb: {  	[tilespmem:s25], [sflag:$0x1] =	stream.linear.gather [spmem:s17], $0x80, $0x38;
	[tilespmem:$0x15000] =	vst v63  }
0xfc: {  	s16 =	sadd.s32 $0x1800, s15;
	s17 =	simm.s32 $0x4900  }
0xfd: {  	[tilespmem:s17], [sflag:$0x1] =	stream.linear.gather [spmem:s16], $0x80, $0x38;
	[tilespmem:$0x15000] =	vst v63  }
0xfe: {  	s16 =	spop (v2sf)  }
0xff: {  	s15 =	sadd.s32 $0x1C00, s15;
	s25 =	simm.s32 $0x4D00;
	s17 =	sshll.u32 s16, $0xA  }
0x100: {  	[tilespmem:s25], [sflag:$0x1] =	stream.linear.gather [spmem:s15], $0x80, $0x38;
	[tilespmem:$0x15000] =	vst v63  }
0x101: {  	s24 =	sand.u32 $0xFFFFE000, s17;
	s15 =	sshll.u32 s16, $0x7  }
0x102: {  	(v2sf) =	vpush v0, $0xC;
	s15 =	sand.u32 $0x380, s15;
	s24 =	sadd.s32 s24, s2  }
0x103: {  	s15 =	sadd.s32 s15, s24;
	s24 =	simm.s32 $0x3180  }
0x104: {  	[tilespmem:s24], [sflag:$0x1] =	stream.linear.gather [spmem:s15], $0x80, $0x38;
	[tilespmem:$0x15000] =	vst v63  }
0x105: {  	s25 =	simm.s32 $0x3580;
	s24 =	sadd.s32 $0x400, s15  }
0x106: {  	[tilespmem:s25], [sflag:$0x1] =	stream.linear.gather [spmem:s24], $0x80, $0x38;
	[tilespmem:$0x15000] =	vst v63  }
0x107: {  	s17 =	sadd.s32 $0x800, s15;
	s25 =	simm.s32 $0x3980  }
0x108: {  	[tilespmem:s25], [sflag:$0x1] =	stream.linear.gather [spmem:s17], $0x80, $0x38;
	[tilespmem:$0x15000] =	vst v63  }
0x109: {  	s17 =	sadd.s32 $0xC00, s15;
	s25 =	simm.s32 $0x3D80  }
0x10a: {  	[tilespmem:s25], [sflag:$0x1] =	stream.linear.gather [spmem:s17], $0x80, $0x38;
	[tilespmem:$0x15000] =	vst v63  }
0x10b: {  	s17 =	sadd.s32 $0x1000, s15;
	s25 =	simm.s32 $0x4180  }
0x10c: {  	[tilespmem:s25], [sflag:$0x1] =	stream.linear.gather [spmem:s17], $0x80, $0x38;
	[tilespmem:$0x15000] =	vst v63  }
0x10d: {  	s17 =	sadd.s32 $0x1400, s15;
	s25 =	simm.s32 $0x4580  }
0x10e: {  	[tilespmem:s25], [sflag:$0x1] =	stream.linear.gather [spmem:s17], $0x80, $0x38;
	[tilespmem:$0x15000] =	vst v63  }
0x10f: {  	s16 =	sadd.s32 $0x1800, s15;
	s17 =	simm.s32 $0x4980  }
0x110: {  	[tilespmem:s17], [sflag:$0x1] =	stream.linear.gather [spmem:s16], $0x80, $0x38;
	[tilespmem:$0x15000] =	vst v63  }
0x111: {  	s16 =	spop (v2sf)  }
0x112: {  	s15 =	sadd.s32 $0x1C00, s15;
	s25 =	simm.s32 $0x4D80;
	s17 =	sshll.u32 s16, $0xA  }
0x113: {  	[tilespmem:s25], [sflag:$0x1] =	stream.linear.gather [spmem:s15], $0x80, $0x38;
	[tilespmem:$0x15000] =	vst v63  }
0x114: {  	s24 =	sand.u32 $0xFFFFE000, s17;
	s15 =	sshll.u32 s16, $0x7  }
0x115: {  	(v2sf) =	vpush v0, $0xD;
	s15 =	sand.u32 $0x380, s15;
	s24 =	sadd.s32 s24, s2  }
0x116: {  	s15 =	sadd.s32 s15, s24;
	s24 =	simm.s32 $0x3200  }
0x117: {  	[tilespmem:s24], [sflag:$0x1] =	stream.linear.gather [spmem:s15], $0x80, $0x38;
	[tilespmem:$0x15000] =	vst v63  }
0x118: {  	s25 =	simm.s32 $0x3600;
	s24 =	sadd.s32 $0x400, s15  }
0x119: {  	[tilespmem:s25], [sflag:$0x1] =	stream.linear.gather [spmem:s24], $0x80, $0x38;
	[tilespmem:$0x15000] =	vst v63  }
0x11a: {  	s17 =	sadd.s32 $0x800, s15;
	s25 =	simm.s32 $0x3A00  }
0x11b: {  	[tilespmem:s25], [sflag:$0x1] =	stream.linear.gather [spmem:s17], $0x80, $0x38;
	[tilespmem:$0x15000] =	vst v63  }
0x11c: {  	s17 =	sadd.s32 $0xC00, s15;
	s25 =	simm.s32 $0x3E00  }
0x11d: {  	[tilespmem:s25], [sflag:$0x1] =	stream.linear.gather [spmem:s17], $0x80, $0x38;
	[tilespmem:$0x15000] =	vst v63  }
0x11e: {  	s17 =	sadd.s32 $0x1000, s15;
	s25 =	simm.s32 $0x4200  }
0x11f: {  	[tilespmem:s25], [sflag:$0x1] =	stream.linear.gather [spmem:s17], $0x80, $0x38;
	[tilespmem:$0x15000] =	vst v63  }
0x120: {  	s17 =	sadd.s32 $0x1400, s15;
	s25 =	simm.s32 $0x4600  }
0x121: {  	[tilespmem:s25], [sflag:$0x1] =	stream.linear.gather [spmem:s17], $0x80, $0x38;
	[tilespmem:$0x15000] =	vst v63  }
0x122: {  	s16 =	sadd.s32 $0x1800, s15;
	s17 =	simm.s32 $0x4A00  }
0x123: {  	[tilespmem:s17], [sflag:$0x1] =	stream.linear.gather [spmem:s16], $0x80, $0x38;
	[tilespmem:$0x15000] =	vst v63  }
0x124: {  	s16 =	spop (v2sf)  }
0x125: {  	s15 =	sadd.s32 $0x1C00, s15;
	s25 =	simm.s32 $0x4E00;
	s17 =	sshll.u32 s16, $0xA  }
0x126: {  	[tilespmem:s25], [sflag:$0x1] =	stream.linear.gather [spmem:s15], $0x80, $0x38;
	[tilespmem:$0x15000] =	vst v63  }
0x127: {  	s24 =	sand.u32 $0xFFFFE000, s17;
	s15 =	sshll.u32 s16, $0x7  }
0x128: {  	(v2sf) =	vpush v0, $0xE;
	s15 =	sand.u32 $0x380, s15;
	s24 =	sadd.s32 s24, s2  }
0x129: {  	s15 =	sadd.s32 s15, s24;
	s24 =	simm.s32 $0x3280  }
0x12a: {  	[tilespmem:s24], [sflag:$0x1] =	stream.linear.gather [spmem:s15], $0x80, $0x38;
	[tilespmem:$0x15000] =	vst v63  }
0x12b: {  	s25 =	simm.s32 $0x3680;
	s24 =	sadd.s32 $0x400, s15  }
0x12c: {  	[tilespmem:s25], [sflag:$0x1] =	stream.linear.gather [spmem:s24], $0x80, $0x38;
	[tilespmem:$0x15000] =	vst v63  }
0x12d: {  	s17 =	sadd.s32 $0x800, s15;
	s25 =	simm.s32 $0x3A80  }
0x12e: {  	[tilespmem:s25], [sflag:$0x1] =	stream.linear.gather [spmem:s17], $0x80, $0x38;
	[tilespmem:$0x15000] =	vst v63  }
0x12f: {  	s17 =	sadd.s32 $0xC00, s15;
	s25 =	simm.s32 $0x3E80  }
0x130: {  	[tilespmem:s25], [sflag:$0x1] =	stream.linear.gather [spmem:s17], $0x80, $0x38;
	[tilespmem:$0x15000] =	vst v63  }
0x131: {  	s17 =	sadd.s32 $0x1000, s15;
	s25 =	simm.s32 $0x4280  }
0x132: {  	[tilespmem:s25], [sflag:$0x1] =	stream.linear.gather [spmem:s17], $0x80, $0x38;
	[tilespmem:$0x15000] =	vst v63  }
0x133: {  	s17 =	sadd.s32 $0x1400, s15;
	s25 =	simm.s32 $0x4680  }
0x134: {  	[tilespmem:s25], [sflag:$0x1] =	stream.linear.gather [spmem:s17], $0x80, $0x38;
	[tilespmem:$0x15000] =	vst v63  }
0x135: {  	s16 =	sadd.s32 $0x1800, s15;
	s17 =	simm.s32 $0x4A80  }
0x136: {  	[tilespmem:s17], [sflag:$0x1] =	stream.linear.gather [spmem:s16], $0x80, $0x38;
	[tilespmem:$0x15000] =	vst v63  }
0x137: {  	s16 =	spop (v2sf)  }
0x138: {  	s15 =	sadd.s32 $0x1C00, s15;
	s25 =	simm.s32 $0x4E80;
	s17 =	sshll.u32 s16, $0xA  }
0x139: {  	[tilespmem:s25], [sflag:$0x1] =	stream.linear.gather [spmem:s15], $0x80, $0x38;
	[tilespmem:$0x15000] =	vst v63  }
0x13a: {  	s24 =	sand.u32 $0xFFFFE000, s17;
	s15 =	sshll.u32 s16, $0x7  }
0x13b: {  	(v2sf) =	vpush v0, $0xF;
	s15 =	sand.u32 $0x380, s15;
	s24 =	sadd.s32 s24, s2  }
0x13c: {  	s15 =	sadd.s32 s15, s24;
	s24 =	simm.s32 $0x3300  }
0x13d: {  	[tilespmem:s24], [sflag:$0x1] =	stream.linear.gather [spmem:s15], $0x80, $0x38;
	[tilespmem:$0x15000] =	vst v63  }
0x13e: {  	s25 =	simm.s32 $0x3700;
	s24 =	sadd.s32 $0x400, s15  }
0x13f: {  	[tilespmem:s25], [sflag:$0x1] =	stream.linear.gather [spmem:s24], $0x80, $0x38;
	[tilespmem:$0x15000] =	vst v63  }
0x140: {  	s17 =	sadd.s32 $0x800, s15;
	s25 =	simm.s32 $0x3B00  }
0x141: {  	[tilespmem:s25], [sflag:$0x1] =	stream.linear.gather [spmem:s17], $0x80, $0x38;
	[tilespmem:$0x15000] =	vst v63  }
0x142: {  	s17 =	sadd.s32 $0xC00, s15;
	s25 =	simm.s32 $0x3F00  }
0x143: {  	[tilespmem:s25], [sflag:$0x1] =	stream.linear.gather [spmem:s17], $0x80, $0x38;
	[tilespmem:$0x15000] =	vst v63  }
0x144: {  	s17 =	sadd.s32 $0x1000, s15;
	s25 =	simm.s32 $0x4300  }
0x145: {  	[tilespmem:s25], [sflag:$0x1] =	stream.linear.gather [spmem:s17], $0x80, $0x38;
	[tilespmem:$0x15000] =	vst v63  }
0x146: {  	s17 =	sadd.s32 $0x1400, s15;
	s25 =	simm.s32 $0x4700  }
0x147: {  	[tilespmem:s25], [sflag:$0x1] =	stream.linear.gather [spmem:s17], $0x80, $0x38;
	[tilespmem:$0x15000] =	vst v63  }
0x148: {  	s16 =	sadd.s32 $0x1800, s15;
	s17 =	simm.s32 $0x4B00  }
0x149: {  	[tilespmem:s17], [sflag:$0x1] =	stream.linear.gather [spmem:s16], $0x80, $0x38;
	[tilespmem:$0x15000] =	vst v63  }
0x14a: {  	s16 =	spop (v2sf)  }
0x14b: {  	s15 =	sadd.s32 $0x1C00, s15;
	s25 =	simm.s32 $0x4F00;
	s17 =	sshll.u32 s16, $0xA  }
0x14c: {  	[tilespmem:s25], [sflag:$0x1] =	stream.linear.gather [spmem:s15], $0x80, $0x38;
	[tilespmem:$0x15000] =	vst v63  }
0x14d: {  	s24 =	sand.u32 $0xFFFFE000, s17;
	s15 =	sshll.u32 s16, $0x7  }
0x14e: {  	s15 =	sand.u32 $0x380, s15;
	s24 =	sadd.s32 s24, s2  }
0x14f: {  	s15 =	sadd.s32 s15, s24;
	s24 =	simm.s32 $0x3380  }
0x150: {  	[tilespmem:s24], [sflag:$0x1] =	stream.linear.gather [spmem:s15], $0x80, $0x38;
	[tilespmem:$0x15000] =	vst v63  }
0x151: {  	s25 =	simm.s32 $0x3780;
	s24 =	sadd.s32 $0x400, s15  }
0x152: {  	[tilespmem:s25], [sflag:$0x1] =	stream.linear.gather [spmem:s24], $0x80, $0x38;
	[tilespmem:$0x15000] =	vst v63  }
0x153: {  	s17 =	sadd.s32 $0x800, s15;
	s25 =	simm.s32 $0x3B80  }
0x154: {  	[tilespmem:s25], [sflag:$0x1] =	stream.linear.gather [spmem:s17], $0x80, $0x38;
	[tilespmem:$0x15000] =	vst v63  }
0x155: {  	s17 =	sadd.s32 $0xC00, s15;
	s25 =	simm.s32 $0x3F80  }
0x156: {  	[tilespmem:s25], [sflag:$0x1] =	stream.linear.gather [spmem:s17], $0x80, $0x38;
	[tilespmem:$0x15000] =	vst v63  }
0x157: {  	s17 =	sadd.s32 $0x1000, s15;
	s25 =	simm.s32 $0x4380  }
0x158: {  	[tilespmem:s25], [sflag:$0x1] =	stream.linear.gather [spmem:s17], $0x80, $0x38;
	[tilespmem:$0x15000] =	vst v63  }
0x159: {  	s17 =	sadd.s32 $0x1400, s15;
	s25 =	simm.s32 $0x4780  }
0x15a: {  	[tilespmem:s25], [sflag:$0x1] =	stream.linear.gather [spmem:s17], $0x80, $0x38;
	[tilespmem:$0x15000] =	vst v63  }
0x15b: {  	s16 =	sadd.s32 $0x1800, s15;
	s17 =	simm.s32 $0x4B80  }
0x15c: {  	[tilespmem:s17], [sflag:$0x1] =	stream.linear.gather [spmem:s16], $0x80, $0x38;
	[tilespmem:$0x15000] =	vst v63  }
0x15d: {  	s15 =	sadd.s32 $0x1C00, s15;
	s25 =	simm.s32 $0x4F80  }
0x15e: {  	[tilespmem:s25], [sflag:$0x1] =	stream.linear.gather [spmem:s15], $0x80, $0x38;
	[tilespmem:$0x15000] =	vst v63  }
0x15f: {  	v63 =	vld [tilespmem:$0x10];
	_ =	sdelay $0x4  }
0x160: {  	(v2sf) =	vpush v63, $0x0;
	_ =	sdelay $0xe  }
0x161: {  	s16 =	spop (v2sf)  }
0x162: {  	s17 =	sshll.u32 s16, $0xA  }
0x163: {  	s15 =	sshll.u32 s16, $0x7;
	s24 =	sand.u32 $0xFFFFE000, s17  }
0x164: {  	(v2sf) =	vpush v63, $0x1;
	s15 =	sand.u32 $0x380, s15;
	s24 =	sadd.s32 s24, s2  }
0x165: {  	s15 =	sadd.s32 s15, s24;
	s24 =	simm.s32 $0x5000  }
0x166: {  	[tilespmem:s24], [sflag:$0x1] =	stream.linear.gather [spmem:s15], $0x80, $0x38;
	[tilespmem:$0x15000] =	vst v63  }
0x167: {  	s25 =	simm.s32 $0x5400;
	s24 =	sadd.s32 $0x400, s15  }
0x168: {  	[tilespmem:s25], [sflag:$0x1] =	stream.linear.gather [spmem:s24], $0x80, $0x38;
	[tilespmem:$0x15000] =	vst v63  }
0x169: {  	s17 =	sadd.s32 $0x800, s15;
	s25 =	simm.s32 $0x5800  }
0x16a: {  	[tilespmem:s25], [sflag:$0x1] =	stream.linear.gather [spmem:s17], $0x80, $0x38;
	[tilespmem:$0x15000] =	vst v63  }
0x16b: {  	s17 =	sadd.s32 $0xC00, s15;
	s25 =	simm.s32 $0x5C00  }
0x16c: {  	[tilespmem:s25], [sflag:$0x1] =	stream.linear.gather [spmem:s17], $0x80, $0x38;
	[tilespmem:$0x15000] =	vst v63  }
0x16d: {  	s17 =	sadd.s32 $0x1000, s15;
	s25 =	simm.s32 $0x6000  }
0x16e: {  	[tilespmem:s25], [sflag:$0x1] =	stream.linear.gather [spmem:s17], $0x80, $0x38;
	[tilespmem:$0x15000] =	vst v63  }
0x16f: {  	s17 =	sadd.s32 $0x1400, s15;
	s25 =	simm.s32 $0x6400  }
0x170: {  	[tilespmem:s25], [sflag:$0x1] =	stream.linear.gather [spmem:s17], $0x80, $0x38;
	[tilespmem:$0x15000] =	vst v63  }
0x171: {  	s16 =	sadd.s32 $0x1800, s15;
	s17 =	simm.s32 $0x6800  }
0x172: {  	[tilespmem:s17], [sflag:$0x1] =	stream.linear.gather [spmem:s16], $0x80, $0x38;
	[tilespmem:$0x15000] =	vst v63  }
0x173: {  	s16 =	spop (v2sf)  }
0x174: {  	s15 =	sadd.s32 $0x1C00, s15;
	s25 =	simm.s32 $0x6C00;
	s17 =	sshll.u32 s16, $0xA  }
0x175: {  	[tilespmem:s25], [sflag:$0x1] =	stream.linear.gather [spmem:s15], $0x80, $0x38;
	[tilespmem:$0x15000] =	vst v63  }
0x176: {  	s24 =	sand.u32 $0xFFFFE000, s17;
	s15 =	sshll.u32 s16, $0x7  }
0x177: {  	(v2sf) =	vpush v63, $0x2;
	s15 =	sand.u32 $0x380, s15;
	s24 =	sadd.s32 s24, s2  }
0x178: {  	s15 =	sadd.s32 s15, s24;
	s24 =	simm.s32 $0x5080  }
0x179: {  	[tilespmem:s24], [sflag:$0x1] =	stream.linear.gather [spmem:s15], $0x80, $0x38;
	[tilespmem:$0x15000] =	vst v63  }
0x17a: {  	s25 =	simm.s32 $0x5480;
	s24 =	sadd.s32 $0x400, s15  }
0x17b: {  	[tilespmem:s25], [sflag:$0x1] =	stream.linear.gather [spmem:s24], $0x80, $0x38;
	[tilespmem:$0x15000] =	vst v63  }
0x17c: {  	s17 =	sadd.s32 $0x800, s15;
	s25 =	simm.s32 $0x5880  }
0x17d: {  	[tilespmem:s25], [sflag:$0x1] =	stream.linear.gather [spmem:s17], $0x80, $0x38;
	[tilespmem:$0x15000] =	vst v63  }
0x17e: {  	s17 =	sadd.s32 $0xC00, s15;
	s25 =	simm.s32 $0x5C80  }
0x17f: {  	[tilespmem:s25], [sflag:$0x1] =	stream.linear.gather [spmem:s17], $0x80, $0x38;
	[tilespmem:$0x15000] =	vst v63  }
0x180: {  	s17 =	sadd.s32 $0x1000, s15;
	s25 =	simm.s32 $0x6080  }
0x181: {  	[tilespmem:s25], [sflag:$0x1] =	stream.linear.gather [spmem:s17], $0x80, $0x38;
	[tilespmem:$0x15000] =	vst v63  }
0x182: {  	s17 =	sadd.s32 $0x1400, s15;
	s25 =	simm.s32 $0x6480  }
0x183: {  	[tilespmem:s25], [sflag:$0x1] =	stream.linear.gather [spmem:s17], $0x80, $0x38;
	[tilespmem:$0x15000] =	vst v63  }
0x184: {  	s16 =	sadd.s32 $0x1800, s15;
	s17 =	simm.s32 $0x6880  }
0x185: {  	[tilespmem:s17], [sflag:$0x1] =	stream.linear.gather [spmem:s16], $0x80, $0x38;
	[tilespmem:$0x15000] =	vst v63  }
0x186: {  	s16 =	spop (v2sf)  }
0x187: {  	s15 =	sadd.s32 $0x1C00, s15;
	s25 =	simm.s32 $0x6C80;
	s17 =	sshll.u32 s16, $0xA  }
0x188: {  	[tilespmem:s25], [sflag:$0x1] =	stream.linear.gather [spmem:s15], $0x80, $0x38;
	[tilespmem:$0x15000] =	vst v63  }
0x189: {  	s24 =	sand.u32 $0xFFFFE000, s17;
	s15 =	sshll.u32 s16, $0x7  }
0x18a: {  	(v2sf) =	vpush v63, $0x3;
	s15 =	sand.u32 $0x380, s15;
	s24 =	sadd.s32 s24, s2  }
0x18b: {  	s15 =	sadd.s32 s15, s24;
	s24 =	simm.s32 $0x5100  }
0x18c: {  	[tilespmem:s24], [sflag:$0x1] =	stream.linear.gather [spmem:s15], $0x80, $0x38;
	[tilespmem:$0x15000] =	vst v63  }
0x18d: {  	s25 =	simm.s32 $0x5500;
	s24 =	sadd.s32 $0x400, s15  }
0x18e: {  	[tilespmem:s25], [sflag:$0x1] =	stream.linear.gather [spmem:s24], $0x80, $0x38;
	[tilespmem:$0x15000] =	vst v63  }
0x18f: {  	s17 =	sadd.s32 $0x800, s15;
	s25 =	simm.s32 $0x5900  }
0x190: {  	[tilespmem:s25], [sflag:$0x1] =	stream.linear.gather [spmem:s17], $0x80, $0x38;
	[tilespmem:$0x15000] =	vst v63  }
0x191: {  	s17 =	sadd.s32 $0xC00, s15;
	s25 =	simm.s32 $0x5D00  }
0x192: {  	[tilespmem:s25], [sflag:$0x1] =	stream.linear.gather [spmem:s17], $0x80, $0x38;
	[tilespmem:$0x15000] =	vst v63  }
0x193: {  	s17 =	sadd.s32 $0x1000, s15;
	s25 =	simm.s32 $0x6100  }
0x194: {  	[tilespmem:s25], [sflag:$0x1] =	stream.linear.gather [spmem:s17], $0x80, $0x38;
	[tilespmem:$0x15000] =	vst v63  }
0x195: {  	s17 =	sadd.s32 $0x1400, s15;
	s25 =	simm.s32 $0x6500  }
0x196: {  	[tilespmem:s25], [sflag:$0x1] =	stream.linear.gather [spmem:s17], $0x80, $0x38;
	[tilespmem:$0x15000] =	vst v63  }
0x197: {  	s16 =	sadd.s32 $0x1800, s15;
	s17 =	simm.s32 $0x6900  }
0x198: {  	[tilespmem:s17], [sflag:$0x1] =	stream.linear.gather [spmem:s16], $0x80, $0x38;
	[tilespmem:$0x15000] =	vst v63  }
0x199: {  	s16 =	spop (v2sf)  }
0x19a: {  	s15 =	sadd.s32 $0x1C00, s15;
	s25 =	simm.s32 $0x6D00;
	s17 =	sshll.u32 s16, $0xA  }
0x19b: {  	[tilespmem:s25], [sflag:$0x1] =	stream.linear.gather [spmem:s15], $0x80, $0x38;
	[tilespmem:$0x15000] =	vst v63  }
0x19c: {  	s24 =	sand.u32 $0xFFFFE000, s17;
	s15 =	sshll.u32 s16, $0x7  }
0x19d: {  	(v2sf) =	vpush v63, $0x4;
	s15 =	sand.u32 $0x380, s15;
	s24 =	sadd.s32 s24, s2  }
0x19e: {  	s15 =	sadd.s32 s15, s24;
	s24 =	simm.s32 $0x5180  }
0x19f: {  	[tilespmem:s24], [sflag:$0x1] =	stream.linear.gather [spmem:s15], $0x80, $0x38;
	[tilespmem:$0x15000] =	vst v63  }
0x1a0: {  	s25 =	simm.s32 $0x5580;
	s24 =	sadd.s32 $0x400, s15  }
0x1a1: {  	[tilespmem:s25], [sflag:$0x1] =	stream.linear.gather [spmem:s24], $0x80, $0x38;
	[tilespmem:$0x15000] =	vst v63  }
0x1a2: {  	s17 =	sadd.s32 $0x800, s15;
	s25 =	simm.s32 $0x5980  }
0x1a3: {  	[tilespmem:s25], [sflag:$0x1] =	stream.linear.gather [spmem:s17], $0x80, $0x38;
	[tilespmem:$0x15000] =	vst v63  }
0x1a4: {  	s17 =	sadd.s32 $0xC00, s15;
	s25 =	simm.s32 $0x5D80  }
0x1a5: {  	[tilespmem:s25], [sflag:$0x1] =	stream.linear.gather [spmem:s17], $0x80, $0x38;
	[tilespmem:$0x15000] =	vst v63  }
0x1a6: {  	s17 =	sadd.s32 $0x1000, s15;
	s25 =	simm.s32 $0x6180  }
0x1a7: {  	[tilespmem:s25], [sflag:$0x1] =	stream.linear.gather [spmem:s17], $0x80, $0x38;
	[tilespmem:$0x15000] =	vst v63  }
0x1a8: {  	s17 =	sadd.s32 $0x1400, s15;
	s25 =	simm.s32 $0x6580  }
0x1a9: {  	[tilespmem:s25], [sflag:$0x1] =	stream.linear.gather [spmem:s17], $0x80, $0x38;
	[tilespmem:$0x15000] =	vst v63  }
0x1aa: {  	s16 =	sadd.s32 $0x1800, s15;
	s17 =	simm.s32 $0x6980  }
0x1ab: {  	[tilespmem:s17], [sflag:$0x1] =	stream.linear.gather [spmem:s16], $0x80, $0x38;
	[tilespmem:$0x15000] =	vst v63  }
0x1ac: {  	s16 =	spop (v2sf)  }
0x1ad: {  	s15 =	sadd.s32 $0x1C00, s15;
	s25 =	simm.s32 $0x6D80;
	s17 =	sshll.u32 s16, $0xA  }
0x1ae: {  	[tilespmem:s25], [sflag:$0x1] =	stream.linear.gather [spmem:s15], $0x80, $0x38;
	[tilespmem:$0x15000] =	vst v63  }
0x1af: {  	s24 =	sand.u32 $0xFFFFE000, s17;
	s15 =	sshll.u32 s16, $0x7  }
0x1b0: {  	(v2sf) =	vpush v63, $0x5;
	s15 =	sand.u32 $0x380, s15;
	s24 =	sadd.s32 s24, s2  }
0x1b1: {  	s15 =	sadd.s32 s15, s24;
	s24 =	simm.s32 $0x5200  }
0x1b2: {  	[tilespmem:s24], [sflag:$0x1] =	stream.linear.gather [spmem:s15], $0x80, $0x38;
	[tilespmem:$0x15000] =	vst v63  }
0x1b3: {  	s25 =	simm.s32 $0x5600;
	s24 =	sadd.s32 $0x400, s15  }
0x1b4: {  	[tilespmem:s25], [sflag:$0x1] =	stream.linear.gather [spmem:s24], $0x80, $0x38;
	[tilespmem:$0x15000] =	vst v63  }
0x1b5: {  	s17 =	sadd.s32 $0x800, s15;
	s25 =	simm.s32 $0x5A00  }
0x1b6: {  	[tilespmem:s25], [sflag:$0x1] =	stream.linear.gather [spmem:s17], $0x80, $0x38;
	[tilespmem:$0x15000] =	vst v63  }
0x1b7: {  	s17 =	sadd.s32 $0xC00, s15;
	s25 =	simm.s32 $0x5E00  }
0x1b8: {  	[tilespmem:s25], [sflag:$0x1] =	stream.linear.gather [spmem:s17], $0x80, $0x38;
	[tilespmem:$0x15000] =	vst v63  }
0x1b9: {  	s17 =	sadd.s32 $0x1000, s15;
	s25 =	simm.s32 $0x6200  }
0x1ba: {  	[tilespmem:s25], [sflag:$0x1] =	stream.linear.gather [spmem:s17], $0x80, $0x38;
	[tilespmem:$0x15000] =	vst v63  }
0x1bb: {  	s17 =	sadd.s32 $0x1400, s15;
	s25 =	simm.s32 $0x6600  }
0x1bc: {  	[tilespmem:s25], [sflag:$0x1] =	stream.linear.gather [spmem:s17], $0x80, $0x38;
	[tilespmem:$0x15000] =	vst v63  }
0x1bd: {  	s16 =	sadd.s32 $0x1800, s15;
	s17 =	simm.s32 $0x6A00  }
0x1be: {  	[tilespmem:s17], [sflag:$0x1] =	stream.linear.gather [spmem:s16], $0x80, $0x38;
	[tilespmem:$0x15000] =	vst v63  }
0x1bf: {  	s16 =	spop (v2sf)  }
0x1c0: {  	s15 =	sadd.s32 $0x1C00, s15;
	s25 =	simm.s32 $0x6E00;
	s17 =	sshll.u32 s16, $0xA  }
0x1c1: {  	[tilespmem:s25], [sflag:$0x1] =	stream.linear.gather [spmem:s15], $0x80, $0x38;
	[tilespmem:$0x15000] =	vst v63  }
0x1c2: {  	s24 =	sand.u32 $0xFFFFE000, s17;
	s15 =	sshll.u32 s16, $0x7  }
0x1c3: {  	(v2sf) =	vpush v63, $0x6;
	s15 =	sand.u32 $0x380, s15;
	s24 =	sadd.s32 s24, s2  }
0x1c4: {  	s15 =	sadd.s32 s15, s24;
	s24 =	simm.s32 $0x5280  }
0x1c5: {  	[tilespmem:s24], [sflag:$0x1] =	stream.linear.gather [spmem:s15], $0x80, $0x38;
	[tilespmem:$0x15000] =	vst v63  }
0x1c6: {  	s25 =	simm.s32 $0x5680;
	s24 =	sadd.s32 $0x400, s15  }
0x1c7: {  	[tilespmem:s25], [sflag:$0x1] =	stream.linear.gather [spmem:s24], $0x80, $0x38;
	[tilespmem:$0x15000] =	vst v63  }
0x1c8: {  	s17 =	sadd.s32 $0x800, s15;
	s25 =	simm.s32 $0x5A80  }
0x1c9: {  	[tilespmem:s25], [sflag:$0x1] =	stream.linear.gather [spmem:s17], $0x80, $0x38;
	[tilespmem:$0x15000] =	vst v63  }
0x1ca: {  	s17 =	sadd.s32 $0xC00, s15;
	s25 =	simm.s32 $0x5E80  }
0x1cb: {  	[tilespmem:s25], [sflag:$0x1] =	stream.linear.gather [spmem:s17], $0x80, $0x38;
	[tilespmem:$0x15000] =	vst v63  }
0x1cc: {  	s17 =	sadd.s32 $0x1000, s15;
	s25 =	simm.s32 $0x6280  }
0x1cd: {  	[tilespmem:s25], [sflag:$0x1] =	stream.linear.gather [spmem:s17], $0x80, $0x38;
	[tilespmem:$0x15000] =	vst v63  }
0x1ce: {  	s17 =	sadd.s32 $0x1400, s15;
	s25 =	simm.s32 $0x6680  }
0x1cf: {  	[tilespmem:s25], [sflag:$0x1] =	stream.linear.gather [spmem:s17], $0x80, $0x38;
	[tilespmem:$0x15000] =	vst v63  }
0x1d0: {  	s16 =	sadd.s32 $0x1800, s15;
	s17 =	simm.s32 $0x6A80  }
0x1d1: {  	[tilespmem:s17], [sflag:$0x1] =	stream.linear.gather [spmem:s16], $0x80, $0x38;
	[tilespmem:$0x15000] =	vst v63  }
0x1d2: {  	s16 =	spop (v2sf)  }
0x1d3: {  	s15 =	sadd.s32 $0x1C00, s15;
	s25 =	simm.s32 $0x6E80;
	s17 =	sshll.u32 s16, $0xA  }
0x1d4: {  	[tilespmem:s25], [sflag:$0x1] =	stream.linear.gather [spmem:s15], $0x80, $0x38;
	[tilespmem:$0x15000] =	vst v63  }
0x1d5: {  	s24 =	sand.u32 $0xFFFFE000, s17;
	s15 =	sshll.u32 s16, $0x7  }
0x1d6: {  	(v2sf) =	vpush v63, $0x7;
	s15 =	sand.u32 $0x380, s15;
	s24 =	sadd.s32 s24, s2  }
0x1d7: {  	s15 =	sadd.s32 s15, s24;
	s24 =	simm.s32 $0x5300  }
0x1d8: {  	[tilespmem:s24], [sflag:$0x1] =	stream.linear.gather [spmem:s15], $0x80, $0x38;
	[tilespmem:$0x15000] =	vst v63  }
0x1d9: {  	s25 =	simm.s32 $0x5700;
	s24 =	sadd.s32 $0x400, s15  }
0x1da: {  	[tilespmem:s25], [sflag:$0x1] =	stream.linear.gather [spmem:s24], $0x80, $0x38;
	[tilespmem:$0x15000] =	vst v63  }
0x1db: {  	s17 =	sadd.s32 $0x800, s15;
	s25 =	simm.s32 $0x5B00  }
0x1dc: {  	[tilespmem:s25], [sflag:$0x1] =	stream.linear.gather [spmem:s17], $0x80, $0x38;
	[tilespmem:$0x15000] =	vst v63  }
0x1dd: {  	s17 =	sadd.s32 $0xC00, s15;
	s25 =	simm.s32 $0x5F00  }
0x1de: {  	[tilespmem:s25], [sflag:$0x1] =	stream.linear.gather [spmem:s17], $0x80, $0x38;
	[tilespmem:$0x15000] =	vst v63  }
0x1df: {  	s17 =	sadd.s32 $0x1000, s15;
	s25 =	simm.s32 $0x6300  }
0x1e0: {  	[tilespmem:s25], [sflag:$0x1] =	stream.linear.gather [spmem:s17], $0x80, $0x38;
	[tilespmem:$0x15000] =	vst v63  }
0x1e1: {  	s17 =	sadd.s32 $0x1400, s15;
	s25 =	simm.s32 $0x6700  }
0x1e2: {  	[tilespmem:s25], [sflag:$0x1] =	stream.linear.gather [spmem:s17], $0x80, $0x38;
	[tilespmem:$0x15000] =	vst v63  }
0x1e3: {  	s16 =	sadd.s32 $0x1800, s15;
	s17 =	simm.s32 $0x6B00  }
0x1e4: {  	[tilespmem:s17], [sflag:$0x1] =	stream.linear.gather [spmem:s16], $0x80, $0x38;
	[tilespmem:$0x15000] =	vst v63  }
0x1e5: {  	s16 =	spop (v2sf)  }
0x1e6: {  	s15 =	sadd.s32 $0x1C00, s15;
	s25 =	simm.s32 $0x6F00;
	s17 =	sshll.u32 s16, $0xA  }
0x1e7: {  	[tilespmem:s25], [sflag:$0x1] =	stream.linear.gather [spmem:s15], $0x80, $0x38;
	[tilespmem:$0x15000] =	vst v63  }
0x1e8: {  	s24 =	sand.u32 $0xFFFFE000, s17;
	s15 =	sshll.u32 s16, $0x7  }
0x1e9: {  	(v2sf) =	vpush v63, $0x8;
	s15 =	sand.u32 $0x380, s15;
	s24 =	sadd.s32 s24, s2  }
0x1ea: {  	s15 =	sadd.s32 s15, s24;
	s24 =	simm.s32 $0x5380  }
0x1eb: {  	[tilespmem:s24], [sflag:$0x1] =	stream.linear.gather [spmem:s15], $0x80, $0x38;
	[tilespmem:$0x15000] =	vst v63  }
0x1ec: {  	s25 =	simm.s32 $0x5780;
	s24 =	sadd.s32 $0x400, s15  }
0x1ed: {  	[tilespmem:s25], [sflag:$0x1] =	stream.linear.gather [spmem:s24], $0x80, $0x38;
	[tilespmem:$0x15000] =	vst v63  }
0x1ee: {  	s17 =	sadd.s32 $0x800, s15;
	s25 =	simm.s32 $0x5B80  }
0x1ef: {  	[tilespmem:s25], [sflag:$0x1] =	stream.linear.gather [spmem:s17], $0x80, $0x38;
	[tilespmem:$0x15000] =	vst v63  }
0x1f0: {  	s17 =	sadd.s32 $0xC00, s15;
	s25 =	simm.s32 $0x5F80  }
0x1f1: {  	[tilespmem:s25], [sflag:$0x1] =	stream.linear.gather [spmem:s17], $0x80, $0x38;
	[tilespmem:$0x15000] =	vst v63  }
0x1f2: {  	s17 =	sadd.s32 $0x1000, s15;
	s25 =	simm.s32 $0x6380  }
0x1f3: {  	[tilespmem:s25], [sflag:$0x1] =	stream.linear.gather [spmem:s17], $0x80, $0x38;
	[tilespmem:$0x15000] =	vst v63  }
0x1f4: {  	s17 =	sadd.s32 $0x1400, s15;
	s25 =	simm.s32 $0x6780  }
0x1f5: {  	[tilespmem:s25], [sflag:$0x1] =	stream.linear.gather [spmem:s17], $0x80, $0x38;
	[tilespmem:$0x15000] =	vst v63  }
0x1f6: {  	s16 =	sadd.s32 $0x1800, s15;
	s17 =	simm.s32 $0x6B80  }
0x1f7: {  	[tilespmem:s17], [sflag:$0x1] =	stream.linear.gather [spmem:s16], $0x80, $0x38;
	[tilespmem:$0x15000] =	vst v63  }
0x1f8: {  	s16 =	spop (v2sf)  }
0x1f9: {  	s15 =	sadd.s32 $0x1C00, s15;
	s25 =	simm.s32 $0x6F80;
	s17 =	sshll.u32 s16, $0xA  }
0x1fa: {  	[tilespmem:s25], [sflag:$0x1] =	stream.linear.gather [spmem:s15], $0x80, $0x38;
	[tilespmem:$0x15000] =	vst v63  }
0x1fb: {  	s24 =	sand.u32 $0xFFFFE000, s17;
	s15 =	sshll.u32 s16, $0x7  }
0x1fc: {  	(v2sf) =	vpush v63, $0x9;
	s15 =	sand.u32 $0x380, s15;
	s24 =	sadd.s32 s24, s2  }
0x1fd: {  	s15 =	sadd.s32 s15, s24;
	s24 =	simm.s32 $0x7000  }
0x1fe: {  	[tilespmem:s24], [sflag:$0x1] =	stream.linear.gather [spmem:s15], $0x80, $0x38;
	[tilespmem:$0x15000] =	vst v63  }
0x1ff: {  	s25 =	simm.s32 $0x7400;
	s24 =	sadd.s32 $0x400, s15  }
0x200: {  	[tilespmem:s25], [sflag:$0x1] =	stream.linear.gather [spmem:s24], $0x80, $0x38;
	[tilespmem:$0x15000] =	vst v63  }
0x201: {  	s17 =	sadd.s32 $0x800, s15;
	s25 =	simm.s32 $0x7800  }
0x202: {  	[tilespmem:s25], [sflag:$0x1] =	stream.linear.gather [spmem:s17], $0x80, $0x38;
	[tilespmem:$0x15000] =	vst v63  }
0x203: {  	s17 =	sadd.s32 $0xC00, s15;
	s25 =	simm.s32 $0x7C00  }
0x204: {  	[tilespmem:s25], [sflag:$0x1] =	stream.linear.gather [spmem:s17], $0x80, $0x38;
	[tilespmem:$0x15000] =	vst v63  }
0x205: {  	s17 =	sadd.s32 $0x1000, s15;
	s25 =	simm.s32 $0x8000  }
0x206: {  	[tilespmem:s25], [sflag:$0x1] =	stream.linear.gather [spmem:s17], $0x80, $0x38;
	[tilespmem:$0x15000] =	vst v63  }
0x207: {  	s17 =	sadd.s32 $0x1400, s15;
	s25 =	simm.s32 $0x8400  }
0x208: {  	[tilespmem:s25], [sflag:$0x1] =	stream.linear.gather [spmem:s17], $0x80, $0x38;
	[tilespmem:$0x15000] =	vst v63  }
0x209: {  	s16 =	sadd.s32 $0x1800, s15;
	s17 =	simm.s32 $0x8800  }
0x20a: {  	[tilespmem:s17], [sflag:$0x1] =	stream.linear.gather [spmem:s16], $0x80, $0x38;
	[tilespmem:$0x15000] =	vst v63  }
0x20b: {  	s16 =	spop (v2sf)  }
0x20c: {  	s15 =	sadd.s32 $0x1C00, s15;
	s25 =	simm.s32 $0x8C00;
	s17 =	sshll.u32 s16, $0xA  }
0x20d: {  	[tilespmem:s25], [sflag:$0x1] =	stream.linear.gather [spmem:s15], $0x80, $0x38;
	[tilespmem:$0x15000] =	vst v63  }
0x20e: {  	s24 =	sand.u32 $0xFFFFE000, s17;
	s15 =	sshll.u32 s16, $0x7  }
0x20f: {  	(v2sf) =	vpush v63, $0xA;
	s15 =	sand.u32 $0x380, s15;
	s24 =	sadd.s32 s24, s2  }
0x210: {  	s15 =	sadd.s32 s15, s24;
	s24 =	simm.s32 $0x7080  }
0x211: {  	[tilespmem:s24], [sflag:$0x1] =	stream.linear.gather [spmem:s15], $0x80, $0x38;
	[tilespmem:$0x15000] =	vst v63  }
0x212: {  	s25 =	simm.s32 $0x7480;
	s24 =	sadd.s32 $0x400, s15  }
0x213: {  	[tilespmem:s25], [sflag:$0x1] =	stream.linear.gather [spmem:s24], $0x80, $0x38;
	[tilespmem:$0x15000] =	vst v63  }
0x214: {  	s17 =	sadd.s32 $0x800, s15;
	s25 =	simm.s32 $0x7880  }
0x215: {  	[tilespmem:s25], [sflag:$0x1] =	stream.linear.gather [spmem:s17], $0x80, $0x38;
	[tilespmem:$0x15000] =	vst v63  }
0x216: {  	s17 =	sadd.s32 $0xC00, s15;
	s25 =	simm.s32 $0x7C80  }
0x217: {  	[tilespmem:s25], [sflag:$0x1] =	stream.linear.gather [spmem:s17], $0x80, $0x38;
	[tilespmem:$0x15000] =	vst v63  }
0x218: {  	s17 =	sadd.s32 $0x1000, s15;
	s25 =	simm.s32 $0x8080  }
0x219: {  	[tilespmem:s25], [sflag:$0x1] =	stream.linear.gather [spmem:s17], $0x80, $0x38;
	[tilespmem:$0x15000] =	vst v63  }
0x21a: {  	s17 =	sadd.s32 $0x1400, s15;
	s25 =	simm.s32 $0x8480  }
0x21b: {  	[tilespmem:s25], [sflag:$0x1] =	stream.linear.gather [spmem:s17], $0x80, $0x38;
	[tilespmem:$0x15000] =	vst v63  }
0x21c: {  	s16 =	sadd.s32 $0x1800, s15;
	s17 =	simm.s32 $0x8880  }
0x21d: {  	[tilespmem:s17], [sflag:$0x1] =	stream.linear.gather [spmem:s16], $0x80, $0x38;
	[tilespmem:$0x15000] =	vst v63  }
0x21e: {  	s16 =	spop (v2sf)  }
0x21f: {  	s15 =	sadd.s32 $0x1C00, s15;
	s25 =	simm.s32 $0x8C80;
	s17 =	sshll.u32 s16, $0xA  }
0x220: {  	[tilespmem:s25], [sflag:$0x1] =	stream.linear.gather [spmem:s15], $0x80, $0x38;
	[tilespmem:$0x15000] =	vst v63  }
0x221: {  	s24 =	sand.u32 $0xFFFFE000, s17;
	s15 =	sshll.u32 s16, $0x7  }
0x222: {  	(v2sf) =	vpush v63, $0xB;
	s15 =	sand.u32 $0x380, s15;
	s24 =	sadd.s32 s24, s2  }
0x223: {  	s15 =	sadd.s32 s15, s24;
	s24 =	simm.s32 $0x7100  }
0x224: {  	[tilespmem:s24], [sflag:$0x1] =	stream.linear.gather [spmem:s15], $0x80, $0x38;
	[tilespmem:$0x15000] =	vst v63  }
0x225: {  	s25 =	simm.s32 $0x7500;
	s24 =	sadd.s32 $0x400, s15  }
0x226: {  	[tilespmem:s25], [sflag:$0x1] =	stream.linear.gather [spmem:s24], $0x80, $0x38;
	[tilespmem:$0x15000] =	vst v63  }
0x227: {  	s17 =	sadd.s32 $0x800, s15;
	s25 =	simm.s32 $0x7900  }
0x228: {  	[tilespmem:s25], [sflag:$0x1] =	stream.linear.gather [spmem:s17], $0x80, $0x38;
	[tilespmem:$0x15000] =	vst v63  }
0x229: {  	s17 =	sadd.s32 $0xC00, s15;
	s25 =	simm.s32 $0x7D00  }
0x22a: {  	[tilespmem:s25], [sflag:$0x1] =	stream.linear.gather [spmem:s17], $0x80, $0x38;
	[tilespmem:$0x15000] =	vst v63  }
0x22b: {  	s17 =	sadd.s32 $0x1000, s15;
	s25 =	simm.s32 $0x8100  }
0x22c: {  	[tilespmem:s25], [sflag:$0x1] =	stream.linear.gather [spmem:s17], $0x80, $0x38;
	[tilespmem:$0x15000] =	vst v63  }
0x22d: {  	s17 =	sadd.s32 $0x1400, s15;
	s25 =	simm.s32 $0x8500  }
0x22e: {  	[tilespmem:s25], [sflag:$0x1] =	stream.linear.gather [spmem:s17], $0x80, $0x38;
	[tilespmem:$0x15000] =	vst v63  }
0x22f: {  	s16 =	sadd.s32 $0x1800, s15;
	s17 =	simm.s32 $0x8900  }
0x230: {  	[tilespmem:s17], [sflag:$0x1] =	stream.linear.gather [spmem:s16], $0x80, $0x38;
	[tilespmem:$0x15000] =	vst v63  }
0x231: {  	s16 =	spop (v2sf)  }
0x232: {  	s15 =	sadd.s32 $0x1C00, s15;
	s25 =	simm.s32 $0x8D00;
	s17 =	sshll.u32 s16, $0xA  }
0x233: {  	[tilespmem:s25], [sflag:$0x1] =	stream.linear.gather [spmem:s15], $0x80, $0x38;
	[tilespmem:$0x15000] =	vst v63  }
0x234: {  	s24 =	sand.u32 $0xFFFFE000, s17;
	s15 =	sshll.u32 s16, $0x7  }
0x235: {  	(v2sf) =	vpush v63, $0xC;
	s15 =	sand.u32 $0x380, s15;
	s24 =	sadd.s32 s24, s2  }
0x236: {  	s15 =	sadd.s32 s15, s24;
	s24 =	simm.s32 $0x7180  }
0x237: {  	[tilespmem:s24], [sflag:$0x1] =	stream.linear.gather [spmem:s15], $0x80, $0x38;
	[tilespmem:$0x15000] =	vst v63  }
0x238: {  	s25 =	simm.s32 $0x7580;
	s24 =	sadd.s32 $0x400, s15  }
0x239: {  	[tilespmem:s25], [sflag:$0x1] =	stream.linear.gather [spmem:s24], $0x80, $0x38;
	[tilespmem:$0x15000] =	vst v63  }
0x23a: {  	s17 =	sadd.s32 $0x800, s15;
	s25 =	simm.s32 $0x7980  }
0x23b: {  	[tilespmem:s25], [sflag:$0x1] =	stream.linear.gather [spmem:s17], $0x80, $0x38;
	[tilespmem:$0x15000] =	vst v63  }
0x23c: {  	s17 =	sadd.s32 $0xC00, s15;
	s25 =	simm.s32 $0x7D80  }
0x23d: {  	[tilespmem:s25], [sflag:$0x1] =	stream.linear.gather [spmem:s17], $0x80, $0x38;
	[tilespmem:$0x15000] =	vst v63  }
0x23e: {  	s17 =	sadd.s32 $0x1000, s15;
	s25 =	simm.s32 $0x8180  }
0x23f: {  	[tilespmem:s25], [sflag:$0x1] =	stream.linear.gather [spmem:s17], $0x80, $0x38;
	[tilespmem:$0x15000] =	vst v63  }
0x240: {  	s17 =	sadd.s32 $0x1400, s15;
	s25 =	simm.s32 $0x8580  }
0x241: {  	[tilespmem:s25], [sflag:$0x1] =	stream.linear.gather [spmem:s17], $0x80, $0x38;
	[tilespmem:$0x15000] =	vst v63  }
0x242: {  	s16 =	sadd.s32 $0x1800, s15;
	s17 =	simm.s32 $0x8980  }
0x243: {  	[tilespmem:s17], [sflag:$0x1] =	stream.linear.gather [spmem:s16], $0x80, $0x38;
	[tilespmem:$0x15000] =	vst v63  }
0x244: {  	s16 =	spop (v2sf)  }
0x245: {  	s15 =	sadd.s32 $0x1C00, s15;
	s25 =	simm.s32 $0x8D80;
	s17 =	sshll.u32 s16, $0xA  }
0x246: {  	[tilespmem:s25], [sflag:$0x1] =	stream.linear.gather [spmem:s15], $0x80, $0x38;
	[tilespmem:$0x15000] =	vst v63  }
0x247: {  	s24 =	sand.u32 $0xFFFFE000, s17;
	s15 =	sshll.u32 s16, $0x7  }
0x248: {  	(v2sf) =	vpush v63, $0xD;
	s15 =	sand.u32 $0x380, s15;
	s24 =	sadd.s32 s24, s2  }
0x249: {  	s15 =	sadd.s32 s15, s24;
	s24 =	simm.s32 $0x7200  }
0x24a: {  	[tilespmem:s24], [sflag:$0x1] =	stream.linear.gather [spmem:s15], $0x80, $0x38;
	[tilespmem:$0x15000] =	vst v63  }
0x24b: {  	s25 =	simm.s32 $0x7600;
	s24 =	sadd.s32 $0x400, s15  }
0x24c: {  	[tilespmem:s25], [sflag:$0x1] =	stream.linear.gather [spmem:s24], $0x80, $0x38;
	[tilespmem:$0x15000] =	vst v63  }
0x24d: {  	s17 =	sadd.s32 $0x800, s15;
	s25 =	simm.s32 $0x7A00  }
0x24e: {  	[tilespmem:s25], [sflag:$0x1] =	stream.linear.gather [spmem:s17], $0x80, $0x38;
	[tilespmem:$0x15000] =	vst v63  }
0x24f: {  	s17 =	sadd.s32 $0xC00, s15;
	s25 =	simm.s32 $0x7E00  }
0x250: {  	[tilespmem:s25], [sflag:$0x1] =	stream.linear.gather [spmem:s17], $0x80, $0x38;
	[tilespmem:$0x15000] =	vst v63  }
0x251: {  	s17 =	sadd.s32 $0x1000, s15;
	s25 =	simm.s32 $0x8200  }
0x252: {  	[tilespmem:s25], [sflag:$0x1] =	stream.linear.gather [spmem:s17], $0x80, $0x38;
	[tilespmem:$0x15000] =	vst v63  }
0x253: {  	s17 =	sadd.s32 $0x1400, s15;
	s25 =	simm.s32 $0x8600  }
0x254: {  	[tilespmem:s25], [sflag:$0x1] =	stream.linear.gather [spmem:s17], $0x80, $0x38;
	[tilespmem:$0x15000] =	vst v63  }
0x255: {  	s16 =	sadd.s32 $0x1800, s15;
	s17 =	simm.s32 $0x8A00  }
0x256: {  	[tilespmem:s17], [sflag:$0x1] =	stream.linear.gather [spmem:s16], $0x80, $0x38;
	[tilespmem:$0x15000] =	vst v63  }
0x257: {  	s16 =	spop (v2sf)  }
0x258: {  	s15 =	sadd.s32 $0x1C00, s15;
	s25 =	simm.s32 $0x8E00;
	s17 =	sshll.u32 s16, $0xA  }
0x259: {  	[tilespmem:s25], [sflag:$0x1] =	stream.linear.gather [spmem:s15], $0x80, $0x38;
	[tilespmem:$0x15000] =	vst v63  }
0x25a: {  	s24 =	sand.u32 $0xFFFFE000, s17;
	s15 =	sshll.u32 s16, $0x7  }
0x25b: {  	(v2sf) =	vpush v63, $0xE;
	s15 =	sand.u32 $0x380, s15;
	s24 =	sadd.s32 s24, s2  }
0x25c: {  	s15 =	sadd.s32 s15, s24;
	s24 =	simm.s32 $0x7280  }
0x25d: {  	[tilespmem:s24], [sflag:$0x1] =	stream.linear.gather [spmem:s15], $0x80, $0x38;
	[tilespmem:$0x15000] =	vst v63  }
0x25e: {  	s25 =	simm.s32 $0x7680;
	s24 =	sadd.s32 $0x400, s15  }
0x25f: {  	[tilespmem:s25], [sflag:$0x1] =	stream.linear.gather [spmem:s24], $0x80, $0x38;
	[tilespmem:$0x15000] =	vst v63  }
0x260: {  	s17 =	sadd.s32 $0x800, s15;
	s25 =	simm.s32 $0x7A80  }
0x261: {  	[tilespmem:s25], [sflag:$0x1] =	stream.linear.gather [spmem:s17], $0x80, $0x38;
	[tilespmem:$0x15000] =	vst v63  }
0x262: {  	s17 =	sadd.s32 $0xC00, s15;
	s25 =	simm.s32 $0x7E80  }
0x263: {  	[tilespmem:s25], [sflag:$0x1] =	stream.linear.gather [spmem:s17], $0x80, $0x38;
	[tilespmem:$0x15000] =	vst v63  }
0x264: {  	s17 =	sadd.s32 $0x1000, s15;
	s25 =	simm.s32 $0x8280  }
0x265: {  	[tilespmem:s25], [sflag:$0x1] =	stream.linear.gather [spmem:s17], $0x80, $0x38;
	[tilespmem:$0x15000] =	vst v63  }
0x266: {  	s17 =	sadd.s32 $0x1400, s15;
	s25 =	simm.s32 $0x8680  }
0x267: {  	[tilespmem:s25], [sflag:$0x1] =	stream.linear.gather [spmem:s17], $0x80, $0x38;
	[tilespmem:$0x15000] =	vst v63  }
0x268: {  	s16 =	sadd.s32 $0x1800, s15;
	s17 =	simm.s32 $0x8A80  }
0x269: {  	[tilespmem:s17], [sflag:$0x1] =	stream.linear.gather [spmem:s16], $0x80, $0x38;
	[tilespmem:$0x15000] =	vst v63  }
0x26a: {  	s16 =	spop (v2sf)  }
0x26b: {  	s15 =	sadd.s32 $0x1C00, s15;
	s25 =	simm.s32 $0x8E80;
	s17 =	sshll.u32 s16, $0xA  }
0x26c: {  	[tilespmem:s25], [sflag:$0x1] =	stream.linear.gather [spmem:s15], $0x80, $0x38;
	[tilespmem:$0x15000] =	vst v63  }
0x26d: {  	s24 =	sand.u32 $0xFFFFE000, s17;
	s15 =	sshll.u32 s16, $0x7  }
0x26e: {  	(v2sf) =	vpush v63, $0xF;
	s15 =	sand.u32 $0x380, s15;
	s24 =	sadd.s32 s24, s2  }
0x26f: {  	s15 =	sadd.s32 s15, s24;
	s24 =	simm.s32 $0x7300  }
0x270: {  	[tilespmem:s24], [sflag:$0x1] =	stream.linear.gather [spmem:s15], $0x80, $0x38;
	[tilespmem:$0x15000] =	vst v63  }
0x271: {  	s25 =	simm.s32 $0x7700;
	s24 =	sadd.s32 $0x400, s15  }
0x272: {  	[tilespmem:s25], [sflag:$0x1] =	stream.linear.gather [spmem:s24], $0x80, $0x38;
	[tilespmem:$0x15000] =	vst v63  }
0x273: {  	s17 =	sadd.s32 $0x800, s15;
	s25 =	simm.s32 $0x7B00  }
0x274: {  	[tilespmem:s25], [sflag:$0x1] =	stream.linear.gather [spmem:s17], $0x80, $0x38;
	[tilespmem:$0x15000] =	vst v63  }
0x275: {  	s17 =	sadd.s32 $0xC00, s15;
	s25 =	simm.s32 $0x7F00  }
0x276: {  	[tilespmem:s25], [sflag:$0x1] =	stream.linear.gather [spmem:s17], $0x80, $0x38;
	[tilespmem:$0x15000] =	vst v63  }
0x277: {  	s17 =	sadd.s32 $0x1000, s15;
	s25 =	simm.s32 $0x8300  }
0x278: {  	[tilespmem:s25], [sflag:$0x1] =	stream.linear.gather [spmem:s17], $0x80, $0x38;
	[tilespmem:$0x15000] =	vst v63  }
0x279: {  	s17 =	sadd.s32 $0x1400, s15;
	s25 =	simm.s32 $0x8700  }
0x27a: {  	[tilespmem:s25], [sflag:$0x1] =	stream.linear.gather [spmem:s17], $0x80, $0x38;
	[tilespmem:$0x15000] =	vst v63  }
0x27b: {  	s16 =	sadd.s32 $0x1800, s15;
	s17 =	simm.s32 $0x8B00  }
0x27c: {  	[tilespmem:s17], [sflag:$0x1] =	stream.linear.gather [spmem:s16], $0x80, $0x38;
	[tilespmem:$0x15000] =	vst v63  }
0x27d: {  	s16 =	spop (v2sf)  }
0x27e: {  	s15 =	sadd.s32 $0x1C00, s15;
	s25 =	simm.s32 $0x8F00;
	s17 =	sshll.u32 s16, $0xA  }
0x27f: {  	[tilespmem:s25], [sflag:$0x1] =	stream.linear.gather [spmem:s15], $0x80, $0x38;
	[tilespmem:$0x15000] =	vst v63  }
0x280: {  	s24 =	sand.u32 $0xFFFFE000, s17;
	s15 =	sshll.u32 s16, $0x7  }
0x281: {  	s15 =	sand.u32 $0x380, s15;
	s24 =	sadd.s32 s24, s2  }
0x282: {  	s15 =	sadd.s32 s15, s24;
	s24 =	simm.s32 $0x7380  }
0x283: {  	[tilespmem:s24], [sflag:$0x1] =	stream.linear.gather [spmem:s15], $0x80, $0x38;
	[tilespmem:$0x15000] =	vst v63  }
0x284: {  	s25 =	simm.s32 $0x7780;
	s24 =	sadd.s32 $0x400, s15  }
0x285: {  	[tilespmem:s25], [sflag:$0x1] =	stream.linear.gather [spmem:s24], $0x80, $0x38;
	[tilespmem:$0x15000] =	vst v63  }
0x286: {  	s17 =	sadd.s32 $0x800, s15;
	s25 =	simm.s32 $0x7B80  }
0x287: {  	[tilespmem:s25], [sflag:$0x1] =	stream.linear.gather [spmem:s17], $0x80, $0x38;
	[tilespmem:$0x15000] =	vst v63  }
0x288: {  	s17 =	sadd.s32 $0xC00, s15;
	s25 =	simm.s32 $0x7F80  }
0x289: {  	[tilespmem:s25], [sflag:$0x1] =	stream.linear.gather [spmem:s17], $0x80, $0x38;
	[tilespmem:$0x15000] =	vst v63  }
0x28a: {  	s17 =	sadd.s32 $0x1000, s15;
	s25 =	simm.s32 $0x8380  }
0x28b: {  	[tilespmem:s25], [sflag:$0x1] =	stream.linear.gather [spmem:s17], $0x80, $0x38;
	[tilespmem:$0x15000] =	vst v63  }
0x28c: {  	s17 =	sadd.s32 $0x1400, s15;
	s25 =	simm.s32 $0x8780  }
0x28d: {  	[tilespmem:s25], [sflag:$0x1] =	stream.linear.gather [spmem:s17], $0x80, $0x38;
	[tilespmem:$0x15000] =	vst v63  }
.Ltmp2:
0x28e: {  	s16 =	sadd.s32 $0x1800, s15;
	s17 =	simm.s32 $0x8B80;
	(pc) =	sbr.rel .LBB2_2-.Ltmp2, $4  }
0x28f: {  	[tilespmem:s17], [sflag:$0x1] =	stream.linear.gather [spmem:s16], $0x80, $0x38;
	[tilespmem:$0x15000] =	vst v63  }
0x290: {  	s15 =	sadd.s32 $0x1C00, s15;
	s25 =	simm.s32 $0x8F80  }
0x291: {  	[tilespmem:s25], [sflag:$0x1] =	stream.linear.gather [spmem:s15], $0x80, $0x38;
	[tilespmem:$0x15000] =	vst v63  }
0x292: {  	s24 =	simm.s32 $0x90;
	s25 =	simm.s32 $0x0  }
.LBB2_4:
0x293: {  	s25 =	sadd.s32 $0x2000, s25  }
0x294: {  	p1 =	sne.s32 s25, $0x20000  }
.Ltmp3:
0x295: {  	_ = 	snop;
	(pc) =	sbr.rel @!p1 .LBB2_5-.Ltmp3, $4  }
0x296: {  	_ =	swait.ge [sflag:s22], $0x8000  }
0x297: {  	[sflag:s22] =	ssyncset.done $0x0  }
0x298: {  	s15 =	sadd.s32 $0x1000, s15;
	s24 =	sadd.s32 $0x100, s24;
	[sflag:s22] =	ssyncadd.s32 $0xFFFF8000  }
0x299: {  	[hbm4b:s15+s3] =	stream.linear.scatter [tilespmem:s18], [sflag:$0x4], $0x8000, $0x38;
	[tilespmem:$0x15000] =	vst v63  }
.LBB2_2:
0x29a: {  	p1 =	seq.s32 s25, $0x0  }
0x29b: {  	s15 =	simm.s32 @!p1 $0x4  }
0x29c: {  	_ =	swait.ge @!p1 [sflag:s15], $0x8000  }
0x29d: {  	[sflag:s15] =	ssyncset.done @!p1 $0x0  }
0x29e: {  	[sflag:s15] =	ssyncadd.s32 @!p1 $0xFFFF8000  }
0x29f: {  	v0 =	vld [tilespmem:s24+$0xFFFFFFF0];
	_ =	sdelay $0x4  }
0x2a0: {  	(v2sf) =	vpush v0, $0x0;
	_ =	sdelay $0xe  }
0x2a1: {  	s17 =	spop (v2sf)  }
0x2a2: {  	s16 =	sshll.u32 s17, $0xA  }
0x2a3: {  	s15 =	sshll.u32 s17, $0x7;
	s16 =	sand.u32 $0xFFFFE000, s16  }
0x2a4: {  	s15 =	sand.u32 $0x380, s15;
	s16 =	sadd.s32 s16, s2  }
0x2a5: {  	s15 =	sadd.s32 s15, s16  }
0x2a6: {  	(v2sf) =	vpush v0, $0x1;
	[tilespmem:s18], [sflag:$0x2] =	stream.linear.gather [spmem:s15], $0x80, $0x38;
	[tilespmem:$0x15000] =	vst v63  }
0x2a7: {  	s17 =	simm.s32 $0x9400;
	s16 =	sadd.s32 $0x400, s15  }
0x2a8: {  	[tilespmem:s17], [sflag:$0x2] =	stream.linear.gather [spmem:s16], $0x80, $0x38;
	[tilespmem:$0x15000] =	vst v63  }
0x2a9: {  	s16 =	sadd.s32 $0x800, s15;
	s17 =	simm.s32 $0x9800  }
0x2aa: {  	[tilespmem:s17], [sflag:$0x2] =	stream.linear.gather [spmem:s16], $0x80, $0x38;
	[tilespmem:$0x15000] =	vst v63  }
0x2ab: {  	s17 =	sadd.s32 $0xC00, s15  }
0x2ac: {  	[tilespmem:s26], [sflag:$0x2] =	stream.linear.gather [spmem:s17], $0x80, $0x38;
	[tilespmem:$0x15000] =	vst v63  }
0x2ad: {  	s17 =	sadd.s32 $0x1000, s15  }
0x2ae: {  	[tilespmem:s28], [sflag:$0x2] =	stream.linear.gather [spmem:s17], $0x80, $0x38;
	[tilespmem:$0x15000] =	vst v63  }
0x2af: {  	s16 =	sadd.s32 $0x1400, s15;
	s17 =	simm.s32 $0xA400  }
0x2b0: {  	[tilespmem:s17], [sflag:$0x2] =	stream.linear.gather [spmem:s16], $0x80, $0x38;
	[tilespmem:$0x15000] =	vst v63  }
0x2b1: {  	s16 =	sadd.s32 $0x1800, s15;
	s17 =	simm.s32 $0xA800  }
0x2b2: {  	[tilespmem:s17], [sflag:$0x2] =	stream.linear.gather [spmem:s16], $0x80, $0x38;
	[tilespmem:$0x15000] =	vst v63  }
0x2b3: {  	s15 =	sadd.s32 $0x1C00, s15;
	s17 =	simm.s32 $0xAC00  }
0x2b4: {  	[tilespmem:s17], [sflag:$0x2] =	stream.linear.gather [spmem:s15], $0x80, $0x38;
	[tilespmem:$0x15000] =	vst v63  }
0x2b5: {  	s15 =	spop (v2sf)  }
0x2b6: {  	s17 =	sshll.u32 s15, $0xA  }
0x2b7: {  	s15 =	sshll.u32 s15, $0x7;
	s16 =	sand.u32 $0xFFFFE000, s17  }
0x2b8: {  	s15 =	sand.u32 $0x380, s15;
	s16 =	sadd.s32 s16, s2  }
0x2b9: {  	s17 =	simm.s32 $0x9080;
	s15 =	sadd.s32 s15, s16  }
0x2ba: {  	(v2sf) =	vpush v0, $0x2;
	[tilespmem:s17], [sflag:$0x2] =	stream.linear.gather [spmem:s15], $0x80, $0x38;
	[tilespmem:$0x15000] =	vst v63  }
0x2bb: {  	s16 =	sadd.s32 $0x400, s15;
	s17 =	simm.s32 $0x9480  }
0x2bc: {  	[tilespmem:s17], [sflag:$0x2] =	stream.linear.gather [spmem:s16], $0x80, $0x38;
	[tilespmem:$0x15000] =	vst v63  }
0x2bd: {  	s16 =	sadd.s32 $0x800, s15;
	s17 =	simm.s32 $0x9880  }
0x2be: {  	[tilespmem:s17], [sflag:$0x2] =	stream.linear.gather [spmem:s16], $0x80, $0x38;
	[tilespmem:$0x15000] =	vst v63  }
0x2bf: {  	s16 =	sadd.s32 $0xC00, s15;
	s17 =	simm.s32 $0x9C80  }
0x2c0: {  	[tilespmem:s17], [sflag:$0x2] =	stream.linear.gather [spmem:s16], $0x80, $0x38;
	[tilespmem:$0x15000] =	vst v63  }
0x2c1: {  	s16 =	sadd.s32 $0x1000, s15;
	s17 =	simm.s32 $0xA080  }
0x2c2: {  	[tilespmem:s17], [sflag:$0x2] =	stream.linear.gather [spmem:s16], $0x80, $0x38;
	[tilespmem:$0x15000] =	vst v63  }
0x2c3: {  	s16 =	sadd.s32 $0x1400, s15;
	s17 =	simm.s32 $0xA480  }
0x2c4: {  	[tilespmem:s17], [sflag:$0x2] =	stream.linear.gather [spmem:s16], $0x80, $0x38;
	[tilespmem:$0x15000] =	vst v63  }
0x2c5: {  	s16 =	sadd.s32 $0x1800, s15;
	s17 =	simm.s32 $0xA880  }
0x2c6: {  	[tilespmem:s17], [sflag:$0x2] =	stream.linear.gather [spmem:s16], $0x80, $0x38;
	[tilespmem:$0x15000] =	vst v63  }
0x2c7: {  	s15 =	sadd.s32 $0x1C00, s15;
	s17 =	simm.s32 $0xAC80  }
0x2c8: {  	[tilespmem:s17], [sflag:$0x2] =	stream.linear.gather [spmem:s15], $0x80, $0x38;
	[tilespmem:$0x15000] =	vst v63  }
0x2c9: {  	s15 =	spop (v2sf)  }
0x2ca: {  	s17 =	sshll.u32 s15, $0xA  }
0x2cb: {  	s15 =	sshll.u32 s15, $0x7;
	s16 =	sand.u32 $0xFFFFE000, s17  }
0x2cc: {  	s15 =	sand.u32 $0x380, s15;
	s16 =	sadd.s32 s16, s2  }
0x2cd: {  	s17 =	simm.s32 $0x9100;
	s15 =	sadd.s32 s15, s16  }
0x2ce: {  	(v2sf) =	vpush v0, $0x3;
	[tilespmem:s17], [sflag:$0x2] =	stream.linear.gather [spmem:s15], $0x80, $0x38;
	[tilespmem:$0x15000] =	vst v63  }
0x2cf: {  	s16 =	sadd.s32 $0x400, s15;
	s17 =	simm.s32 $0x9500  }
0x2d0: {  	[tilespmem:s17], [sflag:$0x2] =	stream.linear.gather [spmem:s16], $0x80, $0x38;
	[tilespmem:$0x15000] =	vst v63  }
0x2d1: {  	s16 =	sadd.s32 $0x800, s15;
	s17 =	simm.s32 $0x9900  }
0x2d2: {  	[tilespmem:s17], [sflag:$0x2] =	stream.linear.gather [spmem:s16], $0x80, $0x38;
	[tilespmem:$0x15000] =	vst v63  }
0x2d3: {  	s16 =	sadd.s32 $0xC00, s15;
	s17 =	simm.s32 $0x9D00  }
0x2d4: {  	[tilespmem:s17], [sflag:$0x2] =	stream.linear.gather [spmem:s16], $0x80, $0x38;
	[tilespmem:$0x15000] =	vst v63  }
0x2d5: {  	s16 =	sadd.s32 $0x1000, s15;
	s17 =	simm.s32 $0xA100  }
0x2d6: {  	[tilespmem:s17], [sflag:$0x2] =	stream.linear.gather [spmem:s16], $0x80, $0x38;
	[tilespmem:$0x15000] =	vst v63  }
0x2d7: {  	s16 =	sadd.s32 $0x1400, s15;
	s17 =	simm.s32 $0xA500  }
0x2d8: {  	[tilespmem:s17], [sflag:$0x2] =	stream.linear.gather [spmem:s16], $0x80, $0x38;
	[tilespmem:$0x15000] =	vst v63  }
0x2d9: {  	s16 =	sadd.s32 $0x1800, s15;
	s17 =	simm.s32 $0xA900  }
0x2da: {  	[tilespmem:s17], [sflag:$0x2] =	stream.linear.gather [spmem:s16], $0x80, $0x38;
	[tilespmem:$0x15000] =	vst v63  }
0x2db: {  	s15 =	sadd.s32 $0x1C00, s15;
	s17 =	simm.s32 $0xAD00  }
0x2dc: {  	[tilespmem:s17], [sflag:$0x2] =	stream.linear.gather [spmem:s15], $0x80, $0x38;
	[tilespmem:$0x15000] =	vst v63  }
0x2dd: {  	s15 =	spop (v2sf)  }
0x2de: {  	s17 =	sshll.u32 s15, $0xA  }
0x2df: {  	s15 =	sshll.u32 s15, $0x7;
	s16 =	sand.u32 $0xFFFFE000, s17  }
0x2e0: {  	s15 =	sand.u32 $0x380, s15;
	s16 =	sadd.s32 s16, s2  }
0x2e1: {  	s17 =	simm.s32 $0x9180;
	s15 =	sadd.s32 s15, s16  }
0x2e2: {  	(v2sf) =	vpush v0, $0x4;
	[tilespmem:s17], [sflag:$0x2] =	stream.linear.gather [spmem:s15], $0x80, $0x38;
	[tilespmem:$0x15000] =	vst v63  }
0x2e3: {  	s16 =	sadd.s32 $0x400, s15;
	s17 =	simm.s32 $0x9580  }
0x2e4: {  	[tilespmem:s17], [sflag:$0x2] =	stream.linear.gather [spmem:s16], $0x80, $0x38;
	[tilespmem:$0x15000] =	vst v63  }
0x2e5: {  	s16 =	sadd.s32 $0x800, s15;
	s17 =	simm.s32 $0x9980  }
0x2e6: {  	[tilespmem:s17], [sflag:$0x2] =	stream.linear.gather [spmem:s16], $0x80, $0x38;
	[tilespmem:$0x15000] =	vst v63  }
0x2e7: {  	s16 =	sadd.s32 $0xC00, s15;
	s17 =	simm.s32 $0x9D80  }
0x2e8: {  	[tilespmem:s17], [sflag:$0x2] =	stream.linear.gather [spmem:s16], $0x80, $0x38;
	[tilespmem:$0x15000] =	vst v63  }
0x2e9: {  	s16 =	sadd.s32 $0x1000, s15;
	s17 =	simm.s32 $0xA180  }
0x2ea: {  	[tilespmem:s17], [sflag:$0x2] =	stream.linear.gather [spmem:s16], $0x80, $0x38;
	[tilespmem:$0x15000] =	vst v63  }
0x2eb: {  	s16 =	sadd.s32 $0x1400, s15;
	s17 =	simm.s32 $0xA580  }
0x2ec: {  	[tilespmem:s17], [sflag:$0x2] =	stream.linear.gather [spmem:s16], $0x80, $0x38;
	[tilespmem:$0x15000] =	vst v63  }
0x2ed: {  	s16 =	sadd.s32 $0x1800, s15;
	s17 =	simm.s32 $0xA980  }
0x2ee: {  	[tilespmem:s17], [sflag:$0x2] =	stream.linear.gather [spmem:s16], $0x80, $0x38;
	[tilespmem:$0x15000] =	vst v63  }
0x2ef: {  	s15 =	sadd.s32 $0x1C00, s15;
	s17 =	simm.s32 $0xAD80  }
0x2f0: {  	[tilespmem:s17], [sflag:$0x2] =	stream.linear.gather [spmem:s15], $0x80, $0x38;
	[tilespmem:$0x15000] =	vst v63  }
0x2f1: {  	s15 =	spop (v2sf)  }
0x2f2: {  	s17 =	sshll.u32 s15, $0xA  }
0x2f3: {  	s15 =	sshll.u32 s15, $0x7;
	s16 =	sand.u32 $0xFFFFE000, s17  }
0x2f4: {  	s15 =	sand.u32 $0x380, s15;
	s16 =	sadd.s32 s16, s2  }
0x2f5: {  	s17 =	simm.s32 $0x9200;
	s15 =	sadd.s32 s15, s16  }
0x2f6: {  	(v2sf) =	vpush v0, $0x5;
	[tilespmem:s17], [sflag:$0x2] =	stream.linear.gather [spmem:s15], $0x80, $0x38;
	[tilespmem:$0x15000] =	vst v63  }
0x2f7: {  	s16 =	sadd.s32 $0x400, s15;
	s17 =	simm.s32 $0x9600  }
0x2f8: {  	[tilespmem:s17], [sflag:$0x2] =	stream.linear.gather [spmem:s16], $0x80, $0x38;
	[tilespmem:$0x15000] =	vst v63  }
0x2f9: {  	s16 =	sadd.s32 $0x800, s15;
	s17 =	simm.s32 $0x9A00  }
0x2fa: {  	[tilespmem:s17], [sflag:$0x2] =	stream.linear.gather [spmem:s16], $0x80, $0x38;
	[tilespmem:$0x15000] =	vst v63  }
0x2fb: {  	s16 =	sadd.s32 $0xC00, s15;
	s17 =	simm.s32 $0x9E00  }
0x2fc: {  	[tilespmem:s17], [sflag:$0x2] =	stream.linear.gather [spmem:s16], $0x80, $0x38;
	[tilespmem:$0x15000] =	vst v63  }
0x2fd: {  	s16 =	sadd.s32 $0x1000, s15;
	s17 =	simm.s32 $0xA200  }
0x2fe: {  	[tilespmem:s17], [sflag:$0x2] =	stream.linear.gather [spmem:s16], $0x80, $0x38;
	[tilespmem:$0x15000] =	vst v63  }
0x2ff: {  	s16 =	sadd.s32 $0x1400, s15;
	s17 =	simm.s32 $0xA600  }
0x300: {  	[tilespmem:s17], [sflag:$0x2] =	stream.linear.gather [spmem:s16], $0x80, $0x38;
	[tilespmem:$0x15000] =	vst v63  }
0x301: {  	s16 =	sadd.s32 $0x1800, s15;
	s17 =	simm.s32 $0xAA00  }
0x302: {  	[tilespmem:s17], [sflag:$0x2] =	stream.linear.gather [spmem:s16], $0x80, $0x38;
	[tilespmem:$0x15000] =	vst v63  }
0x303: {  	s15 =	sadd.s32 $0x1C00, s15;
	s17 =	simm.s32 $0xAE00  }
0x304: {  	[tilespmem:s17], [sflag:$0x2] =	stream.linear.gather [spmem:s15], $0x80, $0x38;
	[tilespmem:$0x15000] =	vst v63  }
0x305: {  	s15 =	spop (v2sf)  }
0x306: {  	s17 =	sshll.u32 s15, $0xA  }
0x307: {  	s15 =	sshll.u32 s15, $0x7;
	s16 =	sand.u32 $0xFFFFE000, s17  }
0x308: {  	s15 =	sand.u32 $0x380, s15;
	s16 =	sadd.s32 s16, s2  }
0x309: {  	s17 =	simm.s32 $0x9280;
	s15 =	sadd.s32 s15, s16  }
0x30a: {  	(v2sf) =	vpush v0, $0x6;
	[tilespmem:s17], [sflag:$0x2] =	stream.linear.gather [spmem:s15], $0x80, $0x38;
	[tilespmem:$0x15000] =	vst v63  }
0x30b: {  	s16 =	sadd.s32 $0x400, s15;
	s17 =	simm.s32 $0x9680  }
0x30c: {  	[tilespmem:s17], [sflag:$0x2] =	stream.linear.gather [spmem:s16], $0x80, $0x38;
	[tilespmem:$0x15000] =	vst v63  }
0x30d: {  	s16 =	sadd.s32 $0x800, s15;
	s17 =	simm.s32 $0x9A80  }
0x30e: {  	[tilespmem:s17], [sflag:$0x2] =	stream.linear.gather [spmem:s16], $0x80, $0x38;
	[tilespmem:$0x15000] =	vst v63  }
0x30f: {  	s16 =	sadd.s32 $0xC00, s15;
	s17 =	simm.s32 $0x9E80  }
0x310: {  	[tilespmem:s17], [sflag:$0x2] =	stream.linear.gather [spmem:s16], $0x80, $0x38;
	[tilespmem:$0x15000] =	vst v63  }
0x311: {  	s16 =	sadd.s32 $0x1000, s15;
	s17 =	simm.s32 $0xA280  }
0x312: {  	[tilespmem:s17], [sflag:$0x2] =	stream.linear.gather [spmem:s16], $0x80, $0x38;
	[tilespmem:$0x15000] =	vst v63  }
0x313: {  	s16 =	sadd.s32 $0x1400, s15;
	s17 =	simm.s32 $0xA680  }
0x314: {  	[tilespmem:s17], [sflag:$0x2] =	stream.linear.gather [spmem:s16], $0x80, $0x38;
	[tilespmem:$0x15000] =	vst v63  }
0x315: {  	s16 =	sadd.s32 $0x1800, s15;
	s17 =	simm.s32 $0xAA80  }
0x316: {  	[tilespmem:s17], [sflag:$0x2] =	stream.linear.gather [spmem:s16], $0x80, $0x38;
	[tilespmem:$0x15000] =	vst v63  }
0x317: {  	s15 =	sadd.s32 $0x1C00, s15;
	s17 =	simm.s32 $0xAE80  }
0x318: {  	[tilespmem:s17], [sflag:$0x2] =	stream.linear.gather [spmem:s15], $0x80, $0x38;
	[tilespmem:$0x15000] =	vst v63  }
0x319: {  	s15 =	spop (v2sf)  }
0x31a: {  	s17 =	sshll.u32 s15, $0xA  }
0x31b: {  	s15 =	sshll.u32 s15, $0x7;
	s16 =	sand.u32 $0xFFFFE000, s17  }
0x31c: {  	s15 =	sand.u32 $0x380, s15;
	s16 =	sadd.s32 s16, s2  }
0x31d: {  	s17 =	simm.s32 $0x9300;
	s15 =	sadd.s32 s15, s16  }
0x31e: {  	(v2sf) =	vpush v0, $0x7;
	[tilespmem:s17], [sflag:$0x2] =	stream.linear.gather [spmem:s15], $0x80, $0x38;
	[tilespmem:$0x15000] =	vst v63  }
0x31f: {  	s16 =	sadd.s32 $0x400, s15;
	s17 =	simm.s32 $0x9700  }
0x320: {  	[tilespmem:s17], [sflag:$0x2] =	stream.linear.gather [spmem:s16], $0x80, $0x38;
	[tilespmem:$0x15000] =	vst v63  }
0x321: {  	s16 =	sadd.s32 $0x800, s15;
	s17 =	simm.s32 $0x9B00  }
0x322: {  	[tilespmem:s17], [sflag:$0x2] =	stream.linear.gather [spmem:s16], $0x80, $0x38;
	[tilespmem:$0x15000] =	vst v63  }
0x323: {  	s16 =	sadd.s32 $0xC00, s15;
	s17 =	simm.s32 $0x9F00  }
0x324: {  	[tilespmem:s17], [sflag:$0x2] =	stream.linear.gather [spmem:s16], $0x80, $0x38;
	[tilespmem:$0x15000] =	vst v63  }
0x325: {  	s16 =	sadd.s32 $0x1000, s15;
	s17 =	simm.s32 $0xA300  }
0x326: {  	[tilespmem:s17], [sflag:$0x2] =	stream.linear.gather [spmem:s16], $0x80, $0x38;
	[tilespmem:$0x15000] =	vst v63  }
0x327: {  	s16 =	sadd.s32 $0x1400, s15;
	s17 =	simm.s32 $0xA700  }
0x328: {  	[tilespmem:s17], [sflag:$0x2] =	stream.linear.gather [spmem:s16], $0x80, $0x38;
	[tilespmem:$0x15000] =	vst v63  }
0x329: {  	s16 =	sadd.s32 $0x1800, s15;
	s17 =	simm.s32 $0xAB00  }
0x32a: {  	[tilespmem:s17], [sflag:$0x2] =	stream.linear.gather [spmem:s16], $0x80, $0x38;
	[tilespmem:$0x15000] =	vst v63  }
0x32b: {  	s15 =	sadd.s32 $0x1C00, s15;
	s17 =	simm.s32 $0xAF00  }
0x32c: {  	[tilespmem:s17], [sflag:$0x2] =	stream.linear.gather [spmem:s15], $0x80, $0x38;
	[tilespmem:$0x15000] =	vst v63  }
0x32d: {  	s15 =	spop (v2sf)  }
0x32e: {  	s17 =	sshll.u32 s15, $0xA  }
0x32f: {  	s15 =	sshll.u32 s15, $0x7;
	s16 =	sand.u32 $0xFFFFE000, s17  }
0x330: {  	s15 =	sand.u32 $0x380, s15;
	s16 =	sadd.s32 s16, s2  }
0x331: {  	s17 =	simm.s32 $0x9380;
	s15 =	sadd.s32 s15, s16  }
0x332: {  	(v2sf) =	vpush v0, $0x8;
	[tilespmem:s17], [sflag:$0x2] =	stream.linear.gather [spmem:s15], $0x80, $0x38;
	[tilespmem:$0x15000] =	vst v63  }
0x333: {  	s16 =	sadd.s32 $0x400, s15;
	s17 =	simm.s32 $0x9780  }
0x334: {  	[tilespmem:s17], [sflag:$0x2] =	stream.linear.gather [spmem:s16], $0x80, $0x38;
	[tilespmem:$0x15000] =	vst v63  }
0x335: {  	s16 =	sadd.s32 $0x800, s15;
	s17 =	simm.s32 $0x9B80  }
0x336: {  	[tilespmem:s17], [sflag:$0x2] =	stream.linear.gather [spmem:s16], $0x80, $0x38;
	[tilespmem:$0x15000] =	vst v63  }
0x337: {  	s16 =	sadd.s32 $0xC00, s15;
	s17 =	simm.s32 $0x9F80  }
0x338: {  	[tilespmem:s17], [sflag:$0x2] =	stream.linear.gather [spmem:s16], $0x80, $0x38;
	[tilespmem:$0x15000] =	vst v63  }
0x339: {  	s16 =	sadd.s32 $0x1000, s15;
	s17 =	simm.s32 $0xA380  }
0x33a: {  	[tilespmem:s17], [sflag:$0x2] =	stream.linear.gather [spmem:s16], $0x80, $0x38;
	[tilespmem:$0x15000] =	vst v63  }
0x33b: {  	s16 =	sadd.s32 $0x1400, s15;
	s17 =	simm.s32 $0xA780  }
0x33c: {  	[tilespmem:s17], [sflag:$0x2] =	stream.linear.gather [spmem:s16], $0x80, $0x38;
	[tilespmem:$0x15000] =	vst v63  }
0x33d: {  	s16 =	sadd.s32 $0x1800, s15;
	s17 =	simm.s32 $0xAB80  }
0x33e: {  	[tilespmem:s17], [sflag:$0x2] =	stream.linear.gather [spmem:s16], $0x80, $0x38;
	[tilespmem:$0x15000] =	vst v63  }
0x33f: {  	s15 =	sadd.s32 $0x1C00, s15;
	s17 =	simm.s32 $0xAF80  }
0x340: {  	[tilespmem:s17], [sflag:$0x2] =	stream.linear.gather [spmem:s15], $0x80, $0x38;
	[tilespmem:$0x15000] =	vst v63  }
0x341: {  	s15 =	spop (v2sf)  }
0x342: {  	s17 =	sshll.u32 s15, $0xA  }
0x343: {  	s15 =	sshll.u32 s15, $0x7;
	s16 =	sand.u32 $0xFFFFE000, s17  }
0x344: {  	s15 =	sand.u32 $0x380, s15;
	s16 =	sadd.s32 s16, s2  }
0x345: {  	s17 =	simm.s32 $0xB000;
	s15 =	sadd.s32 s15, s16  }
0x346: {  	(v2sf) =	vpush v0, $0x9;
	[tilespmem:s17], [sflag:$0x2] =	stream.linear.gather [spmem:s15], $0x80, $0x38;
	[tilespmem:$0x15000] =	vst v63  }
0x347: {  	s16 =	sadd.s32 $0x400, s15;
	s17 =	simm.s32 $0xB400  }
0x348: {  	[tilespmem:s17], [sflag:$0x2] =	stream.linear.gather [spmem:s16], $0x80, $0x38;
	[tilespmem:$0x15000] =	vst v63  }
0x349: {  	s16 =	sadd.s32 $0x800, s15;
	s17 =	simm.s32 $0xB800  }
0x34a: {  	[tilespmem:s17], [sflag:$0x2] =	stream.linear.gather [spmem:s16], $0x80, $0x38;
	[tilespmem:$0x15000] =	vst v63  }
0x34b: {  	s16 =	sadd.s32 $0xC00, s15;
	s17 =	simm.s32 $0xBC00  }
0x34c: {  	[tilespmem:s17], [sflag:$0x2] =	stream.linear.gather [spmem:s16], $0x80, $0x38;
	[tilespmem:$0x15000] =	vst v63  }
0x34d: {  	s16 =	sadd.s32 $0x1000, s15;
	s17 =	simm.s32 $0xC000  }
0x34e: {  	[tilespmem:s17], [sflag:$0x2] =	stream.linear.gather [spmem:s16], $0x80, $0x38;
	[tilespmem:$0x15000] =	vst v63  }
0x34f: {  	s16 =	sadd.s32 $0x1400, s15;
	s17 =	simm.s32 $0xC400  }
0x350: {  	[tilespmem:s17], [sflag:$0x2] =	stream.linear.gather [spmem:s16], $0x80, $0x38;
	[tilespmem:$0x15000] =	vst v63  }
0x351: {  	s16 =	sadd.s32 $0x1800, s15;
	s17 =	simm.s32 $0xC800  }
0x352: {  	[tilespmem:s17], [sflag:$0x2] =	stream.linear.gather [spmem:s16], $0x80, $0x38;
	[tilespmem:$0x15000] =	vst v63  }
0x353: {  	s15 =	sadd.s32 $0x1C00, s15;
	s17 =	simm.s32 $0xCC00  }
0x354: {  	[tilespmem:s17], [sflag:$0x2] =	stream.linear.gather [spmem:s15], $0x80, $0x38;
	[tilespmem:$0x15000] =	vst v63  }
0x355: {  	s15 =	spop (v2sf)  }
0x356: {  	s17 =	sshll.u32 s15, $0xA  }
0x357: {  	s15 =	sshll.u32 s15, $0x7;
	s16 =	sand.u32 $0xFFFFE000, s17  }
0x358: {  	s15 =	sand.u32 $0x380, s15;
	s16 =	sadd.s32 s16, s2  }
0x359: {  	s17 =	simm.s32 $0xB080;
	s15 =	sadd.s32 s15, s16  }
0x35a: {  	(v2sf) =	vpush v0, $0xA;
	[tilespmem:s17], [sflag:$0x2] =	stream.linear.gather [spmem:s15], $0x80, $0x38;
	[tilespmem:$0x15000] =	vst v63  }
0x35b: {  	s16 =	sadd.s32 $0x400, s15;
	s17 =	simm.s32 $0xB480  }
0x35c: {  	[tilespmem:s17], [sflag:$0x2] =	stream.linear.gather [spmem:s16], $0x80, $0x38;
	[tilespmem:$0x15000] =	vst v63  }
0x35d: {  	s16 =	sadd.s32 $0x800, s15;
	s17 =	simm.s32 $0xB880  }
0x35e: {  	[tilespmem:s17], [sflag:$0x2] =	stream.linear.gather [spmem:s16], $0x80, $0x38;
	[tilespmem:$0x15000] =	vst v63  }
0x35f: {  	s16 =	sadd.s32 $0xC00, s15;
	s17 =	simm.s32 $0xBC80  }
0x360: {  	[tilespmem:s17], [sflag:$0x2] =	stream.linear.gather [spmem:s16], $0x80, $0x38;
	[tilespmem:$0x15000] =	vst v63  }
0x361: {  	s16 =	sadd.s32 $0x1000, s15;
	s17 =	simm.s32 $0xC080  }
0x362: {  	[tilespmem:s17], [sflag:$0x2] =	stream.linear.gather [spmem:s16], $0x80, $0x38;
	[tilespmem:$0x15000] =	vst v63  }
0x363: {  	s16 =	sadd.s32 $0x1400, s15;
	s17 =	simm.s32 $0xC480  }
0x364: {  	[tilespmem:s17], [sflag:$0x2] =	stream.linear.gather [spmem:s16], $0x80, $0x38;
	[tilespmem:$0x15000] =	vst v63  }
0x365: {  	s16 =	sadd.s32 $0x1800, s15;
	s17 =	simm.s32 $0xC880  }
0x366: {  	[tilespmem:s17], [sflag:$0x2] =	stream.linear.gather [spmem:s16], $0x80, $0x38;
	[tilespmem:$0x15000] =	vst v63  }
0x367: {  	s15 =	sadd.s32 $0x1C00, s15;
	s17 =	simm.s32 $0xCC80  }
0x368: {  	[tilespmem:s17], [sflag:$0x2] =	stream.linear.gather [spmem:s15], $0x80, $0x38;
	[tilespmem:$0x15000] =	vst v63  }
0x369: {  	s15 =	spop (v2sf)  }
0x36a: {  	s17 =	sshll.u32 s15, $0xA  }
0x36b: {  	s15 =	sshll.u32 s15, $0x7;
	s16 =	sand.u32 $0xFFFFE000, s17  }
0x36c: {  	s15 =	sand.u32 $0x380, s15;
	s16 =	sadd.s32 s16, s2  }
0x36d: {  	s17 =	simm.s32 $0xB100;
	s15 =	sadd.s32 s15, s16  }
0x36e: {  	(v2sf) =	vpush v0, $0xB;
	[tilespmem:s17], [sflag:$0x2] =	stream.linear.gather [spmem:s15], $0x80, $0x38;
	[tilespmem:$0x15000] =	vst v63  }
0x36f: {  	s16 =	sadd.s32 $0x400, s15;
	s17 =	simm.s32 $0xB500  }
0x370: {  	[tilespmem:s17], [sflag:$0x2] =	stream.linear.gather [spmem:s16], $0x80, $0x38;
	[tilespmem:$0x15000] =	vst v63  }
0x371: {  	s16 =	sadd.s32 $0x800, s15;
	s17 =	simm.s32 $0xB900  }
0x372: {  	[tilespmem:s17], [sflag:$0x2] =	stream.linear.gather [spmem:s16], $0x80, $0x38;
	[tilespmem:$0x15000] =	vst v63  }
0x373: {  	s16 =	sadd.s32 $0xC00, s15;
	s17 =	simm.s32 $0xBD00  }
0x374: {  	[tilespmem:s17], [sflag:$0x2] =	stream.linear.gather [spmem:s16], $0x80, $0x38;
	[tilespmem:$0x15000] =	vst v63  }
0x375: {  	s16 =	sadd.s32 $0x1000, s15;
	s17 =	simm.s32 $0xC100  }
0x376: {  	[tilespmem:s17], [sflag:$0x2] =	stream.linear.gather [spmem:s16], $0x80, $0x38;
	[tilespmem:$0x15000] =	vst v63  }
0x377: {  	s16 =	sadd.s32 $0x1400, s15;
	s17 =	simm.s32 $0xC500  }
0x378: {  	[tilespmem:s17], [sflag:$0x2] =	stream.linear.gather [spmem:s16], $0x80, $0x38;
	[tilespmem:$0x15000] =	vst v63  }
0x379: {  	s16 =	sadd.s32 $0x1800, s15;
	s17 =	simm.s32 $0xC900  }
0x37a: {  	[tilespmem:s17], [sflag:$0x2] =	stream.linear.gather [spmem:s16], $0x80, $0x38;
	[tilespmem:$0x15000] =	vst v63  }
0x37b: {  	s15 =	sadd.s32 $0x1C00, s15;
	s17 =	simm.s32 $0xCD00  }
0x37c: {  	[tilespmem:s17], [sflag:$0x2] =	stream.linear.gather [spmem:s15], $0x80, $0x38;
	[tilespmem:$0x15000] =	vst v63  }
0x37d: {  	s15 =	spop (v2sf)  }
0x37e: {  	s17 =	sshll.u32 s15, $0xA  }
0x37f: {  	s15 =	sshll.u32 s15, $0x7;
	s16 =	sand.u32 $0xFFFFE000, s17  }
0x380: {  	s15 =	sand.u32 $0x380, s15;
	s16 =	sadd.s32 s16, s2  }
0x381: {  	s17 =	simm.s32 $0xB180;
	s15 =	sadd.s32 s15, s16  }
0x382: {  	(v2sf) =	vpush v0, $0xC;
	[tilespmem:s17], [sflag:$0x2] =	stream.linear.gather [spmem:s15], $0x80, $0x38;
	[tilespmem:$0x15000] =	vst v63  }
0x383: {  	s16 =	sadd.s32 $0x400, s15;
	s17 =	simm.s32 $0xB580  }
0x384: {  	[tilespmem:s17], [sflag:$0x2] =	stream.linear.gather [spmem:s16], $0x80, $0x38;
	[tilespmem:$0x15000] =	vst v63  }
0x385: {  	s16 =	sadd.s32 $0x800, s15;
	s17 =	simm.s32 $0xB980  }
0x386: {  	[tilespmem:s17], [sflag:$0x2] =	stream.linear.gather [spmem:s16], $0x80, $0x38;
	[tilespmem:$0x15000] =	vst v63  }
0x387: {  	s16 =	sadd.s32 $0xC00, s15;
	s17 =	simm.s32 $0xBD80  }
0x388: {  	[tilespmem:s17], [sflag:$0x2] =	stream.linear.gather [spmem:s16], $0x80, $0x38;
	[tilespmem:$0x15000] =	vst v63  }
0x389: {  	s16 =	sadd.s32 $0x1000, s15;
	s17 =	simm.s32 $0xC180  }
0x38a: {  	[tilespmem:s17], [sflag:$0x2] =	stream.linear.gather [spmem:s16], $0x80, $0x38;
	[tilespmem:$0x15000] =	vst v63  }
0x38b: {  	s16 =	sadd.s32 $0x1400, s15;
	s17 =	simm.s32 $0xC580  }
0x38c: {  	[tilespmem:s17], [sflag:$0x2] =	stream.linear.gather [spmem:s16], $0x80, $0x38;
	[tilespmem:$0x15000] =	vst v63  }
0x38d: {  	s16 =	sadd.s32 $0x1800, s15;
	s17 =	simm.s32 $0xC980  }
0x38e: {  	[tilespmem:s17], [sflag:$0x2] =	stream.linear.gather [spmem:s16], $0x80, $0x38;
	[tilespmem:$0x15000] =	vst v63  }
0x38f: {  	s15 =	sadd.s32 $0x1C00, s15;
	s17 =	simm.s32 $0xCD80  }
0x390: {  	[tilespmem:s17], [sflag:$0x2] =	stream.linear.gather [spmem:s15], $0x80, $0x38;
	[tilespmem:$0x15000] =	vst v63  }
0x391: {  	s15 =	spop (v2sf)  }
0x392: {  	s17 =	sshll.u32 s15, $0xA  }
0x393: {  	s15 =	sshll.u32 s15, $0x7;
	s16 =	sand.u32 $0xFFFFE000, s17  }
0x394: {  	s15 =	sand.u32 $0x380, s15;
	s16 =	sadd.s32 s16, s2  }
0x395: {  	s17 =	simm.s32 $0xB200;
	s15 =	sadd.s32 s15, s16  }
0x396: {  	(v2sf) =	vpush v0, $0xD;
	[tilespmem:s17], [sflag:$0x2] =	stream.linear.gather [spmem:s15], $0x80, $0x38;
	[tilespmem:$0x15000] =	vst v63  }
0x397: {  	s16 =	sadd.s32 $0x400, s15;
	s17 =	simm.s32 $0xB600  }
0x398: {  	[tilespmem:s17], [sflag:$0x2] =	stream.linear.gather [spmem:s16], $0x80, $0x38;
	[tilespmem:$0x15000] =	vst v63  }
0x399: {  	s16 =	sadd.s32 $0x800, s15;
	s17 =	simm.s32 $0xBA00  }
0x39a: {  	[tilespmem:s17], [sflag:$0x2] =	stream.linear.gather [spmem:s16], $0x80, $0x38;
	[tilespmem:$0x15000] =	vst v63  }
0x39b: {  	s16 =	sadd.s32 $0xC00, s15;
	s17 =	simm.s32 $0xBE00  }
0x39c: {  	[tilespmem:s17], [sflag:$0x2] =	stream.linear.gather [spmem:s16], $0x80, $0x38;
	[tilespmem:$0x15000] =	vst v63  }
0x39d: {  	s16 =	sadd.s32 $0x1000, s15;
	s17 =	simm.s32 $0xC200  }
0x39e: {  	[tilespmem:s17], [sflag:$0x2] =	stream.linear.gather [spmem:s16], $0x80, $0x38;
	[tilespmem:$0x15000] =	vst v63  }
0x39f: {  	s16 =	sadd.s32 $0x1400, s15;
	s17 =	simm.s32 $0xC600  }
0x3a0: {  	[tilespmem:s17], [sflag:$0x2] =	stream.linear.gather [spmem:s16], $0x80, $0x38;
	[tilespmem:$0x15000] =	vst v63  }
0x3a1: {  	s16 =	sadd.s32 $0x1800, s15;
	s17 =	simm.s32 $0xCA00  }
0x3a2: {  	[tilespmem:s17], [sflag:$0x2] =	stream.linear.gather [spmem:s16], $0x80, $0x38;
	[tilespmem:$0x15000] =	vst v63  }
0x3a3: {  	s15 =	sadd.s32 $0x1C00, s15;
	s17 =	simm.s32 $0xCE00  }
0x3a4: {  	[tilespmem:s17], [sflag:$0x2] =	stream.linear.gather [spmem:s15], $0x80, $0x38;
	[tilespmem:$0x15000] =	vst v63  }
0x3a5: {  	s15 =	spop (v2sf)  }
0x3a6: {  	s17 =	sshll.u32 s15, $0xA  }
0x3a7: {  	s15 =	sshll.u32 s15, $0x7;
	s16 =	sand.u32 $0xFFFFE000, s17  }
0x3a8: {  	s15 =	sand.u32 $0x380, s15;
	s16 =	sadd.s32 s16, s2  }
0x3a9: {  	s17 =	simm.s32 $0xB280;
	s15 =	sadd.s32 s15, s16  }
0x3aa: {  	(v2sf) =	vpush v0, $0xE;
	[tilespmem:s17], [sflag:$0x2] =	stream.linear.gather [spmem:s15], $0x80, $0x38;
	[tilespmem:$0x15000] =	vst v63  }
0x3ab: {  	s16 =	sadd.s32 $0x400, s15;
	s17 =	simm.s32 $0xB680  }
0x3ac: {  	[tilespmem:s17], [sflag:$0x2] =	stream.linear.gather [spmem:s16], $0x80, $0x38;
	[tilespmem:$0x15000] =	vst v63  }
0x3ad: {  	s16 =	sadd.s32 $0x800, s15;
	s17 =	simm.s32 $0xBA80  }
0x3ae: {  	[tilespmem:s17], [sflag:$0x2] =	stream.linear.gather [spmem:s16], $0x80, $0x38;
	[tilespmem:$0x15000] =	vst v63  }
0x3af: {  	s16 =	sadd.s32 $0xC00, s15;
	s17 =	simm.s32 $0xBE80  }
0x3b0: {  	[tilespmem:s17], [sflag:$0x2] =	stream.linear.gather [spmem:s16], $0x80, $0x38;
	[tilespmem:$0x15000] =	vst v63  }
0x3b1: {  	s16 =	sadd.s32 $0x1000, s15;
	s17 =	simm.s32 $0xC280  }
0x3b2: {  	[tilespmem:s17], [sflag:$0x2] =	stream.linear.gather [spmem:s16], $0x80, $0x38;
	[tilespmem:$0x15000] =	vst v63  }
0x3b3: {  	s16 =	sadd.s32 $0x1400, s15;
	s17 =	simm.s32 $0xC680  }
0x3b4: {  	[tilespmem:s17], [sflag:$0x2] =	stream.linear.gather [spmem:s16], $0x80, $0x38;
	[tilespmem:$0x15000] =	vst v63  }
0x3b5: {  	s16 =	sadd.s32 $0x1800, s15;
	s17 =	simm.s32 $0xCA80  }
0x3b6: {  	[tilespmem:s17], [sflag:$0x2] =	stream.linear.gather [spmem:s16], $0x80, $0x38;
	[tilespmem:$0x15000] =	vst v63  }
0x3b7: {  	s15 =	sadd.s32 $0x1C00, s15;
	s17 =	simm.s32 $0xCE80  }
0x3b8: {  	[tilespmem:s17], [sflag:$0x2] =	stream.linear.gather [spmem:s15], $0x80, $0x38;
	[tilespmem:$0x15000] =	vst v63  }
0x3b9: {  	s15 =	spop (v2sf)  }
0x3ba: {  	s17 =	sshll.u32 s15, $0xA  }
0x3bb: {  	s15 =	sshll.u32 s15, $0x7;
	s16 =	sand.u32 $0xFFFFE000, s17  }
0x3bc: {  	s15 =	sand.u32 $0x380, s15;
	s16 =	sadd.s32 s16, s2  }
0x3bd: {  	s17 =	simm.s32 $0xB300;
	s15 =	sadd.s32 s15, s16  }
0x3be: {  	(v2sf) =	vpush v0, $0xF;
	[tilespmem:s17], [sflag:$0x2] =	stream.linear.gather [spmem:s15], $0x80, $0x38;
	[tilespmem:$0x15000] =	vst v63  }
0x3bf: {  	s16 =	sadd.s32 $0x400, s15;
	s17 =	simm.s32 $0xB700  }
0x3c0: {  	[tilespmem:s17], [sflag:$0x2] =	stream.linear.gather [spmem:s16], $0x80, $0x38;
	[tilespmem:$0x15000] =	vst v63  }
0x3c1: {  	s16 =	sadd.s32 $0x800, s15;
	s17 =	simm.s32 $0xBB00  }
0x3c2: {  	[tilespmem:s17], [sflag:$0x2] =	stream.linear.gather [spmem:s16], $0x80, $0x38;
	[tilespmem:$0x15000] =	vst v63  }
0x3c3: {  	s16 =	sadd.s32 $0xC00, s15;
	s17 =	simm.s32 $0xBF00  }
0x3c4: {  	[tilespmem:s17], [sflag:$0x2] =	stream.linear.gather [spmem:s16], $0x80, $0x38;
	[tilespmem:$0x15000] =	vst v63  }
0x3c5: {  	s16 =	sadd.s32 $0x1000, s15;
	s17 =	simm.s32 $0xC300  }
0x3c6: {  	[tilespmem:s17], [sflag:$0x2] =	stream.linear.gather [spmem:s16], $0x80, $0x38;
	[tilespmem:$0x15000] =	vst v63  }
0x3c7: {  	s16 =	sadd.s32 $0x1400, s15;
	s17 =	simm.s32 $0xC700  }
0x3c8: {  	[tilespmem:s17], [sflag:$0x2] =	stream.linear.gather [spmem:s16], $0x80, $0x38;
	[tilespmem:$0x15000] =	vst v63  }
0x3c9: {  	s16 =	sadd.s32 $0x1800, s15;
	s17 =	simm.s32 $0xCB00  }
0x3ca: {  	[tilespmem:s17], [sflag:$0x2] =	stream.linear.gather [spmem:s16], $0x80, $0x38;
	[tilespmem:$0x15000] =	vst v63  }
0x3cb: {  	s15 =	sadd.s32 $0x1C00, s15;
	s17 =	simm.s32 $0xCF00  }
0x3cc: {  	[tilespmem:s17], [sflag:$0x2] =	stream.linear.gather [spmem:s15], $0x80, $0x38;
	[tilespmem:$0x15000] =	vst v63  }
0x3cd: {  	s15 =	spop (v2sf)  }
0x3ce: {  	s17 =	sshll.u32 s15, $0xA  }
0x3cf: {  	s15 =	sshll.u32 s15, $0x7;
	s16 =	sand.u32 $0xFFFFE000, s17  }
0x3d0: {  	s15 =	sand.u32 $0x380, s15;
	s16 =	sadd.s32 s16, s2  }
0x3d1: {  	s17 =	simm.s32 $0xB380;
	s15 =	sadd.s32 s15, s16  }
0x3d2: {  	[tilespmem:s17], [sflag:$0x2] =	stream.linear.gather [spmem:s15], $0x80, $0x38;
	[tilespmem:$0x15000] =	vst v63  }
0x3d3: {  	s16 =	sadd.s32 $0x400, s15;
	s17 =	simm.s32 $0xB780  }
0x3d4: {  	[tilespmem:s17], [sflag:$0x2] =	stream.linear.gather [spmem:s16], $0x80, $0x38;
	[tilespmem:$0x15000] =	vst v63  }
0x3d5: {  	s16 =	sadd.s32 $0x800, s15;
	s17 =	simm.s32 $0xBB80  }
0x3d6: {  	[tilespmem:s17], [sflag:$0x2] =	stream.linear.gather [spmem:s16], $0x80, $0x38;
	[tilespmem:$0x15000] =	vst v63  }
0x3d7: {  	s16 =	sadd.s32 $0xC00, s15;
	s17 =	simm.s32 $0xBF80  }
0x3d8: {  	[tilespmem:s17], [sflag:$0x2] =	stream.linear.gather [spmem:s16], $0x80, $0x38;
	[tilespmem:$0x15000] =	vst v63  }
0x3d9: {  	s16 =	sadd.s32 $0x1000, s15;
	s17 =	simm.s32 $0xC380  }
0x3da: {  	[tilespmem:s17], [sflag:$0x2] =	stream.linear.gather [spmem:s16], $0x80, $0x38;
	[tilespmem:$0x15000] =	vst v63  }
0x3db: {  	s16 =	sadd.s32 $0x1400, s15;
	s17 =	simm.s32 $0xC780  }
0x3dc: {  	[tilespmem:s17], [sflag:$0x2] =	stream.linear.gather [spmem:s16], $0x80, $0x38;
	[tilespmem:$0x15000] =	vst v63  }
0x3dd: {  	s16 =	sadd.s32 $0x1800, s15;
	s17 =	simm.s32 $0xCB80  }
0x3de: {  	[tilespmem:s17], [sflag:$0x2] =	stream.linear.gather [spmem:s16], $0x80, $0x38;
	[tilespmem:$0x15000] =	vst v63  }
0x3df: {  	s15 =	sadd.s32 $0x1C00, s15;
	s17 =	simm.s32 $0xCF80  }
0x3e0: {  	[tilespmem:s17], [sflag:$0x2] =	stream.linear.gather [spmem:s15], $0x80, $0x38;
	[tilespmem:$0x15000] =	vst v63  }
0x3e1: {  	v63 =	vld [tilespmem:s24+$0x0];
	_ =	sdelay $0x4  }
0x3e2: {  	(v2sf) =	vpush v63, $0x0;
	_ =	sdelay $0xe  }
0x3e3: {  	s15 =	spop (v2sf)  }
0x3e4: {  	s17 =	sshll.u32 s15, $0xA  }
0x3e5: {  	s15 =	sshll.u32 s15, $0x7;
	s16 =	sand.u32 $0xFFFFE000, s17  }
0x3e6: {  	s15 =	sand.u32 $0x380, s15;
	s16 =	sadd.s32 s16, s2  }
0x3e7: {  	s17 =	simm.s32 $0xD000;
	s15 =	sadd.s32 s15, s16  }
0x3e8: {  	(v2sf) =	vpush v63, $0x1;
	[tilespmem:s17], [sflag:$0x2] =	stream.linear.gather [spmem:s15], $0x80, $0x38;
	[tilespmem:$0x15000] =	vst v63  }
0x3e9: {  	s16 =	sadd.s32 $0x400, s15;
	s17 =	simm.s32 $0xD400  }
0x3ea: {  	[tilespmem:s17], [sflag:$0x2] =	stream.linear.gather [spmem:s16], $0x80, $0x38;
	[tilespmem:$0x15000] =	vst v63  }
0x3eb: {  	s16 =	sadd.s32 $0x800, s15;
	s17 =	simm.s32 $0xD800  }
0x3ec: {  	[tilespmem:s17], [sflag:$0x2] =	stream.linear.gather [spmem:s16], $0x80, $0x38;
	[tilespmem:$0x15000] =	vst v63  }
0x3ed: {  	s16 =	sadd.s32 $0xC00, s15;
	s17 =	simm.s32 $0xDC00  }
0x3ee: {  	[tilespmem:s17], [sflag:$0x2] =	stream.linear.gather [spmem:s16], $0x80, $0x38;
	[tilespmem:$0x15000] =	vst v63  }
0x3ef: {  	s16 =	sadd.s32 $0x1000, s15;
	s17 =	simm.s32 $0xE000  }
0x3f0: {  	[tilespmem:s17], [sflag:$0x2] =	stream.linear.gather [spmem:s16], $0x80, $0x38;
	[tilespmem:$0x15000] =	vst v63  }
0x3f1: {  	s16 =	sadd.s32 $0x1400, s15;
	s17 =	simm.s32 $0xE400  }
0x3f2: {  	[tilespmem:s17], [sflag:$0x2] =	stream.linear.gather [spmem:s16], $0x80, $0x38;
	[tilespmem:$0x15000] =	vst v63  }
0x3f3: {  	s16 =	sadd.s32 $0x1800, s15;
	s17 =	simm.s32 $0xE800  }
0x3f4: {  	[tilespmem:s17], [sflag:$0x2] =	stream.linear.gather [spmem:s16], $0x80, $0x38;
	[tilespmem:$0x15000] =	vst v63  }
0x3f5: {  	s15 =	sadd.s32 $0x1C00, s15;
	s17 =	simm.s32 $0xEC00  }
0x3f6: {  	[tilespmem:s17], [sflag:$0x2] =	stream.linear.gather [spmem:s15], $0x80, $0x38;
	[tilespmem:$0x15000] =	vst v63  }
0x3f7: {  	s15 =	spop (v2sf)  }
0x3f8: {  	s17 =	sshll.u32 s15, $0xA  }
0x3f9: {  	s15 =	sshll.u32 s15, $0x7;
	s16 =	sand.u32 $0xFFFFE000, s17  }
0x3fa: {  	s15 =	sand.u32 $0x380, s15;
	s16 =	sadd.s32 s16, s2  }
0x3fb: {  	s17 =	simm.s32 $0xD080;
	s15 =	sadd.s32 s15, s16  }
0x3fc: {  	(v2sf) =	vpush v63, $0x2;
	[tilespmem:s17], [sflag:$0x2] =	stream.linear.gather [spmem:s15], $0x80, $0x38;
	[tilespmem:$0x15000] =	vst v63  }
0x3fd: {  	s16 =	sadd.s32 $0x400, s15;
	s17 =	simm.s32 $0xD480  }
0x3fe: {  	[tilespmem:s17], [sflag:$0x2] =	stream.linear.gather [spmem:s16], $0x80, $0x38;
	[tilespmem:$0x15000] =	vst v63  }
0x3ff: {  	s16 =	sadd.s32 $0x800, s15;
	s17 =	simm.s32 $0xD880  }
0x400: {  	[tilespmem:s17], [sflag:$0x2] =	stream.linear.gather [spmem:s16], $0x80, $0x38;
	[tilespmem:$0x15000] =	vst v63  }
0x401: {  	s16 =	sadd.s32 $0xC00, s15;
	s17 =	simm.s32 $0xDC80  }
0x402: {  	[tilespmem:s17], [sflag:$0x2] =	stream.linear.gather [spmem:s16], $0x80, $0x38;
	[tilespmem:$0x15000] =	vst v63  }
0x403: {  	s16 =	sadd.s32 $0x1000, s15;
	s17 =	simm.s32 $0xE080  }
0x404: {  	[tilespmem:s17], [sflag:$0x2] =	stream.linear.gather [spmem:s16], $0x80, $0x38;
	[tilespmem:$0x15000] =	vst v63  }
0x405: {  	s16 =	sadd.s32 $0x1400, s15;
	s17 =	simm.s32 $0xE480  }
0x406: {  	[tilespmem:s17], [sflag:$0x2] =	stream.linear.gather [spmem:s16], $0x80, $0x38;
	[tilespmem:$0x15000] =	vst v63  }
0x407: {  	s16 =	sadd.s32 $0x1800, s15;
	s17 =	simm.s32 $0xE880  }
0x408: {  	[tilespmem:s17], [sflag:$0x2] =	stream.linear.gather [spmem:s16], $0x80, $0x38;
	[tilespmem:$0x15000] =	vst v63  }
0x409: {  	s15 =	sadd.s32 $0x1C00, s15;
	s17 =	simm.s32 $0xEC80  }
0x40a: {  	[tilespmem:s17], [sflag:$0x2] =	stream.linear.gather [spmem:s15], $0x80, $0x38;
	[tilespmem:$0x15000] =	vst v63  }
0x40b: {  	s15 =	spop (v2sf)  }
0x40c: {  	s17 =	sshll.u32 s15, $0xA  }
0x40d: {  	s15 =	sshll.u32 s15, $0x7;
	s16 =	sand.u32 $0xFFFFE000, s17  }
0x40e: {  	s15 =	sand.u32 $0x380, s15;
	s16 =	sadd.s32 s16, s2  }
0x40f: {  	s17 =	simm.s32 $0xD100;
	s15 =	sadd.s32 s15, s16  }
0x410: {  	(v2sf) =	vpush v63, $0x3;
	[tilespmem:s17], [sflag:$0x2] =	stream.linear.gather [spmem:s15], $0x80, $0x38;
	[tilespmem:$0x15000] =	vst v63  }
0x411: {  	s16 =	sadd.s32 $0x400, s15;
	s17 =	simm.s32 $0xD500  }
0x412: {  	[tilespmem:s17], [sflag:$0x2] =	stream.linear.gather [spmem:s16], $0x80, $0x38;
	[tilespmem:$0x15000] =	vst v63  }
0x413: {  	s16 =	sadd.s32 $0x800, s15;
	s17 =	simm.s32 $0xD900  }
0x414: {  	[tilespmem:s17], [sflag:$0x2] =	stream.linear.gather [spmem:s16], $0x80, $0x38;
	[tilespmem:$0x15000] =	vst v63  }
0x415: {  	s16 =	sadd.s32 $0xC00, s15;
	s17 =	simm.s32 $0xDD00  }
0x416: {  	[tilespmem:s17], [sflag:$0x2] =	stream.linear.gather [spmem:s16], $0x80, $0x38;
	[tilespmem:$0x15000] =	vst v63  }
0x417: {  	s16 =	sadd.s32 $0x1000, s15;
	s17 =	simm.s32 $0xE100  }
0x418: {  	[tilespmem:s17], [sflag:$0x2] =	stream.linear.gather [spmem:s16], $0x80, $0x38;
	[tilespmem:$0x15000] =	vst v63  }
0x419: {  	s16 =	sadd.s32 $0x1400, s15;
	s17 =	simm.s32 $0xE500  }
0x41a: {  	[tilespmem:s17], [sflag:$0x2] =	stream.linear.gather [spmem:s16], $0x80, $0x38;
	[tilespmem:$0x15000] =	vst v63  }
0x41b: {  	s16 =	sadd.s32 $0x1800, s15;
	s17 =	simm.s32 $0xE900  }
0x41c: {  	[tilespmem:s17], [sflag:$0x2] =	stream.linear.gather [spmem:s16], $0x80, $0x38;
	[tilespmem:$0x15000] =	vst v63  }
0x41d: {  	s15 =	sadd.s32 $0x1C00, s15;
	s17 =	simm.s32 $0xED00  }
0x41e: {  	[tilespmem:s17], [sflag:$0x2] =	stream.linear.gather [spmem:s15], $0x80, $0x38;
	[tilespmem:$0x15000] =	vst v63  }
0x41f: {  	s15 =	spop (v2sf)  }
0x420: {  	s17 =	sshll.u32 s15, $0xA  }
0x421: {  	s15 =	sshll.u32 s15, $0x7;
	s16 =	sand.u32 $0xFFFFE000, s17  }
0x422: {  	s15 =	sand.u32 $0x380, s15;
	s16 =	sadd.s32 s16, s2  }
0x423: {  	s17 =	simm.s32 $0xD180;
	s15 =	sadd.s32 s15, s16  }
0x424: {  	(v2sf) =	vpush v63, $0x4;
	[tilespmem:s17], [sflag:$0x2] =	stream.linear.gather [spmem:s15], $0x80, $0x38;
	[tilespmem:$0x15000] =	vst v63  }
0x425: {  	s16 =	sadd.s32 $0x400, s15;
	s17 =	simm.s32 $0xD580  }
0x426: {  	[tilespmem:s17], [sflag:$0x2] =	stream.linear.gather [spmem:s16], $0x80, $0x38;
	[tilespmem:$0x15000] =	vst v63  }
0x427: {  	s16 =	sadd.s32 $0x800, s15;
	s17 =	simm.s32 $0xD980  }
0x428: {  	[tilespmem:s17], [sflag:$0x2] =	stream.linear.gather [spmem:s16], $0x80, $0x38;
	[tilespmem:$0x15000] =	vst v63  }
0x429: {  	s16 =	sadd.s32 $0xC00, s15;
	s17 =	simm.s32 $0xDD80  }
0x42a: {  	[tilespmem:s17], [sflag:$0x2] =	stream.linear.gather [spmem:s16], $0x80, $0x38;
	[tilespmem:$0x15000] =	vst v63  }
0x42b: {  	s16 =	sadd.s32 $0x1000, s15;
	s17 =	simm.s32 $0xE180  }
0x42c: {  	[tilespmem:s17], [sflag:$0x2] =	stream.linear.gather [spmem:s16], $0x80, $0x38;
	[tilespmem:$0x15000] =	vst v63  }
0x42d: {  	s16 =	sadd.s32 $0x1400, s15;
	s17 =	simm.s32 $0xE580  }
0x42e: {  	[tilespmem:s17], [sflag:$0x2] =	stream.linear.gather [spmem:s16], $0x80, $0x38;
	[tilespmem:$0x15000] =	vst v63  }
0x42f: {  	s16 =	sadd.s32 $0x1800, s15;
	s17 =	simm.s32 $0xE980  }
0x430: {  	[tilespmem:s17], [sflag:$0x2] =	stream.linear.gather [spmem:s16], $0x80, $0x38;
	[tilespmem:$0x15000] =	vst v63  }
0x431: {  	s15 =	sadd.s32 $0x1C00, s15;
	s17 =	simm.s32 $0xED80  }
0x432: {  	[tilespmem:s17], [sflag:$0x2] =	stream.linear.gather [spmem:s15], $0x80, $0x38;
	[tilespmem:$0x15000] =	vst v63  }
0x433: {  	s15 =	spop (v2sf)  }
0x434: {  	s17 =	sshll.u32 s15, $0xA  }
0x435: {  	s15 =	sshll.u32 s15, $0x7;
	s16 =	sand.u32 $0xFFFFE000, s17  }
0x436: {  	s15 =	sand.u32 $0x380, s15;
	s16 =	sadd.s32 s16, s2  }
0x437: {  	s17 =	simm.s32 $0xD200;
	s15 =	sadd.s32 s15, s16  }
0x438: {  	(v2sf) =	vpush v63, $0x5;
	[tilespmem:s17], [sflag:$0x2] =	stream.linear.gather [spmem:s15], $0x80, $0x38;
	[tilespmem:$0x15000] =	vst v63  }
0x439: {  	s16 =	sadd.s32 $0x400, s15;
	s17 =	simm.s32 $0xD600  }
0x43a: {  	[tilespmem:s17], [sflag:$0x2] =	stream.linear.gather [spmem:s16], $0x80, $0x38;
	[tilespmem:$0x15000] =	vst v63  }
0x43b: {  	s16 =	sadd.s32 $0x800, s15;
	s17 =	simm.s32 $0xDA00  }
0x43c: {  	[tilespmem:s17], [sflag:$0x2] =	stream.linear.gather [spmem:s16], $0x80, $0x38;
	[tilespmem:$0x15000] =	vst v63  }
0x43d: {  	s16 =	sadd.s32 $0xC00, s15;
	s17 =	simm.s32 $0xDE00  }
0x43e: {  	[tilespmem:s17], [sflag:$0x2] =	stream.linear.gather [spmem:s16], $0x80, $0x38;
	[tilespmem:$0x15000] =	vst v63  }
0x43f: {  	s16 =	sadd.s32 $0x1000, s15;
	s17 =	simm.s32 $0xE200  }
0x440: {  	[tilespmem:s17], [sflag:$0x2] =	stream.linear.gather [spmem:s16], $0x80, $0x38;
	[tilespmem:$0x15000] =	vst v63  }
0x441: {  	s16 =	sadd.s32 $0x1400, s15;
	s17 =	simm.s32 $0xE600  }
0x442: {  	[tilespmem:s17], [sflag:$0x2] =	stream.linear.gather [spmem:s16], $0x80, $0x38;
	[tilespmem:$0x15000] =	vst v63  }
0x443: {  	s16 =	sadd.s32 $0x1800, s15;
	s17 =	simm.s32 $0xEA00  }
0x444: {  	[tilespmem:s17], [sflag:$0x2] =	stream.linear.gather [spmem:s16], $0x80, $0x38;
	[tilespmem:$0x15000] =	vst v63  }
0x445: {  	s15 =	sadd.s32 $0x1C00, s15;
	s17 =	simm.s32 $0xEE00  }
0x446: {  	[tilespmem:s17], [sflag:$0x2] =	stream.linear.gather [spmem:s15], $0x80, $0x38;
	[tilespmem:$0x15000] =	vst v63  }
0x447: {  	s15 =	spop (v2sf)  }
0x448: {  	s17 =	sshll.u32 s15, $0xA  }
0x449: {  	s15 =	sshll.u32 s15, $0x7;
	s16 =	sand.u32 $0xFFFFE000, s17  }
0x44a: {  	s15 =	sand.u32 $0x380, s15;
	s16 =	sadd.s32 s16, s2  }
0x44b: {  	s17 =	simm.s32 $0xD280;
	s15 =	sadd.s32 s15, s16  }
0x44c: {  	(v2sf) =	vpush v63, $0x6;
	[tilespmem:s17], [sflag:$0x2] =	stream.linear.gather [spmem:s15], $0x80, $0x38;
	[tilespmem:$0x15000] =	vst v63  }
0x44d: {  	s16 =	sadd.s32 $0x400, s15;
	s17 =	simm.s32 $0xD680  }
0x44e: {  	[tilespmem:s17], [sflag:$0x2] =	stream.linear.gather [spmem:s16], $0x80, $0x38;
	[tilespmem:$0x15000] =	vst v63  }
0x44f: {  	s16 =	sadd.s32 $0x800, s15;
	s17 =	simm.s32 $0xDA80  }
0x450: {  	[tilespmem:s17], [sflag:$0x2] =	stream.linear.gather [spmem:s16], $0x80, $0x38;
	[tilespmem:$0x15000] =	vst v63  }
0x451: {  	s16 =	sadd.s32 $0xC00, s15;
	s17 =	simm.s32 $0xDE80  }
0x452: {  	[tilespmem:s17], [sflag:$0x2] =	stream.linear.gather [spmem:s16], $0x80, $0x38;
	[tilespmem:$0x15000] =	vst v63  }
0x453: {  	s16 =	sadd.s32 $0x1000, s15;
	s17 =	simm.s32 $0xE280  }
0x454: {  	[tilespmem:s17], [sflag:$0x2] =	stream.linear.gather [spmem:s16], $0x80, $0x38;
	[tilespmem:$0x15000] =	vst v63  }
0x455: {  	s16 =	sadd.s32 $0x1400, s15;
	s17 =	simm.s32 $0xE680  }
0x456: {  	[tilespmem:s17], [sflag:$0x2] =	stream.linear.gather [spmem:s16], $0x80, $0x38;
	[tilespmem:$0x15000] =	vst v63  }
0x457: {  	s16 =	sadd.s32 $0x1800, s15;
	s17 =	simm.s32 $0xEA80  }
0x458: {  	[tilespmem:s17], [sflag:$0x2] =	stream.linear.gather [spmem:s16], $0x80, $0x38;
	[tilespmem:$0x15000] =	vst v63  }
0x459: {  	s15 =	sadd.s32 $0x1C00, s15;
	s17 =	simm.s32 $0xEE80  }
0x45a: {  	[tilespmem:s17], [sflag:$0x2] =	stream.linear.gather [spmem:s15], $0x80, $0x38;
	[tilespmem:$0x15000] =	vst v63  }
0x45b: {  	s15 =	spop (v2sf)  }
0x45c: {  	s17 =	sshll.u32 s15, $0xA  }
0x45d: {  	s15 =	sshll.u32 s15, $0x7;
	s16 =	sand.u32 $0xFFFFE000, s17  }
0x45e: {  	s15 =	sand.u32 $0x380, s15;
	s16 =	sadd.s32 s16, s2  }
0x45f: {  	s17 =	simm.s32 $0xD300;
	s15 =	sadd.s32 s15, s16  }
0x460: {  	(v2sf) =	vpush v63, $0x7;
	[tilespmem:s17], [sflag:$0x2] =	stream.linear.gather [spmem:s15], $0x80, $0x38;
	[tilespmem:$0x15000] =	vst v63  }
0x461: {  	s16 =	sadd.s32 $0x400, s15;
	s17 =	simm.s32 $0xD700  }
0x462: {  	[tilespmem:s17], [sflag:$0x2] =	stream.linear.gather [spmem:s16], $0x80, $0x38;
	[tilespmem:$0x15000] =	vst v63  }
0x463: {  	s16 =	sadd.s32 $0x800, s15;
	s17 =	simm.s32 $0xDB00  }
0x464: {  	[tilespmem:s17], [sflag:$0x2] =	stream.linear.gather [spmem:s16], $0x80, $0x38;
	[tilespmem:$0x15000] =	vst v63  }
0x465: {  	s16 =	sadd.s32 $0xC00, s15;
	s17 =	simm.s32 $0xDF00  }
0x466: {  	[tilespmem:s17], [sflag:$0x2] =	stream.linear.gather [spmem:s16], $0x80, $0x38;
	[tilespmem:$0x15000] =	vst v63  }
0x467: {  	s16 =	sadd.s32 $0x1000, s15;
	s17 =	simm.s32 $0xE300  }
0x468: {  	[tilespmem:s17], [sflag:$0x2] =	stream.linear.gather [spmem:s16], $0x80, $0x38;
	[tilespmem:$0x15000] =	vst v63  }
0x469: {  	s16 =	sadd.s32 $0x1400, s15;
	s17 =	simm.s32 $0xE700  }
0x46a: {  	[tilespmem:s17], [sflag:$0x2] =	stream.linear.gather [spmem:s16], $0x80, $0x38;
	[tilespmem:$0x15000] =	vst v63  }
0x46b: {  	s16 =	sadd.s32 $0x1800, s15;
	s17 =	simm.s32 $0xEB00  }
0x46c: {  	[tilespmem:s17], [sflag:$0x2] =	stream.linear.gather [spmem:s16], $0x80, $0x38;
	[tilespmem:$0x15000] =	vst v63  }
0x46d: {  	s15 =	sadd.s32 $0x1C00, s15;
	s17 =	simm.s32 $0xEF00  }
0x46e: {  	[tilespmem:s17], [sflag:$0x2] =	stream.linear.gather [spmem:s15], $0x80, $0x38;
	[tilespmem:$0x15000] =	vst v63  }
0x46f: {  	s15 =	spop (v2sf)  }
0x470: {  	s17 =	sshll.u32 s15, $0xA  }
0x471: {  	s15 =	sshll.u32 s15, $0x7;
	s16 =	sand.u32 $0xFFFFE000, s17  }
0x472: {  	s15 =	sand.u32 $0x380, s15;
	s16 =	sadd.s32 s16, s2  }
0x473: {  	s17 =	simm.s32 $0xD380;
	s15 =	sadd.s32 s15, s16  }
0x474: {  	(v2sf) =	vpush v63, $0x8;
	[tilespmem:s17], [sflag:$0x2] =	stream.linear.gather [spmem:s15], $0x80, $0x38;
	[tilespmem:$0x15000] =	vst v63  }
0x475: {  	s16 =	sadd.s32 $0x400, s15;
	s17 =	simm.s32 $0xD780  }
0x476: {  	[tilespmem:s17], [sflag:$0x2] =	stream.linear.gather [spmem:s16], $0x80, $0x38;
	[tilespmem:$0x15000] =	vst v63  }
0x477: {  	s16 =	sadd.s32 $0x800, s15;
	s17 =	simm.s32 $0xDB80  }
0x478: {  	[tilespmem:s17], [sflag:$0x2] =	stream.linear.gather [spmem:s16], $0x80, $0x38;
	[tilespmem:$0x15000] =	vst v63  }
0x479: {  	s16 =	sadd.s32 $0xC00, s15;
	s17 =	simm.s32 $0xDF80  }
0x47a: {  	[tilespmem:s17], [sflag:$0x2] =	stream.linear.gather [spmem:s16], $0x80, $0x38;
	[tilespmem:$0x15000] =	vst v63  }
0x47b: {  	s16 =	sadd.s32 $0x1000, s15;
	s17 =	simm.s32 $0xE380  }
0x47c: {  	[tilespmem:s17], [sflag:$0x2] =	stream.linear.gather [spmem:s16], $0x80, $0x38;
	[tilespmem:$0x15000] =	vst v63  }
0x47d: {  	s16 =	sadd.s32 $0x1400, s15;
	s17 =	simm.s32 $0xE780  }
0x47e: {  	[tilespmem:s17], [sflag:$0x2] =	stream.linear.gather [spmem:s16], $0x80, $0x38;
	[tilespmem:$0x15000] =	vst v63  }
0x47f: {  	s16 =	sadd.s32 $0x1800, s15;
	s17 =	simm.s32 $0xEB80  }
0x480: {  	[tilespmem:s17], [sflag:$0x2] =	stream.linear.gather [spmem:s16], $0x80, $0x38;
	[tilespmem:$0x15000] =	vst v63  }
0x481: {  	s15 =	sadd.s32 $0x1C00, s15;
	s17 =	simm.s32 $0xEF80  }
0x482: {  	[tilespmem:s17], [sflag:$0x2] =	stream.linear.gather [spmem:s15], $0x80, $0x38;
	[tilespmem:$0x15000] =	vst v63  }
0x483: {  	s15 =	spop (v2sf)  }
0x484: {  	s17 =	sshll.u32 s15, $0xA  }
0x485: {  	s15 =	sshll.u32 s15, $0x7;
	s16 =	sand.u32 $0xFFFFE000, s17  }
0x486: {  	s15 =	sand.u32 $0x380, s15;
	s16 =	sadd.s32 s16, s2  }
0x487: {  	s17 =	simm.s32 $0xF000;
	s15 =	sadd.s32 s15, s16  }
0x488: {  	(v2sf) =	vpush v63, $0x9;
	[tilespmem:s17], [sflag:$0x2] =	stream.linear.gather [spmem:s15], $0x80, $0x38;
	[tilespmem:$0x15000] =	vst v63  }
0x489: {  	s16 =	sadd.s32 $0x400, s15;
	s17 =	simm.s32 $0xF400  }
0x48a: {  	[tilespmem:s17], [sflag:$0x2] =	stream.linear.gather [spmem:s16], $0x80, $0x38;
	[tilespmem:$0x15000] =	vst v63  }
0x48b: {  	s16 =	sadd.s32 $0x800, s15;
	s17 =	simm.s32 $0xF800  }
0x48c: {  	[tilespmem:s17], [sflag:$0x2] =	stream.linear.gather [spmem:s16], $0x80, $0x38;
	[tilespmem:$0x15000] =	vst v63  }
0x48d: {  	s16 =	sadd.s32 $0xC00, s15;
	s17 =	simm.s32 $0xFC00  }
0x48e: {  	[tilespmem:s17], [sflag:$0x2] =	stream.linear.gather [spmem:s16], $0x80, $0x38;
	[tilespmem:$0x15000] =	vst v63  }
0x48f: {  	s16 =	sadd.s32 $0x1000, s15;
	s17 =	simm.s32 $0x10000  }
0x490: {  	[tilespmem:s17], [sflag:$0x2] =	stream.linear.gather [spmem:s16], $0x80, $0x38;
	[tilespmem:$0x15000] =	vst v63  }
0x491: {  	s16 =	sadd.s32 $0x1400, s15;
	s17 =	simm.s32 $0x10400  }
0x492: {  	[tilespmem:s17], [sflag:$0x2] =	stream.linear.gather [spmem:s16], $0x80, $0x38;
	[tilespmem:$0x15000] =	vst v63  }
0x493: {  	s16 =	sadd.s32 $0x1800, s15;
	s17 =	simm.s32 $0x10800  }
0x494: {  	[tilespmem:s17], [sflag:$0x2] =	stream.linear.gather [spmem:s16], $0x80, $0x38;
	[tilespmem:$0x15000] =	vst v63  }
0x495: {  	s15 =	sadd.s32 $0x1C00, s15;
	s17 =	simm.s32 $0x10C00  }
0x496: {  	[tilespmem:s17], [sflag:$0x2] =	stream.linear.gather [spmem:s15], $0x80, $0x38;
	[tilespmem:$0x15000] =	vst v63  }
0x497: {  	s15 =	spop (v2sf)  }
0x498: {  	s17 =	sshll.u32 s15, $0xA  }
0x499: {  	s15 =	sshll.u32 s15, $0x7;
	s16 =	sand.u32 $0xFFFFE000, s17  }
0x49a: {  	s15 =	sand.u32 $0x380, s15;
	s16 =	sadd.s32 s16, s2  }
0x49b: {  	s17 =	simm.s32 $0xF080;
	s15 =	sadd.s32 s15, s16  }
0x49c: {  	(v2sf) =	vpush v63, $0xA;
	[tilespmem:s17], [sflag:$0x2] =	stream.linear.gather [spmem:s15], $0x80, $0x38;
	[tilespmem:$0x15000] =	vst v63  }
0x49d: {  	s16 =	sadd.s32 $0x400, s15;
	s17 =	simm.s32 $0xF480  }
0x49e: {  	[tilespmem:s17], [sflag:$0x2] =	stream.linear.gather [spmem:s16], $0x80, $0x38;
	[tilespmem:$0x15000] =	vst v63  }
0x49f: {  	s16 =	sadd.s32 $0x800, s15;
	s17 =	simm.s32 $0xF880  }
0x4a0: {  	[tilespmem:s17], [sflag:$0x2] =	stream.linear.gather [spmem:s16], $0x80, $0x38;
	[tilespmem:$0x15000] =	vst v63  }
0x4a1: {  	s16 =	sadd.s32 $0xC00, s15;
	s17 =	simm.s32 $0xFC80  }
0x4a2: {  	[tilespmem:s17], [sflag:$0x2] =	stream.linear.gather [spmem:s16], $0x80, $0x38;
	[tilespmem:$0x15000] =	vst v63  }
0x4a3: {  	s16 =	sadd.s32 $0x1000, s15;
	s17 =	simm.s32 $0x10080  }
0x4a4: {  	[tilespmem:s17], [sflag:$0x2] =	stream.linear.gather [spmem:s16], $0x80, $0x38;
	[tilespmem:$0x15000] =	vst v63  }
0x4a5: {  	s16 =	sadd.s32 $0x1400, s15;
	s17 =	simm.s32 $0x10480  }
0x4a6: {  	[tilespmem:s17], [sflag:$0x2] =	stream.linear.gather [spmem:s16], $0x80, $0x38;
	[tilespmem:$0x15000] =	vst v63  }
0x4a7: {  	s16 =	sadd.s32 $0x1800, s15;
	s17 =	simm.s32 $0x10880  }
0x4a8: {  	[tilespmem:s17], [sflag:$0x2] =	stream.linear.gather [spmem:s16], $0x80, $0x38;
	[tilespmem:$0x15000] =	vst v63  }
0x4a9: {  	s15 =	sadd.s32 $0x1C00, s15;
	s17 =	simm.s32 $0x10C80  }
0x4aa: {  	[tilespmem:s17], [sflag:$0x2] =	stream.linear.gather [spmem:s15], $0x80, $0x38;
	[tilespmem:$0x15000] =	vst v63  }
0x4ab: {  	s15 =	spop (v2sf)  }
0x4ac: {  	s17 =	sshll.u32 s15, $0xA  }
0x4ad: {  	s15 =	sshll.u32 s15, $0x7;
	s16 =	sand.u32 $0xFFFFE000, s17  }
0x4ae: {  	s15 =	sand.u32 $0x380, s15;
	s16 =	sadd.s32 s16, s2  }
0x4af: {  	s17 =	simm.s32 $0xF100;
	s15 =	sadd.s32 s15, s16  }
0x4b0: {  	(v2sf) =	vpush v63, $0xB;
	[tilespmem:s17], [sflag:$0x2] =	stream.linear.gather [spmem:s15], $0x80, $0x38;
	[tilespmem:$0x15000] =	vst v63  }
0x4b1: {  	s16 =	sadd.s32 $0x400, s15;
	s17 =	simm.s32 $0xF500  }
0x4b2: {  	[tilespmem:s17], [sflag:$0x2] =	stream.linear.gather [spmem:s16], $0x80, $0x38;
	[tilespmem:$0x15000] =	vst v63  }
0x4b3: {  	s16 =	sadd.s32 $0x800, s15;
	s17 =	simm.s32 $0xF900  }
0x4b4: {  	[tilespmem:s17], [sflag:$0x2] =	stream.linear.gather [spmem:s16], $0x80, $0x38;
	[tilespmem:$0x15000] =	vst v63  }
0x4b5: {  	s16 =	sadd.s32 $0xC00, s15;
	s17 =	simm.s32 $0xFD00  }
0x4b6: {  	[tilespmem:s17], [sflag:$0x2] =	stream.linear.gather [spmem:s16], $0x80, $0x38;
	[tilespmem:$0x15000] =	vst v63  }
0x4b7: {  	s16 =	sadd.s32 $0x1000, s15;
	s17 =	simm.s32 $0x10100  }
0x4b8: {  	[tilespmem:s17], [sflag:$0x2] =	stream.linear.gather [spmem:s16], $0x80, $0x38;
	[tilespmem:$0x15000] =	vst v63  }
0x4b9: {  	s16 =	sadd.s32 $0x1400, s15;
	s17 =	simm.s32 $0x10500  }
0x4ba: {  	[tilespmem:s17], [sflag:$0x2] =	stream.linear.gather [spmem:s16], $0x80, $0x38;
	[tilespmem:$0x15000] =	vst v63  }
0x4bb: {  	s16 =	sadd.s32 $0x1800, s15;
	s17 =	simm.s32 $0x10900  }
0x4bc: {  	[tilespmem:s17], [sflag:$0x2] =	stream.linear.gather [spmem:s16], $0x80, $0x38;
	[tilespmem:$0x15000] =	vst v63  }
0x4bd: {  	s15 =	sadd.s32 $0x1C00, s15;
	s17 =	simm.s32 $0x10D00  }
0x4be: {  	[tilespmem:s17], [sflag:$0x2] =	stream.linear.gather [spmem:s15], $0x80, $0x38;
	[tilespmem:$0x15000] =	vst v63  }
0x4bf: {  	s15 =	spop (v2sf)  }
0x4c0: {  	s17 =	sshll.u32 s15, $0xA  }
0x4c1: {  	s15 =	sshll.u32 s15, $0x7;
	s16 =	sand.u32 $0xFFFFE000, s17  }
0x4c2: {  	s15 =	sand.u32 $0x380, s15;
	s16 =	sadd.s32 s16, s2  }
0x4c3: {  	s17 =	simm.s32 $0xF180;
	s15 =	sadd.s32 s15, s16  }
0x4c4: {  	(v2sf) =	vpush v63, $0xC;
	[tilespmem:s17], [sflag:$0x2] =	stream.linear.gather [spmem:s15], $0x80, $0x38;
	[tilespmem:$0x15000] =	vst v63  }
0x4c5: {  	s16 =	sadd.s32 $0x400, s15;
	s17 =	simm.s32 $0xF580  }
0x4c6: {  	[tilespmem:s17], [sflag:$0x2] =	stream.linear.gather [spmem:s16], $0x80, $0x38;
	[tilespmem:$0x15000] =	vst v63  }
0x4c7: {  	s16 =	sadd.s32 $0x800, s15;
	s17 =	simm.s32 $0xF980  }
0x4c8: {  	[tilespmem:s17], [sflag:$0x2] =	stream.linear.gather [spmem:s16], $0x80, $0x38;
	[tilespmem:$0x15000] =	vst v63  }
0x4c9: {  	s16 =	sadd.s32 $0xC00, s15;
	s17 =	simm.s32 $0xFD80  }
0x4ca: {  	[tilespmem:s17], [sflag:$0x2] =	stream.linear.gather [spmem:s16], $0x80, $0x38;
	[tilespmem:$0x15000] =	vst v63  }
0x4cb: {  	s16 =	sadd.s32 $0x1000, s15;
	s17 =	simm.s32 $0x10180  }
0x4cc: {  	[tilespmem:s17], [sflag:$0x2] =	stream.linear.gather [spmem:s16], $0x80, $0x38;
	[tilespmem:$0x15000] =	vst v63  }
0x4cd: {  	s16 =	sadd.s32 $0x1400, s15;
	s17 =	simm.s32 $0x10580  }
0x4ce: {  	[tilespmem:s17], [sflag:$0x2] =	stream.linear.gather [spmem:s16], $0x80, $0x38;
	[tilespmem:$0x15000] =	vst v63  }
0x4cf: {  	s16 =	sadd.s32 $0x1800, s15;
	s17 =	simm.s32 $0x10980  }
0x4d0: {  	[tilespmem:s17], [sflag:$0x2] =	stream.linear.gather [spmem:s16], $0x80, $0x38;
	[tilespmem:$0x15000] =	vst v63  }
0x4d1: {  	s15 =	sadd.s32 $0x1C00, s15;
	s17 =	simm.s32 $0x10D80  }
0x4d2: {  	[tilespmem:s17], [sflag:$0x2] =	stream.linear.gather [spmem:s15], $0x80, $0x38;
	[tilespmem:$0x15000] =	vst v63  }
0x4d3: {  	s15 =	spop (v2sf)  }
0x4d4: {  	s17 =	sshll.u32 s15, $0xA  }
0x4d5: {  	s15 =	sshll.u32 s15, $0x7;
	s16 =	sand.u32 $0xFFFFE000, s17  }
0x4d6: {  	s15 =	sand.u32 $0x380, s15;
	s16 =	sadd.s32 s16, s2  }
0x4d7: {  	s17 =	simm.s32 $0xF200;
	s15 =	sadd.s32 s15, s16  }
0x4d8: {  	(v2sf) =	vpush v63, $0xD;
	[tilespmem:s17], [sflag:$0x2] =	stream.linear.gather [spmem:s15], $0x80, $0x38;
	[tilespmem:$0x15000] =	vst v63  }
0x4d9: {  	s16 =	sadd.s32 $0x400, s15;
	s17 =	simm.s32 $0xF600  }
0x4da: {  	[tilespmem:s17], [sflag:$0x2] =	stream.linear.gather [spmem:s16], $0x80, $0x38;
	[tilespmem:$0x15000] =	vst v63  }
0x4db: {  	s16 =	sadd.s32 $0x800, s15;
	s17 =	simm.s32 $0xFA00  }
0x4dc: {  	[tilespmem:s17], [sflag:$0x2] =	stream.linear.gather [spmem:s16], $0x80, $0x38;
	[tilespmem:$0x15000] =	vst v63  }
0x4dd: {  	s16 =	sadd.s32 $0xC00, s15;
	s17 =	simm.s32 $0xFE00  }
0x4de: {  	[tilespmem:s17], [sflag:$0x2] =	stream.linear.gather [spmem:s16], $0x80, $0x38;
	[tilespmem:$0x15000] =	vst v63  }
0x4df: {  	s16 =	sadd.s32 $0x1000, s15;
	s17 =	simm.s32 $0x10200  }
0x4e0: {  	[tilespmem:s17], [sflag:$0x2] =	stream.linear.gather [spmem:s16], $0x80, $0x38;
	[tilespmem:$0x15000] =	vst v63  }
0x4e1: {  	s16 =	sadd.s32 $0x1400, s15;
	s17 =	simm.s32 $0x10600  }
0x4e2: {  	[tilespmem:s17], [sflag:$0x2] =	stream.linear.gather [spmem:s16], $0x80, $0x38;
	[tilespmem:$0x15000] =	vst v63  }
0x4e3: {  	s16 =	sadd.s32 $0x1800, s15;
	s17 =	simm.s32 $0x10A00  }
0x4e4: {  	[tilespmem:s17], [sflag:$0x2] =	stream.linear.gather [spmem:s16], $0x80, $0x38;
	[tilespmem:$0x15000] =	vst v63  }
0x4e5: {  	s15 =	sadd.s32 $0x1C00, s15;
	s17 =	simm.s32 $0x10E00  }
0x4e6: {  	[tilespmem:s17], [sflag:$0x2] =	stream.linear.gather [spmem:s15], $0x80, $0x38;
	[tilespmem:$0x15000] =	vst v63  }
0x4e7: {  	s15 =	spop (v2sf)  }
0x4e8: {  	s17 =	sshll.u32 s15, $0xA  }
0x4e9: {  	s15 =	sshll.u32 s15, $0x7;
	s16 =	sand.u32 $0xFFFFE000, s17  }
0x4ea: {  	s15 =	sand.u32 $0x380, s15;
	s16 =	sadd.s32 s16, s2  }
0x4eb: {  	s17 =	simm.s32 $0xF280;
	s15 =	sadd.s32 s15, s16  }
0x4ec: {  	(v2sf) =	vpush v63, $0xE;
	[tilespmem:s17], [sflag:$0x2] =	stream.linear.gather [spmem:s15], $0x80, $0x38;
	[tilespmem:$0x15000] =	vst v63  }
0x4ed: {  	s16 =	sadd.s32 $0x400, s15;
	s17 =	simm.s32 $0xF680  }
0x4ee: {  	[tilespmem:s17], [sflag:$0x2] =	stream.linear.gather [spmem:s16], $0x80, $0x38;
	[tilespmem:$0x15000] =	vst v63  }
0x4ef: {  	s16 =	sadd.s32 $0x800, s15;
	s17 =	simm.s32 $0xFA80  }
0x4f0: {  	[tilespmem:s17], [sflag:$0x2] =	stream.linear.gather [spmem:s16], $0x80, $0x38;
	[tilespmem:$0x15000] =	vst v63  }
0x4f1: {  	s16 =	sadd.s32 $0xC00, s15;
	s17 =	simm.s32 $0xFE80  }
0x4f2: {  	[tilespmem:s17], [sflag:$0x2] =	stream.linear.gather [spmem:s16], $0x80, $0x38;
	[tilespmem:$0x15000] =	vst v63  }
0x4f3: {  	s16 =	sadd.s32 $0x1000, s15;
	s17 =	simm.s32 $0x10280  }
0x4f4: {  	[tilespmem:s17], [sflag:$0x2] =	stream.linear.gather [spmem:s16], $0x80, $0x38;
	[tilespmem:$0x15000] =	vst v63  }
0x4f5: {  	s16 =	sadd.s32 $0x1400, s15;
	s17 =	simm.s32 $0x10680  }
0x4f6: {  	[tilespmem:s17], [sflag:$0x2] =	stream.linear.gather [spmem:s16], $0x80, $0x38;
	[tilespmem:$0x15000] =	vst v63  }
0x4f7: {  	s16 =	sadd.s32 $0x1800, s15;
	s17 =	simm.s32 $0x10A80  }
0x4f8: {  	[tilespmem:s17], [sflag:$0x2] =	stream.linear.gather [spmem:s16], $0x80, $0x38;
	[tilespmem:$0x15000] =	vst v63  }
0x4f9: {  	s15 =	sadd.s32 $0x1C00, s15;
	s17 =	simm.s32 $0x10E80  }
0x4fa: {  	[tilespmem:s17], [sflag:$0x2] =	stream.linear.gather [spmem:s15], $0x80, $0x38;
	[tilespmem:$0x15000] =	vst v63  }
0x4fb: {  	s15 =	spop (v2sf)  }
0x4fc: {  	s17 =	sshll.u32 s15, $0xA  }
0x4fd: {  	s15 =	sshll.u32 s15, $0x7;
	s16 =	sand.u32 $0xFFFFE000, s17  }
0x4fe: {  	s15 =	sand.u32 $0x380, s15;
	s16 =	sadd.s32 s16, s2  }
0x4ff: {  	s15 =	sadd.s32 s15, s16  }
0x500: {  	(v2sf) =	vpush v63, $0xF;
	[tilespmem:s29], [sflag:$0x2] =	stream.linear.gather [spmem:s15], $0x80, $0x38;
	[tilespmem:$0x15000] =	vst v63  }
0x501: {  	s16 =	sadd.s32 $0x400, s15  }
0x502: {  	[tilespmem:s30], [sflag:$0x2] =	stream.linear.gather [spmem:s16], $0x80, $0x38;
	[tilespmem:$0x15000] =	vst v63  }
0x503: {  	s17 =	sadd.s32 $0x800, s15  }
0x504: {  	[tilespmem:s31], [sflag:$0x2] =	stream.linear.gather [spmem:s17], $0x80, $0x38;
	[tilespmem:$0x15000] =	vst v63  }
0x505: {  	s17 =	sadd.s32 $0xC00, s15  }
0x506: {  	[tilespmem:s0], [sflag:$0x2] =	stream.linear.gather [spmem:s17], $0x80, $0x38;
	[tilespmem:$0x15000] =	vst v63  }
0x507: {  	s17 =	sadd.s32 $0x1000, s15  }
0x508: {  	[tilespmem:s1], [sflag:$0x2] =	stream.linear.gather [spmem:s17], $0x80, $0x38;
	[tilespmem:$0x15000] =	vst v63  }
0x509: {  	s17 =	sadd.s32 $0x1400, s15  }
0x50a: {  	[tilespmem:s4], [sflag:$0x2] =	stream.linear.gather [spmem:s17], $0x80, $0x38;
	[tilespmem:$0x15000] =	vst v63  }
0x50b: {  	s17 =	sadd.s32 $0x1800, s15  }
0x50c: {  	[tilespmem:s5], [sflag:$0x2] =	stream.linear.gather [spmem:s17], $0x80, $0x38;
	[tilespmem:$0x15000] =	vst v63  }
0x50d: {  	s15 =	sadd.s32 $0x1C00, s15  }
0x50e: {  	[tilespmem:s7], [sflag:$0x2] =	stream.linear.gather [spmem:s15], $0x80, $0x38;
	[tilespmem:$0x15000] =	vst v63  }
0x50f: {  	s15 =	spop (v2sf)  }
0x510: {  	s17 =	sshll.u32 s15, $0xA  }
0x511: {  	s15 =	sshll.u32 s15, $0x7;
	s16 =	sand.u32 $0xFFFFE000, s17  }
0x512: {  	s15 =	sand.u32 $0x380, s15;
	s16 =	sadd.s32 s16, s2  }
0x513: {  	s15 =	sadd.s32 s15, s16  }
0x514: {  	[tilespmem:s8], [sflag:$0x2] =	stream.linear.gather [spmem:s15], $0x80, $0x38;
	[tilespmem:$0x15000] =	vst v63  }
0x515: {  	s16 =	sadd.s32 $0x400, s15  }
0x516: {  	[tilespmem:s10], [sflag:$0x2] =	stream.linear.gather [spmem:s16], $0x80, $0x38;
	[tilespmem:$0x15000] =	vst v63  }
0x517: {  	s17 =	sadd.s32 $0x800, s15  }
0x518: {  	[tilespmem:s11], [sflag:$0x2] =	stream.linear.gather [spmem:s17], $0x80, $0x38;
	[tilespmem:$0x15000] =	vst v63  }
0x519: {  	s17 =	sadd.s32 $0xC00, s15  }
0x51a: {  	[tilespmem:s12], [sflag:$0x2] =	stream.linear.gather [spmem:s17], $0x80, $0x38;
	[tilespmem:$0x15000] =	vst v63  }
0x51b: {  	s17 =	sadd.s32 $0x1000, s15  }
0x51c: {  	[tilespmem:s13], [sflag:$0x2] =	stream.linear.gather [spmem:s17], $0x80, $0x38;
	[tilespmem:$0x15000] =	vst v63  }
0x51d: {  	s17 =	sadd.s32 $0x1400, s15  }
0x51e: {  	[tilespmem:s14], [sflag:$0x2] =	stream.linear.gather [spmem:s17], $0x80, $0x38;
	[tilespmem:$0x15000] =	vst v63  }
0x51f: {  	s17 =	sadd.s32 $0x1800, s15  }
0x520: {  	[tilespmem:s19], [sflag:$0x2] =	stream.linear.gather [spmem:s17], $0x80, $0x38;
	[tilespmem:$0x15000] =	vst v63  }
0x521: {  	p1 =	seq.s32 s25, $0x1E000;
	s15 =	sadd.s32 $0x1C00, s15  }
0x522: {  	[tilespmem:s20], [sflag:$0x2] =	stream.linear.gather [spmem:s15], $0x80, $0x38;
	[tilespmem:$0x15000] =	vst v63  }
.Ltmp4:
0x523: {  	_ = 	snop;
	(pc) =	sbr.rel @p1 .LBB2_4-.Ltmp4, $4  }
0x524: {  	_ =	swait.ge [sflag:s21], $0x8000  }
0x525: {  	[sflag:s21] =	ssyncset.done $0x0  }
0x526: {  	s15 =	sadd.s32 s25, s6;
	[sflag:s21] =	ssyncadd.s32 $0xFFFF8000  }
0x527: {  	[hbm4b:s15+s3] =	stream.linear.scatter [tilespmem:s9], [sflag:$0x3], $0x8000, $0x38;
	[tilespmem:$0x15000] =	vst v63  }
0x528: {  	_ =	swait.ge [sflag:s23], $0x8000  }
0x529: {  	[sflag:s23] =	ssyncset.done $0x0  }
0x52a: {  	[sflag:s23] =	ssyncadd.s32 $0xFFFF8000  }
0x52b: {  	v0 =	vld [tilespmem:s24+$0x70];
	_ =	sdelay $0x4  }
0x52c: {  	(v2sf) =	vpush v0, $0x0;
	_ =	sdelay $0xe  }
0x52d: {  	s16 =	spop (v2sf)  }
0x52e: {  	s17 =	sshll.u32 s16, $0xA  }
0x52f: {  	s16 =	sshll.u32 s16, $0x7;
	s17 =	sand.u32 $0xFFFFE000, s17  }
0x530: {  	s16 =	sand.u32 $0x380, s16;
	s17 =	sadd.s32 s17, s2  }
0x531: {  	s16 =	sadd.s32 s16, s17  }
0x532: {  	(v2sf) =	vpush v0, $0x1;
	[tilespmem:s9], [sflag:$0x1] =	stream.linear.gather [spmem:s16], $0x80, $0x38;
	[tilespmem:$0x15000] =	vst v63  }
0x533: {  	s26 =	simm.s32 $0x1400;
	s17 =	sadd.s32 $0x400, s16  }
0x534: {  	[tilespmem:s26], [sflag:$0x1] =	stream.linear.gather [spmem:s17], $0x80, $0x38;
	[tilespmem:$0x15000] =	vst v63  }
0x535: {  	s17 =	sadd.s32 $0x800, s16;
	s26 =	simm.s32 $0x1800  }
0x536: {  	[tilespmem:s26], [sflag:$0x1] =	stream.linear.gather [spmem:s17], $0x80, $0x38;
	[tilespmem:$0x15000] =	vst v63  }
0x537: {  	s17 =	sadd.s32 $0xC00, s16;
	s26 =	simm.s32 $0x1C00  }
0x538: {  	[tilespmem:s26], [sflag:$0x1] =	stream.linear.gather [spmem:s17], $0x80, $0x38;
	[tilespmem:$0x15000] =	vst v63  }
0x539: {  	s17 =	sadd.s32 $0x1000, s16;
	s26 =	simm.s32 $0x2000  }
0x53a: {  	[tilespmem:s26], [sflag:$0x1] =	stream.linear.gather [spmem:s17], $0x80, $0x38;
	[tilespmem:$0x15000] =	vst v63  }
0x53b: {  	s17 =	sadd.s32 $0x1400, s16;
	s26 =	simm.s32 $0x2400  }
0x53c: {  	[tilespmem:s26], [sflag:$0x1] =	stream.linear.gather [spmem:s17], $0x80, $0x38;
	[tilespmem:$0x15000] =	vst v63  }
0x53d: {  	s17 =	sadd.s32 $0x1800, s16;
	s26 =	simm.s32 $0x2800  }
0x53e: {  	[tilespmem:s26], [sflag:$0x1] =	stream.linear.gather [spmem:s17], $0x80, $0x38;
	[tilespmem:$0x15000] =	vst v63  }
0x53f: {  	s16 =	sadd.s32 $0x1C00, s16;
	s26 =	simm.s32 $0x2C00  }
0x540: {  	[tilespmem:s26], [sflag:$0x1] =	stream.linear.gather [spmem:s16], $0x80, $0x38;
	[tilespmem:$0x15000] =	vst v63  }
0x541: {  	s16 =	spop (v2sf)  }
0x542: {  	s26 =	sshll.u32 s16, $0xA  }
0x543: {  	s16 =	sshll.u32 s16, $0x7;
	s17 =	sand.u32 $0xFFFFE000, s26  }
0x544: {  	s16 =	sand.u32 $0x380, s16;
	s17 =	sadd.s32 s17, s2  }
0x545: {  	s26 =	simm.s32 $0x1080;
	s16 =	sadd.s32 s16, s17  }
0x546: {  	(v2sf) =	vpush v0, $0x2;
	[tilespmem:s26], [sflag:$0x1] =	stream.linear.gather [spmem:s16], $0x80, $0x38;
	[tilespmem:$0x15000] =	vst v63  }
0x547: {  	s17 =	sadd.s32 $0x400, s16;
	s26 =	simm.s32 $0x1480  }
0x548: {  	[tilespmem:s26], [sflag:$0x1] =	stream.linear.gather [spmem:s17], $0x80, $0x38;
	[tilespmem:$0x15000] =	vst v63  }
0x549: {  	s17 =	sadd.s32 $0x800, s16;
	s26 =	simm.s32 $0x1880  }
0x54a: {  	[tilespmem:s26], [sflag:$0x1] =	stream.linear.gather [spmem:s17], $0x80, $0x38;
	[tilespmem:$0x15000] =	vst v63  }
0x54b: {  	s17 =	sadd.s32 $0xC00, s16;
	s26 =	simm.s32 $0x1C80  }
0x54c: {  	[tilespmem:s26], [sflag:$0x1] =	stream.linear.gather [spmem:s17], $0x80, $0x38;
	[tilespmem:$0x15000] =	vst v63  }
0x54d: {  	s17 =	sadd.s32 $0x1000, s16;
	s26 =	simm.s32 $0x2080  }
0x54e: {  	[tilespmem:s26], [sflag:$0x1] =	stream.linear.gather [spmem:s17], $0x80, $0x38;
	[tilespmem:$0x15000] =	vst v63  }
0x54f: {  	s17 =	sadd.s32 $0x1400, s16;
	s26 =	simm.s32 $0x2480  }
0x550: {  	[tilespmem:s26], [sflag:$0x1] =	stream.linear.gather [spmem:s17], $0x80, $0x38;
	[tilespmem:$0x15000] =	vst v63  }
0x551: {  	s17 =	sadd.s32 $0x1800, s16;
	s26 =	simm.s32 $0x2880  }
0x552: {  	[tilespmem:s26], [sflag:$0x1] =	stream.linear.gather [spmem:s17], $0x80, $0x38;
	[tilespmem:$0x15000] =	vst v63  }
0x553: {  	s16 =	sadd.s32 $0x1C00, s16;
	s26 =	simm.s32 $0x2C80  }
0x554: {  	[tilespmem:s26], [sflag:$0x1] =	stream.linear.gather [spmem:s16], $0x80, $0x38;
	[tilespmem:$0x15000] =	vst v63  }
0x555: {  	s16 =	spop (v2sf)  }
0x556: {  	s26 =	sshll.u32 s16, $0xA  }
0x557: {  	s16 =	sshll.u32 s16, $0x7;
	s17 =	sand.u32 $0xFFFFE000, s26  }
0x558: {  	s16 =	sand.u32 $0x380, s16;
	s17 =	sadd.s32 s17, s2  }
0x559: {  	s26 =	simm.s32 $0x1100;
	s16 =	sadd.s32 s16, s17  }
0x55a: {  	(v2sf) =	vpush v0, $0x3;
	[tilespmem:s26], [sflag:$0x1] =	stream.linear.gather [spmem:s16], $0x80, $0x38;
	[tilespmem:$0x15000] =	vst v63  }
0x55b: {  	s17 =	sadd.s32 $0x400, s16;
	s26 =	simm.s32 $0x1500  }
0x55c: {  	[tilespmem:s26], [sflag:$0x1] =	stream.linear.gather [spmem:s17], $0x80, $0x38;
	[tilespmem:$0x15000] =	vst v63  }
0x55d: {  	s17 =	sadd.s32 $0x800, s16;
	s26 =	simm.s32 $0x1900  }
0x55e: {  	[tilespmem:s26], [sflag:$0x1] =	stream.linear.gather [spmem:s17], $0x80, $0x38;
	[tilespmem:$0x15000] =	vst v63  }
0x55f: {  	s17 =	sadd.s32 $0xC00, s16;
	s26 =	simm.s32 $0x1D00  }
0x560: {  	[tilespmem:s26], [sflag:$0x1] =	stream.linear.gather [spmem:s17], $0x80, $0x38;
	[tilespmem:$0x15000] =	vst v63  }
0x561: {  	s17 =	sadd.s32 $0x1000, s16;
	s26 =	simm.s32 $0x2100  }
0x562: {  	[tilespmem:s26], [sflag:$0x1] =	stream.linear.gather [spmem:s17], $0x80, $0x38;
	[tilespmem:$0x15000] =	vst v63  }
0x563: {  	s17 =	sadd.s32 $0x1400, s16;
	s26 =	simm.s32 $0x2500  }
0x564: {  	[tilespmem:s26], [sflag:$0x1] =	stream.linear.gather [spmem:s17], $0x80, $0x38;
	[tilespmem:$0x15000] =	vst v63  }
0x565: {  	s17 =	sadd.s32 $0x1800, s16;
	s26 =	simm.s32 $0x2900  }
0x566: {  	[tilespmem:s26], [sflag:$0x1] =	stream.linear.gather [spmem:s17], $0x80, $0x38;
	[tilespmem:$0x15000] =	vst v63  }
0x567: {  	s16 =	sadd.s32 $0x1C00, s16;
	s26 =	simm.s32 $0x2D00  }
0x568: {  	[tilespmem:s26], [sflag:$0x1] =	stream.linear.gather [spmem:s16], $0x80, $0x38;
	[tilespmem:$0x15000] =	vst v63  }
0x569: {  	s16 =	spop (v2sf)  }
0x56a: {  	s26 =	sshll.u32 s16, $0xA  }
0x56b: {  	s16 =	sshll.u32 s16, $0x7;
	s17 =	sand.u32 $0xFFFFE000, s26  }
0x56c: {  	s16 =	sand.u32 $0x380, s16;
	s17 =	sadd.s32 s17, s2  }
0x56d: {  	s26 =	simm.s32 $0x1180;
	s16 =	sadd.s32 s16, s17  }
0x56e: {  	(v2sf) =	vpush v0, $0x4;
	[tilespmem:s26], [sflag:$0x1] =	stream.linear.gather [spmem:s16], $0x80, $0x38;
	[tilespmem:$0x15000] =	vst v63  }
0x56f: {  	s17 =	sadd.s32 $0x400, s16;
	s26 =	simm.s32 $0x1580  }
0x570: {  	[tilespmem:s26], [sflag:$0x1] =	stream.linear.gather [spmem:s17], $0x80, $0x38;
	[tilespmem:$0x15000] =	vst v63  }
0x571: {  	s17 =	sadd.s32 $0x800, s16;
	s26 =	simm.s32 $0x1980  }
0x572: {  	[tilespmem:s26], [sflag:$0x1] =	stream.linear.gather [spmem:s17], $0x80, $0x38;
	[tilespmem:$0x15000] =	vst v63  }
0x573: {  	s17 =	sadd.s32 $0xC00, s16;
	s26 =	simm.s32 $0x1D80  }
0x574: {  	[tilespmem:s26], [sflag:$0x1] =	stream.linear.gather [spmem:s17], $0x80, $0x38;
	[tilespmem:$0x15000] =	vst v63  }
0x575: {  	s17 =	sadd.s32 $0x1000, s16;
	s26 =	simm.s32 $0x2180  }
0x576: {  	[tilespmem:s26], [sflag:$0x1] =	stream.linear.gather [spmem:s17], $0x80, $0x38;
	[tilespmem:$0x15000] =	vst v63  }
0x577: {  	s17 =	sadd.s32 $0x1400, s16;
	s26 =	simm.s32 $0x2580  }
0x578: {  	[tilespmem:s26], [sflag:$0x1] =	stream.linear.gather [spmem:s17], $0x80, $0x38;
	[tilespmem:$0x15000] =	vst v63  }
0x579: {  	s17 =	sadd.s32 $0x1800, s16;
	s26 =	simm.s32 $0x2980  }
0x57a: {  	[tilespmem:s26], [sflag:$0x1] =	stream.linear.gather [spmem:s17], $0x80, $0x38;
	[tilespmem:$0x15000] =	vst v63  }
0x57b: {  	s16 =	sadd.s32 $0x1C00, s16;
	s26 =	simm.s32 $0x2D80  }
0x57c: {  	[tilespmem:s26], [sflag:$0x1] =	stream.linear.gather [spmem:s16], $0x80, $0x38;
	[tilespmem:$0x15000] =	vst v63  }
0x57d: {  	s16 =	spop (v2sf)  }
0x57e: {  	s26 =	sshll.u32 s16, $0xA  }
0x57f: {  	s16 =	sshll.u32 s16, $0x7;
	s17 =	sand.u32 $0xFFFFE000, s26  }
0x580: {  	s16 =	sand.u32 $0x380, s16;
	s17 =	sadd.s32 s17, s2  }
0x581: {  	s26 =	simm.s32 $0x1200;
	s16 =	sadd.s32 s16, s17  }
0x582: {  	(v2sf) =	vpush v0, $0x5;
	[tilespmem:s26], [sflag:$0x1] =	stream.linear.gather [spmem:s16], $0x80, $0x38;
	[tilespmem:$0x15000] =	vst v63  }
0x583: {  	s17 =	sadd.s32 $0x400, s16;
	s26 =	simm.s32 $0x1600  }
0x584: {  	[tilespmem:s26], [sflag:$0x1] =	stream.linear.gather [spmem:s17], $0x80, $0x38;
	[tilespmem:$0x15000] =	vst v63  }
0x585: {  	s17 =	sadd.s32 $0x800, s16;
	s26 =	simm.s32 $0x1A00  }
0x586: {  	[tilespmem:s26], [sflag:$0x1] =	stream.linear.gather [spmem:s17], $0x80, $0x38;
	[tilespmem:$0x15000] =	vst v63  }
0x587: {  	s17 =	sadd.s32 $0xC00, s16;
	s26 =	simm.s32 $0x1E00  }
0x588: {  	[tilespmem:s26], [sflag:$0x1] =	stream.linear.gather [spmem:s17], $0x80, $0x38;
	[tilespmem:$0x15000] =	vst v63  }
0x589: {  	s17 =	sadd.s32 $0x1000, s16;
	s26 =	simm.s32 $0x2200  }
0x58a: {  	[tilespmem:s26], [sflag:$0x1] =	stream.linear.gather [spmem:s17], $0x80, $0x38;
	[tilespmem:$0x15000] =	vst v63  }
0x58b: {  	s17 =	sadd.s32 $0x1400, s16;
	s26 =	simm.s32 $0x2600  }
0x58c: {  	[tilespmem:s26], [sflag:$0x1] =	stream.linear.gather [spmem:s17], $0x80, $0x38;
	[tilespmem:$0x15000] =	vst v63  }
0x58d: {  	s17 =	sadd.s32 $0x1800, s16;
	s26 =	simm.s32 $0x2A00  }
0x58e: {  	[tilespmem:s26], [sflag:$0x1] =	stream.linear.gather [spmem:s17], $0x80, $0x38;
	[tilespmem:$0x15000] =	vst v63  }
0x58f: {  	s16 =	sadd.s32 $0x1C00, s16;
	s26 =	simm.s32 $0x2E00  }
0x590: {  	[tilespmem:s26], [sflag:$0x1] =	stream.linear.gather [spmem:s16], $0x80, $0x38;
	[tilespmem:$0x15000] =	vst v63  }
0x591: {  	s16 =	spop (v2sf)  }
0x592: {  	s26 =	sshll.u32 s16, $0xA  }
0x593: {  	s16 =	sshll.u32 s16, $0x7;
	s17 =	sand.u32 $0xFFFFE000, s26  }
0x594: {  	s16 =	sand.u32 $0x380, s16;
	s17 =	sadd.s32 s17, s2  }
0x595: {  	s26 =	simm.s32 $0x1280;
	s16 =	sadd.s32 s16, s17  }
0x596: {  	(v2sf) =	vpush v0, $0x6;
	[tilespmem:s26], [sflag:$0x1] =	stream.linear.gather [spmem:s16], $0x80, $0x38;
	[tilespmem:$0x15000] =	vst v63  }
0x597: {  	s17 =	sadd.s32 $0x400, s16;
	s26 =	simm.s32 $0x1680  }
0x598: {  	[tilespmem:s26], [sflag:$0x1] =	stream.linear.gather [spmem:s17], $0x80, $0x38;
	[tilespmem:$0x15000] =	vst v63  }
0x599: {  	s17 =	sadd.s32 $0x800, s16;
	s26 =	simm.s32 $0x1A80  }
0x59a: {  	[tilespmem:s26], [sflag:$0x1] =	stream.linear.gather [spmem:s17], $0x80, $0x38;
	[tilespmem:$0x15000] =	vst v63  }
0x59b: {  	s17 =	sadd.s32 $0xC00, s16;
	s26 =	simm.s32 $0x1E80  }
0x59c: {  	[tilespmem:s26], [sflag:$0x1] =	stream.linear.gather [spmem:s17], $0x80, $0x38;
	[tilespmem:$0x15000] =	vst v63  }
0x59d: {  	s17 =	sadd.s32 $0x1000, s16;
	s26 =	simm.s32 $0x2280  }
0x59e: {  	[tilespmem:s26], [sflag:$0x1] =	stream.linear.gather [spmem:s17], $0x80, $0x38;
	[tilespmem:$0x15000] =	vst v63  }
0x59f: {  	s17 =	sadd.s32 $0x1400, s16;
	s26 =	simm.s32 $0x2680  }
0x5a0: {  	[tilespmem:s26], [sflag:$0x1] =	stream.linear.gather [spmem:s17], $0x80, $0x38;
	[tilespmem:$0x15000] =	vst v63  }
0x5a1: {  	s17 =	sadd.s32 $0x1800, s16;
	s26 =	simm.s32 $0x2A80  }
0x5a2: {  	[tilespmem:s26], [sflag:$0x1] =	stream.linear.gather [spmem:s17], $0x80, $0x38;
	[tilespmem:$0x15000] =	vst v63  }
0x5a3: {  	s16 =	sadd.s32 $0x1C00, s16;
	s26 =	simm.s32 $0x2E80  }
0x5a4: {  	[tilespmem:s26], [sflag:$0x1] =	stream.linear.gather [spmem:s16], $0x80, $0x38;
	[tilespmem:$0x15000] =	vst v63  }
0x5a5: {  	s16 =	spop (v2sf)  }
0x5a6: {  	s26 =	sshll.u32 s16, $0xA  }
0x5a7: {  	s16 =	sshll.u32 s16, $0x7;
	s17 =	sand.u32 $0xFFFFE000, s26  }
0x5a8: {  	s16 =	sand.u32 $0x380, s16;
	s17 =	sadd.s32 s17, s2  }
0x5a9: {  	s26 =	simm.s32 $0x1300;
	s16 =	sadd.s32 s16, s17  }
0x5aa: {  	(v2sf) =	vpush v0, $0x7;
	[tilespmem:s26], [sflag:$0x1] =	stream.linear.gather [spmem:s16], $0x80, $0x38;
	[tilespmem:$0x15000] =	vst v63  }
0x5ab: {  	s17 =	sadd.s32 $0x400, s16;
	s26 =	simm.s32 $0x1700  }
0x5ac: {  	[tilespmem:s26], [sflag:$0x1] =	stream.linear.gather [spmem:s17], $0x80, $0x38;
	[tilespmem:$0x15000] =	vst v63  }
0x5ad: {  	s17 =	sadd.s32 $0x800, s16;
	s26 =	simm.s32 $0x1B00  }
0x5ae: {  	[tilespmem:s26], [sflag:$0x1] =	stream.linear.gather [spmem:s17], $0x80, $0x38;
	[tilespmem:$0x15000] =	vst v63  }
0x5af: {  	s17 =	sadd.s32 $0xC00, s16;
	s26 =	simm.s32 $0x1F00  }
0x5b0: {  	[tilespmem:s26], [sflag:$0x1] =	stream.linear.gather [spmem:s17], $0x80, $0x38;
	[tilespmem:$0x15000] =	vst v63  }
0x5b1: {  	s17 =	sadd.s32 $0x1000, s16;
	s26 =	simm.s32 $0x2300  }
0x5b2: {  	[tilespmem:s26], [sflag:$0x1] =	stream.linear.gather [spmem:s17], $0x80, $0x38;
	[tilespmem:$0x15000] =	vst v63  }
0x5b3: {  	s17 =	sadd.s32 $0x1400, s16;
	s26 =	simm.s32 $0x2700  }
0x5b4: {  	[tilespmem:s26], [sflag:$0x1] =	stream.linear.gather [spmem:s17], $0x80, $0x38;
	[tilespmem:$0x15000] =	vst v63  }
0x5b5: {  	s17 =	sadd.s32 $0x1800, s16;
	s26 =	simm.s32 $0x2B00  }
0x5b6: {  	[tilespmem:s26], [sflag:$0x1] =	stream.linear.gather [spmem:s17], $0x80, $0x38;
	[tilespmem:$0x15000] =	vst v63  }
0x5b7: {  	s16 =	sadd.s32 $0x1C00, s16;
	s26 =	simm.s32 $0x2F00  }
0x5b8: {  	[tilespmem:s26], [sflag:$0x1] =	stream.linear.gather [spmem:s16], $0x80, $0x38;
	[tilespmem:$0x15000] =	vst v63  }
0x5b9: {  	s16 =	spop (v2sf)  }
0x5ba: {  	s26 =	sshll.u32 s16, $0xA  }
0x5bb: {  	s16 =	sshll.u32 s16, $0x7;
	s17 =	sand.u32 $0xFFFFE000, s26  }
0x5bc: {  	s16 =	sand.u32 $0x380, s16;
	s17 =	sadd.s32 s17, s2  }
0x5bd: {  	s26 =	simm.s32 $0x1380;
	s16 =	sadd.s32 s16, s17  }
0x5be: {  	(v2sf) =	vpush v0, $0x8;
	[tilespmem:s26], [sflag:$0x1] =	stream.linear.gather [spmem:s16], $0x80, $0x38;
	[tilespmem:$0x15000] =	vst v63  }
0x5bf: {  	s17 =	sadd.s32 $0x400, s16;
	s26 =	simm.s32 $0x1780  }
0x5c0: {  	[tilespmem:s26], [sflag:$0x1] =	stream.linear.gather [spmem:s17], $0x80, $0x38;
	[tilespmem:$0x15000] =	vst v63  }
0x5c1: {  	s17 =	sadd.s32 $0x800, s16;
	s26 =	simm.s32 $0x1B80  }
0x5c2: {  	[tilespmem:s26], [sflag:$0x1] =	stream.linear.gather [spmem:s17], $0x80, $0x38;
	[tilespmem:$0x15000] =	vst v63  }
0x5c3: {  	s17 =	sadd.s32 $0xC00, s16;
	s26 =	simm.s32 $0x1F80  }
0x5c4: {  	[tilespmem:s26], [sflag:$0x1] =	stream.linear.gather [spmem:s17], $0x80, $0x38;
	[tilespmem:$0x15000] =	vst v63  }
0x5c5: {  	s17 =	sadd.s32 $0x1000, s16;
	s26 =	simm.s32 $0x2380  }
0x5c6: {  	[tilespmem:s26], [sflag:$0x1] =	stream.linear.gather [spmem:s17], $0x80, $0x38;
	[tilespmem:$0x15000] =	vst v63  }
0x5c7: {  	s17 =	sadd.s32 $0x1400, s16;
	s26 =	simm.s32 $0x2780  }
0x5c8: {  	[tilespmem:s26], [sflag:$0x1] =	stream.linear.gather [spmem:s17], $0x80, $0x38;
	[tilespmem:$0x15000] =	vst v63  }
0x5c9: {  	s17 =	sadd.s32 $0x1800, s16;
	s26 =	simm.s32 $0x2B80  }
0x5ca: {  	[tilespmem:s26], [sflag:$0x1] =	stream.linear.gather [spmem:s17], $0x80, $0x38;
	[tilespmem:$0x15000] =	vst v63  }
0x5cb: {  	s16 =	sadd.s32 $0x1C00, s16;
	s26 =	simm.s32 $0x2F80  }
0x5cc: {  	[tilespmem:s26], [sflag:$0x1] =	stream.linear.gather [spmem:s16], $0x80, $0x38;
	[tilespmem:$0x15000] =	vst v63  }
0x5cd: {  	s16 =	spop (v2sf)  }
0x5ce: {  	s26 =	sshll.u32 s16, $0xA  }
0x5cf: {  	s16 =	sshll.u32 s16, $0x7;
	s17 =	sand.u32 $0xFFFFE000, s26  }
0x5d0: {  	s16 =	sand.u32 $0x380, s16;
	s17 =	sadd.s32 s17, s2  }
0x5d1: {  	s26 =	simm.s32 $0x3000;
	s16 =	sadd.s32 s16, s17  }
0x5d2: {  	(v2sf) =	vpush v0, $0x9;
	[tilespmem:s26], [sflag:$0x1] =	stream.linear.gather [spmem:s16], $0x80, $0x38;
	[tilespmem:$0x15000] =	vst v63  }
0x5d3: {  	s17 =	sadd.s32 $0x400, s16;
	s26 =	simm.s32 $0x3400  }
0x5d4: {  	[tilespmem:s26], [sflag:$0x1] =	stream.linear.gather [spmem:s17], $0x80, $0x38;
	[tilespmem:$0x15000] =	vst v63  }
0x5d5: {  	s17 =	sadd.s32 $0x800, s16;
	s26 =	simm.s32 $0x3800  }
0x5d6: {  	[tilespmem:s26], [sflag:$0x1] =	stream.linear.gather [spmem:s17], $0x80, $0x38;
	[tilespmem:$0x15000] =	vst v63  }
0x5d7: {  	s17 =	sadd.s32 $0xC00, s16;
	s26 =	simm.s32 $0x3C00  }
0x5d8: {  	[tilespmem:s26], [sflag:$0x1] =	stream.linear.gather [spmem:s17], $0x80, $0x38;
	[tilespmem:$0x15000] =	vst v63  }
0x5d9: {  	s17 =	sadd.s32 $0x1000, s16;
	s26 =	simm.s32 $0x4000  }
0x5da: {  	[tilespmem:s26], [sflag:$0x1] =	stream.linear.gather [spmem:s17], $0x80, $0x38;
	[tilespmem:$0x15000] =	vst v63  }
0x5db: {  	s17 =	sadd.s32 $0x1400, s16;
	s26 =	simm.s32 $0x4400  }
0x5dc: {  	[tilespmem:s26], [sflag:$0x1] =	stream.linear.gather [spmem:s17], $0x80, $0x38;
	[tilespmem:$0x15000] =	vst v63  }
0x5dd: {  	s17 =	sadd.s32 $0x1800, s16;
	s26 =	simm.s32 $0x4800  }
0x5de: {  	[tilespmem:s26], [sflag:$0x1] =	stream.linear.gather [spmem:s17], $0x80, $0x38;
	[tilespmem:$0x15000] =	vst v63  }
0x5df: {  	s16 =	sadd.s32 $0x1C00, s16;
	s26 =	simm.s32 $0x4C00  }
0x5e0: {  	[tilespmem:s26], [sflag:$0x1] =	stream.linear.gather [spmem:s16], $0x80, $0x38;
	[tilespmem:$0x15000] =	vst v63  }
0x5e1: {  	s16 =	spop (v2sf)  }
0x5e2: {  	s26 =	sshll.u32 s16, $0xA  }
0x5e3: {  	s16 =	sshll.u32 s16, $0x7;
	s17 =	sand.u32 $0xFFFFE000, s26  }
0x5e4: {  	s16 =	sand.u32 $0x380, s16;
	s17 =	sadd.s32 s17, s2  }
0x5e5: {  	s26 =	simm.s32 $0x3080;
	s16 =	sadd.s32 s16, s17  }
0x5e6: {  	(v2sf) =	vpush v0, $0xA;
	[tilespmem:s26], [sflag:$0x1] =	stream.linear.gather [spmem:s16], $0x80, $0x38;
	[tilespmem:$0x15000] =	vst v63  }
0x5e7: {  	s17 =	sadd.s32 $0x400, s16;
	s26 =	simm.s32 $0x3480  }
0x5e8: {  	[tilespmem:s26], [sflag:$0x1] =	stream.linear.gather [spmem:s17], $0x80, $0x38;
	[tilespmem:$0x15000] =	vst v63  }
0x5e9: {  	s17 =	sadd.s32 $0x800, s16;
	s26 =	simm.s32 $0x3880  }
0x5ea: {  	[tilespmem:s26], [sflag:$0x1] =	stream.linear.gather [spmem:s17], $0x80, $0x38;
	[tilespmem:$0x15000] =	vst v63  }
0x5eb: {  	s17 =	sadd.s32 $0xC00, s16;
	s26 =	simm.s32 $0x3C80  }
0x5ec: {  	[tilespmem:s26], [sflag:$0x1] =	stream.linear.gather [spmem:s17], $0x80, $0x38;
	[tilespmem:$0x15000] =	vst v63  }
0x5ed: {  	s17 =	sadd.s32 $0x1000, s16;
	s26 =	simm.s32 $0x4080  }
0x5ee: {  	[tilespmem:s26], [sflag:$0x1] =	stream.linear.gather [spmem:s17], $0x80, $0x38;
	[tilespmem:$0x15000] =	vst v63  }
0x5ef: {  	s17 =	sadd.s32 $0x1400, s16;
	s26 =	simm.s32 $0x4480  }
0x5f0: {  	[tilespmem:s26], [sflag:$0x1] =	stream.linear.gather [spmem:s17], $0x80, $0x38;
	[tilespmem:$0x15000] =	vst v63  }
0x5f1: {  	s17 =	sadd.s32 $0x1800, s16;
	s26 =	simm.s32 $0x4880  }
0x5f2: {  	[tilespmem:s26], [sflag:$0x1] =	stream.linear.gather [spmem:s17], $0x80, $0x38;
	[tilespmem:$0x15000] =	vst v63  }
0x5f3: {  	s16 =	sadd.s32 $0x1C00, s16;
	s26 =	simm.s32 $0x4C80  }
0x5f4: {  	[tilespmem:s26], [sflag:$0x1] =	stream.linear.gather [spmem:s16], $0x80, $0x38;
	[tilespmem:$0x15000] =	vst v63  }
0x5f5: {  	s16 =	spop (v2sf)  }
0x5f6: {  	s26 =	sshll.u32 s16, $0xA  }
0x5f7: {  	s16 =	sshll.u32 s16, $0x7;
	s17 =	sand.u32 $0xFFFFE000, s26  }
0x5f8: {  	s16 =	sand.u32 $0x380, s16;
	s17 =	sadd.s32 s17, s2  }
0x5f9: {  	s26 =	simm.s32 $0x3100;
	s16 =	sadd.s32 s16, s17  }
0x5fa: {  	(v2sf) =	vpush v0, $0xB;
	[tilespmem:s26], [sflag:$0x1] =	stream.linear.gather [spmem:s16], $0x80, $0x38;
	[tilespmem:$0x15000] =	vst v63  }
0x5fb: {  	s17 =	sadd.s32 $0x400, s16;
	s26 =	simm.s32 $0x3500  }
0x5fc: {  	[tilespmem:s26], [sflag:$0x1] =	stream.linear.gather [spmem:s17], $0x80, $0x38;
	[tilespmem:$0x15000] =	vst v63  }
0x5fd: {  	s17 =	sadd.s32 $0x800, s16;
	s26 =	simm.s32 $0x3900  }
0x5fe: {  	[tilespmem:s26], [sflag:$0x1] =	stream.linear.gather [spmem:s17], $0x80, $0x38;
	[tilespmem:$0x15000] =	vst v63  }
0x5ff: {  	s17 =	sadd.s32 $0xC00, s16;
	s26 =	simm.s32 $0x3D00  }
0x600: {  	[tilespmem:s26], [sflag:$0x1] =	stream.linear.gather [spmem:s17], $0x80, $0x38;
	[tilespmem:$0x15000] =	vst v63  }
0x601: {  	s17 =	sadd.s32 $0x1000, s16;
	s26 =	simm.s32 $0x4100  }
0x602: {  	[tilespmem:s26], [sflag:$0x1] =	stream.linear.gather [spmem:s17], $0x80, $0x38;
	[tilespmem:$0x15000] =	vst v63  }
0x603: {  	s17 =	sadd.s32 $0x1400, s16;
	s26 =	simm.s32 $0x4500  }
0x604: {  	[tilespmem:s26], [sflag:$0x1] =	stream.linear.gather [spmem:s17], $0x80, $0x38;
	[tilespmem:$0x15000] =	vst v63  }
0x605: {  	s17 =	sadd.s32 $0x1800, s16;
	s26 =	simm.s32 $0x4900  }
0x606: {  	[tilespmem:s26], [sflag:$0x1] =	stream.linear.gather [spmem:s17], $0x80, $0x38;
	[tilespmem:$0x15000] =	vst v63  }
0x607: {  	s16 =	sadd.s32 $0x1C00, s16;
	s26 =	simm.s32 $0x4D00  }
0x608: {  	[tilespmem:s26], [sflag:$0x1] =	stream.linear.gather [spmem:s16], $0x80, $0x38;
	[tilespmem:$0x15000] =	vst v63  }
0x609: {  	s16 =	spop (v2sf)  }
0x60a: {  	s26 =	sshll.u32 s16, $0xA  }
0x60b: {  	s16 =	sshll.u32 s16, $0x7;
	s17 =	sand.u32 $0xFFFFE000, s26  }
0x60c: {  	s16 =	sand.u32 $0x380, s16;
	s17 =	sadd.s32 s17, s2  }
0x60d: {  	s26 =	simm.s32 $0x3180;
	s16 =	sadd.s32 s16, s17  }
0x60e: {  	(v2sf) =	vpush v0, $0xC;
	[tilespmem:s26], [sflag:$0x1] =	stream.linear.gather [spmem:s16], $0x80, $0x38;
	[tilespmem:$0x15000] =	vst v63  }
0x60f: {  	s17 =	sadd.s32 $0x400, s16;
	s26 =	simm.s32 $0x3580  }
0x610: {  	[tilespmem:s26], [sflag:$0x1] =	stream.linear.gather [spmem:s17], $0x80, $0x38;
	[tilespmem:$0x15000] =	vst v63  }
0x611: {  	s17 =	sadd.s32 $0x800, s16;
	s26 =	simm.s32 $0x3980  }
0x612: {  	[tilespmem:s26], [sflag:$0x1] =	stream.linear.gather [spmem:s17], $0x80, $0x38;
	[tilespmem:$0x15000] =	vst v63  }
0x613: {  	s17 =	sadd.s32 $0xC00, s16;
	s26 =	simm.s32 $0x3D80  }
0x614: {  	[tilespmem:s26], [sflag:$0x1] =	stream.linear.gather [spmem:s17], $0x80, $0x38;
	[tilespmem:$0x15000] =	vst v63  }
0x615: {  	s17 =	sadd.s32 $0x1000, s16;
	s26 =	simm.s32 $0x4180  }
0x616: {  	[tilespmem:s26], [sflag:$0x1] =	stream.linear.gather [spmem:s17], $0x80, $0x38;
	[tilespmem:$0x15000] =	vst v63  }
0x617: {  	s17 =	sadd.s32 $0x1400, s16;
	s26 =	simm.s32 $0x4580  }
0x618: {  	[tilespmem:s26], [sflag:$0x1] =	stream.linear.gather [spmem:s17], $0x80, $0x38;
	[tilespmem:$0x15000] =	vst v63  }
0x619: {  	s17 =	sadd.s32 $0x1800, s16;
	s26 =	simm.s32 $0x4980  }
0x61a: {  	[tilespmem:s26], [sflag:$0x1] =	stream.linear.gather [spmem:s17], $0x80, $0x38;
	[tilespmem:$0x15000] =	vst v63  }
0x61b: {  	s16 =	sadd.s32 $0x1C00, s16;
	s26 =	simm.s32 $0x4D80  }
0x61c: {  	[tilespmem:s26], [sflag:$0x1] =	stream.linear.gather [spmem:s16], $0x80, $0x38;
	[tilespmem:$0x15000] =	vst v63  }
0x61d: {  	s16 =	spop (v2sf)  }
0x61e: {  	s26 =	sshll.u32 s16, $0xA  }
0x61f: {  	s16 =	sshll.u32 s16, $0x7;
	s17 =	sand.u32 $0xFFFFE000, s26  }
0x620: {  	s16 =	sand.u32 $0x380, s16;
	s17 =	sadd.s32 s17, s2  }
0x621: {  	s26 =	simm.s32 $0x3200;
	s16 =	sadd.s32 s16, s17  }
0x622: {  	(v2sf) =	vpush v0, $0xD;
	[tilespmem:s26], [sflag:$0x1] =	stream.linear.gather [spmem:s16], $0x80, $0x38;
	[tilespmem:$0x15000] =	vst v63  }
0x623: {  	s17 =	sadd.s32 $0x400, s16;
	s26 =	simm.s32 $0x3600  }
0x624: {  	[tilespmem:s26], [sflag:$0x1] =	stream.linear.gather [spmem:s17], $0x80, $0x38;
	[tilespmem:$0x15000] =	vst v63  }
0x625: {  	s17 =	sadd.s32 $0x800, s16;
	s26 =	simm.s32 $0x3A00  }
0x626: {  	[tilespmem:s26], [sflag:$0x1] =	stream.linear.gather [spmem:s17], $0x80, $0x38;
	[tilespmem:$0x15000] =	vst v63  }
0x627: {  	s17 =	sadd.s32 $0xC00, s16;
	s26 =	simm.s32 $0x3E00  }
0x628: {  	[tilespmem:s26], [sflag:$0x1] =	stream.linear.gather [spmem:s17], $0x80, $0x38;
	[tilespmem:$0x15000] =	vst v63  }
0x629: {  	s17 =	sadd.s32 $0x1000, s16;
	s26 =	simm.s32 $0x4200  }
0x62a: {  	[tilespmem:s26], [sflag:$0x1] =	stream.linear.gather [spmem:s17], $0x80, $0x38;
	[tilespmem:$0x15000] =	vst v63  }
0x62b: {  	s17 =	sadd.s32 $0x1400, s16;
	s26 =	simm.s32 $0x4600  }
0x62c: {  	[tilespmem:s26], [sflag:$0x1] =	stream.linear.gather [spmem:s17], $0x80, $0x38;
	[tilespmem:$0x15000] =	vst v63  }
0x62d: {  	s17 =	sadd.s32 $0x1800, s16;
	s26 =	simm.s32 $0x4A00  }
0x62e: {  	[tilespmem:s26], [sflag:$0x1] =	stream.linear.gather [spmem:s17], $0x80, $0x38;
	[tilespmem:$0x15000] =	vst v63  }
0x62f: {  	s16 =	sadd.s32 $0x1C00, s16;
	s26 =	simm.s32 $0x4E00  }
0x630: {  	[tilespmem:s26], [sflag:$0x1] =	stream.linear.gather [spmem:s16], $0x80, $0x38;
	[tilespmem:$0x15000] =	vst v63  }
0x631: {  	s16 =	spop (v2sf)  }
0x632: {  	s26 =	sshll.u32 s16, $0xA  }
0x633: {  	s16 =	sshll.u32 s16, $0x7;
	s17 =	sand.u32 $0xFFFFE000, s26  }
0x634: {  	s16 =	sand.u32 $0x380, s16;
	s17 =	sadd.s32 s17, s2  }
0x635: {  	s26 =	simm.s32 $0x3280;
	s16 =	sadd.s32 s16, s17  }
0x636: {  	(v2sf) =	vpush v0, $0xE;
	[tilespmem:s26], [sflag:$0x1] =	stream.linear.gather [spmem:s16], $0x80, $0x38;
	[tilespmem:$0x15000] =	vst v63  }
0x637: {  	s17 =	sadd.s32 $0x400, s16;
	s26 =	simm.s32 $0x3680  }
0x638: {  	[tilespmem:s26], [sflag:$0x1] =	stream.linear.gather [spmem:s17], $0x80, $0x38;
	[tilespmem:$0x15000] =	vst v63  }
0x639: {  	s17 =	sadd.s32 $0x800, s16;
	s26 =	simm.s32 $0x3A80  }
0x63a: {  	[tilespmem:s26], [sflag:$0x1] =	stream.linear.gather [spmem:s17], $0x80, $0x38;
	[tilespmem:$0x15000] =	vst v63  }
0x63b: {  	s17 =	sadd.s32 $0xC00, s16;
	s26 =	simm.s32 $0x3E80  }
0x63c: {  	[tilespmem:s26], [sflag:$0x1] =	stream.linear.gather [spmem:s17], $0x80, $0x38;
	[tilespmem:$0x15000] =	vst v63  }
0x63d: {  	s17 =	sadd.s32 $0x1000, s16;
	s26 =	simm.s32 $0x4280  }
0x63e: {  	[tilespmem:s26], [sflag:$0x1] =	stream.linear.gather [spmem:s17], $0x80, $0x38;
	[tilespmem:$0x15000] =	vst v63  }
0x63f: {  	s17 =	sadd.s32 $0x1400, s16;
	s26 =	simm.s32 $0x4680  }
0x640: {  	[tilespmem:s26], [sflag:$0x1] =	stream.linear.gather [spmem:s17], $0x80, $0x38;
	[tilespmem:$0x15000] =	vst v63  }
0x641: {  	s17 =	sadd.s32 $0x1800, s16;
	s26 =	simm.s32 $0x4A80  }
0x642: {  	[tilespmem:s26], [sflag:$0x1] =	stream.linear.gather [spmem:s17], $0x80, $0x38;
	[tilespmem:$0x15000] =	vst v63  }
0x643: {  	s16 =	sadd.s32 $0x1C00, s16;
	s26 =	simm.s32 $0x4E80  }
0x644: {  	[tilespmem:s26], [sflag:$0x1] =	stream.linear.gather [spmem:s16], $0x80, $0x38;
	[tilespmem:$0x15000] =	vst v63  }
0x645: {  	s16 =	spop (v2sf)  }
0x646: {  	s26 =	sshll.u32 s16, $0xA  }
0x647: {  	s16 =	sshll.u32 s16, $0x7;
	s17 =	sand.u32 $0xFFFFE000, s26  }
0x648: {  	s16 =	sand.u32 $0x380, s16;
	s17 =	sadd.s32 s17, s2  }
0x649: {  	s26 =	simm.s32 $0x3300;
	s16 =	sadd.s32 s16, s17  }
0x64a: {  	(v2sf) =	vpush v0, $0xF;
	[tilespmem:s26], [sflag:$0x1] =	stream.linear.gather [spmem:s16], $0x80, $0x38;
	[tilespmem:$0x15000] =	vst v63  }
0x64b: {  	s17 =	sadd.s32 $0x400, s16;
	s26 =	simm.s32 $0x3700  }
0x64c: {  	[tilespmem:s26], [sflag:$0x1] =	stream.linear.gather [spmem:s17], $0x80, $0x38;
	[tilespmem:$0x15000] =	vst v63  }
0x64d: {  	s17 =	sadd.s32 $0x800, s16;
	s26 =	simm.s32 $0x3B00  }
0x64e: {  	[tilespmem:s26], [sflag:$0x1] =	stream.linear.gather [spmem:s17], $0x80, $0x38;
	[tilespmem:$0x15000] =	vst v63  }
0x64f: {  	s17 =	sadd.s32 $0xC00, s16;
	s26 =	simm.s32 $0x3F00  }
0x650: {  	[tilespmem:s26], [sflag:$0x1] =	stream.linear.gather [spmem:s17], $0x80, $0x38;
	[tilespmem:$0x15000] =	vst v63  }
0x651: {  	s17 =	sadd.s32 $0x1000, s16;
	s26 =	simm.s32 $0x4300  }
0x652: {  	[tilespmem:s26], [sflag:$0x1] =	stream.linear.gather [spmem:s17], $0x80, $0x38;
	[tilespmem:$0x15000] =	vst v63  }
0x653: {  	s17 =	sadd.s32 $0x1400, s16;
	s26 =	simm.s32 $0x4700  }
0x654: {  	[tilespmem:s26], [sflag:$0x1] =	stream.linear.gather [spmem:s17], $0x80, $0x38;
	[tilespmem:$0x15000] =	vst v63  }
0x655: {  	s17 =	sadd.s32 $0x1800, s16;
	s26 =	simm.s32 $0x4B00  }
0x656: {  	[tilespmem:s26], [sflag:$0x1] =	stream.linear.gather [spmem:s17], $0x80, $0x38;
	[tilespmem:$0x15000] =	vst v63  }
0x657: {  	s16 =	sadd.s32 $0x1C00, s16;
	s26 =	simm.s32 $0x4F00  }
0x658: {  	[tilespmem:s26], [sflag:$0x1] =	stream.linear.gather [spmem:s16], $0x80, $0x38;
	[tilespmem:$0x15000] =	vst v63  }
0x659: {  	s16 =	spop (v2sf)  }
0x65a: {  	s26 =	sshll.u32 s16, $0xA  }
0x65b: {  	s16 =	sshll.u32 s16, $0x7;
	s17 =	sand.u32 $0xFFFFE000, s26  }
0x65c: {  	s16 =	sand.u32 $0x380, s16;
	s17 =	sadd.s32 s17, s2  }
0x65d: {  	s26 =	simm.s32 $0x3380;
	s16 =	sadd.s32 s16, s17  }
0x65e: {  	[tilespmem:s26], [sflag:$0x1] =	stream.linear.gather [spmem:s16], $0x80, $0x38;
	[tilespmem:$0x15000] =	vst v63  }
0x65f: {  	s17 =	sadd.s32 $0x400, s16;
	s26 =	simm.s32 $0x3780  }
0x660: {  	[tilespmem:s26], [sflag:$0x1] =	stream.linear.gather [spmem:s17], $0x80, $0x38;
	[tilespmem:$0x15000] =	vst v63  }
0x661: {  	s17 =	sadd.s32 $0x800, s16;
	s26 =	simm.s32 $0x3B80  }
0x662: {  	[tilespmem:s26], [sflag:$0x1] =	stream.linear.gather [spmem:s17], $0x80, $0x38;
	[tilespmem:$0x15000] =	vst v63  }
0x663: {  	s17 =	sadd.s32 $0xC00, s16;
	s26 =	simm.s32 $0x3F80  }
0x664: {  	[tilespmem:s26], [sflag:$0x1] =	stream.linear.gather [spmem:s17], $0x80, $0x38;
	[tilespmem:$0x15000] =	vst v63  }
0x665: {  	s17 =	sadd.s32 $0x1000, s16;
	s26 =	simm.s32 $0x4380  }
0x666: {  	[tilespmem:s26], [sflag:$0x1] =	stream.linear.gather [spmem:s17], $0x80, $0x38;
	[tilespmem:$0x15000] =	vst v63  }
0x667: {  	s17 =	sadd.s32 $0x1400, s16;
	s26 =	simm.s32 $0x4780  }
0x668: {  	[tilespmem:s26], [sflag:$0x1] =	stream.linear.gather [spmem:s17], $0x80, $0x38;
	[tilespmem:$0x15000] =	vst v63  }
0x669: {  	s17 =	sadd.s32 $0x1800, s16;
	s26 =	simm.s32 $0x4B80  }
0x66a: {  	[tilespmem:s26], [sflag:$0x1] =	stream.linear.gather [spmem:s17], $0x80, $0x38;
	[tilespmem:$0x15000] =	vst v63  }
0x66b: {  	s16 =	sadd.s32 $0x1C00, s16;
	s26 =	simm.s32 $0x4F80  }
0x66c: {  	[tilespmem:s26], [sflag:$0x1] =	stream.linear.gather [spmem:s16], $0x80, $0x38;
	[tilespmem:$0x15000] =	vst v63  }
0x66d: {  	v63 =	vld [tilespmem:s24+$0x80];
	_ =	sdelay $0x4  }
0x66e: {  	(v2sf) =	vpush v63, $0x0;
	_ =	sdelay $0xe  }
0x66f: {  	s16 =	spop (v2sf)  }
0x670: {  	s26 =	sshll.u32 s16, $0xA  }
0x671: {  	s16 =	sshll.u32 s16, $0x7;
	s17 =	sand.u32 $0xFFFFE000, s26  }
0x672: {  	s16 =	sand.u32 $0x380, s16;
	s17 =	sadd.s32 s17, s2  }
0x673: {  	s26 =	simm.s32 $0x5000;
	s16 =	sadd.s32 s16, s17  }
0x674: {  	(v2sf) =	vpush v63, $0x1;
	[tilespmem:s26], [sflag:$0x1] =	stream.linear.gather [spmem:s16], $0x80, $0x38;
	[tilespmem:$0x15000] =	vst v63  }
0x675: {  	s17 =	sadd.s32 $0x400, s16;
	s26 =	simm.s32 $0x5400  }
0x676: {  	[tilespmem:s26], [sflag:$0x1] =	stream.linear.gather [spmem:s17], $0x80, $0x38;
	[tilespmem:$0x15000] =	vst v63  }
0x677: {  	s17 =	sadd.s32 $0x800, s16;
	s26 =	simm.s32 $0x5800  }
0x678: {  	[tilespmem:s26], [sflag:$0x1] =	stream.linear.gather [spmem:s17], $0x80, $0x38;
	[tilespmem:$0x15000] =	vst v63  }
0x679: {  	s17 =	sadd.s32 $0xC00, s16;
	s26 =	simm.s32 $0x5C00  }
0x67a: {  	[tilespmem:s26], [sflag:$0x1] =	stream.linear.gather [spmem:s17], $0x80, $0x38;
	[tilespmem:$0x15000] =	vst v63  }
0x67b: {  	s17 =	sadd.s32 $0x1000, s16;
	s26 =	simm.s32 $0x6000  }
0x67c: {  	[tilespmem:s26], [sflag:$0x1] =	stream.linear.gather [spmem:s17], $0x80, $0x38;
	[tilespmem:$0x15000] =	vst v63  }
0x67d: {  	s17 =	sadd.s32 $0x1400, s16;
	s26 =	simm.s32 $0x6400  }
0x67e: {  	[tilespmem:s26], [sflag:$0x1] =	stream.linear.gather [spmem:s17], $0x80, $0x38;
	[tilespmem:$0x15000] =	vst v63  }
0x67f: {  	s17 =	sadd.s32 $0x1800, s16;
	s26 =	simm.s32 $0x6800  }
0x680: {  	[tilespmem:s26], [sflag:$0x1] =	stream.linear.gather [spmem:s17], $0x80, $0x38;
	[tilespmem:$0x15000] =	vst v63  }
0x681: {  	s16 =	sadd.s32 $0x1C00, s16;
	s26 =	simm.s32 $0x6C00  }
0x682: {  	[tilespmem:s26], [sflag:$0x1] =	stream.linear.gather [spmem:s16], $0x80, $0x38;
	[tilespmem:$0x15000] =	vst v63  }
0x683: {  	s16 =	spop (v2sf)  }
0x684: {  	s26 =	sshll.u32 s16, $0xA  }
0x685: {  	s16 =	sshll.u32 s16, $0x7;
	s17 =	sand.u32 $0xFFFFE000, s26  }
0x686: {  	s16 =	sand.u32 $0x380, s16;
	s17 =	sadd.s32 s17, s2  }
0x687: {  	s26 =	simm.s32 $0x5080;
	s16 =	sadd.s32 s16, s17  }
0x688: {  	(v2sf) =	vpush v63, $0x2;
	[tilespmem:s26], [sflag:$0x1] =	stream.linear.gather [spmem:s16], $0x80, $0x38;
	[tilespmem:$0x15000] =	vst v63  }
0x689: {  	s17 =	sadd.s32 $0x400, s16;
	s26 =	simm.s32 $0x5480  }
0x68a: {  	[tilespmem:s26], [sflag:$0x1] =	stream.linear.gather [spmem:s17], $0x80, $0x38;
	[tilespmem:$0x15000] =	vst v63  }
0x68b: {  	s17 =	sadd.s32 $0x800, s16;
	s26 =	simm.s32 $0x5880  }
0x68c: {  	[tilespmem:s26], [sflag:$0x1] =	stream.linear.gather [spmem:s17], $0x80, $0x38;
	[tilespmem:$0x15000] =	vst v63  }
0x68d: {  	s17 =	sadd.s32 $0xC00, s16;
	s26 =	simm.s32 $0x5C80  }
0x68e: {  	[tilespmem:s26], [sflag:$0x1] =	stream.linear.gather [spmem:s17], $0x80, $0x38;
	[tilespmem:$0x15000] =	vst v63  }
0x68f: {  	s17 =	sadd.s32 $0x1000, s16;
	s26 =	simm.s32 $0x6080  }
0x690: {  	[tilespmem:s26], [sflag:$0x1] =	stream.linear.gather [spmem:s17], $0x80, $0x38;
	[tilespmem:$0x15000] =	vst v63  }
0x691: {  	s17 =	sadd.s32 $0x1400, s16;
	s26 =	simm.s32 $0x6480  }
0x692: {  	[tilespmem:s26], [sflag:$0x1] =	stream.linear.gather [spmem:s17], $0x80, $0x38;
	[tilespmem:$0x15000] =	vst v63  }
0x693: {  	s17 =	sadd.s32 $0x1800, s16;
	s26 =	simm.s32 $0x6880  }
0x694: {  	[tilespmem:s26], [sflag:$0x1] =	stream.linear.gather [spmem:s17], $0x80, $0x38;
	[tilespmem:$0x15000] =	vst v63  }
0x695: {  	s16 =	sadd.s32 $0x1C00, s16;
	s26 =	simm.s32 $0x6C80  }
0x696: {  	[tilespmem:s26], [sflag:$0x1] =	stream.linear.gather [spmem:s16], $0x80, $0x38;
	[tilespmem:$0x15000] =	vst v63  }
0x697: {  	s16 =	spop (v2sf)  }
0x698: {  	s26 =	sshll.u32 s16, $0xA  }
0x699: {  	s16 =	sshll.u32 s16, $0x7;
	s17 =	sand.u32 $0xFFFFE000, s26  }
0x69a: {  	s16 =	sand.u32 $0x380, s16;
	s17 =	sadd.s32 s17, s2  }
0x69b: {  	s26 =	simm.s32 $0x5100;
	s16 =	sadd.s32 s16, s17  }
0x69c: {  	(v2sf) =	vpush v63, $0x3;
	[tilespmem:s26], [sflag:$0x1] =	stream.linear.gather [spmem:s16], $0x80, $0x38;
	[tilespmem:$0x15000] =	vst v63  }
0x69d: {  	s17 =	sadd.s32 $0x400, s16;
	s26 =	simm.s32 $0x5500  }
0x69e: {  	[tilespmem:s26], [sflag:$0x1] =	stream.linear.gather [spmem:s17], $0x80, $0x38;
	[tilespmem:$0x15000] =	vst v63  }
0x69f: {  	s17 =	sadd.s32 $0x800, s16;
	s26 =	simm.s32 $0x5900  }
0x6a0: {  	[tilespmem:s26], [sflag:$0x1] =	stream.linear.gather [spmem:s17], $0x80, $0x38;
	[tilespmem:$0x15000] =	vst v63  }
0x6a1: {  	s17 =	sadd.s32 $0xC00, s16;
	s26 =	simm.s32 $0x5D00  }
0x6a2: {  	[tilespmem:s26], [sflag:$0x1] =	stream.linear.gather [spmem:s17], $0x80, $0x38;
	[tilespmem:$0x15000] =	vst v63  }
0x6a3: {  	s17 =	sadd.s32 $0x1000, s16;
	s26 =	simm.s32 $0x6100  }
0x6a4: {  	[tilespmem:s26], [sflag:$0x1] =	stream.linear.gather [spmem:s17], $0x80, $0x38;
	[tilespmem:$0x15000] =	vst v63  }
0x6a5: {  	s17 =	sadd.s32 $0x1400, s16;
	s26 =	simm.s32 $0x6500  }
0x6a6: {  	[tilespmem:s26], [sflag:$0x1] =	stream.linear.gather [spmem:s17], $0x80, $0x38;
	[tilespmem:$0x15000] =	vst v63  }
0x6a7: {  	s17 =	sadd.s32 $0x1800, s16;
	s26 =	simm.s32 $0x6900  }
0x6a8: {  	[tilespmem:s26], [sflag:$0x1] =	stream.linear.gather [spmem:s17], $0x80, $0x38;
	[tilespmem:$0x15000] =	vst v63  }
0x6a9: {  	s16 =	sadd.s32 $0x1C00, s16;
	s26 =	simm.s32 $0x6D00  }
0x6aa: {  	[tilespmem:s26], [sflag:$0x1] =	stream.linear.gather [spmem:s16], $0x80, $0x38;
	[tilespmem:$0x15000] =	vst v63  }
0x6ab: {  	s16 =	spop (v2sf)  }
0x6ac: {  	s26 =	sshll.u32 s16, $0xA  }
0x6ad: {  	s16 =	sshll.u32 s16, $0x7;
	s17 =	sand.u32 $0xFFFFE000, s26  }
0x6ae: {  	s16 =	sand.u32 $0x380, s16;
	s17 =	sadd.s32 s17, s2  }
0x6af: {  	s26 =	simm.s32 $0x5180;
	s16 =	sadd.s32 s16, s17  }
0x6b0: {  	(v2sf) =	vpush v63, $0x4;
	[tilespmem:s26], [sflag:$0x1] =	stream.linear.gather [spmem:s16], $0x80, $0x38;
	[tilespmem:$0x15000] =	vst v63  }
0x6b1: {  	s17 =	sadd.s32 $0x400, s16;
	s26 =	simm.s32 $0x5580  }
0x6b2: {  	[tilespmem:s26], [sflag:$0x1] =	stream.linear.gather [spmem:s17], $0x80, $0x38;
	[tilespmem:$0x15000] =	vst v63  }
0x6b3: {  	s17 =	sadd.s32 $0x800, s16;
	s26 =	simm.s32 $0x5980  }
0x6b4: {  	[tilespmem:s26], [sflag:$0x1] =	stream.linear.gather [spmem:s17], $0x80, $0x38;
	[tilespmem:$0x15000] =	vst v63  }
0x6b5: {  	s17 =	sadd.s32 $0xC00, s16;
	s26 =	simm.s32 $0x5D80  }
0x6b6: {  	[tilespmem:s26], [sflag:$0x1] =	stream.linear.gather [spmem:s17], $0x80, $0x38;
	[tilespmem:$0x15000] =	vst v63  }
0x6b7: {  	s17 =	sadd.s32 $0x1000, s16;
	s26 =	simm.s32 $0x6180  }
0x6b8: {  	[tilespmem:s26], [sflag:$0x1] =	stream.linear.gather [spmem:s17], $0x80, $0x38;
	[tilespmem:$0x15000] =	vst v63  }
0x6b9: {  	s17 =	sadd.s32 $0x1400, s16;
	s26 =	simm.s32 $0x6580  }
0x6ba: {  	[tilespmem:s26], [sflag:$0x1] =	stream.linear.gather [spmem:s17], $0x80, $0x38;
	[tilespmem:$0x15000] =	vst v63  }
0x6bb: {  	s17 =	sadd.s32 $0x1800, s16;
	s26 =	simm.s32 $0x6980  }
0x6bc: {  	[tilespmem:s26], [sflag:$0x1] =	stream.linear.gather [spmem:s17], $0x80, $0x38;
	[tilespmem:$0x15000] =	vst v63  }
0x6bd: {  	s16 =	sadd.s32 $0x1C00, s16;
	s26 =	simm.s32 $0x6D80  }
0x6be: {  	[tilespmem:s26], [sflag:$0x1] =	stream.linear.gather [spmem:s16], $0x80, $0x38;
	[tilespmem:$0x15000] =	vst v63  }
0x6bf: {  	s16 =	spop (v2sf)  }
0x6c0: {  	s26 =	sshll.u32 s16, $0xA  }
0x6c1: {  	s16 =	sshll.u32 s16, $0x7;
	s17 =	sand.u32 $0xFFFFE000, s26  }
0x6c2: {  	s16 =	sand.u32 $0x380, s16;
	s17 =	sadd.s32 s17, s2  }
0x6c3: {  	s26 =	simm.s32 $0x5200;
	s16 =	sadd.s32 s16, s17  }
0x6c4: {  	(v2sf) =	vpush v63, $0x5;
	[tilespmem:s26], [sflag:$0x1] =	stream.linear.gather [spmem:s16], $0x80, $0x38;
	[tilespmem:$0x15000] =	vst v63  }
0x6c5: {  	s17 =	sadd.s32 $0x400, s16;
	s26 =	simm.s32 $0x5600  }
0x6c6: {  	[tilespmem:s26], [sflag:$0x1] =	stream.linear.gather [spmem:s17], $0x80, $0x38;
	[tilespmem:$0x15000] =	vst v63  }
0x6c7: {  	s17 =	sadd.s32 $0x800, s16;
	s26 =	simm.s32 $0x5A00  }
0x6c8: {  	[tilespmem:s26], [sflag:$0x1] =	stream.linear.gather [spmem:s17], $0x80, $0x38;
	[tilespmem:$0x15000] =	vst v63  }
0x6c9: {  	s17 =	sadd.s32 $0xC00, s16;
	s26 =	simm.s32 $0x5E00  }
0x6ca: {  	[tilespmem:s26], [sflag:$0x1] =	stream.linear.gather [spmem:s17], $0x80, $0x38;
	[tilespmem:$0x15000] =	vst v63  }
0x6cb: {  	s17 =	sadd.s32 $0x1000, s16;
	s26 =	simm.s32 $0x6200  }
0x6cc: {  	[tilespmem:s26], [sflag:$0x1] =	stream.linear.gather [spmem:s17], $0x80, $0x38;
	[tilespmem:$0x15000] =	vst v63  }
0x6cd: {  	s17 =	sadd.s32 $0x1400, s16;
	s26 =	simm.s32 $0x6600  }
0x6ce: {  	[tilespmem:s26], [sflag:$0x1] =	stream.linear.gather [spmem:s17], $0x80, $0x38;
	[tilespmem:$0x15000] =	vst v63  }
0x6cf: {  	s17 =	sadd.s32 $0x1800, s16;
	s26 =	simm.s32 $0x6A00  }
0x6d0: {  	[tilespmem:s26], [sflag:$0x1] =	stream.linear.gather [spmem:s17], $0x80, $0x38;
	[tilespmem:$0x15000] =	vst v63  }
0x6d1: {  	s16 =	sadd.s32 $0x1C00, s16;
	s26 =	simm.s32 $0x6E00  }
0x6d2: {  	[tilespmem:s26], [sflag:$0x1] =	stream.linear.gather [spmem:s16], $0x80, $0x38;
	[tilespmem:$0x15000] =	vst v63  }
0x6d3: {  	s16 =	spop (v2sf)  }
0x6d4: {  	s26 =	sshll.u32 s16, $0xA  }
0x6d5: {  	s16 =	sshll.u32 s16, $0x7;
	s17 =	sand.u32 $0xFFFFE000, s26  }
0x6d6: {  	s16 =	sand.u32 $0x380, s16;
	s17 =	sadd.s32 s17, s2  }
0x6d7: {  	s26 =	simm.s32 $0x5280;
	s16 =	sadd.s32 s16, s17  }
0x6d8: {  	(v2sf) =	vpush v63, $0x6;
	[tilespmem:s26], [sflag:$0x1] =	stream.linear.gather [spmem:s16], $0x80, $0x38;
	[tilespmem:$0x15000] =	vst v63  }
0x6d9: {  	s17 =	sadd.s32 $0x400, s16;
	s26 =	simm.s32 $0x5680  }
0x6da: {  	[tilespmem:s26], [sflag:$0x1] =	stream.linear.gather [spmem:s17], $0x80, $0x38;
	[tilespmem:$0x15000] =	vst v63  }
0x6db: {  	s17 =	sadd.s32 $0x800, s16;
	s26 =	simm.s32 $0x5A80  }
0x6dc: {  	[tilespmem:s26], [sflag:$0x1] =	stream.linear.gather [spmem:s17], $0x80, $0x38;
	[tilespmem:$0x15000] =	vst v63  }
0x6dd: {  	s17 =	sadd.s32 $0xC00, s16;
	s26 =	simm.s32 $0x5E80  }
0x6de: {  	[tilespmem:s26], [sflag:$0x1] =	stream.linear.gather [spmem:s17], $0x80, $0x38;
	[tilespmem:$0x15000] =	vst v63  }
0x6df: {  	s17 =	sadd.s32 $0x1000, s16;
	s26 =	simm.s32 $0x6280  }
0x6e0: {  	[tilespmem:s26], [sflag:$0x1] =	stream.linear.gather [spmem:s17], $0x80, $0x38;
	[tilespmem:$0x15000] =	vst v63  }
0x6e1: {  	s17 =	sadd.s32 $0x1400, s16;
	s26 =	simm.s32 $0x6680  }
0x6e2: {  	[tilespmem:s26], [sflag:$0x1] =	stream.linear.gather [spmem:s17], $0x80, $0x38;
	[tilespmem:$0x15000] =	vst v63  }
0x6e3: {  	s17 =	sadd.s32 $0x1800, s16;
	s26 =	simm.s32 $0x6A80  }
0x6e4: {  	[tilespmem:s26], [sflag:$0x1] =	stream.linear.gather [spmem:s17], $0x80, $0x38;
	[tilespmem:$0x15000] =	vst v63  }
0x6e5: {  	s16 =	sadd.s32 $0x1C00, s16;
	s26 =	simm.s32 $0x6E80  }
0x6e6: {  	[tilespmem:s26], [sflag:$0x1] =	stream.linear.gather [spmem:s16], $0x80, $0x38;
	[tilespmem:$0x15000] =	vst v63  }
0x6e7: {  	s16 =	spop (v2sf)  }
0x6e8: {  	s26 =	sshll.u32 s16, $0xA  }
0x6e9: {  	s16 =	sshll.u32 s16, $0x7;
	s17 =	sand.u32 $0xFFFFE000, s26  }
0x6ea: {  	s16 =	sand.u32 $0x380, s16;
	s17 =	sadd.s32 s17, s2  }
0x6eb: {  	s26 =	simm.s32 $0x5300;
	s16 =	sadd.s32 s16, s17  }
0x6ec: {  	(v2sf) =	vpush v63, $0x7;
	[tilespmem:s26], [sflag:$0x1] =	stream.linear.gather [spmem:s16], $0x80, $0x38;
	[tilespmem:$0x15000] =	vst v63  }
0x6ed: {  	s17 =	sadd.s32 $0x400, s16;
	s26 =	simm.s32 $0x5700  }
0x6ee: {  	[tilespmem:s26], [sflag:$0x1] =	stream.linear.gather [spmem:s17], $0x80, $0x38;
	[tilespmem:$0x15000] =	vst v63  }
0x6ef: {  	s17 =	sadd.s32 $0x800, s16;
	s26 =	simm.s32 $0x5B00  }
0x6f0: {  	[tilespmem:s26], [sflag:$0x1] =	stream.linear.gather [spmem:s17], $0x80, $0x38;
	[tilespmem:$0x15000] =	vst v63  }
0x6f1: {  	s17 =	sadd.s32 $0xC00, s16;
	s26 =	simm.s32 $0x5F00  }
0x6f2: {  	[tilespmem:s26], [sflag:$0x1] =	stream.linear.gather [spmem:s17], $0x80, $0x38;
	[tilespmem:$0x15000] =	vst v63  }
0x6f3: {  	s17 =	sadd.s32 $0x1000, s16;
	s26 =	simm.s32 $0x6300  }
0x6f4: {  	[tilespmem:s26], [sflag:$0x1] =	stream.linear.gather [spmem:s17], $0x80, $0x38;
	[tilespmem:$0x15000] =	vst v63  }
0x6f5: {  	s17 =	sadd.s32 $0x1400, s16;
	s26 =	simm.s32 $0x6700  }
0x6f6: {  	[tilespmem:s26], [sflag:$0x1] =	stream.linear.gather [spmem:s17], $0x80, $0x38;
	[tilespmem:$0x15000] =	vst v63  }
0x6f7: {  	s17 =	sadd.s32 $0x1800, s16;
	s26 =	simm.s32 $0x6B00  }
0x6f8: {  	[tilespmem:s26], [sflag:$0x1] =	stream.linear.gather [spmem:s17], $0x80, $0x38;
	[tilespmem:$0x15000] =	vst v63  }
0x6f9: {  	s16 =	sadd.s32 $0x1C00, s16;
	s26 =	simm.s32 $0x6F00  }
0x6fa: {  	[tilespmem:s26], [sflag:$0x1] =	stream.linear.gather [spmem:s16], $0x80, $0x38;
	[tilespmem:$0x15000] =	vst v63  }
0x6fb: {  	s16 =	spop (v2sf)  }
0x6fc: {  	s26 =	sshll.u32 s16, $0xA  }
0x6fd: {  	s16 =	sshll.u32 s16, $0x7;
	s17 =	sand.u32 $0xFFFFE000, s26  }
0x6fe: {  	s16 =	sand.u32 $0x380, s16;
	s17 =	sadd.s32 s17, s2  }
0x6ff: {  	s26 =	simm.s32 $0x5380;
	s16 =	sadd.s32 s16, s17  }
0x700: {  	(v2sf) =	vpush v63, $0x8;
	[tilespmem:s26], [sflag:$0x1] =	stream.linear.gather [spmem:s16], $0x80, $0x38;
	[tilespmem:$0x15000] =	vst v63  }
0x701: {  	s17 =	sadd.s32 $0x400, s16;
	s26 =	simm.s32 $0x5780  }
0x702: {  	[tilespmem:s26], [sflag:$0x1] =	stream.linear.gather [spmem:s17], $0x80, $0x38;
	[tilespmem:$0x15000] =	vst v63  }
0x703: {  	s17 =	sadd.s32 $0x800, s16;
	s26 =	simm.s32 $0x5B80  }
0x704: {  	[tilespmem:s26], [sflag:$0x1] =	stream.linear.gather [spmem:s17], $0x80, $0x38;
	[tilespmem:$0x15000] =	vst v63  }
0x705: {  	s17 =	sadd.s32 $0xC00, s16;
	s26 =	simm.s32 $0x5F80  }
0x706: {  	[tilespmem:s26], [sflag:$0x1] =	stream.linear.gather [spmem:s17], $0x80, $0x38;
	[tilespmem:$0x15000] =	vst v63  }
0x707: {  	s17 =	sadd.s32 $0x1000, s16;
	s26 =	simm.s32 $0x6380  }
0x708: {  	[tilespmem:s26], [sflag:$0x1] =	stream.linear.gather [spmem:s17], $0x80, $0x38;
	[tilespmem:$0x15000] =	vst v63  }
0x709: {  	s17 =	sadd.s32 $0x1400, s16;
	s26 =	simm.s32 $0x6780  }
0x70a: {  	[tilespmem:s26], [sflag:$0x1] =	stream.linear.gather [spmem:s17], $0x80, $0x38;
	[tilespmem:$0x15000] =	vst v63  }
0x70b: {  	s17 =	sadd.s32 $0x1800, s16;
	s26 =	simm.s32 $0x6B80  }
0x70c: {  	[tilespmem:s26], [sflag:$0x1] =	stream.linear.gather [spmem:s17], $0x80, $0x38;
	[tilespmem:$0x15000] =	vst v63  }
0x70d: {  	s16 =	sadd.s32 $0x1C00, s16;
	s26 =	simm.s32 $0x6F80  }
0x70e: {  	[tilespmem:s26], [sflag:$0x1] =	stream.linear.gather [spmem:s16], $0x80, $0x38;
	[tilespmem:$0x15000] =	vst v63  }
0x70f: {  	s16 =	spop (v2sf)  }
0x710: {  	s26 =	sshll.u32 s16, $0xA  }
0x711: {  	s16 =	sshll.u32 s16, $0x7;
	s17 =	sand.u32 $0xFFFFE000, s26  }
0x712: {  	s16 =	sand.u32 $0x380, s16;
	s17 =	sadd.s32 s17, s2  }
0x713: {  	s26 =	simm.s32 $0x7000;
	s16 =	sadd.s32 s16, s17  }
0x714: {  	(v2sf) =	vpush v63, $0x9;
	[tilespmem:s26], [sflag:$0x1] =	stream.linear.gather [spmem:s16], $0x80, $0x38;
	[tilespmem:$0x15000] =	vst v63  }
0x715: {  	s17 =	sadd.s32 $0x400, s16;
	s26 =	simm.s32 $0x7400  }
0x716: {  	[tilespmem:s26], [sflag:$0x1] =	stream.linear.gather [spmem:s17], $0x80, $0x38;
	[tilespmem:$0x15000] =	vst v63  }
0x717: {  	s17 =	sadd.s32 $0x800, s16;
	s26 =	simm.s32 $0x7800  }
0x718: {  	[tilespmem:s26], [sflag:$0x1] =	stream.linear.gather [spmem:s17], $0x80, $0x38;
	[tilespmem:$0x15000] =	vst v63  }
0x719: {  	s17 =	sadd.s32 $0xC00, s16;
	s26 =	simm.s32 $0x7C00  }
0x71a: {  	[tilespmem:s26], [sflag:$0x1] =	stream.linear.gather [spmem:s17], $0x80, $0x38;
	[tilespmem:$0x15000] =	vst v63  }
0x71b: {  	s17 =	sadd.s32 $0x1000, s16;
	s26 =	simm.s32 $0x8000  }
0x71c: {  	[tilespmem:s26], [sflag:$0x1] =	stream.linear.gather [spmem:s17], $0x80, $0x38;
	[tilespmem:$0x15000] =	vst v63  }
0x71d: {  	s17 =	sadd.s32 $0x1400, s16;
	s26 =	simm.s32 $0x8400  }
0x71e: {  	[tilespmem:s26], [sflag:$0x1] =	stream.linear.gather [spmem:s17], $0x80, $0x38;
	[tilespmem:$0x15000] =	vst v63  }
0x71f: {  	s17 =	sadd.s32 $0x1800, s16;
	s26 =	simm.s32 $0x8800  }
0x720: {  	[tilespmem:s26], [sflag:$0x1] =	stream.linear.gather [spmem:s17], $0x80, $0x38;
	[tilespmem:$0x15000] =	vst v63  }
0x721: {  	s16 =	sadd.s32 $0x1C00, s16;
	s26 =	simm.s32 $0x8C00  }
0x722: {  	[tilespmem:s26], [sflag:$0x1] =	stream.linear.gather [spmem:s16], $0x80, $0x38;
	[tilespmem:$0x15000] =	vst v63  }
0x723: {  	s16 =	spop (v2sf)  }
0x724: {  	s26 =	sshll.u32 s16, $0xA  }
0x725: {  	s16 =	sshll.u32 s16, $0x7;
	s17 =	sand.u32 $0xFFFFE000, s26  }
0x726: {  	s16 =	sand.u32 $0x380, s16;
	s17 =	sadd.s32 s17, s2  }
0x727: {  	s26 =	simm.s32 $0x7080;
	s16 =	sadd.s32 s16, s17  }
0x728: {  	(v2sf) =	vpush v63, $0xA;
	[tilespmem:s26], [sflag:$0x1] =	stream.linear.gather [spmem:s16], $0x80, $0x38;
	[tilespmem:$0x15000] =	vst v63  }
0x729: {  	s17 =	sadd.s32 $0x400, s16;
	s26 =	simm.s32 $0x7480  }
0x72a: {  	[tilespmem:s26], [sflag:$0x1] =	stream.linear.gather [spmem:s17], $0x80, $0x38;
	[tilespmem:$0x15000] =	vst v63  }
0x72b: {  	s17 =	sadd.s32 $0x800, s16;
	s26 =	simm.s32 $0x7880  }
0x72c: {  	[tilespmem:s26], [sflag:$0x1] =	stream.linear.gather [spmem:s17], $0x80, $0x38;
	[tilespmem:$0x15000] =	vst v63  }
0x72d: {  	s17 =	sadd.s32 $0xC00, s16;
	s26 =	simm.s32 $0x7C80  }
0x72e: {  	[tilespmem:s26], [sflag:$0x1] =	stream.linear.gather [spmem:s17], $0x80, $0x38;
	[tilespmem:$0x15000] =	vst v63  }
0x72f: {  	s17 =	sadd.s32 $0x1000, s16;
	s26 =	simm.s32 $0x8080  }
0x730: {  	[tilespmem:s26], [sflag:$0x1] =	stream.linear.gather [spmem:s17], $0x80, $0x38;
	[tilespmem:$0x15000] =	vst v63  }
0x731: {  	s17 =	sadd.s32 $0x1400, s16;
	s26 =	simm.s32 $0x8480  }
0x732: {  	[tilespmem:s26], [sflag:$0x1] =	stream.linear.gather [spmem:s17], $0x80, $0x38;
	[tilespmem:$0x15000] =	vst v63  }
0x733: {  	s17 =	sadd.s32 $0x1800, s16;
	s26 =	simm.s32 $0x8880  }
0x734: {  	[tilespmem:s26], [sflag:$0x1] =	stream.linear.gather [spmem:s17], $0x80, $0x38;
	[tilespmem:$0x15000] =	vst v63  }
0x735: {  	s16 =	sadd.s32 $0x1C00, s16;
	s26 =	simm.s32 $0x8C80  }
0x736: {  	[tilespmem:s26], [sflag:$0x1] =	stream.linear.gather [spmem:s16], $0x80, $0x38;
	[tilespmem:$0x15000] =	vst v63  }
0x737: {  	s16 =	spop (v2sf)  }
0x738: {  	s26 =	sshll.u32 s16, $0xA  }
0x739: {  	s16 =	sshll.u32 s16, $0x7;
	s17 =	sand.u32 $0xFFFFE000, s26  }
0x73a: {  	s16 =	sand.u32 $0x380, s16;
	s17 =	sadd.s32 s17, s2  }
0x73b: {  	s26 =	simm.s32 $0x7100;
	s16 =	sadd.s32 s16, s17  }
0x73c: {  	(v2sf) =	vpush v63, $0xB;
	[tilespmem:s26], [sflag:$0x1] =	stream.linear.gather [spmem:s16], $0x80, $0x38;
	[tilespmem:$0x15000] =	vst v63  }
0x73d: {  	s17 =	sadd.s32 $0x400, s16;
	s26 =	simm.s32 $0x7500  }
0x73e: {  	[tilespmem:s26], [sflag:$0x1] =	stream.linear.gather [spmem:s17], $0x80, $0x38;
	[tilespmem:$0x15000] =	vst v63  }
0x73f: {  	s17 =	sadd.s32 $0x800, s16;
	s26 =	simm.s32 $0x7900  }
0x740: {  	[tilespmem:s26], [sflag:$0x1] =	stream.linear.gather [spmem:s17], $0x80, $0x38;
	[tilespmem:$0x15000] =	vst v63  }
0x741: {  	s17 =	sadd.s32 $0xC00, s16;
	s26 =	simm.s32 $0x7D00  }
0x742: {  	[tilespmem:s26], [sflag:$0x1] =	stream.linear.gather [spmem:s17], $0x80, $0x38;
	[tilespmem:$0x15000] =	vst v63  }
0x743: {  	s17 =	sadd.s32 $0x1000, s16;
	s26 =	simm.s32 $0x8100  }
0x744: {  	[tilespmem:s26], [sflag:$0x1] =	stream.linear.gather [spmem:s17], $0x80, $0x38;
	[tilespmem:$0x15000] =	vst v63  }
0x745: {  	s17 =	sadd.s32 $0x1400, s16;
	s26 =	simm.s32 $0x8500  }
0x746: {  	[tilespmem:s26], [sflag:$0x1] =	stream.linear.gather [spmem:s17], $0x80, $0x38;
	[tilespmem:$0x15000] =	vst v63  }
0x747: {  	s17 =	sadd.s32 $0x1800, s16;
	s26 =	simm.s32 $0x8900  }
0x748: {  	[tilespmem:s26], [sflag:$0x1] =	stream.linear.gather [spmem:s17], $0x80, $0x38;
	[tilespmem:$0x15000] =	vst v63  }
0x749: {  	s16 =	sadd.s32 $0x1C00, s16;
	s26 =	simm.s32 $0x8D00  }
0x74a: {  	[tilespmem:s26], [sflag:$0x1] =	stream.linear.gather [spmem:s16], $0x80, $0x38;
	[tilespmem:$0x15000] =	vst v63  }
0x74b: {  	s16 =	spop (v2sf)  }
0x74c: {  	s26 =	sshll.u32 s16, $0xA  }
0x74d: {  	s16 =	sshll.u32 s16, $0x7;
	s17 =	sand.u32 $0xFFFFE000, s26  }
0x74e: {  	s16 =	sand.u32 $0x380, s16;
	s17 =	sadd.s32 s17, s2  }
0x74f: {  	s26 =	simm.s32 $0x7180;
	s16 =	sadd.s32 s16, s17  }
0x750: {  	(v2sf) =	vpush v63, $0xC;
	[tilespmem:s26], [sflag:$0x1] =	stream.linear.gather [spmem:s16], $0x80, $0x38;
	[tilespmem:$0x15000] =	vst v63  }
0x751: {  	s17 =	sadd.s32 $0x400, s16;
	s26 =	simm.s32 $0x7580  }
0x752: {  	[tilespmem:s26], [sflag:$0x1] =	stream.linear.gather [spmem:s17], $0x80, $0x38;
	[tilespmem:$0x15000] =	vst v63  }
0x753: {  	s17 =	sadd.s32 $0x800, s16;
	s26 =	simm.s32 $0x7980  }
0x754: {  	[tilespmem:s26], [sflag:$0x1] =	stream.linear.gather [spmem:s17], $0x80, $0x38;
	[tilespmem:$0x15000] =	vst v63  }
0x755: {  	s17 =	sadd.s32 $0xC00, s16;
	s26 =	simm.s32 $0x7D80  }
0x756: {  	[tilespmem:s26], [sflag:$0x1] =	stream.linear.gather [spmem:s17], $0x80, $0x38;
	[tilespmem:$0x15000] =	vst v63  }
0x757: {  	s17 =	sadd.s32 $0x1000, s16;
	s26 =	simm.s32 $0x8180  }
0x758: {  	[tilespmem:s26], [sflag:$0x1] =	stream.linear.gather [spmem:s17], $0x80, $0x38;
	[tilespmem:$0x15000] =	vst v63  }
0x759: {  	s17 =	sadd.s32 $0x1400, s16;
	s26 =	simm.s32 $0x8580  }
0x75a: {  	[tilespmem:s26], [sflag:$0x1] =	stream.linear.gather [spmem:s17], $0x80, $0x38;
	[tilespmem:$0x15000] =	vst v63  }
0x75b: {  	s17 =	sadd.s32 $0x1800, s16;
	s26 =	simm.s32 $0x8980  }
0x75c: {  	[tilespmem:s26], [sflag:$0x1] =	stream.linear.gather [spmem:s17], $0x80, $0x38;
	[tilespmem:$0x15000] =	vst v63  }
0x75d: {  	s16 =	sadd.s32 $0x1C00, s16;
	s26 =	simm.s32 $0x8D80  }
0x75e: {  	[tilespmem:s26], [sflag:$0x1] =	stream.linear.gather [spmem:s16], $0x80, $0x38;
	[tilespmem:$0x15000] =	vst v63  }
0x75f: {  	s16 =	spop (v2sf)  }
0x760: {  	s26 =	sshll.u32 s16, $0xA  }
0x761: {  	s16 =	sshll.u32 s16, $0x7;
	s17 =	sand.u32 $0xFFFFE000, s26  }
0x762: {  	s16 =	sand.u32 $0x380, s16;
	s17 =	sadd.s32 s17, s2  }
0x763: {  	s26 =	simm.s32 $0x7200;
	s16 =	sadd.s32 s16, s17  }
0x764: {  	(v2sf) =	vpush v63, $0xD;
	[tilespmem:s26], [sflag:$0x1] =	stream.linear.gather [spmem:s16], $0x80, $0x38;
	[tilespmem:$0x15000] =	vst v63  }
0x765: {  	s17 =	sadd.s32 $0x400, s16;
	s26 =	simm.s32 $0x7600  }
0x766: {  	[tilespmem:s26], [sflag:$0x1] =	stream.linear.gather [spmem:s17], $0x80, $0x38;
	[tilespmem:$0x15000] =	vst v63  }
0x767: {  	s17 =	sadd.s32 $0x800, s16;
	s26 =	simm.s32 $0x7A00  }
0x768: {  	[tilespmem:s26], [sflag:$0x1] =	stream.linear.gather [spmem:s17], $0x80, $0x38;
	[tilespmem:$0x15000] =	vst v63  }
0x769: {  	s17 =	sadd.s32 $0xC00, s16;
	s26 =	simm.s32 $0x7E00  }
0x76a: {  	[tilespmem:s26], [sflag:$0x1] =	stream.linear.gather [spmem:s17], $0x80, $0x38;
	[tilespmem:$0x15000] =	vst v63  }
0x76b: {  	s17 =	sadd.s32 $0x1000, s16;
	s26 =	simm.s32 $0x8200  }
0x76c: {  	[tilespmem:s26], [sflag:$0x1] =	stream.linear.gather [spmem:s17], $0x80, $0x38;
	[tilespmem:$0x15000] =	vst v63  }
0x76d: {  	s17 =	sadd.s32 $0x1400, s16;
	s26 =	simm.s32 $0x8600  }
0x76e: {  	[tilespmem:s26], [sflag:$0x1] =	stream.linear.gather [spmem:s17], $0x80, $0x38;
	[tilespmem:$0x15000] =	vst v63  }
0x76f: {  	s17 =	sadd.s32 $0x1800, s16;
	s26 =	simm.s32 $0x8A00  }
0x770: {  	[tilespmem:s26], [sflag:$0x1] =	stream.linear.gather [spmem:s17], $0x80, $0x38;
	[tilespmem:$0x15000] =	vst v63  }
0x771: {  	s16 =	sadd.s32 $0x1C00, s16;
	s26 =	simm.s32 $0x8E00  }
0x772: {  	[tilespmem:s26], [sflag:$0x1] =	stream.linear.gather [spmem:s16], $0x80, $0x38;
	[tilespmem:$0x15000] =	vst v63  }
0x773: {  	s16 =	spop (v2sf)  }
0x774: {  	s26 =	sshll.u32 s16, $0xA  }
0x775: {  	s16 =	sshll.u32 s16, $0x7;
	s17 =	sand.u32 $0xFFFFE000, s26  }
0x776: {  	s16 =	sand.u32 $0x380, s16;
	s17 =	sadd.s32 s17, s2  }
0x777: {  	s26 =	simm.s32 $0x7280;
	s16 =	sadd.s32 s16, s17  }
0x778: {  	(v2sf) =	vpush v63, $0xE;
	[tilespmem:s26], [sflag:$0x1] =	stream.linear.gather [spmem:s16], $0x80, $0x38;
	[tilespmem:$0x15000] =	vst v63  }
0x779: {  	s17 =	sadd.s32 $0x400, s16;
	s26 =	simm.s32 $0x7680  }
0x77a: {  	[tilespmem:s26], [sflag:$0x1] =	stream.linear.gather [spmem:s17], $0x80, $0x38;
	[tilespmem:$0x15000] =	vst v63  }
0x77b: {  	s17 =	sadd.s32 $0x800, s16;
	s26 =	simm.s32 $0x7A80  }
0x77c: {  	[tilespmem:s26], [sflag:$0x1] =	stream.linear.gather [spmem:s17], $0x80, $0x38;
	[tilespmem:$0x15000] =	vst v63  }
0x77d: {  	s17 =	sadd.s32 $0xC00, s16;
	s26 =	simm.s32 $0x7E80  }
0x77e: {  	[tilespmem:s26], [sflag:$0x1] =	stream.linear.gather [spmem:s17], $0x80, $0x38;
	[tilespmem:$0x15000] =	vst v63  }
0x77f: {  	s17 =	sadd.s32 $0x1000, s16;
	s26 =	simm.s32 $0x8280  }
0x780: {  	[tilespmem:s26], [sflag:$0x1] =	stream.linear.gather [spmem:s17], $0x80, $0x38;
	[tilespmem:$0x15000] =	vst v63  }
0x781: {  	s17 =	sadd.s32 $0x1400, s16;
	s26 =	simm.s32 $0x8680  }
0x782: {  	[tilespmem:s26], [sflag:$0x1] =	stream.linear.gather [spmem:s17], $0x80, $0x38;
	[tilespmem:$0x15000] =	vst v63  }
0x783: {  	s17 =	sadd.s32 $0x1800, s16;
	s26 =	simm.s32 $0x8A80  }
0x784: {  	[tilespmem:s26], [sflag:$0x1] =	stream.linear.gather [spmem:s17], $0x80, $0x38;
	[tilespmem:$0x15000] =	vst v63  }
0x785: {  	s16 =	sadd.s32 $0x1C00, s16;
	s26 =	simm.s32 $0x8E80  }
0x786: {  	[tilespmem:s26], [sflag:$0x1] =	stream.linear.gather [spmem:s16], $0x80, $0x38;
	[tilespmem:$0x15000] =	vst v63  }
0x787: {  	s16 =	spop (v2sf)  }
0x788: {  	s26 =	sshll.u32 s16, $0xA  }
0x789: {  	s16 =	sshll.u32 s16, $0x7;
	s17 =	sand.u32 $0xFFFFE000, s26  }
0x78a: {  	s16 =	sand.u32 $0x380, s16;
	s17 =	sadd.s32 s17, s2  }
0x78b: {  	s26 =	simm.s32 $0x7300;
	s16 =	sadd.s32 s16, s17  }
0x78c: {  	(v2sf) =	vpush v63, $0xF;
	[tilespmem:s26], [sflag:$0x1] =	stream.linear.gather [spmem:s16], $0x80, $0x38;
	[tilespmem:$0x15000] =	vst v63  }
0x78d: {  	s17 =	sadd.s32 $0x400, s16;
	s26 =	simm.s32 $0x7700  }
0x78e: {  	[tilespmem:s26], [sflag:$0x1] =	stream.linear.gather [spmem:s17], $0x80, $0x38;
	[tilespmem:$0x15000] =	vst v63  }
0x78f: {  	s17 =	sadd.s32 $0x800, s16;
	s26 =	simm.s32 $0x7B00  }
0x790: {  	[tilespmem:s26], [sflag:$0x1] =	stream.linear.gather [spmem:s17], $0x80, $0x38;
	[tilespmem:$0x15000] =	vst v63  }
0x791: {  	s17 =	sadd.s32 $0xC00, s16;
	s26 =	simm.s32 $0x7F00  }
0x792: {  	[tilespmem:s26], [sflag:$0x1] =	stream.linear.gather [spmem:s17], $0x80, $0x38;
	[tilespmem:$0x15000] =	vst v63  }
0x793: {  	s17 =	sadd.s32 $0x1000, s16;
	s26 =	simm.s32 $0x8300  }
0x794: {  	[tilespmem:s26], [sflag:$0x1] =	stream.linear.gather [spmem:s17], $0x80, $0x38;
	[tilespmem:$0x15000] =	vst v63  }
0x795: {  	s17 =	sadd.s32 $0x1400, s16;
	s26 =	simm.s32 $0x8700  }
0x796: {  	[tilespmem:s26], [sflag:$0x1] =	stream.linear.gather [spmem:s17], $0x80, $0x38;
	[tilespmem:$0x15000] =	vst v63  }
0x797: {  	s17 =	sadd.s32 $0x1800, s16;
	s26 =	simm.s32 $0x8B00  }
0x798: {  	[tilespmem:s26], [sflag:$0x1] =	stream.linear.gather [spmem:s17], $0x80, $0x38;
	[tilespmem:$0x15000] =	vst v63  }
0x799: {  	s16 =	sadd.s32 $0x1C00, s16;
	s17 =	simm.s32 $0x8F00  }
0x79a: {  	[tilespmem:s17], [sflag:$0x1] =	stream.linear.gather [spmem:s16], $0x80, $0x38;
	[tilespmem:$0x15000] =	vst v63  }
0x79b: {  	s16 =	spop (v2sf)  }
0x79c: {  	s17 =	sshll.u32 s16, $0xA  }
0x79d: {  	s16 =	sshll.u32 s16, $0x7;
	s17 =	sand.u32 $0xFFFFE000, s17  }
0x79e: {  	s16 =	sand.u32 $0x380, s16;
	s17 =	sadd.s32 s17, s2  }
0x79f: {  	s16 =	sadd.s32 s16, s17;
	s17 =	simm.s32 $0x7380  }
0x7a0: {  	[tilespmem:s17], [sflag:$0x1] =	stream.linear.gather [spmem:s16], $0x80, $0x38;
	[tilespmem:$0x15000] =	vst v63  }
0x7a1: {  	s28 =	simm.s32 $0x7780;
	s17 =	sadd.s32 $0x400, s16  }
0x7a2: {  	[tilespmem:s28], [sflag:$0x1] =	stream.linear.gather [spmem:s17], $0x80, $0x38;
	[tilespmem:$0x15000] =	vst v63  }
0x7a3: {  	s17 =	sadd.s32 $0x800, s16;
	s28 =	simm.s32 $0x7B80  }
0x7a4: {  	[tilespmem:s28], [sflag:$0x1] =	stream.linear.gather [spmem:s17], $0x80, $0x38;
	[tilespmem:$0x15000] =	vst v63  }
0x7a5: {  	s17 =	sadd.s32 $0xC00, s16;
	s28 =	simm.s32 $0x7F80  }
0x7a6: {  	[tilespmem:s28], [sflag:$0x1] =	stream.linear.gather [spmem:s17], $0x80, $0x38;
	[tilespmem:$0x15000] =	vst v63  }
0x7a7: {  	s17 =	sadd.s32 $0x1000, s16;
	s28 =	simm.s32 $0x8380  }
0x7a8: {  	[tilespmem:s28], [sflag:$0x1] =	stream.linear.gather [spmem:s17], $0x80, $0x38;
	[tilespmem:$0x15000] =	vst v63  }
0x7a9: {  	s17 =	sadd.s32 $0x1400, s16;
	s28 =	simm.s32 $0x8780  }
0x7aa: {  	[tilespmem:s28], [sflag:$0x1] =	stream.linear.gather [spmem:s17], $0x80, $0x38;
	[tilespmem:$0x15000] =	vst v63  }
.Ltmp5:
0x7ab: {  	_ = 	snop;
	(pc) =	sbr.rel .LBB2_4-.Ltmp5, $4  }
0x7ac: {  	s26 =	simm.s32 $0x9C00;
	s17 =	sadd.s32 $0x1800, s16;
	s28 =	simm.s32 $0x8B80  }
0x7ad: {  	[tilespmem:s28], [sflag:$0x1] =	stream.linear.gather [spmem:s17], $0x80, $0x38;
	[tilespmem:$0x15000] =	vst v63  }
0x7ae: {  	s16 =	sadd.s32 $0x1C00, s16;
	s28 =	simm.s32 $0xA000;
	s17 =	simm.s32 $0x8F80  }
0x7af: {  	[tilespmem:s17], [sflag:$0x1] =	stream.linear.gather [spmem:s16], $0x80, $0x38;
	[tilespmem:$0x15000] =	vst v63  }
.LBB2_6:
0x7b0: {  	_ =	sfence.sel $0x180000  }
0x7b1: {  	[bflag:$0x0] =	sbarrier.arrive $0xFFFF  }
0x7b2: {  	_ =	strace $0x90000047  }
0x7b3: {  	[bflag:$0x2] =	sbarrier.arrive $0xFFFF  }
0x7b4: {  	s0 =	rddreg [dreg:$0x4]  }
0x7b5: {  	s0 =	sadd.s32 @!p0 $0x100000, s0  }
0x7b6: {  	[sflag:s0] =	ssyncadd.tile.s32 @!p0 $0x1;
	_ =	shalt  }
.Lfunc_end2:
_tile_overlayer_lowered:
.L_overlay_start_2:
0x7b7: {  	(tag) =	ssettag $0x2  }
0x7b8: {  	s0 =	rddreg [dreg:$0x0];
	s2 =	stileid.u32  }
0x7b9: {  	s1 =	rddreg [dreg:$0x1];
	p0 =	sne.s32 s2, $0x0  }
0x7ba: {  	s3 =	rddreg [dreg:$0x2];
	[bflag:$0x3] =	sbarrier.arrive $0xFFFF;
	s2 =	simm.s32 @!p0 $0x1C05  }
0x7bb: {  	[timem:s3], [sflag:s2] =	dma.local @!p0 [hbm:s0], s1  }
0x7bc: {  	s0 =	simm.s32 @!p0 $0x5  }
0x7bd: {  	_ =	swait.ge @!p0 [sflag:s0], s1  }
0x7be: {  	s1 =	ssub.s32 @!p0 $0x0, s1;
	[sflag:s0] =	ssyncset.done @!p0 $0x0  }
0x7bf: {  	[sflag:s0] =	ssyncadd.s32 @!p0 s1  }
0x7c0: {  	[bflag:$0x3] =	sbarrier.arrive $0xFFFF  }
0x7c1: {  	_ =	shalt  }

</sc_bundles>
